<compile_context>
chip_gen: v7x
topology: tpu7x:2x2x1
jax: 0.10.2.dev20260603
libtpu: 0.0.44.dev20260713+nightly
codegen_flags: <defaults>
</compile_context>

<pallas_src>
import functools

import jax
import jax.numpy as jnp
from jax import lax
from jax.experimental import pallas as pl
from jax.experimental.pallas import tpu as pltpu
from jax.experimental.pallas import tpu_sc as plsc

_VOCAB = 1000000
_D = 32
_B = 16384
_H = 50
_N = _B * _H
_NC = 2
_NS = 16
_NW = _NC * _NS
_BPW = _B // _NW
_CB = 128
_CBP = 133
_NSUB = _BPW // _CB
_NUNIT = _H * _NSUB

_mesh = plsc.VectorSubcoreMesh(
    core_axis_name="c", subcore_axis_name="s", num_cores=_NC, num_subcores=_NS
)

_VC = 128
_VCP = 137
_NFULL = _VOCAB // _VC
_VTAIL = _VOCAB - _NFULL * _VC
_CPW = (_NFULL + _NW - 1) // _NW


@functools.partial(
    pl.kernel,
    out_type=(
        jax.ShapeDtypeStruct((_VOCAB * _D,), jnp.float32),
        jax.ShapeDtypeStruct((_VOCAB * _D,), jnp.float32),
    ),
    mesh=_mesh,
    compiler_params=pltpu.CompilerParams(
        use_tc_tiling_on_sc=True, needs_layout_passes=False
    ),
    scratch_types=[
        [pltpu.VMEM((_D, _VCP), jnp.float32)] * 3,
        [pltpu.VMEM((_D, _VCP), jnp.float32)] * 3,
        [pltpu.VMEM((_VC * _D,), jnp.float32)] * 3,
        [pltpu.VMEM((_VC * _D,), jnp.float32)] * 3,
        [pltpu.SemaphoreType.DMA] * 3,
        [pltpu.SemaphoreType.DMA] * 3,
    ],
)
def _sc_repack(rwt_hbm, iwt_hbm, rtl_hbm, itl_hbm, rpk_hbm, ipk_hbm,
               vr, vi, tr, ti, sg, so):
    i32 = lambda v: jnp.asarray(v, jnp.int32)
    wid = i32(lax.axis_index("s")) * _NC + i32(lax.axis_index("c"))
    lanes = lax.iota(jnp.int32, 16)

    def _chunk_of(u):
        return i32(u) * _NW + wid

    def _starts(j, b):
        v0 = i32(j) * _VC
        pltpu.async_copy(rwt_hbm.at[:, pl.ds(v0, _VC)],
                         vr[b].at[:, pl.ds(i32(0), _VC)], sg[b])
        pltpu.async_copy(iwt_hbm.at[:, pl.ds(v0, _VC)],
                         vi[b].at[:, pl.ds(i32(0), _VC)], sg[b])

    def _wait_in(j, b):
        v0 = i32(j) * _VC
        pltpu.make_async_copy(rwt_hbm.at[:, pl.ds(v0, _VC)],
                              vr[b].at[:, pl.ds(i32(0), _VC)], sg[b]).wait()
        pltpu.make_async_copy(iwt_hbm.at[:, pl.ds(v0, _VC)],
                              vi[b].at[:, pl.ds(i32(0), _VC)], sg[b]).wait()

    c0 = lanes
    c1 = lanes + 16

    def _transpose(b):
        vrb, vib, trb, tib = vr[b], vi[b], tr[b], ti[b]

        @plsc.parallel_loop(jnp.int32(0), jnp.int32(_VC), jnp.int32(1),
                            unroll=16)
        def _(v):
            lv = jnp.zeros((16,), jnp.int32) + v
            o = v * _D
            trb[pl.ds(o, 16)] = plsc.load_gather(vrb, [c0, lv])
            trb[pl.ds(o + 16, 16)] = plsc.load_gather(vrb, [c1, lv])
            tib[pl.ds(o, 16)] = plsc.load_gather(vib, [c0, lv])
            tib[pl.ds(o + 16, 16)] = plsc.load_gather(vib, [c1, lv])

    def _out_slices(j):
        o0 = i32(j) * (_VC * _D)
        return (rpk_hbm.at[pl.ds(o0, _VC * _D)],
                ipk_hbm.at[pl.ds(o0, _VC * _D)])

    def _issue_outs(j, b):
        ro, io = _out_slices(j)
        pltpu.async_copy(tr[b], ro, so[b])
        pltpu.async_copy(ti[b], io, so[b])

    def _wait_outs(j, b):
        ro, io = _out_slices(j)
        pltpu.make_async_copy(tr[b], ro, so[b]).wait()
        pltpu.make_async_copy(ti[b], io, so[b]).wait()

    _starts(_chunk_of(0), 0)
    _starts(_chunk_of(1), 1)

    def outer(tt, carry):
        for b in range(3):
            u = tt * 3 + b
            j = _chunk_of(u)
            nb = (b + 2) % 3

            @pl.when(j < _NFULL)
            def _():
                _wait_in(j, b)

                nj = _chunk_of(u + 2)

                @pl.when(nj < _NFULL)
                def _():
                    _starts(nj, nb)

                @pl.when(u >= 3)
                def _():
                    _wait_outs(_chunk_of(u - 3), b)

                _transpose(b)
                _issue_outs(j, b)
        return carry

    lax.fori_loop(jnp.int32(0), jnp.int32((_CPW + 2) // 3), outer, 0)

    for b in range(3):
        _wait_outs(_chunk_of(0), b)

    @pl.when(wid == _NW - 1)
    def _():
        o0 = _NFULL * _VC * _D
        n = _VTAIL * _D
        pltpu.sync_copy(rtl_hbm, tr[0].at[pl.ds(i32(0), n)])
        pltpu.sync_copy(tr[0].at[pl.ds(i32(0), n)], rpk_hbm.at[pl.ds(i32(o0), n)])
        pltpu.sync_copy(itl_hbm, ti[0].at[pl.ds(i32(0), n)])
        pltpu.sync_copy(ti[0].at[pl.ds(i32(0), n)], ipk_hbm.at[pl.ds(i32(o0), n)])


@functools.partial(
    pl.kernel,
    out_type=(
        jax.ShapeDtypeStruct((_H, _D, _B), jnp.float32),
        jax.ShapeDtypeStruct((_H, _D, _B), jnp.float32),
    ),
    mesh=_mesh,
    compiler_params=pltpu.CompilerParams(
        use_tc_tiling_on_sc=False, needs_layout_passes=False
    ),
    scratch_types=[
        pltpu.VMEM((_BPW * _H,), jnp.int32),
        [pltpu.VMEM((_CB,), jnp.int32)] * 2,
        [pltpu.VMEM((_CB, _D), jnp.float32)] * 2,
        [pltpu.VMEM((_CB, _D), jnp.float32)] * 2,
        [pltpu.VMEM((_D, _CBP), jnp.float32)] * 2,
        [pltpu.VMEM((_D, _CBP), jnp.float32)] * 2,
        [pltpu.SemaphoreType.DMA] * 2,
        [pltpu.SemaphoreType.DMA] * 2,
    ],
)
def _sc_embed(idx_hbm, rw_hbm, iw_hbm, rout_hbm, iout_hbm,
              idxall, cvec, rbuf, ibuf, rt, it, sg, so):
    i32 = lambda v: jnp.asarray(v, jnp.int32)
    wid = i32(lax.axis_index("s")) * _NC + i32(lax.axis_index("c"))
    bbase = wid * _BPW
    ibase = bbase * _H

    pltpu.sync_copy(idx_hbm.at[pl.ds(ibase, _BPW * _H)], idxall)

    lanes = lax.iota(jnp.int32, 16)
    lanes_h = lanes * _H

    def _unit_hs(u):
        u = i32(u)
        return lax.shift_right_logical(u, jnp.int32(2)), u & jnp.int32(3)

    def _build_cvec(u, b):
        h, sub = _unit_hs(u)
        base = sub * (_CB * _H) + h
        cv = cvec[b]

        @plsc.parallel_loop(jnp.int32(0), jnp.int32(_CB // 16), jnp.int32(1),
                            unroll=4)
        def _(g):
            pos = lanes_h + (base + g * (16 * _H))
            cv[pl.ds(g * 16, 16)] = plsc.load_gather(idxall, [pos])

    def _start_gathers(b):
        pltpu.async_copy(rw_hbm.at[cvec[b]], rbuf[b], sg[b])
        pltpu.async_copy(iw_hbm.at[cvec[b]], ibuf[b], sg[b])

    def _wait_gathers(b):
        pltpu.make_async_copy(rw_hbm.at[cvec[b]], rbuf[b], sg[b]).wait()
        pltpu.make_async_copy(iw_hbm.at[cvec[b]], ibuf[b], sg[b]).wait()

    comp0 = lanes
    comp1 = lanes + 16

    def _transpose(b):
        rb, ib, rtb, itb = rbuf[b], ibuf[b], rt[b], it[b]

        @plsc.parallel_loop(jnp.int32(0), jnp.int32(_CB), jnp.int32(1),
                            unroll=8)
        def _(r):
            bs = jnp.zeros((16,), jnp.int32) + r
            plsc.store_scatter(rtb, [comp0, bs], rb[r, pl.ds(0, 16)])
            plsc.store_scatter(rtb, [comp1, bs], rb[r, pl.ds(16, 16)])
            plsc.store_scatter(itb, [comp0, bs], ib[r, pl.ds(0, 16)])
            plsc.store_scatter(itb, [comp1, bs], ib[r, pl.ds(16, 16)])

    def _out_slices(u):
        h, sub = _unit_hs(u)
        b0 = bbase + sub * _CB
        return (rout_hbm.at[h, :, pl.ds(b0, _CB)],
                iout_hbm.at[h, :, pl.ds(b0, _CB)])

    def _issue_outs(u, b):
        ro, io = _out_slices(u)
        pltpu.async_copy(rt[b].at[:, pl.ds(i32(0), _CB)], ro, so[b])
        pltpu.async_copy(it[b].at[:, pl.ds(i32(0), _CB)], io, so[b])

    def _wait_outs(u, b):
        ro, io = _out_slices(u)
        pltpu.make_async_copy(rt[b].at[:, pl.ds(i32(0), _CB)], ro, so[b]).wait()
        pltpu.make_async_copy(it[b].at[:, pl.ds(i32(0), _CB)], io, so[b]).wait()

    _build_cvec(i32(0), 0)
    _start_gathers(0)

    def outer(tt, carry):
        for b in range(2):
            u = tt * 2 + b
            nb = 1 - b
            _wait_gathers(b)

            @pl.when(u + 1 < _NUNIT)
            def _():
                _build_cvec(u + 1, nb)
                _start_gathers(nb)

            @pl.when(u >= 2)
            def _():
                _wait_outs(u - 2, b)

            _transpose(b)
            _issue_outs(u, b)
        return carry

    lax.fori_loop(jnp.int32(0), jnp.int32(_NUNIT // 2), outer, 0)

    for b in range(2):
        _wait_outs(_NUNIT - 2 + b, b)


def kernel(x, real_weight, imag_weight):
    idx = x.reshape(_N).astype(jnp.int32)
    rtl = jnp.reshape(real_weight[_NFULL * _VC:], (_VTAIL * _D,))
    itl = jnp.reshape(imag_weight[_NFULL * _VC:], (_VTAIL * _D,))
    rpk, ipk = _sc_repack(real_weight.T, imag_weight.T, rtl, itl)
    rtab = jnp.reshape(rpk, (_VOCAB, _D))
    itab = jnp.reshape(ipk, (_VOCAB, _D))
    rp, ip = _sc_embed(idx, rtab, itab)
    r = jnp.transpose(rp, (2, 0, 1))
    i = jnp.transpose(ip, (2, 0, 1))
    return lax.complex(r, i)

# --- scband reference (transcript-rebuilt; emitter-appended) ---
"""Pipeline reference for scband-complex-embedding-10445360464100 (READ-ONLY COPY).

The authoritative reference and input builder live on the scoring server;
editing this copy changes nothing except your own understanding.
"""

import jax, jax.numpy as jnp
import numpy as np

jax.config.update("jax_enable_x64", True)

VOCAB = 1000000
EMBED_DIM = 32
BATCH = 16384
HIST = 50


def setup_inputs(seed: int = 0) -> dict:
    key = jax.random.key(seed)
    k1, k2, k3 = jax.random.split(key, 3)
    x = jax.random.randint(k1, (BATCH, HIST), 0, VOCAB, dtype=jnp.int64)
    # nn.Embedding default init is N(0,1); module scales weights by 0.001
    real_weight = jax.random.normal(k2, (VOCAB, EMBED_DIM), dtype=jnp.float32) * 0.001
    imag_weight = jax.random.normal(k3, (VOCAB, EMBED_DIM), dtype=jnp.float32) * 0.001
    return {"x": x, "real_weight": real_weight, "imag_weight": imag_weight}


def reference(x, real_weight, imag_weight):
    real = jnp.take(real_weight, x, axis=0)
    imag = jnp.take(imag_weight, x, axis=0)
    return jax.lax.complex(real, imag)

if __name__ == "__main__":
    import jax
    _d = setup_inputs()
    print(jax.jit(kernel)(*tuple(_d.values())))

</pallas_src>

<mosaic_0001>
#map = affine_map<(d0, d1) -> (0, 0)>
#map1 = affine_map<(d0, d1) -> (0)>
module attributes {stable_mosaic.version = 14 : i64} {
  func.func @_sc_repack(%arg0: i32, %arg1: i32, %arg2: memref<32x1000000xf32, #tpu.memory_space<hbm>>, %arg3: memref<32x1000000xf32, #tpu.memory_space<hbm>>, %arg4: memref<2048xf32, #tpu.memory_space<hbm>>, %arg5: memref<2048xf32, #tpu.memory_space<hbm>>, %arg6: memref<32000000xf32, #tpu.memory_space<hbm>>, %arg7: memref<32000000xf32, #tpu.memory_space<hbm>>, %arg8: memref<32x137xf32, #tpu.memory_space<vmem>>, %arg9: memref<32x137xf32, #tpu.memory_space<vmem>>, %arg10: memref<32x137xf32, #tpu.memory_space<vmem>>, %arg11: memref<32x137xf32, #tpu.memory_space<vmem>>, %arg12: memref<32x137xf32, #tpu.memory_space<vmem>>, %arg13: memref<32x137xf32, #tpu.memory_space<vmem>>, %arg14: memref<4096xf32, #tpu.memory_space<vmem>>, %arg15: memref<4096xf32, #tpu.memory_space<vmem>>, %arg16: memref<4096xf32, #tpu.memory_space<vmem>>, %arg17: memref<4096xf32, #tpu.memory_space<vmem>>, %arg18: memref<4096xf32, #tpu.memory_space<vmem>>, %arg19: memref<4096xf32, #tpu.memory_space<vmem>>, %arg20: memref<!tpu.dma_semaphore, #tpu.memory_space<semaphore_mem>>, %arg21: memref<!tpu.dma_semaphore, #tpu.memory_space<semaphore_mem>>, %arg22: memref<!tpu.dma_semaphore, #tpu.memory_space<semaphore_mem>>, %arg23: memref<!tpu.dma_semaphore, #tpu.memory_space<semaphore_mem>>, %arg24: memref<!tpu.dma_semaphore, #tpu.memory_space<semaphore_mem>>, %arg25: memref<!tpu.dma_semaphore, #tpu.memory_space<semaphore_mem>>) attributes {dimension_semantics = [#tpu.dimension_semantics<core_parallel>, #tpu.dimension_semantics<subcore_parallel>], iteration_bounds = array<i64: 2, 16>, scalar_prefetch = 0 : i64, scratch_operands = 18 : i64, tpu.core_type = #tpu.core_type<sc_vector_subcore>, window_params = [{transform_indices = #map}, {transform_indices = #map}, {transform_indices = #map1}, {transform_indices = #map1}, {transform_indices = #map1}, {transform_indices = #map1}]} {
    %mul3A = arith.constant 2 : i32
    %mul3A_0 = arith.muli %arg1, %mul3A : i32
    %add3A = arith.addi %mul3A_0, %arg0 : i32
    %iota3A = tpu.iota {dimensions = array<i32: 0>} : vector<16xi32>
    %add3A_1 = arith.constant 16 : i32
    %add3A_2 = vector.broadcast %add3A_1 : i32 to vector<16xi32>
    %add3A_3 = arith.addi %iota3A, %add3A_2 : vector<16xi32>
    %mul3A_4 = arith.constant 0 : i32
    %mul3A_5 = arith.constant 32 : i32
    %mul3A_6 = arith.muli %mul3A_4, %mul3A_5 : i32
    %add3A_7 = arith.addi %mul3A_6, %add3A : i32
    %mul3A_8 = arith.constant 128 : i32
    %mul3A_9 = arith.muli %add3A_7, %mul3A_8 : i32
    %dma_start3A = arith.constant 0 : i32
    %dma_start3A_10 = arith.constant 0 : i32
    %dma_start3A_11 = tpu.memref_slice %arg8[%dma_start3A_10, %dma_start3A] : memref<32x137xf32, #tpu.memory_space<vmem>> -> memref<32x128xf32, #tpu.memory_space<vmem>>
    %dma_start3A_12 = arith.constant 0 : i32
    %dma_start3A_13 = tpu.memref_slice %arg2[%dma_start3A_12, %mul3A_9] : memref<32x1000000xf32, #tpu.memory_space<hbm>> -> memref<32x128xf32, #tpu.memory_space<hbm>>
    %dma_start3A_14 = arith.constant 0 : i32
    %dma_start3A_15 = tpu.memref_slice %arg8[%dma_start3A_14, %dma_start3A] : memref<32x137xf32, #tpu.memory_space<vmem>> -> memref<32x128xf32, #tpu.memory_space<vmem>>
    %dma_start3A_16 = arith.constant 0 : i32
    %dma_start3A_17 = tpu.memref_slice %arg2[%dma_start3A_16, %mul3A_9] : memref<32x1000000xf32, #tpu.memory_space<hbm>> -> memref<32x128xf32, #tpu.memory_space<hbm>>
    tpu.enqueue_dma source(%dma_start3A_17 : memref<32x128xf32, #tpu.memory_space<hbm>>) target(%dma_start3A_15 : memref<32x128xf32, #tpu.memory_space<vmem>>) target_semaphore(%arg20 : memref<!tpu.dma_semaphore, #tpu.memory_space<semaphore_mem>>)
    %dma_start3A_18 = arith.constant 0 : i32
    %dma_start3A_19 = arith.constant 0 : i32
    %dma_start3A_20 = tpu.memref_slice %arg11[%dma_start3A_19, %dma_start3A_18] : memref<32x137xf32, #tpu.memory_space<vmem>> -> memref<32x128xf32, #tpu.memory_space<vmem>>
    %dma_start3A_21 = arith.constant 0 : i32
    %dma_start3A_22 = tpu.memref_slice %arg3[%dma_start3A_21, %mul3A_9] : memref<32x1000000xf32, #tpu.memory_space<hbm>> -> memref<32x128xf32, #tpu.memory_space<hbm>>
    %dma_start3A_23 = arith.constant 0 : i32
    %dma_start3A_24 = tpu.memref_slice %arg11[%dma_start3A_23, %dma_start3A_18] : memref<32x137xf32, #tpu.memory_space<vmem>> -> memref<32x128xf32, #tpu.memory_space<vmem>>
    %dma_start3A_25 = arith.constant 0 : i32
    %dma_start3A_26 = tpu.memref_slice %arg3[%dma_start3A_25, %mul3A_9] : memref<32x1000000xf32, #tpu.memory_space<hbm>> -> memref<32x128xf32, #tpu.memory_space<hbm>>
    tpu.enqueue_dma source(%dma_start3A_26 : memref<32x128xf32, #tpu.memory_space<hbm>>) target(%dma_start3A_24 : memref<32x128xf32, #tpu.memory_space<vmem>>) target_semaphore(%arg20 : memref<!tpu.dma_semaphore, #tpu.memory_space<semaphore_mem>>)
    %mul3A_27 = arith.constant 1 : i32
    %mul3A_28 = arith.constant 32 : i32
    %mul3A_29 = arith.muli %mul3A_27, %mul3A_28 : i32
    %add3A_30 = arith.addi %mul3A_29, %add3A : i32
    %mul3A_31 = arith.constant 128 : i32
    %mul3A_32 = arith.muli %add3A_30, %mul3A_31 : i32
    %dma_start3A_33 = arith.constant 0 : i32
    %dma_start3A_34 = arith.constant 0 : i32
    %dma_start3A_35 = tpu.memref_slice %arg9[%dma_start3A_34, %dma_start3A_33] : memref<32x137xf32, #tpu.memory_space<vmem>> -> memref<32x128xf32, #tpu.memory_space<vmem>>
    %dma_start3A_36 = arith.constant 0 : i32
    %dma_start3A_37 = tpu.memref_slice %arg2[%dma_start3A_36, %mul3A_32] : memref<32x1000000xf32, #tpu.memory_space<hbm>> -> memref<32x128xf32, #tpu.memory_space<hbm>>
    %dma_start3A_38 = arith.constant 0 : i32
    %dma_start3A_39 = tpu.memref_slice %arg9[%dma_start3A_38, %dma_start3A_33] : memref<32x137xf32, #tpu.memory_space<vmem>> -> memref<32x128xf32, #tpu.memory_space<vmem>>
    %dma_start3A_40 = arith.constant 0 : i32
    %dma_start3A_41 = tpu.memref_slice %arg2[%dma_start3A_40, %mul3A_32] : memref<32x1000000xf32, #tpu.memory_space<hbm>> -> memref<32x128xf32, #tpu.memory_space<hbm>>
    tpu.enqueue_dma source(%dma_start3A_41 : memref<32x128xf32, #tpu.memory_space<hbm>>) target(%dma_start3A_39 : memref<32x128xf32, #tpu.memory_space<vmem>>) target_semaphore(%arg21 : memref<!tpu.dma_semaphore, #tpu.memory_space<semaphore_mem>>)
    %dma_start3A_42 = arith.constant 0 : i32
    %dma_start3A_43 = arith.constant 0 : i32
    %dma_start3A_44 = tpu.memref_slice %arg12[%dma_start3A_43, %dma_start3A_42] : memref<32x137xf32, #tpu.memory_space<vmem>> -> memref<32x128xf32, #tpu.memory_space<vmem>>
    %dma_start3A_45 = arith.constant 0 : i32
    %dma_start3A_46 = tpu.memref_slice %arg3[%dma_start3A_45, %mul3A_32] : memref<32x1000000xf32, #tpu.memory_space<hbm>> -> memref<32x128xf32, #tpu.memory_space<hbm>>
    %dma_start3A_47 = arith.constant 0 : i32
    %dma_start3A_48 = tpu.memref_slice %arg12[%dma_start3A_47, %dma_start3A_42] : memref<32x137xf32, #tpu.memory_space<vmem>> -> memref<32x128xf32, #tpu.memory_space<vmem>>
    %dma_start3A_49 = arith.constant 0 : i32
    %dma_start3A_50 = tpu.memref_slice %arg3[%dma_start3A_49, %mul3A_32] : memref<32x1000000xf32, #tpu.memory_space<hbm>> -> memref<32x128xf32, #tpu.memory_space<hbm>>
    tpu.enqueue_dma source(%dma_start3A_50 : memref<32x128xf32, #tpu.memory_space<hbm>>) target(%dma_start3A_48 : memref<32x128xf32, #tpu.memory_space<vmem>>) target_semaphore(%arg21 : memref<!tpu.dma_semaphore, #tpu.memory_space<semaphore_mem>>)
    %while3A = arith.constant 0 : i64
    %while3A_51 = arith.constant 0 : i32
    %while3A_52 = arith.constant 82 : i32
    %while3A_53 = arith.subi %while3A_52, %while3A_51 : i32
    %while3A_54 = arith.addi %while3A_51, %while3A_53 : i32
    %while3A_55 = arith.constant 1 : i32
    %while3A_56 = arith.divsi %while3A_53, %while3A_55 : i32
    %while3A_57 = arith.muli %while3A_56, %while3A_55 : i32
    %while3A_58 = arith.addi %while3A_51, %while3A_57 : i32
    %while3A_59 = arith.constant 1 : i32
    scf.for %while3A_92 = %while3A_51 to %while3A_58 step %while3A_59  : i32 {
      %mul3A_93 = arith.constant 3 : i32
      %mul3A_94 = arith.muli %while3A_92, %mul3A_93 : i32
      %add3A_95 = arith.constant 0 : i32
      %add3A_96 = arith.addi %mul3A_94, %add3A_95 : i32
      %mul3A_97 = arith.constant 32 : i32
      %mul3A_98 = arith.muli %add3A_96, %mul3A_97 : i32
      %add3A_99 = arith.addi %mul3A_98, %add3A : i32
      %lt3A = arith.constant 7812 : i32
      %lt3A_100 = arith.cmpi slt, %add3A_99, %lt3A : i32
      %convert_element_type3A_101 = arith.extui %lt3A_100 : i1 to i32
      %cond3A_102 = arith.constant 0 : i32
      %cond3A_103 = arith.cmpi ne, %convert_element_type3A_101, %cond3A_102 : i32
      scf.if %cond3A_103 {
        %mul3A_128 = arith.constant 128 : i32
        %mul3A_129 = arith.muli %add3A_99, %mul3A_128 : i32
        %dma_wait3A_130 = arith.constant 0 : i32
        %dma_wait3A_131 = arith.constant 0 : i32
        %dma_wait3A_132 = tpu.memref_slice %arg8[%dma_wait3A_131, %dma_wait3A_130] : memref<32x137xf32, #tpu.memory_space<vmem>> -> memref<32x128xf32, #tpu.memory_space<vmem>>
        %dma_wait3A_133 = arith.constant 0 : i32
        %dma_wait3A_134 = tpu.memref_slice %arg2[%dma_wait3A_133, %mul3A_129] : memref<32x1000000xf32, #tpu.memory_space<hbm>> -> memref<32x128xf32, #tpu.memory_space<hbm>>
        %dma_wait3A_135 = arith.constant 0 : i32
        %dma_wait3A_136 = tpu.memref_slice %arg8[%dma_wait3A_135, %dma_wait3A_130] : memref<32x137xf32, #tpu.memory_space<vmem>> -> memref<32x128xf32, #tpu.memory_space<vmem>>
        %dma_wait3A_137 = arith.constant 0 : i32
        %dma_wait3A_138 = tpu.memref_slice %arg2[%dma_wait3A_137, %mul3A_129] : memref<32x1000000xf32, #tpu.memory_space<hbm>> -> memref<32x128xf32, #tpu.memory_space<hbm>>
        tpu.wait_dma2 semaphore(%arg20 : memref<!tpu.dma_semaphore, #tpu.memory_space<semaphore_mem>>) src(%dma_wait3A_138 : memref<32x128xf32, #tpu.memory_space<hbm>>) dst(%dma_wait3A_136 : memref<32x128xf32, #tpu.memory_space<vmem>>)
        %dma_wait3A_139 = arith.constant 0 : i32
        %dma_wait3A_140 = arith.constant 0 : i32
        %dma_wait3A_141 = tpu.memref_slice %arg11[%dma_wait3A_140, %dma_wait3A_139] : memref<32x137xf32, #tpu.memory_space<vmem>> -> memref<32x128xf32, #tpu.memory_space<vmem>>
        %dma_wait3A_142 = arith.constant 0 : i32
        %dma_wait3A_143 = tpu.memref_slice %arg3[%dma_wait3A_142, %mul3A_129] : memref<32x1000000xf32, #tpu.memory_space<hbm>> -> memref<32x128xf32, #tpu.memory_space<hbm>>
        %dma_wait3A_144 = arith.constant 0 : i32
        %dma_wait3A_145 = tpu.memref_slice %arg11[%dma_wait3A_144, %dma_wait3A_139] : memref<32x137xf32, #tpu.memory_space<vmem>> -> memref<32x128xf32, #tpu.memory_space<vmem>>
        %dma_wait3A_146 = arith.constant 0 : i32
        %dma_wait3A_147 = tpu.memref_slice %arg3[%dma_wait3A_146, %mul3A_129] : memref<32x1000000xf32, #tpu.memory_space<hbm>> -> memref<32x128xf32, #tpu.memory_space<hbm>>
        tpu.wait_dma2 semaphore(%arg20 : memref<!tpu.dma_semaphore, #tpu.memory_space<semaphore_mem>>) src(%dma_wait3A_147 : memref<32x128xf32, #tpu.memory_space<hbm>>) dst(%dma_wait3A_145 : memref<32x128xf32, #tpu.memory_space<vmem>>)
        %add3A_148 = arith.constant 2 : i32
        %add3A_149 = arith.addi %add3A_96, %add3A_148 : i32
        %mul3A_150 = arith.constant 32 : i32
        %mul3A_151 = arith.muli %add3A_149, %mul3A_150 : i32
        %add3A_152 = arith.addi %mul3A_151, %add3A : i32
        %lt3A_153 = arith.constant 7812 : i32
        %lt3A_154 = arith.cmpi slt, %add3A_152, %lt3A_153 : i32
        %convert_element_type3A_155 = arith.extui %lt3A_154 : i1 to i32
        %cond3A_156 = arith.constant 0 : i32
        %cond3A_157 = arith.cmpi ne, %convert_element_type3A_155, %cond3A_156 : i32
        scf.if %cond3A_157 {
          %mul3A_170 = arith.constant 128 : i32
          %mul3A_171 = arith.muli %add3A_152, %mul3A_170 : i32
          %dma_start3A_172 = arith.constant 0 : i32
          %dma_start3A_173 = arith.constant 0 : i32
          %dma_start3A_174 = tpu.memref_slice %arg10[%dma_start3A_173, %dma_start3A_172] : memref<32x137xf32, #tpu.memory_space<vmem>> -> memref<32x128xf32, #tpu.memory_space<vmem>>
          %dma_start3A_175 = arith.constant 0 : i32
          %dma_start3A_176 = tpu.memref_slice %arg2[%dma_start3A_175, %mul3A_171] : memref<32x1000000xf32, #tpu.memory_space<hbm>> -> memref<32x128xf32, #tpu.memory_space<hbm>>
          %dma_start3A_177 = arith.constant 0 : i32
          %dma_start3A_178 = tpu.memref_slice %arg10[%dma_start3A_177, %dma_start3A_172] : memref<32x137xf32, #tpu.memory_space<vmem>> -> memref<32x128xf32, #tpu.memory_space<vmem>>
          %dma_start3A_179 = arith.constant 0 : i32
          %dma_start3A_180 = tpu.memref_slice %arg2[%dma_start3A_179, %mul3A_171] : memref<32x1000000xf32, #tpu.memory_space<hbm>> -> memref<32x128xf32, #tpu.memory_space<hbm>>
          tpu.enqueue_dma source(%dma_start3A_180 : memref<32x128xf32, #tpu.memory_space<hbm>>) target(%dma_start3A_178 : memref<32x128xf32, #tpu.memory_space<vmem>>) target_semaphore(%arg22 : memref<!tpu.dma_semaphore, #tpu.memory_space<semaphore_mem>>)
          %dma_start3A_181 = arith.constant 0 : i32
          %dma_start3A_182 = arith.constant 0 : i32
          %dma_start3A_183 = tpu.memref_slice %arg13[%dma_start3A_182, %dma_start3A_181] : memref<32x137xf32, #tpu.memory_space<vmem>> -> memref<32x128xf32, #tpu.memory_space<vmem>>
          %dma_start3A_184 = arith.constant 0 : i32
          %dma_start3A_185 = tpu.memref_slice %arg3[%dma_start3A_184, %mul3A_171] : memref<32x1000000xf32, #tpu.memory_space<hbm>> -> memref<32x128xf32, #tpu.memory_space<hbm>>
          %dma_start3A_186 = arith.constant 0 : i32
          %dma_start3A_187 = tpu.memref_slice %arg13[%dma_start3A_186, %dma_start3A_181] : memref<32x137xf32, #tpu.memory_space<vmem>> -> memref<32x128xf32, #tpu.memory_space<vmem>>
          %dma_start3A_188 = arith.constant 0 : i32
          %dma_start3A_189 = tpu.memref_slice %arg3[%dma_start3A_188, %mul3A_171] : memref<32x1000000xf32, #tpu.memory_space<hbm>> -> memref<32x128xf32, #tpu.memory_space<hbm>>
          tpu.enqueue_dma source(%dma_start3A_189 : memref<32x128xf32, #tpu.memory_space<hbm>>) target(%dma_start3A_187 : memref<32x128xf32, #tpu.memory_space<vmem>>) target_semaphore(%arg22 : memref<!tpu.dma_semaphore, #tpu.memory_space<semaphore_mem>>)
        } else {
        }
        %ge3A = arith.constant 3 : i32
        %ge3A_158 = arith.cmpi sge, %add3A_96, %ge3A : i32
        %convert_element_type3A_159 = arith.extui %ge3A_158 : i1 to i32
        %cond3A_160 = arith.constant 0 : i32
        %cond3A_161 = arith.cmpi ne, %convert_element_type3A_159, %cond3A_160 : i32
        scf.if %cond3A_161 {
          %sub3A = arith.constant 3 : i32
          %sub3A_170 = arith.subi %add3A_96, %sub3A : i32
          %mul3A_171 = arith.constant 32 : i32
          %mul3A_172 = arith.muli %sub3A_170, %mul3A_171 : i32
          %add3A_173 = arith.addi %mul3A_172, %add3A : i32
          %mul3A_174 = arith.constant 4096 : i32
          %mul3A_175 = arith.muli %add3A_173, %mul3A_174 : i32
          %dma_wait3A_176 = tpu.memref_slice %arg6[%mul3A_175] : memref<32000000xf32, #tpu.memory_space<hbm>> -> memref<4096xf32, #tpu.memory_space<hbm>>
          %dma_wait3A_177 = tpu.memref_slice %arg6[%mul3A_175] : memref<32000000xf32, #tpu.memory_space<hbm>> -> memref<4096xf32, #tpu.memory_space<hbm>>
          tpu.wait_dma2 semaphore(%arg23 : memref<!tpu.dma_semaphore, #tpu.memory_space<semaphore_mem>>) src(%arg14 : memref<4096xf32, #tpu.memory_space<vmem>>) dst(%dma_wait3A_177 : memref<4096xf32, #tpu.memory_space<hbm>>)
          %dma_wait3A_178 = tpu.memref_slice %arg7[%mul3A_175] : memref<32000000xf32, #tpu.memory_space<hbm>> -> memref<4096xf32, #tpu.memory_space<hbm>>
          %dma_wait3A_179 = tpu.memref_slice %arg7[%mul3A_175] : memref<32000000xf32, #tpu.memory_space<hbm>> -> memref<4096xf32, #tpu.memory_space<hbm>>
          tpu.wait_dma2 semaphore(%arg23 : memref<!tpu.dma_semaphore, #tpu.memory_space<semaphore_mem>>) src(%arg17 : memref<4096xf32, #tpu.memory_space<vmem>>) dst(%dma_wait3A_179 : memref<4096xf32, #tpu.memory_space<hbm>>)
        } else {
        }
        %parallel_loop3A = arith.constant 0 : i32
        %parallel_loop3A_162 = arith.constant 128 : i32
        %parallel_loop3A_163 = arith.constant 1 : i32
        scf.for %parallel_loop3A_170 = %parallel_loop3A to %parallel_loop3A_162 step %parallel_loop3A_163  : i32 {
          %parallel_loop3A_171 = arith.constant 0 : i32
          %parallel_loop3A_172 = vector.broadcast %parallel_loop3A_171 : i32 to vector<16xi32>
          %parallel_loop3A_173 = vector.broadcast %parallel_loop3A_170 : i32 to vector<16xi32>
          %parallel_loop3A_174 = arith.addi %parallel_loop3A_172, %parallel_loop3A_173 : vector<16xi32>
          %parallel_loop3A_175 = arith.constant 32 : i32
          %parallel_loop3A_176 = arith.muli %parallel_loop3A_170, %parallel_loop3A_175 : i32
          %parallel_loop3A_177 = tpu.vector_load_idx %arg8[%iota3A, %parallel_loop3A_174] : memref<32x137xf32, #tpu.memory_space<vmem>>[vector<16xi32>, vector<16xi32>], vector<16xf32>,
          %parallel_loop3A_178 = arith.index_cast %parallel_loop3A_176 : i32 to index
          %parallel_loop3A_179 = tpu.vector_load %arg14[%parallel_loop3A_178] {strides = array<i32>} : memref<4096xf32, #tpu.memory_space<vmem>>, vector<16xf32>,
          tpu.vector_store %arg14[%parallel_loop3A_178], %parallel_loop3A_177 {strides = array<i32>} : memref<4096xf32, #tpu.memory_space<vmem>>, vector<16xf32>,
          %parallel_loop3A_180 = tpu.vector_load_idx %arg8[%add3A_3, %parallel_loop3A_174] : memref<32x137xf32, #tpu.memory_space<vmem>>[vector<16xi32>, vector<16xi32>], vector<16xf32>,
          %parallel_loop3A_181 = arith.constant 16 : i32
          %parallel_loop3A_182 = arith.addi %parallel_loop3A_176, %parallel_loop3A_181 : i32
          %parallel_loop3A_183 = arith.index_cast %parallel_loop3A_182 : i32 to index
          %parallel_loop3A_184 = tpu.vector_load %arg14[%parallel_loop3A_183] {strides = array<i32>} : memref<4096xf32, #tpu.memory_space<vmem>>, vector<16xf32>,
          tpu.vector_store %arg14[%parallel_loop3A_183], %parallel_loop3A_180 {strides = array<i32>} : memref<4096xf32, #tpu.memory_space<vmem>>, vector<16xf32>,
          %parallel_loop3A_185 = tpu.vector_load_idx %arg11[%iota3A, %parallel_loop3A_174] : memref<32x137xf32, #tpu.memory_space<vmem>>[vector<16xi32>, vector<16xi32>], vector<16xf32>,
          %parallel_loop3A_186 = arith.index_cast %parallel_loop3A_176 : i32 to index
          %parallel_loop3A_187 = tpu.vector_load %arg17[%parallel_loop3A_186] {strides = array<i32>} : memref<4096xf32, #tpu.memory_space<vmem>>, vector<16xf32>,
          tpu.vector_store %arg17[%parallel_loop3A_186], %parallel_loop3A_185 {strides = array<i32>} : memref<4096xf32, #tpu.memory_space<vmem>>, vector<16xf32>,
          %parallel_loop3A_188 = tpu.vector_load_idx %arg11[%add3A_3, %parallel_loop3A_174] : memref<32x137xf32, #tpu.memory_space<vmem>>[vector<16xi32>, vector<16xi32>], vector<16xf32>,
          %parallel_loop3A_189 = arith.constant 16 : i32
          %parallel_loop3A_190 = arith.addi %parallel_loop3A_176, %parallel_loop3A_189 : i32
          %parallel_loop3A_191 = arith.index_cast %parallel_loop3A_190 : i32 to index
          %parallel_loop3A_192 = tpu.vector_load %arg17[%parallel_loop3A_191] {strides = array<i32>} : memref<4096xf32, #tpu.memory_space<vmem>>, vector<16xf32>,
          tpu.vector_store %arg17[%parallel_loop3A_191], %parallel_loop3A_188 {strides = array<i32>} : memref<4096xf32, #tpu.memory_space<vmem>>, vector<16xf32>,
        } {sc.loop_unroll_factor = 16 : i64, sc.parallel_access}
        %mul3A_164 = arith.constant 4096 : i32
        %mul3A_165 = arith.muli %add3A_99, %mul3A_164 : i32
        %dma_start3A_166 = tpu.memref_slice %arg6[%mul3A_165] : memref<32000000xf32, #tpu.memory_space<hbm>> -> memref<4096xf32, #tpu.memory_space<hbm>>
        %dma_start3A_167 = tpu.memref_slice %arg6[%mul3A_165] : memref<32000000xf32, #tpu.memory_space<hbm>> -> memref<4096xf32, #tpu.memory_space<hbm>>
        tpu.enqueue_dma source(%arg14 : memref<4096xf32, #tpu.memory_space<vmem>>) target(%dma_start3A_167 : memref<4096xf32, #tpu.memory_space<hbm>>) target_semaphore(%arg23 : memref<!tpu.dma_semaphore, #tpu.memory_space<semaphore_mem>>)
        %dma_start3A_168 = tpu.memref_slice %arg7[%mul3A_165] : memref<32000000xf32, #tpu.memory_space<hbm>> -> memref<4096xf32, #tpu.memory_space<hbm>>
        %dma_start3A_169 = tpu.memref_slice %arg7[%mul3A_165] : memref<32000000xf32, #tpu.memory_space<hbm>> -> memref<4096xf32, #tpu.memory_space<hbm>>
        tpu.enqueue_dma source(%arg17 : memref<4096xf32, #tpu.memory_space<vmem>>) target(%dma_start3A_169 : memref<4096xf32, #tpu.memory_space<hbm>>) target_semaphore(%arg23 : memref<!tpu.dma_semaphore, #tpu.memory_space<semaphore_mem>>)
      } else {
      }
      %mul3A_104 = arith.constant 3 : i32
      %mul3A_105 = arith.muli %while3A_92, %mul3A_104 : i32
      %add3A_106 = arith.constant 1 : i32
      %add3A_107 = arith.addi %mul3A_105, %add3A_106 : i32
      %mul3A_108 = arith.constant 32 : i32
      %mul3A_109 = arith.muli %add3A_107, %mul3A_108 : i32
      %add3A_110 = arith.addi %mul3A_109, %add3A : i32
      %lt3A_111 = arith.constant 7812 : i32
      %lt3A_112 = arith.cmpi slt, %add3A_110, %lt3A_111 : i32
      %convert_element_type3A_113 = arith.extui %lt3A_112 : i1 to i32
      %cond3A_114 = arith.constant 0 : i32
      %cond3A_115 = arith.cmpi ne, %convert_element_type3A_113, %cond3A_114 : i32
      scf.if %cond3A_115 {
        %mul3A_128 = arith.constant 128 : i32
        %mul3A_129 = arith.muli %add3A_110, %mul3A_128 : i32
        %dma_wait3A_130 = arith.constant 0 : i32
        %dma_wait3A_131 = arith.constant 0 : i32
        %dma_wait3A_132 = tpu.memref_slice %arg9[%dma_wait3A_131, %dma_wait3A_130] : memref<32x137xf32, #tpu.memory_space<vmem>> -> memref<32x128xf32, #tpu.memory_space<vmem>>
        %dma_wait3A_133 = arith.constant 0 : i32
        %dma_wait3A_134 = tpu.memref_slice %arg2[%dma_wait3A_133, %mul3A_129] : memref<32x1000000xf32, #tpu.memory_space<hbm>> -> memref<32x128xf32, #tpu.memory_space<hbm>>
        %dma_wait3A_135 = arith.constant 0 : i32
        %dma_wait3A_136 = tpu.memref_slice %arg9[%dma_wait3A_135, %dma_wait3A_130] : memref<32x137xf32, #tpu.memory_space<vmem>> -> memref<32x128xf32, #tpu.memory_space<vmem>>
        %dma_wait3A_137 = arith.constant 0 : i32
        %dma_wait3A_138 = tpu.memref_slice %arg2[%dma_wait3A_137, %mul3A_129] : memref<32x1000000xf32, #tpu.memory_space<hbm>> -> memref<32x128xf32, #tpu.memory_space<hbm>>
        tpu.wait_dma2 semaphore(%arg21 : memref<!tpu.dma_semaphore, #tpu.memory_space<semaphore_mem>>) src(%dma_wait3A_138 : memref<32x128xf32, #tpu.memory_space<hbm>>) dst(%dma_wait3A_136 : memref<32x128xf32, #tpu.memory_space<vmem>>)
        %dma_wait3A_139 = arith.constant 0 : i32
        %dma_wait3A_140 = arith.constant 0 : i32
        %dma_wait3A_141 = tpu.memref_slice %arg12[%dma_wait3A_140, %dma_wait3A_139] : memref<32x137xf32, #tpu.memory_space<vmem>> -> memref<32x128xf32, #tpu.memory_space<vmem>>
        %dma_wait3A_142 = arith.constant 0 : i32
        %dma_wait3A_143 = tpu.memref_slice %arg3[%dma_wait3A_142, %mul3A_129] : memref<32x1000000xf32, #tpu.memory_space<hbm>> -> memref<32x128xf32, #tpu.memory_space<hbm>>
        %dma_wait3A_144 = arith.constant 0 : i32
        %dma_wait3A_145 = tpu.memref_slice %arg12[%dma_wait3A_144, %dma_wait3A_139] : memref<32x137xf32, #tpu.memory_space<vmem>> -> memref<32x128xf32, #tpu.memory_space<vmem>>
        %dma_wait3A_146 = arith.constant 0 : i32
        %dma_wait3A_147 = tpu.memref_slice %arg3[%dma_wait3A_146, %mul3A_129] : memref<32x1000000xf32, #tpu.memory_space<hbm>> -> memref<32x128xf32, #tpu.memory_space<hbm>>
        tpu.wait_dma2 semaphore(%arg21 : memref<!tpu.dma_semaphore, #tpu.memory_space<semaphore_mem>>) src(%dma_wait3A_147 : memref<32x128xf32, #tpu.memory_space<hbm>>) dst(%dma_wait3A_145 : memref<32x128xf32, #tpu.memory_space<vmem>>)
        %add3A_148 = arith.constant 2 : i32
        %add3A_149 = arith.addi %add3A_107, %add3A_148 : i32
        %mul3A_150 = arith.constant 32 : i32
        %mul3A_151 = arith.muli %add3A_149, %mul3A_150 : i32
        %add3A_152 = arith.addi %mul3A_151, %add3A : i32
        %lt3A_153 = arith.constant 7812 : i32
        %lt3A_154 = arith.cmpi slt, %add3A_152, %lt3A_153 : i32
        %convert_element_type3A_155 = arith.extui %lt3A_154 : i1 to i32
        %cond3A_156 = arith.constant 0 : i32
        %cond3A_157 = arith.cmpi ne, %convert_element_type3A_155, %cond3A_156 : i32
        scf.if %cond3A_157 {
          %mul3A_170 = arith.constant 128 : i32
          %mul3A_171 = arith.muli %add3A_152, %mul3A_170 : i32
          %dma_start3A_172 = arith.constant 0 : i32
          %dma_start3A_173 = arith.constant 0 : i32
          %dma_start3A_174 = tpu.memref_slice %arg8[%dma_start3A_173, %dma_start3A_172] : memref<32x137xf32, #tpu.memory_space<vmem>> -> memref<32x128xf32, #tpu.memory_space<vmem>>
          %dma_start3A_175 = arith.constant 0 : i32
          %dma_start3A_176 = tpu.memref_slice %arg2[%dma_start3A_175, %mul3A_171] : memref<32x1000000xf32, #tpu.memory_space<hbm>> -> memref<32x128xf32, #tpu.memory_space<hbm>>
          %dma_start3A_177 = arith.constant 0 : i32
          %dma_start3A_178 = tpu.memref_slice %arg8[%dma_start3A_177, %dma_start3A_172] : memref<32x137xf32, #tpu.memory_space<vmem>> -> memref<32x128xf32, #tpu.memory_space<vmem>>
          %dma_start3A_179 = arith.constant 0 : i32
          %dma_start3A_180 = tpu.memref_slice %arg2[%dma_start3A_179, %mul3A_171] : memref<32x1000000xf32, #tpu.memory_space<hbm>> -> memref<32x128xf32, #tpu.memory_space<hbm>>
          tpu.enqueue_dma source(%dma_start3A_180 : memref<32x128xf32, #tpu.memory_space<hbm>>) target(%dma_start3A_178 : memref<32x128xf32, #tpu.memory_space<vmem>>) target_semaphore(%arg20 : memref<!tpu.dma_semaphore, #tpu.memory_space<semaphore_mem>>)
          %dma_start3A_181 = arith.constant 0 : i32
          %dma_start3A_182 = arith.constant 0 : i32
          %dma_start3A_183 = tpu.memref_slice %arg11[%dma_start3A_182, %dma_start3A_181] : memref<32x137xf32, #tpu.memory_space<vmem>> -> memref<32x128xf32, #tpu.memory_space<vmem>>
          %dma_start3A_184 = arith.constant 0 : i32
          %dma_start3A_185 = tpu.memref_slice %arg3[%dma_start3A_184, %mul3A_171] : memref<32x1000000xf32, #tpu.memory_space<hbm>> -> memref<32x128xf32, #tpu.memory_space<hbm>>
          %dma_start3A_186 = arith.constant 0 : i32
          %dma_start3A_187 = tpu.memref_slice %arg11[%dma_start3A_186, %dma_start3A_181] : memref<32x137xf32, #tpu.memory_space<vmem>> -> memref<32x128xf32, #tpu.memory_space<vmem>>
          %dma_start3A_188 = arith.constant 0 : i32
          %dma_start3A_189 = tpu.memref_slice %arg3[%dma_start3A_188, %mul3A_171] : memref<32x1000000xf32, #tpu.memory_space<hbm>> -> memref<32x128xf32, #tpu.memory_space<hbm>>
          tpu.enqueue_dma source(%dma_start3A_189 : memref<32x128xf32, #tpu.memory_space<hbm>>) target(%dma_start3A_187 : memref<32x128xf32, #tpu.memory_space<vmem>>) target_semaphore(%arg20 : memref<!tpu.dma_semaphore, #tpu.memory_space<semaphore_mem>>)
        } else {
        }
        %ge3A = arith.constant 3 : i32
        %ge3A_158 = arith.cmpi sge, %add3A_107, %ge3A : i32
        %convert_element_type3A_159 = arith.extui %ge3A_158 : i1 to i32
        %cond3A_160 = arith.constant 0 : i32
        %cond3A_161 = arith.cmpi ne, %convert_element_type3A_159, %cond3A_160 : i32
        scf.if %cond3A_161 {
          %sub3A = arith.constant 3 : i32
          %sub3A_170 = arith.subi %add3A_107, %sub3A : i32
          %mul3A_171 = arith.constant 32 : i32
          %mul3A_172 = arith.muli %sub3A_170, %mul3A_171 : i32
          %add3A_173 = arith.addi %mul3A_172, %add3A : i32
          %mul3A_174 = arith.constant 4096 : i32
          %mul3A_175 = arith.muli %add3A_173, %mul3A_174 : i32
          %dma_wait3A_176 = tpu.memref_slice %arg6[%mul3A_175] : memref<32000000xf32, #tpu.memory_space<hbm>> -> memref<4096xf32, #tpu.memory_space<hbm>>
          %dma_wait3A_177 = tpu.memref_slice %arg6[%mul3A_175] : memref<32000000xf32, #tpu.memory_space<hbm>> -> memref<4096xf32, #tpu.memory_space<hbm>>
          tpu.wait_dma2 semaphore(%arg24 : memref<!tpu.dma_semaphore, #tpu.memory_space<semaphore_mem>>) src(%arg15 : memref<4096xf32, #tpu.memory_space<vmem>>) dst(%dma_wait3A_177 : memref<4096xf32, #tpu.memory_space<hbm>>)
          %dma_wait3A_178 = tpu.memref_slice %arg7[%mul3A_175] : memref<32000000xf32, #tpu.memory_space<hbm>> -> memref<4096xf32, #tpu.memory_space<hbm>>
          %dma_wait3A_179 = tpu.memref_slice %arg7[%mul3A_175] : memref<32000000xf32, #tpu.memory_space<hbm>> -> memref<4096xf32, #tpu.memory_space<hbm>>
          tpu.wait_dma2 semaphore(%arg24 : memref<!tpu.dma_semaphore, #tpu.memory_space<semaphore_mem>>) src(%arg18 : memref<4096xf32, #tpu.memory_space<vmem>>) dst(%dma_wait3A_179 : memref<4096xf32, #tpu.memory_space<hbm>>)
        } else {
        }
        %parallel_loop3A = arith.constant 0 : i32
        %parallel_loop3A_162 = arith.constant 128 : i32
        %parallel_loop3A_163 = arith.constant 1 : i32
        scf.for %parallel_loop3A_170 = %parallel_loop3A to %parallel_loop3A_162 step %parallel_loop3A_163  : i32 {
          %parallel_loop3A_171 = arith.constant 0 : i32
          %parallel_loop3A_172 = vector.broadcast %parallel_loop3A_171 : i32 to vector<16xi32>
          %parallel_loop3A_173 = vector.broadcast %parallel_loop3A_170 : i32 to vector<16xi32>
          %parallel_loop3A_174 = arith.addi %parallel_loop3A_172, %parallel_loop3A_173 : vector<16xi32>
          %parallel_loop3A_175 = arith.constant 32 : i32
          %parallel_loop3A_176 = arith.muli %parallel_loop3A_170, %parallel_loop3A_175 : i32
          %parallel_loop3A_177 = tpu.vector_load_idx %arg9[%iota3A, %parallel_loop3A_174] : memref<32x137xf32, #tpu.memory_space<vmem>>[vector<16xi32>, vector<16xi32>], vector<16xf32>,
          %parallel_loop3A_178 = arith.index_cast %parallel_loop3A_176 : i32 to index
          %parallel_loop3A_179 = tpu.vector_load %arg15[%parallel_loop3A_178] {strides = array<i32>} : memref<4096xf32, #tpu.memory_space<vmem>>, vector<16xf32>,
          tpu.vector_store %arg15[%parallel_loop3A_178], %parallel_loop3A_177 {strides = array<i32>} : memref<4096xf32, #tpu.memory_space<vmem>>, vector<16xf32>,
          %parallel_loop3A_180 = tpu.vector_load_idx %arg9[%add3A_3, %parallel_loop3A_174] : memref<32x137xf32, #tpu.memory_space<vmem>>[vector<16xi32>, vector<16xi32>], vector<16xf32>,
          %parallel_loop3A_181 = arith.constant 16 : i32
          %parallel_loop3A_182 = arith.addi %parallel_loop3A_176, %parallel_loop3A_181 : i32
          %parallel_loop3A_183 = arith.index_cast %parallel_loop3A_182 : i32 to index
          %parallel_loop3A_184 = tpu.vector_load %arg15[%parallel_loop3A_183] {strides = array<i32>} : memref<4096xf32, #tpu.memory_space<vmem>>, vector<16xf32>,
          tpu.vector_store %arg15[%parallel_loop3A_183], %parallel_loop3A_180 {strides = array<i32>} : memref<4096xf32, #tpu.memory_space<vmem>>, vector<16xf32>,
          %parallel_loop3A_185 = tpu.vector_load_idx %arg12[%iota3A, %parallel_loop3A_174] : memref<32x137xf32, #tpu.memory_space<vmem>>[vector<16xi32>, vector<16xi32>], vector<16xf32>,
          %parallel_loop3A_186 = arith.index_cast %parallel_loop3A_176 : i32 to index
          %parallel_loop3A_187 = tpu.vector_load %arg18[%parallel_loop3A_186] {strides = array<i32>} : memref<4096xf32, #tpu.memory_space<vmem>>, vector<16xf32>,
          tpu.vector_store %arg18[%parallel_loop3A_186], %parallel_loop3A_185 {strides = array<i32>} : memref<4096xf32, #tpu.memory_space<vmem>>, vector<16xf32>,
          %parallel_loop3A_188 = tpu.vector_load_idx %arg12[%add3A_3, %parallel_loop3A_174] : memref<32x137xf32, #tpu.memory_space<vmem>>[vector<16xi32>, vector<16xi32>], vector<16xf32>,
          %parallel_loop3A_189 = arith.constant 16 : i32
          %parallel_loop3A_190 = arith.addi %parallel_loop3A_176, %parallel_loop3A_189 : i32
          %parallel_loop3A_191 = arith.index_cast %parallel_loop3A_190 : i32 to index
          %parallel_loop3A_192 = tpu.vector_load %arg18[%parallel_loop3A_191] {strides = array<i32>} : memref<4096xf32, #tpu.memory_space<vmem>>, vector<16xf32>,
          tpu.vector_store %arg18[%parallel_loop3A_191], %parallel_loop3A_188 {strides = array<i32>} : memref<4096xf32, #tpu.memory_space<vmem>>, vector<16xf32>,
        } {sc.loop_unroll_factor = 16 : i64, sc.parallel_access}
        %mul3A_164 = arith.constant 4096 : i32
        %mul3A_165 = arith.muli %add3A_110, %mul3A_164 : i32
        %dma_start3A_166 = tpu.memref_slice %arg6[%mul3A_165] : memref<32000000xf32, #tpu.memory_space<hbm>> -> memref<4096xf32, #tpu.memory_space<hbm>>
        %dma_start3A_167 = tpu.memref_slice %arg6[%mul3A_165] : memref<32000000xf32, #tpu.memory_space<hbm>> -> memref<4096xf32, #tpu.memory_space<hbm>>
        tpu.enqueue_dma source(%arg15 : memref<4096xf32, #tpu.memory_space<vmem>>) target(%dma_start3A_167 : memref<4096xf32, #tpu.memory_space<hbm>>) target_semaphore(%arg24 : memref<!tpu.dma_semaphore, #tpu.memory_space<semaphore_mem>>)
        %dma_start3A_168 = tpu.memref_slice %arg7[%mul3A_165] : memref<32000000xf32, #tpu.memory_space<hbm>> -> memref<4096xf32, #tpu.memory_space<hbm>>
        %dma_start3A_169 = tpu.memref_slice %arg7[%mul3A_165] : memref<32000000xf32, #tpu.memory_space<hbm>> -> memref<4096xf32, #tpu.memory_space<hbm>>
        tpu.enqueue_dma source(%arg18 : memref<4096xf32, #tpu.memory_space<vmem>>) target(%dma_start3A_169 : memref<4096xf32, #tpu.memory_space<hbm>>) target_semaphore(%arg24 : memref<!tpu.dma_semaphore, #tpu.memory_space<semaphore_mem>>)
      } else {
      }
      %mul3A_116 = arith.constant 3 : i32
      %mul3A_117 = arith.muli %while3A_92, %mul3A_116 : i32
      %add3A_118 = arith.constant 2 : i32
      %add3A_119 = arith.addi %mul3A_117, %add3A_118 : i32
      %mul3A_120 = arith.constant 32 : i32
      %mul3A_121 = arith.muli %add3A_119, %mul3A_120 : i32
      %add3A_122 = arith.addi %mul3A_121, %add3A : i32
      %lt3A_123 = arith.constant 7812 : i32
      %lt3A_124 = arith.cmpi slt, %add3A_122, %lt3A_123 : i32
      %convert_element_type3A_125 = arith.extui %lt3A_124 : i1 to i32
      %cond3A_126 = arith.constant 0 : i32
      %cond3A_127 = arith.cmpi ne, %convert_element_type3A_125, %cond3A_126 : i32
      scf.if %cond3A_127 {
        %mul3A_128 = arith.constant 128 : i32
        %mul3A_129 = arith.muli %add3A_122, %mul3A_128 : i32
        %dma_wait3A_130 = arith.constant 0 : i32
        %dma_wait3A_131 = arith.constant 0 : i32
        %dma_wait3A_132 = tpu.memref_slice %arg10[%dma_wait3A_131, %dma_wait3A_130] : memref<32x137xf32, #tpu.memory_space<vmem>> -> memref<32x128xf32, #tpu.memory_space<vmem>>
        %dma_wait3A_133 = arith.constant 0 : i32
        %dma_wait3A_134 = tpu.memref_slice %arg2[%dma_wait3A_133, %mul3A_129] : memref<32x1000000xf32, #tpu.memory_space<hbm>> -> memref<32x128xf32, #tpu.memory_space<hbm>>
        %dma_wait3A_135 = arith.constant 0 : i32
        %dma_wait3A_136 = tpu.memref_slice %arg10[%dma_wait3A_135, %dma_wait3A_130] : memref<32x137xf32, #tpu.memory_space<vmem>> -> memref<32x128xf32, #tpu.memory_space<vmem>>
        %dma_wait3A_137 = arith.constant 0 : i32
        %dma_wait3A_138 = tpu.memref_slice %arg2[%dma_wait3A_137, %mul3A_129] : memref<32x1000000xf32, #tpu.memory_space<hbm>> -> memref<32x128xf32, #tpu.memory_space<hbm>>
        tpu.wait_dma2 semaphore(%arg22 : memref<!tpu.dma_semaphore, #tpu.memory_space<semaphore_mem>>) src(%dma_wait3A_138 : memref<32x128xf32, #tpu.memory_space<hbm>>) dst(%dma_wait3A_136 : memref<32x128xf32, #tpu.memory_space<vmem>>)
        %dma_wait3A_139 = arith.constant 0 : i32
        %dma_wait3A_140 = arith.constant 0 : i32
        %dma_wait3A_141 = tpu.memref_slice %arg13[%dma_wait3A_140, %dma_wait3A_139] : memref<32x137xf32, #tpu.memory_space<vmem>> -> memref<32x128xf32, #tpu.memory_space<vmem>>
        %dma_wait3A_142 = arith.constant 0 : i32
        %dma_wait3A_143 = tpu.memref_slice %arg3[%dma_wait3A_142, %mul3A_129] : memref<32x1000000xf32, #tpu.memory_space<hbm>> -> memref<32x128xf32, #tpu.memory_space<hbm>>
        %dma_wait3A_144 = arith.constant 0 : i32
        %dma_wait3A_145 = tpu.memref_slice %arg13[%dma_wait3A_144, %dma_wait3A_139] : memref<32x137xf32, #tpu.memory_space<vmem>> -> memref<32x128xf32, #tpu.memory_space<vmem>>
        %dma_wait3A_146 = arith.constant 0 : i32
        %dma_wait3A_147 = tpu.memref_slice %arg3[%dma_wait3A_146, %mul3A_129] : memref<32x1000000xf32, #tpu.memory_space<hbm>> -> memref<32x128xf32, #tpu.memory_space<hbm>>
        tpu.wait_dma2 semaphore(%arg22 : memref<!tpu.dma_semaphore, #tpu.memory_space<semaphore_mem>>) src(%dma_wait3A_147 : memref<32x128xf32, #tpu.memory_space<hbm>>) dst(%dma_wait3A_145 : memref<32x128xf32, #tpu.memory_space<vmem>>)
        %add3A_148 = arith.constant 2 : i32
        %add3A_149 = arith.addi %add3A_119, %add3A_148 : i32
        %mul3A_150 = arith.constant 32 : i32
        %mul3A_151 = arith.muli %add3A_149, %mul3A_150 : i32
        %add3A_152 = arith.addi %mul3A_151, %add3A : i32
        %lt3A_153 = arith.constant 7812 : i32
        %lt3A_154 = arith.cmpi slt, %add3A_152, %lt3A_153 : i32
        %convert_element_type3A_155 = arith.extui %lt3A_154 : i1 to i32
        %cond3A_156 = arith.constant 0 : i32
        %cond3A_157 = arith.cmpi ne, %convert_element_type3A_155, %cond3A_156 : i32
        scf.if %cond3A_157 {
          %mul3A_170 = arith.constant 128 : i32
          %mul3A_171 = arith.muli %add3A_152, %mul3A_170 : i32
          %dma_start3A_172 = arith.constant 0 : i32
          %dma_start3A_173 = arith.constant 0 : i32
          %dma_start3A_174 = tpu.memref_slice %arg9[%dma_start3A_173, %dma_start3A_172] : memref<32x137xf32, #tpu.memory_space<vmem>> -> memref<32x128xf32, #tpu.memory_space<vmem>>
          %dma_start3A_175 = arith.constant 0 : i32
          %dma_start3A_176 = tpu.memref_slice %arg2[%dma_start3A_175, %mul3A_171] : memref<32x1000000xf32, #tpu.memory_space<hbm>> -> memref<32x128xf32, #tpu.memory_space<hbm>>
          %dma_start3A_177 = arith.constant 0 : i32
          %dma_start3A_178 = tpu.memref_slice %arg9[%dma_start3A_177, %dma_start3A_172] : memref<32x137xf32, #tpu.memory_space<vmem>> -> memref<32x128xf32, #tpu.memory_space<vmem>>
          %dma_start3A_179 = arith.constant 0 : i32
          %dma_start3A_180 = tpu.memref_slice %arg2[%dma_start3A_179, %mul3A_171] : memref<32x1000000xf32, #tpu.memory_space<hbm>> -> memref<32x128xf32, #tpu.memory_space<hbm>>
          tpu.enqueue_dma source(%dma_start3A_180 : memref<32x128xf32, #tpu.memory_space<hbm>>) target(%dma_start3A_178 : memref<32x128xf32, #tpu.memory_space<vmem>>) target_semaphore(%arg21 : memref<!tpu.dma_semaphore, #tpu.memory_space<semaphore_mem>>)
          %dma_start3A_181 = arith.constant 0 : i32
          %dma_start3A_182 = arith.constant 0 : i32
          %dma_start3A_183 = tpu.memref_slice %arg12[%dma_start3A_182, %dma_start3A_181] : memref<32x137xf32, #tpu.memory_space<vmem>> -> memref<32x128xf32, #tpu.memory_space<vmem>>
          %dma_start3A_184 = arith.constant 0 : i32
          %dma_start3A_185 = tpu.memref_slice %arg3[%dma_start3A_184, %mul3A_171] : memref<32x1000000xf32, #tpu.memory_space<hbm>> -> memref<32x128xf32, #tpu.memory_space<hbm>>
          %dma_start3A_186 = arith.constant 0 : i32
          %dma_start3A_187 = tpu.memref_slice %arg12[%dma_start3A_186, %dma_start3A_181] : memref<32x137xf32, #tpu.memory_space<vmem>> -> memref<32x128xf32, #tpu.memory_space<vmem>>
          %dma_start3A_188 = arith.constant 0 : i32
          %dma_start3A_189 = tpu.memref_slice %arg3[%dma_start3A_188, %mul3A_171] : memref<32x1000000xf32, #tpu.memory_space<hbm>> -> memref<32x128xf32, #tpu.memory_space<hbm>>
          tpu.enqueue_dma source(%dma_start3A_189 : memref<32x128xf32, #tpu.memory_space<hbm>>) target(%dma_start3A_187 : memref<32x128xf32, #tpu.memory_space<vmem>>) target_semaphore(%arg21 : memref<!tpu.dma_semaphore, #tpu.memory_space<semaphore_mem>>)
        } else {
        }
        %ge3A = arith.constant 3 : i32
        %ge3A_158 = arith.cmpi sge, %add3A_119, %ge3A : i32
        %convert_element_type3A_159 = arith.extui %ge3A_158 : i1 to i32
        %cond3A_160 = arith.constant 0 : i32
        %cond3A_161 = arith.cmpi ne, %convert_element_type3A_159, %cond3A_160 : i32
        scf.if %cond3A_161 {
          %sub3A = arith.constant 3 : i32
          %sub3A_170 = arith.subi %add3A_119, %sub3A : i32
          %mul3A_171 = arith.constant 32 : i32
          %mul3A_172 = arith.muli %sub3A_170, %mul3A_171 : i32
          %add3A_173 = arith.addi %mul3A_172, %add3A : i32
          %mul3A_174 = arith.constant 4096 : i32
          %mul3A_175 = arith.muli %add3A_173, %mul3A_174 : i32
          %dma_wait3A_176 = tpu.memref_slice %arg6[%mul3A_175] : memref<32000000xf32, #tpu.memory_space<hbm>> -> memref<4096xf32, #tpu.memory_space<hbm>>
          %dma_wait3A_177 = tpu.memref_slice %arg6[%mul3A_175] : memref<32000000xf32, #tpu.memory_space<hbm>> -> memref<4096xf32, #tpu.memory_space<hbm>>
          tpu.wait_dma2 semaphore(%arg25 : memref<!tpu.dma_semaphore, #tpu.memory_space<semaphore_mem>>) src(%arg16 : memref<4096xf32, #tpu.memory_space<vmem>>) dst(%dma_wait3A_177 : memref<4096xf32, #tpu.memory_space<hbm>>)
          %dma_wait3A_178 = tpu.memref_slice %arg7[%mul3A_175] : memref<32000000xf32, #tpu.memory_space<hbm>> -> memref<4096xf32, #tpu.memory_space<hbm>>
          %dma_wait3A_179 = tpu.memref_slice %arg7[%mul3A_175] : memref<32000000xf32, #tpu.memory_space<hbm>> -> memref<4096xf32, #tpu.memory_space<hbm>>
          tpu.wait_dma2 semaphore(%arg25 : memref<!tpu.dma_semaphore, #tpu.memory_space<semaphore_mem>>) src(%arg19 : memref<4096xf32, #tpu.memory_space<vmem>>) dst(%dma_wait3A_179 : memref<4096xf32, #tpu.memory_space<hbm>>)
        } else {
        }
        %parallel_loop3A = arith.constant 0 : i32
        %parallel_loop3A_162 = arith.constant 128 : i32
        %parallel_loop3A_163 = arith.constant 1 : i32
        scf.for %parallel_loop3A_170 = %parallel_loop3A to %parallel_loop3A_162 step %parallel_loop3A_163  : i32 {
          %parallel_loop3A_171 = arith.constant 0 : i32
          %parallel_loop3A_172 = vector.broadcast %parallel_loop3A_171 : i32 to vector<16xi32>
          %parallel_loop3A_173 = vector.broadcast %parallel_loop3A_170 : i32 to vector<16xi32>
          %parallel_loop3A_174 = arith.addi %parallel_loop3A_172, %parallel_loop3A_173 : vector<16xi32>
          %parallel_loop3A_175 = arith.constant 32 : i32
          %parallel_loop3A_176 = arith.muli %parallel_loop3A_170, %parallel_loop3A_175 : i32
          %parallel_loop3A_177 = tpu.vector_load_idx %arg10[%iota3A, %parallel_loop3A_174] : memref<32x137xf32, #tpu.memory_space<vmem>>[vector<16xi32>, vector<16xi32>], vector<16xf32>,
          %parallel_loop3A_178 = arith.index_cast %parallel_loop3A_176 : i32 to index
          %parallel_loop3A_179 = tpu.vector_load %arg16[%parallel_loop3A_178] {strides = array<i32>} : memref<4096xf32, #tpu.memory_space<vmem>>, vector<16xf32>,
          tpu.vector_store %arg16[%parallel_loop3A_178], %parallel_loop3A_177 {strides = array<i32>} : memref<4096xf32, #tpu.memory_space<vmem>>, vector<16xf32>,
          %parallel_loop3A_180 = tpu.vector_load_idx %arg10[%add3A_3, %parallel_loop3A_174] : memref<32x137xf32, #tpu.memory_space<vmem>>[vector<16xi32>, vector<16xi32>], vector<16xf32>,
          %parallel_loop3A_181 = arith.constant 16 : i32
          %parallel_loop3A_182 = arith.addi %parallel_loop3A_176, %parallel_loop3A_181 : i32
          %parallel_loop3A_183 = arith.index_cast %parallel_loop3A_182 : i32 to index
          %parallel_loop3A_184 = tpu.vector_load %arg16[%parallel_loop3A_183] {strides = array<i32>} : memref<4096xf32, #tpu.memory_space<vmem>>, vector<16xf32>,
          tpu.vector_store %arg16[%parallel_loop3A_183], %parallel_loop3A_180 {strides = array<i32>} : memref<4096xf32, #tpu.memory_space<vmem>>, vector<16xf32>,
          %parallel_loop3A_185 = tpu.vector_load_idx %arg13[%iota3A, %parallel_loop3A_174] : memref<32x137xf32, #tpu.memory_space<vmem>>[vector<16xi32>, vector<16xi32>], vector<16xf32>,
          %parallel_loop3A_186 = arith.index_cast %parallel_loop3A_176 : i32 to index
          %parallel_loop3A_187 = tpu.vector_load %arg19[%parallel_loop3A_186] {strides = array<i32>} : memref<4096xf32, #tpu.memory_space<vmem>>, vector<16xf32>,
          tpu.vector_store %arg19[%parallel_loop3A_186], %parallel_loop3A_185 {strides = array<i32>} : memref<4096xf32, #tpu.memory_space<vmem>>, vector<16xf32>,
          %parallel_loop3A_188 = tpu.vector_load_idx %arg13[%add3A_3, %parallel_loop3A_174] : memref<32x137xf32, #tpu.memory_space<vmem>>[vector<16xi32>, vector<16xi32>], vector<16xf32>,
          %parallel_loop3A_189 = arith.constant 16 : i32
          %parallel_loop3A_190 = arith.addi %parallel_loop3A_176, %parallel_loop3A_189 : i32
          %parallel_loop3A_191 = arith.index_cast %parallel_loop3A_190 : i32 to index
          %parallel_loop3A_192 = tpu.vector_load %arg19[%parallel_loop3A_191] {strides = array<i32>} : memref<4096xf32, #tpu.memory_space<vmem>>, vector<16xf32>,
          tpu.vector_store %arg19[%parallel_loop3A_191], %parallel_loop3A_188 {strides = array<i32>} : memref<4096xf32, #tpu.memory_space<vmem>>, vector<16xf32>,
        } {sc.loop_unroll_factor = 16 : i64, sc.parallel_access}
        %mul3A_164 = arith.constant 4096 : i32
        %mul3A_165 = arith.muli %add3A_122, %mul3A_164 : i32
        %dma_start3A_166 = tpu.memref_slice %arg6[%mul3A_165] : memref<32000000xf32, #tpu.memory_space<hbm>> -> memref<4096xf32, #tpu.memory_space<hbm>>
        %dma_start3A_167 = tpu.memref_slice %arg6[%mul3A_165] : memref<32000000xf32, #tpu.memory_space<hbm>> -> memref<4096xf32, #tpu.memory_space<hbm>>
        tpu.enqueue_dma source(%arg16 : memref<4096xf32, #tpu.memory_space<vmem>>) target(%dma_start3A_167 : memref<4096xf32, #tpu.memory_space<hbm>>) target_semaphore(%arg25 : memref<!tpu.dma_semaphore, #tpu.memory_space<semaphore_mem>>)
        %dma_start3A_168 = tpu.memref_slice %arg7[%mul3A_165] : memref<32000000xf32, #tpu.memory_space<hbm>> -> memref<4096xf32, #tpu.memory_space<hbm>>
        %dma_start3A_169 = tpu.memref_slice %arg7[%mul3A_165] : memref<32000000xf32, #tpu.memory_space<hbm>> -> memref<4096xf32, #tpu.memory_space<hbm>>
        tpu.enqueue_dma source(%arg19 : memref<4096xf32, #tpu.memory_space<vmem>>) target(%dma_start3A_169 : memref<4096xf32, #tpu.memory_space<hbm>>) target_semaphore(%arg25 : memref<!tpu.dma_semaphore, #tpu.memory_space<semaphore_mem>>)
      } else {
      }
    }
    %while3A_60 = arith.constant 1 : i32
    scf.for %while3A_92 = %while3A_58 to %while3A_54 step %while3A_60  : i32 {
      %mul3A_93 = arith.constant 3 : i32
      %mul3A_94 = arith.muli %while3A_92, %mul3A_93 : i32
      %add3A_95 = arith.constant 0 : i32
      %add3A_96 = arith.addi %mul3A_94, %add3A_95 : i32
      %mul3A_97 = arith.constant 32 : i32
      %mul3A_98 = arith.muli %add3A_96, %mul3A_97 : i32
      %add3A_99 = arith.addi %mul3A_98, %add3A : i32
      %lt3A = arith.constant 7812 : i32
      %lt3A_100 = arith.cmpi slt, %add3A_99, %lt3A : i32
      %convert_element_type3A_101 = arith.extui %lt3A_100 : i1 to i32
      %cond3A_102 = arith.constant 0 : i32
      %cond3A_103 = arith.cmpi ne, %convert_element_type3A_101, %cond3A_102 : i32
      scf.if %cond3A_103 {
        %mul3A_128 = arith.constant 128 : i32
        %mul3A_129 = arith.muli %add3A_99, %mul3A_128 : i32
        %dma_wait3A_130 = arith.constant 0 : i32
        %dma_wait3A_131 = arith.constant 0 : i32
        %dma_wait3A_132 = tpu.memref_slice %arg8[%dma_wait3A_131, %dma_wait3A_130] : memref<32x137xf32, #tpu.memory_space<vmem>> -> memref<32x128xf32, #tpu.memory_space<vmem>>
        %dma_wait3A_133 = arith.constant 0 : i32
        %dma_wait3A_134 = tpu.memref_slice %arg2[%dma_wait3A_133, %mul3A_129] : memref<32x1000000xf32, #tpu.memory_space<hbm>> -> memref<32x128xf32, #tpu.memory_space<hbm>>
        %dma_wait3A_135 = arith.constant 0 : i32
        %dma_wait3A_136 = tpu.memref_slice %arg8[%dma_wait3A_135, %dma_wait3A_130] : memref<32x137xf32, #tpu.memory_space<vmem>> -> memref<32x128xf32, #tpu.memory_space<vmem>>
        %dma_wait3A_137 = arith.constant 0 : i32
        %dma_wait3A_138 = tpu.memref_slice %arg2[%dma_wait3A_137, %mul3A_129] : memref<32x1000000xf32, #tpu.memory_space<hbm>> -> memref<32x128xf32, #tpu.memory_space<hbm>>
        tpu.wait_dma2 semaphore(%arg20 : memref<!tpu.dma_semaphore, #tpu.memory_space<semaphore_mem>>) src(%dma_wait3A_138 : memref<32x128xf32, #tpu.memory_space<hbm>>) dst(%dma_wait3A_136 : memref<32x128xf32, #tpu.memory_space<vmem>>)
        %dma_wait3A_139 = arith.constant 0 : i32
        %dma_wait3A_140 = arith.constant 0 : i32
        %dma_wait3A_141 = tpu.memref_slice %arg11[%dma_wait3A_140, %dma_wait3A_139] : memref<32x137xf32, #tpu.memory_space<vmem>> -> memref<32x128xf32, #tpu.memory_space<vmem>>
        %dma_wait3A_142 = arith.constant 0 : i32
        %dma_wait3A_143 = tpu.memref_slice %arg3[%dma_wait3A_142, %mul3A_129] : memref<32x1000000xf32, #tpu.memory_space<hbm>> -> memref<32x128xf32, #tpu.memory_space<hbm>>
        %dma_wait3A_144 = arith.constant 0 : i32
        %dma_wait3A_145 = tpu.memref_slice %arg11[%dma_wait3A_144, %dma_wait3A_139] : memref<32x137xf32, #tpu.memory_space<vmem>> -> memref<32x128xf32, #tpu.memory_space<vmem>>
        %dma_wait3A_146 = arith.constant 0 : i32
        %dma_wait3A_147 = tpu.memref_slice %arg3[%dma_wait3A_146, %mul3A_129] : memref<32x1000000xf32, #tpu.memory_space<hbm>> -> memref<32x128xf32, #tpu.memory_space<hbm>>
        tpu.wait_dma2 semaphore(%arg20 : memref<!tpu.dma_semaphore, #tpu.memory_space<semaphore_mem>>) src(%dma_wait3A_147 : memref<32x128xf32, #tpu.memory_space<hbm>>) dst(%dma_wait3A_145 : memref<32x128xf32, #tpu.memory_space<vmem>>)
        %add3A_148 = arith.constant 2 : i32
        %add3A_149 = arith.addi %add3A_96, %add3A_148 : i32
        %mul3A_150 = arith.constant 32 : i32
        %mul3A_151 = arith.muli %add3A_149, %mul3A_150 : i32
        %add3A_152 = arith.addi %mul3A_151, %add3A : i32
        %lt3A_153 = arith.constant 7812 : i32
        %lt3A_154 = arith.cmpi slt, %add3A_152, %lt3A_153 : i32
        %convert_element_type3A_155 = arith.extui %lt3A_154 : i1 to i32
        %cond3A_156 = arith.constant 0 : i32
        %cond3A_157 = arith.cmpi ne, %convert_element_type3A_155, %cond3A_156 : i32
        scf.if %cond3A_157 {
          %mul3A_170 = arith.constant 128 : i32
          %mul3A_171 = arith.muli %add3A_152, %mul3A_170 : i32
          %dma_start3A_172 = arith.constant 0 : i32
          %dma_start3A_173 = arith.constant 0 : i32
          %dma_start3A_174 = tpu.memref_slice %arg10[%dma_start3A_173, %dma_start3A_172] : memref<32x137xf32, #tpu.memory_space<vmem>> -> memref<32x128xf32, #tpu.memory_space<vmem>>
          %dma_start3A_175 = arith.constant 0 : i32
          %dma_start3A_176 = tpu.memref_slice %arg2[%dma_start3A_175, %mul3A_171] : memref<32x1000000xf32, #tpu.memory_space<hbm>> -> memref<32x128xf32, #tpu.memory_space<hbm>>
          %dma_start3A_177 = arith.constant 0 : i32
          %dma_start3A_178 = tpu.memref_slice %arg10[%dma_start3A_177, %dma_start3A_172] : memref<32x137xf32, #tpu.memory_space<vmem>> -> memref<32x128xf32, #tpu.memory_space<vmem>>
          %dma_start3A_179 = arith.constant 0 : i32
          %dma_start3A_180 = tpu.memref_slice %arg2[%dma_start3A_179, %mul3A_171] : memref<32x1000000xf32, #tpu.memory_space<hbm>> -> memref<32x128xf32, #tpu.memory_space<hbm>>
          tpu.enqueue_dma source(%dma_start3A_180 : memref<32x128xf32, #tpu.memory_space<hbm>>) target(%dma_start3A_178 : memref<32x128xf32, #tpu.memory_space<vmem>>) target_semaphore(%arg22 : memref<!tpu.dma_semaphore, #tpu.memory_space<semaphore_mem>>)
          %dma_start3A_181 = arith.constant 0 : i32
          %dma_start3A_182 = arith.constant 0 : i32
          %dma_start3A_183 = tpu.memref_slice %arg13[%dma_start3A_182, %dma_start3A_181] : memref<32x137xf32, #tpu.memory_space<vmem>> -> memref<32x128xf32, #tpu.memory_space<vmem>>
          %dma_start3A_184 = arith.constant 0 : i32
          %dma_start3A_185 = tpu.memref_slice %arg3[%dma_start3A_184, %mul3A_171] : memref<32x1000000xf32, #tpu.memory_space<hbm>> -> memref<32x128xf32, #tpu.memory_space<hbm>>
          %dma_start3A_186 = arith.constant 0 : i32
          %dma_start3A_187 = tpu.memref_slice %arg13[%dma_start3A_186, %dma_start3A_181] : memref<32x137xf32, #tpu.memory_space<vmem>> -> memref<32x128xf32, #tpu.memory_space<vmem>>
          %dma_start3A_188 = arith.constant 0 : i32
          %dma_start3A_189 = tpu.memref_slice %arg3[%dma_start3A_188, %mul3A_171] : memref<32x1000000xf32, #tpu.memory_space<hbm>> -> memref<32x128xf32, #tpu.memory_space<hbm>>
          tpu.enqueue_dma source(%dma_start3A_189 : memref<32x128xf32, #tpu.memory_space<hbm>>) target(%dma_start3A_187 : memref<32x128xf32, #tpu.memory_space<vmem>>) target_semaphore(%arg22 : memref<!tpu.dma_semaphore, #tpu.memory_space<semaphore_mem>>)
        } else {
        }
        %ge3A = arith.constant 3 : i32
        %ge3A_158 = arith.cmpi sge, %add3A_96, %ge3A : i32
        %convert_element_type3A_159 = arith.extui %ge3A_158 : i1 to i32
        %cond3A_160 = arith.constant 0 : i32
        %cond3A_161 = arith.cmpi ne, %convert_element_type3A_159, %cond3A_160 : i32
        scf.if %cond3A_161 {
          %sub3A = arith.constant 3 : i32
          %sub3A_170 = arith.subi %add3A_96, %sub3A : i32
          %mul3A_171 = arith.constant 32 : i32
          %mul3A_172 = arith.muli %sub3A_170, %mul3A_171 : i32
          %add3A_173 = arith.addi %mul3A_172, %add3A : i32
          %mul3A_174 = arith.constant 4096 : i32
          %mul3A_175 = arith.muli %add3A_173, %mul3A_174 : i32
          %dma_wait3A_176 = tpu.memref_slice %arg6[%mul3A_175] : memref<32000000xf32, #tpu.memory_space<hbm>> -> memref<4096xf32, #tpu.memory_space<hbm>>
          %dma_wait3A_177 = tpu.memref_slice %arg6[%mul3A_175] : memref<32000000xf32, #tpu.memory_space<hbm>> -> memref<4096xf32, #tpu.memory_space<hbm>>
          tpu.wait_dma2 semaphore(%arg23 : memref<!tpu.dma_semaphore, #tpu.memory_space<semaphore_mem>>) src(%arg14 : memref<4096xf32, #tpu.memory_space<vmem>>) dst(%dma_wait3A_177 : memref<4096xf32, #tpu.memory_space<hbm>>)
          %dma_wait3A_178 = tpu.memref_slice %arg7[%mul3A_175] : memref<32000000xf32, #tpu.memory_space<hbm>> -> memref<4096xf32, #tpu.memory_space<hbm>>
          %dma_wait3A_179 = tpu.memref_slice %arg7[%mul3A_175] : memref<32000000xf32, #tpu.memory_space<hbm>> -> memref<4096xf32, #tpu.memory_space<hbm>>
          tpu.wait_dma2 semaphore(%arg23 : memref<!tpu.dma_semaphore, #tpu.memory_space<semaphore_mem>>) src(%arg17 : memref<4096xf32, #tpu.memory_space<vmem>>) dst(%dma_wait3A_179 : memref<4096xf32, #tpu.memory_space<hbm>>)
        } else {
        }
        %parallel_loop3A = arith.constant 0 : i32
        %parallel_loop3A_162 = arith.constant 128 : i32
        %parallel_loop3A_163 = arith.constant 1 : i32
        scf.for %parallel_loop3A_170 = %parallel_loop3A to %parallel_loop3A_162 step %parallel_loop3A_163  : i32 {
          %parallel_loop3A_171 = arith.constant 0 : i32
          %parallel_loop3A_172 = vector.broadcast %parallel_loop3A_171 : i32 to vector<16xi32>
          %parallel_loop3A_173 = vector.broadcast %parallel_loop3A_170 : i32 to vector<16xi32>
          %parallel_loop3A_174 = arith.addi %parallel_loop3A_172, %parallel_loop3A_173 : vector<16xi32>
          %parallel_loop3A_175 = arith.constant 32 : i32
          %parallel_loop3A_176 = arith.muli %parallel_loop3A_170, %parallel_loop3A_175 : i32
          %parallel_loop3A_177 = tpu.vector_load_idx %arg8[%iota3A, %parallel_loop3A_174] : memref<32x137xf32, #tpu.memory_space<vmem>>[vector<16xi32>, vector<16xi32>], vector<16xf32>,
          %parallel_loop3A_178 = arith.index_cast %parallel_loop3A_176 : i32 to index
          %parallel_loop3A_179 = tpu.vector_load %arg14[%parallel_loop3A_178] {strides = array<i32>} : memref<4096xf32, #tpu.memory_space<vmem>>, vector<16xf32>,
          tpu.vector_store %arg14[%parallel_loop3A_178], %parallel_loop3A_177 {strides = array<i32>} : memref<4096xf32, #tpu.memory_space<vmem>>, vector<16xf32>,
          %parallel_loop3A_180 = tpu.vector_load_idx %arg8[%add3A_3, %parallel_loop3A_174] : memref<32x137xf32, #tpu.memory_space<vmem>>[vector<16xi32>, vector<16xi32>], vector<16xf32>,
          %parallel_loop3A_181 = arith.constant 16 : i32
          %parallel_loop3A_182 = arith.addi %parallel_loop3A_176, %parallel_loop3A_181 : i32
          %parallel_loop3A_183 = arith.index_cast %parallel_loop3A_182 : i32 to index
          %parallel_loop3A_184 = tpu.vector_load %arg14[%parallel_loop3A_183] {strides = array<i32>} : memref<4096xf32, #tpu.memory_space<vmem>>, vector<16xf32>,
          tpu.vector_store %arg14[%parallel_loop3A_183], %parallel_loop3A_180 {strides = array<i32>} : memref<4096xf32, #tpu.memory_space<vmem>>, vector<16xf32>,
          %parallel_loop3A_185 = tpu.vector_load_idx %arg11[%iota3A, %parallel_loop3A_174] : memref<32x137xf32, #tpu.memory_space<vmem>>[vector<16xi32>, vector<16xi32>], vector<16xf32>,
          %parallel_loop3A_186 = arith.index_cast %parallel_loop3A_176 : i32 to index
          %parallel_loop3A_187 = tpu.vector_load %arg17[%parallel_loop3A_186] {strides = array<i32>} : memref<4096xf32, #tpu.memory_space<vmem>>, vector<16xf32>,
          tpu.vector_store %arg17[%parallel_loop3A_186], %parallel_loop3A_185 {strides = array<i32>} : memref<4096xf32, #tpu.memory_space<vmem>>, vector<16xf32>,
          %parallel_loop3A_188 = tpu.vector_load_idx %arg11[%add3A_3, %parallel_loop3A_174] : memref<32x137xf32, #tpu.memory_space<vmem>>[vector<16xi32>, vector<16xi32>], vector<16xf32>,
          %parallel_loop3A_189 = arith.constant 16 : i32
          %parallel_loop3A_190 = arith.addi %parallel_loop3A_176, %parallel_loop3A_189 : i32
          %parallel_loop3A_191 = arith.index_cast %parallel_loop3A_190 : i32 to index
          %parallel_loop3A_192 = tpu.vector_load %arg17[%parallel_loop3A_191] {strides = array<i32>} : memref<4096xf32, #tpu.memory_space<vmem>>, vector<16xf32>,
          tpu.vector_store %arg17[%parallel_loop3A_191], %parallel_loop3A_188 {strides = array<i32>} : memref<4096xf32, #tpu.memory_space<vmem>>, vector<16xf32>,
        } {sc.loop_unroll_factor = 16 : i64, sc.parallel_access}
        %mul3A_164 = arith.constant 4096 : i32
        %mul3A_165 = arith.muli %add3A_99, %mul3A_164 : i32
        %dma_start3A_166 = tpu.memref_slice %arg6[%mul3A_165] : memref<32000000xf32, #tpu.memory_space<hbm>> -> memref<4096xf32, #tpu.memory_space<hbm>>
        %dma_start3A_167 = tpu.memref_slice %arg6[%mul3A_165] : memref<32000000xf32, #tpu.memory_space<hbm>> -> memref<4096xf32, #tpu.memory_space<hbm>>
        tpu.enqueue_dma source(%arg14 : memref<4096xf32, #tpu.memory_space<vmem>>) target(%dma_start3A_167 : memref<4096xf32, #tpu.memory_space<hbm>>) target_semaphore(%arg23 : memref<!tpu.dma_semaphore, #tpu.memory_space<semaphore_mem>>)
        %dma_start3A_168 = tpu.memref_slice %arg7[%mul3A_165] : memref<32000000xf32, #tpu.memory_space<hbm>> -> memref<4096xf32, #tpu.memory_space<hbm>>
        %dma_start3A_169 = tpu.memref_slice %arg7[%mul3A_165] : memref<32000000xf32, #tpu.memory_space<hbm>> -> memref<4096xf32, #tpu.memory_space<hbm>>
        tpu.enqueue_dma source(%arg17 : memref<4096xf32, #tpu.memory_space<vmem>>) target(%dma_start3A_169 : memref<4096xf32, #tpu.memory_space<hbm>>) target_semaphore(%arg23 : memref<!tpu.dma_semaphore, #tpu.memory_space<semaphore_mem>>)
      } else {
      }
      %mul3A_104 = arith.constant 3 : i32
      %mul3A_105 = arith.muli %while3A_92, %mul3A_104 : i32
      %add3A_106 = arith.constant 1 : i32
      %add3A_107 = arith.addi %mul3A_105, %add3A_106 : i32
      %mul3A_108 = arith.constant 32 : i32
      %mul3A_109 = arith.muli %add3A_107, %mul3A_108 : i32
      %add3A_110 = arith.addi %mul3A_109, %add3A : i32
      %lt3A_111 = arith.constant 7812 : i32
      %lt3A_112 = arith.cmpi slt, %add3A_110, %lt3A_111 : i32
      %convert_element_type3A_113 = arith.extui %lt3A_112 : i1 to i32
      %cond3A_114 = arith.constant 0 : i32
      %cond3A_115 = arith.cmpi ne, %convert_element_type3A_113, %cond3A_114 : i32
      scf.if %cond3A_115 {
        %mul3A_128 = arith.constant 128 : i32
        %mul3A_129 = arith.muli %add3A_110, %mul3A_128 : i32
        %dma_wait3A_130 = arith.constant 0 : i32
        %dma_wait3A_131 = arith.constant 0 : i32
        %dma_wait3A_132 = tpu.memref_slice %arg9[%dma_wait3A_131, %dma_wait3A_130] : memref<32x137xf32, #tpu.memory_space<vmem>> -> memref<32x128xf32, #tpu.memory_space<vmem>>
        %dma_wait3A_133 = arith.constant 0 : i32
        %dma_wait3A_134 = tpu.memref_slice %arg2[%dma_wait3A_133, %mul3A_129] : memref<32x1000000xf32, #tpu.memory_space<hbm>> -> memref<32x128xf32, #tpu.memory_space<hbm>>
        %dma_wait3A_135 = arith.constant 0 : i32
        %dma_wait3A_136 = tpu.memref_slice %arg9[%dma_wait3A_135, %dma_wait3A_130] : memref<32x137xf32, #tpu.memory_space<vmem>> -> memref<32x128xf32, #tpu.memory_space<vmem>>
        %dma_wait3A_137 = arith.constant 0 : i32
        %dma_wait3A_138 = tpu.memref_slice %arg2[%dma_wait3A_137, %mul3A_129] : memref<32x1000000xf32, #tpu.memory_space<hbm>> -> memref<32x128xf32, #tpu.memory_space<hbm>>
        tpu.wait_dma2 semaphore(%arg21 : memref<!tpu.dma_semaphore, #tpu.memory_space<semaphore_mem>>) src(%dma_wait3A_138 : memref<32x128xf32, #tpu.memory_space<hbm>>) dst(%dma_wait3A_136 : memref<32x128xf32, #tpu.memory_space<vmem>>)
        %dma_wait3A_139 = arith.constant 0 : i32
        %dma_wait3A_140 = arith.constant 0 : i32
        %dma_wait3A_141 = tpu.memref_slice %arg12[%dma_wait3A_140, %dma_wait3A_139] : memref<32x137xf32, #tpu.memory_space<vmem>> -> memref<32x128xf32, #tpu.memory_space<vmem>>
        %dma_wait3A_142 = arith.constant 0 : i32
        %dma_wait3A_143 = tpu.memref_slice %arg3[%dma_wait3A_142, %mul3A_129] : memref<32x1000000xf32, #tpu.memory_space<hbm>> -> memref<32x128xf32, #tpu.memory_space<hbm>>
        %dma_wait3A_144 = arith.constant 0 : i32
        %dma_wait3A_145 = tpu.memref_slice %arg12[%dma_wait3A_144, %dma_wait3A_139] : memref<32x137xf32, #tpu.memory_space<vmem>> -> memref<32x128xf32, #tpu.memory_space<vmem>>
        %dma_wait3A_146 = arith.constant 0 : i32
        %dma_wait3A_147 = tpu.memref_slice %arg3[%dma_wait3A_146, %mul3A_129] : memref<32x1000000xf32, #tpu.memory_space<hbm>> -> memref<32x128xf32, #tpu.memory_space<hbm>>
        tpu.wait_dma2 semaphore(%arg21 : memref<!tpu.dma_semaphore, #tpu.memory_space<semaphore_mem>>) src(%dma_wait3A_147 : memref<32x128xf32, #tpu.memory_space<hbm>>) dst(%dma_wait3A_145 : memref<32x128xf32, #tpu.memory_space<vmem>>)
        %add3A_148 = arith.constant 2 : i32
        %add3A_149 = arith.addi %add3A_107, %add3A_148 : i32
        %mul3A_150 = arith.constant 32 : i32
        %mul3A_151 = arith.muli %add3A_149, %mul3A_150 : i32
        %add3A_152 = arith.addi %mul3A_151, %add3A : i32
        %lt3A_153 = arith.constant 7812 : i32
        %lt3A_154 = arith.cmpi slt, %add3A_152, %lt3A_153 : i32
        %convert_element_type3A_155 = arith.extui %lt3A_154 : i1 to i32
        %cond3A_156 = arith.constant 0 : i32
        %cond3A_157 = arith.cmpi ne, %convert_element_type3A_155, %cond3A_156 : i32
        scf.if %cond3A_157 {
          %mul3A_170 = arith.constant 128 : i32
          %mul3A_171 = arith.muli %add3A_152, %mul3A_170 : i32
          %dma_start3A_172 = arith.constant 0 : i32
          %dma_start3A_173 = arith.constant 0 : i32
          %dma_start3A_174 = tpu.memref_slice %arg8[%dma_start3A_173, %dma_start3A_172] : memref<32x137xf32, #tpu.memory_space<vmem>> -> memref<32x128xf32, #tpu.memory_space<vmem>>
          %dma_start3A_175 = arith.constant 0 : i32
          %dma_start3A_176 = tpu.memref_slice %arg2[%dma_start3A_175, %mul3A_171] : memref<32x1000000xf32, #tpu.memory_space<hbm>> -> memref<32x128xf32, #tpu.memory_space<hbm>>
          %dma_start3A_177 = arith.constant 0 : i32
          %dma_start3A_178 = tpu.memref_slice %arg8[%dma_start3A_177, %dma_start3A_172] : memref<32x137xf32, #tpu.memory_space<vmem>> -> memref<32x128xf32, #tpu.memory_space<vmem>>
          %dma_start3A_179 = arith.constant 0 : i32
          %dma_start3A_180 = tpu.memref_slice %arg2[%dma_start3A_179, %mul3A_171] : memref<32x1000000xf32, #tpu.memory_space<hbm>> -> memref<32x128xf32, #tpu.memory_space<hbm>>
          tpu.enqueue_dma source(%dma_start3A_180 : memref<32x128xf32, #tpu.memory_space<hbm>>) target(%dma_start3A_178 : memref<32x128xf32, #tpu.memory_space<vmem>>) target_semaphore(%arg20 : memref<!tpu.dma_semaphore, #tpu.memory_space<semaphore_mem>>)
          %dma_start3A_181 = arith.constant 0 : i32
          %dma_start3A_182 = arith.constant 0 : i32
          %dma_start3A_183 = tpu.memref_slice %arg11[%dma_start3A_182, %dma_start3A_181] : memref<32x137xf32, #tpu.memory_space<vmem>> -> memref<32x128xf32, #tpu.memory_space<vmem>>
          %dma_start3A_184 = arith.constant 0 : i32
          %dma_start3A_185 = tpu.memref_slice %arg3[%dma_start3A_184, %mul3A_171] : memref<32x1000000xf32, #tpu.memory_space<hbm>> -> memref<32x128xf32, #tpu.memory_space<hbm>>
          %dma_start3A_186 = arith.constant 0 : i32
          %dma_start3A_187 = tpu.memref_slice %arg11[%dma_start3A_186, %dma_start3A_181] : memref<32x137xf32, #tpu.memory_space<vmem>> -> memref<32x128xf32, #tpu.memory_space<vmem>>
          %dma_start3A_188 = arith.constant 0 : i32
          %dma_start3A_189 = tpu.memref_slice %arg3[%dma_start3A_188, %mul3A_171] : memref<32x1000000xf32, #tpu.memory_space<hbm>> -> memref<32x128xf32, #tpu.memory_space<hbm>>
          tpu.enqueue_dma source(%dma_start3A_189 : memref<32x128xf32, #tpu.memory_space<hbm>>) target(%dma_start3A_187 : memref<32x128xf32, #tpu.memory_space<vmem>>) target_semaphore(%arg20 : memref<!tpu.dma_semaphore, #tpu.memory_space<semaphore_mem>>)
        } else {
        }
        %ge3A = arith.constant 3 : i32
        %ge3A_158 = arith.cmpi sge, %add3A_107, %ge3A : i32
        %convert_element_type3A_159 = arith.extui %ge3A_158 : i1 to i32
        %cond3A_160 = arith.constant 0 : i32
        %cond3A_161 = arith.cmpi ne, %convert_element_type3A_159, %cond3A_160 : i32
        scf.if %cond3A_161 {
          %sub3A = arith.constant 3 : i32
          %sub3A_170 = arith.subi %add3A_107, %sub3A : i32
          %mul3A_171 = arith.constant 32 : i32
          %mul3A_172 = arith.muli %sub3A_170, %mul3A_171 : i32
          %add3A_173 = arith.addi %mul3A_172, %add3A : i32
          %mul3A_174 = arith.constant 4096 : i32
          %mul3A_175 = arith.muli %add3A_173, %mul3A_174 : i32
          %dma_wait3A_176 = tpu.memref_slice %arg6[%mul3A_175] : memref<32000000xf32, #tpu.memory_space<hbm>> -> memref<4096xf32, #tpu.memory_space<hbm>>
          %dma_wait3A_177 = tpu.memref_slice %arg6[%mul3A_175] : memref<32000000xf32, #tpu.memory_space<hbm>> -> memref<4096xf32, #tpu.memory_space<hbm>>
          tpu.wait_dma2 semaphore(%arg24 : memref<!tpu.dma_semaphore, #tpu.memory_space<semaphore_mem>>) src(%arg15 : memref<4096xf32, #tpu.memory_space<vmem>>) dst(%dma_wait3A_177 : memref<4096xf32, #tpu.memory_space<hbm>>)
          %dma_wait3A_178 = tpu.memref_slice %arg7[%mul3A_175] : memref<32000000xf32, #tpu.memory_space<hbm>> -> memref<4096xf32, #tpu.memory_space<hbm>>
          %dma_wait3A_179 = tpu.memref_slice %arg7[%mul3A_175] : memref<32000000xf32, #tpu.memory_space<hbm>> -> memref<4096xf32, #tpu.memory_space<hbm>>
          tpu.wait_dma2 semaphore(%arg24 : memref<!tpu.dma_semaphore, #tpu.memory_space<semaphore_mem>>) src(%arg18 : memref<4096xf32, #tpu.memory_space<vmem>>) dst(%dma_wait3A_179 : memref<4096xf32, #tpu.memory_space<hbm>>)
        } else {
        }
        %parallel_loop3A = arith.constant 0 : i32
        %parallel_loop3A_162 = arith.constant 128 : i32
        %parallel_loop3A_163 = arith.constant 1 : i32
        scf.for %parallel_loop3A_170 = %parallel_loop3A to %parallel_loop3A_162 step %parallel_loop3A_163  : i32 {
          %parallel_loop3A_171 = arith.constant 0 : i32
          %parallel_loop3A_172 = vector.broadcast %parallel_loop3A_171 : i32 to vector<16xi32>
          %parallel_loop3A_173 = vector.broadcast %parallel_loop3A_170 : i32 to vector<16xi32>
          %parallel_loop3A_174 = arith.addi %parallel_loop3A_172, %parallel_loop3A_173 : vector<16xi32>
          %parallel_loop3A_175 = arith.constant 32 : i32
          %parallel_loop3A_176 = arith.muli %parallel_loop3A_170, %parallel_loop3A_175 : i32
          %parallel_loop3A_177 = tpu.vector_load_idx %arg9[%iota3A, %parallel_loop3A_174] : memref<32x137xf32, #tpu.memory_space<vmem>>[vector<16xi32>, vector<16xi32>], vector<16xf32>,
          %parallel_loop3A_178 = arith.index_cast %parallel_loop3A_176 : i32 to index
          %parallel_loop3A_179 = tpu.vector_load %arg15[%parallel_loop3A_178] {strides = array<i32>} : memref<4096xf32, #tpu.memory_space<vmem>>, vector<16xf32>,
          tpu.vector_store %arg15[%parallel_loop3A_178], %parallel_loop3A_177 {strides = array<i32>} : memref<4096xf32, #tpu.memory_space<vmem>>, vector<16xf32>,
          %parallel_loop3A_180 = tpu.vector_load_idx %arg9[%add3A_3, %parallel_loop3A_174] : memref<32x137xf32, #tpu.memory_space<vmem>>[vector<16xi32>, vector<16xi32>], vector<16xf32>,
          %parallel_loop3A_181 = arith.constant 16 : i32
          %parallel_loop3A_182 = arith.addi %parallel_loop3A_176, %parallel_loop3A_181 : i32
          %parallel_loop3A_183 = arith.index_cast %parallel_loop3A_182 : i32 to index
          %parallel_loop3A_184 = tpu.vector_load %arg15[%parallel_loop3A_183] {strides = array<i32>} : memref<4096xf32, #tpu.memory_space<vmem>>, vector<16xf32>,
          tpu.vector_store %arg15[%parallel_loop3A_183], %parallel_loop3A_180 {strides = array<i32>} : memref<4096xf32, #tpu.memory_space<vmem>>, vector<16xf32>,
          %parallel_loop3A_185 = tpu.vector_load_idx %arg12[%iota3A, %parallel_loop3A_174] : memref<32x137xf32, #tpu.memory_space<vmem>>[vector<16xi32>, vector<16xi32>], vector<16xf32>,
          %parallel_loop3A_186 = arith.index_cast %parallel_loop3A_176 : i32 to index
          %parallel_loop3A_187 = tpu.vector_load %arg18[%parallel_loop3A_186] {strides = array<i32>} : memref<4096xf32, #tpu.memory_space<vmem>>, vector<16xf32>,
          tpu.vector_store %arg18[%parallel_loop3A_186], %parallel_loop3A_185 {strides = array<i32>} : memref<4096xf32, #tpu.memory_space<vmem>>, vector<16xf32>,
          %parallel_loop3A_188 = tpu.vector_load_idx %arg12[%add3A_3, %parallel_loop3A_174] : memref<32x137xf32, #tpu.memory_space<vmem>>[vector<16xi32>, vector<16xi32>], vector<16xf32>,
          %parallel_loop3A_189 = arith.constant 16 : i32
          %parallel_loop3A_190 = arith.addi %parallel_loop3A_176, %parallel_loop3A_189 : i32
          %parallel_loop3A_191 = arith.index_cast %parallel_loop3A_190 : i32 to index
          %parallel_loop3A_192 = tpu.vector_load %arg18[%parallel_loop3A_191] {strides = array<i32>} : memref<4096xf32, #tpu.memory_space<vmem>>, vector<16xf32>,
          tpu.vector_store %arg18[%parallel_loop3A_191], %parallel_loop3A_188 {strides = array<i32>} : memref<4096xf32, #tpu.memory_space<vmem>>, vector<16xf32>,
        } {sc.loop_unroll_factor = 16 : i64, sc.parallel_access}
        %mul3A_164 = arith.constant 4096 : i32
        %mul3A_165 = arith.muli %add3A_110, %mul3A_164 : i32
        %dma_start3A_166 = tpu.memref_slice %arg6[%mul3A_165] : memref<32000000xf32, #tpu.memory_space<hbm>> -> memref<4096xf32, #tpu.memory_space<hbm>>
        %dma_start3A_167 = tpu.memref_slice %arg6[%mul3A_165] : memref<32000000xf32, #tpu.memory_space<hbm>> -> memref<4096xf32, #tpu.memory_space<hbm>>
        tpu.enqueue_dma source(%arg15 : memref<4096xf32, #tpu.memory_space<vmem>>) target(%dma_start3A_167 : memref<4096xf32, #tpu.memory_space<hbm>>) target_semaphore(%arg24 : memref<!tpu.dma_semaphore, #tpu.memory_space<semaphore_mem>>)
        %dma_start3A_168 = tpu.memref_slice %arg7[%mul3A_165] : memref<32000000xf32, #tpu.memory_space<hbm>> -> memref<4096xf32, #tpu.memory_space<hbm>>
        %dma_start3A_169 = tpu.memref_slice %arg7[%mul3A_165] : memref<32000000xf32, #tpu.memory_space<hbm>> -> memref<4096xf32, #tpu.memory_space<hbm>>
        tpu.enqueue_dma source(%arg18 : memref<4096xf32, #tpu.memory_space<vmem>>) target(%dma_start3A_169 : memref<4096xf32, #tpu.memory_space<hbm>>) target_semaphore(%arg24 : memref<!tpu.dma_semaphore, #tpu.memory_space<semaphore_mem>>)
      } else {
      }
      %mul3A_116 = arith.constant 3 : i32
      %mul3A_117 = arith.muli %while3A_92, %mul3A_116 : i32
      %add3A_118 = arith.constant 2 : i32
      %add3A_119 = arith.addi %mul3A_117, %add3A_118 : i32
      %mul3A_120 = arith.constant 32 : i32
      %mul3A_121 = arith.muli %add3A_119, %mul3A_120 : i32
      %add3A_122 = arith.addi %mul3A_121, %add3A : i32
      %lt3A_123 = arith.constant 7812 : i32
      %lt3A_124 = arith.cmpi slt, %add3A_122, %lt3A_123 : i32
      %convert_element_type3A_125 = arith.extui %lt3A_124 : i1 to i32
      %cond3A_126 = arith.constant 0 : i32
      %cond3A_127 = arith.cmpi ne, %convert_element_type3A_125, %cond3A_126 : i32
      scf.if %cond3A_127 {
        %mul3A_128 = arith.constant 128 : i32
        %mul3A_129 = arith.muli %add3A_122, %mul3A_128 : i32
        %dma_wait3A_130 = arith.constant 0 : i32
        %dma_wait3A_131 = arith.constant 0 : i32
        %dma_wait3A_132 = tpu.memref_slice %arg10[%dma_wait3A_131, %dma_wait3A_130] : memref<32x137xf32, #tpu.memory_space<vmem>> -> memref<32x128xf32, #tpu.memory_space<vmem>>
        %dma_wait3A_133 = arith.constant 0 : i32
        %dma_wait3A_134 = tpu.memref_slice %arg2[%dma_wait3A_133, %mul3A_129] : memref<32x1000000xf32, #tpu.memory_space<hbm>> -> memref<32x128xf32, #tpu.memory_space<hbm>>
        %dma_wait3A_135 = arith.constant 0 : i32
        %dma_wait3A_136 = tpu.memref_slice %arg10[%dma_wait3A_135, %dma_wait3A_130] : memref<32x137xf32, #tpu.memory_space<vmem>> -> memref<32x128xf32, #tpu.memory_space<vmem>>
        %dma_wait3A_137 = arith.constant 0 : i32
        %dma_wait3A_138 = tpu.memref_slice %arg2[%dma_wait3A_137, %mul3A_129] : memref<32x1000000xf32, #tpu.memory_space<hbm>> -> memref<32x128xf32, #tpu.memory_space<hbm>>
        tpu.wait_dma2 semaphore(%arg22 : memref<!tpu.dma_semaphore, #tpu.memory_space<semaphore_mem>>) src(%dma_wait3A_138 : memref<32x128xf32, #tpu.memory_space<hbm>>) dst(%dma_wait3A_136 : memref<32x128xf32, #tpu.memory_space<vmem>>)
        %dma_wait3A_139 = arith.constant 0 : i32
        %dma_wait3A_140 = arith.constant 0 : i32
        %dma_wait3A_141 = tpu.memref_slice %arg13[%dma_wait3A_140, %dma_wait3A_139] : memref<32x137xf32, #tpu.memory_space<vmem>> -> memref<32x128xf32, #tpu.memory_space<vmem>>
        %dma_wait3A_142 = arith.constant 0 : i32
        %dma_wait3A_143 = tpu.memref_slice %arg3[%dma_wait3A_142, %mul3A_129] : memref<32x1000000xf32, #tpu.memory_space<hbm>> -> memref<32x128xf32, #tpu.memory_space<hbm>>
        %dma_wait3A_144 = arith.constant 0 : i32
        %dma_wait3A_145 = tpu.memref_slice %arg13[%dma_wait3A_144, %dma_wait3A_139] : memref<32x137xf32, #tpu.memory_space<vmem>> -> memref<32x128xf32, #tpu.memory_space<vmem>>
        %dma_wait3A_146 = arith.constant 0 : i32
        %dma_wait3A_147 = tpu.memref_slice %arg3[%dma_wait3A_146, %mul3A_129] : memref<32x1000000xf32, #tpu.memory_space<hbm>> -> memref<32x128xf32, #tpu.memory_space<hbm>>
        tpu.wait_dma2 semaphore(%arg22 : memref<!tpu.dma_semaphore, #tpu.memory_space<semaphore_mem>>) src(%dma_wait3A_147 : memref<32x128xf32, #tpu.memory_space<hbm>>) dst(%dma_wait3A_145 : memref<32x128xf32, #tpu.memory_space<vmem>>)
        %add3A_148 = arith.constant 2 : i32
        %add3A_149 = arith.addi %add3A_119, %add3A_148 : i32
        %mul3A_150 = arith.constant 32 : i32
        %mul3A_151 = arith.muli %add3A_149, %mul3A_150 : i32
        %add3A_152 = arith.addi %mul3A_151, %add3A : i32
        %lt3A_153 = arith.constant 7812 : i32
        %lt3A_154 = arith.cmpi slt, %add3A_152, %lt3A_153 : i32
        %convert_element_type3A_155 = arith.extui %lt3A_154 : i1 to i32
        %cond3A_156 = arith.constant 0 : i32
        %cond3A_157 = arith.cmpi ne, %convert_element_type3A_155, %cond3A_156 : i32
        scf.if %cond3A_157 {
          %mul3A_170 = arith.constant 128 : i32
          %mul3A_171 = arith.muli %add3A_152, %mul3A_170 : i32
          %dma_start3A_172 = arith.constant 0 : i32
          %dma_start3A_173 = arith.constant 0 : i32
          %dma_start3A_174 = tpu.memref_slice %arg9[%dma_start3A_173, %dma_start3A_172] : memref<32x137xf32, #tpu.memory_space<vmem>> -> memref<32x128xf32, #tpu.memory_space<vmem>>
          %dma_start3A_175 = arith.constant 0 : i32
          %dma_start3A_176 = tpu.memref_slice %arg2[%dma_start3A_175, %mul3A_171] : memref<32x1000000xf32, #tpu.memory_space<hbm>> -> memref<32x128xf32, #tpu.memory_space<hbm>>
          %dma_start3A_177 = arith.constant 0 : i32
          %dma_start3A_178 = tpu.memref_slice %arg9[%dma_start3A_177, %dma_start3A_172] : memref<32x137xf32, #tpu.memory_space<vmem>> -> memref<32x128xf32, #tpu.memory_space<vmem>>
          %dma_start3A_179 = arith.constant 0 : i32
          %dma_start3A_180 = tpu.memref_slice %arg2[%dma_start3A_179, %mul3A_171] : memref<32x1000000xf32, #tpu.memory_space<hbm>> -> memref<32x128xf32, #tpu.memory_space<hbm>>
          tpu.enqueue_dma source(%dma_start3A_180 : memref<32x128xf32, #tpu.memory_space<hbm>>) target(%dma_start3A_178 : memref<32x128xf32, #tpu.memory_space<vmem>>) target_semaphore(%arg21 : memref<!tpu.dma_semaphore, #tpu.memory_space<semaphore_mem>>)
          %dma_start3A_181 = arith.constant 0 : i32
          %dma_start3A_182 = arith.constant 0 : i32
          %dma_start3A_183 = tpu.memref_slice %arg12[%dma_start3A_182, %dma_start3A_181] : memref<32x137xf32, #tpu.memory_space<vmem>> -> memref<32x128xf32, #tpu.memory_space<vmem>>
          %dma_start3A_184 = arith.constant 0 : i32
          %dma_start3A_185 = tpu.memref_slice %arg3[%dma_start3A_184, %mul3A_171] : memref<32x1000000xf32, #tpu.memory_space<hbm>> -> memref<32x128xf32, #tpu.memory_space<hbm>>
          %dma_start3A_186 = arith.constant 0 : i32
          %dma_start3A_187 = tpu.memref_slice %arg12[%dma_start3A_186, %dma_start3A_181] : memref<32x137xf32, #tpu.memory_space<vmem>> -> memref<32x128xf32, #tpu.memory_space<vmem>>
          %dma_start3A_188 = arith.constant 0 : i32
          %dma_start3A_189 = tpu.memref_slice %arg3[%dma_start3A_188, %mul3A_171] : memref<32x1000000xf32, #tpu.memory_space<hbm>> -> memref<32x128xf32, #tpu.memory_space<hbm>>
          tpu.enqueue_dma source(%dma_start3A_189 : memref<32x128xf32, #tpu.memory_space<hbm>>) target(%dma_start3A_187 : memref<32x128xf32, #tpu.memory_space<vmem>>) target_semaphore(%arg21 : memref<!tpu.dma_semaphore, #tpu.memory_space<semaphore_mem>>)
        } else {
        }
        %ge3A = arith.constant 3 : i32
        %ge3A_158 = arith.cmpi sge, %add3A_119, %ge3A : i32
        %convert_element_type3A_159 = arith.extui %ge3A_158 : i1 to i32
        %cond3A_160 = arith.constant 0 : i32
        %cond3A_161 = arith.cmpi ne, %convert_element_type3A_159, %cond3A_160 : i32
        scf.if %cond3A_161 {
          %sub3A = arith.constant 3 : i32
          %sub3A_170 = arith.subi %add3A_119, %sub3A : i32
          %mul3A_171 = arith.constant 32 : i32
          %mul3A_172 = arith.muli %sub3A_170, %mul3A_171 : i32
          %add3A_173 = arith.addi %mul3A_172, %add3A : i32
          %mul3A_174 = arith.constant 4096 : i32
          %mul3A_175 = arith.muli %add3A_173, %mul3A_174 : i32
          %dma_wait3A_176 = tpu.memref_slice %arg6[%mul3A_175] : memref<32000000xf32, #tpu.memory_space<hbm>> -> memref<4096xf32, #tpu.memory_space<hbm>>
          %dma_wait3A_177 = tpu.memref_slice %arg6[%mul3A_175] : memref<32000000xf32, #tpu.memory_space<hbm>> -> memref<4096xf32, #tpu.memory_space<hbm>>
          tpu.wait_dma2 semaphore(%arg25 : memref<!tpu.dma_semaphore, #tpu.memory_space<semaphore_mem>>) src(%arg16 : memref<4096xf32, #tpu.memory_space<vmem>>) dst(%dma_wait3A_177 : memref<4096xf32, #tpu.memory_space<hbm>>)
          %dma_wait3A_178 = tpu.memref_slice %arg7[%mul3A_175] : memref<32000000xf32, #tpu.memory_space<hbm>> -> memref<4096xf32, #tpu.memory_space<hbm>>
          %dma_wait3A_179 = tpu.memref_slice %arg7[%mul3A_175] : memref<32000000xf32, #tpu.memory_space<hbm>> -> memref<4096xf32, #tpu.memory_space<hbm>>
          tpu.wait_dma2 semaphore(%arg25 : memref<!tpu.dma_semaphore, #tpu.memory_space<semaphore_mem>>) src(%arg19 : memref<4096xf32, #tpu.memory_space<vmem>>) dst(%dma_wait3A_179 : memref<4096xf32, #tpu.memory_space<hbm>>)
        } else {
        }
        %parallel_loop3A = arith.constant 0 : i32
        %parallel_loop3A_162 = arith.constant 128 : i32
        %parallel_loop3A_163 = arith.constant 1 : i32
        scf.for %parallel_loop3A_170 = %parallel_loop3A to %parallel_loop3A_162 step %parallel_loop3A_163  : i32 {
          %parallel_loop3A_171 = arith.constant 0 : i32
          %parallel_loop3A_172 = vector.broadcast %parallel_loop3A_171 : i32 to vector<16xi32>
          %parallel_loop3A_173 = vector.broadcast %parallel_loop3A_170 : i32 to vector<16xi32>
          %parallel_loop3A_174 = arith.addi %parallel_loop3A_172, %parallel_loop3A_173 : vector<16xi32>
          %parallel_loop3A_175 = arith.constant 32 : i32
          %parallel_loop3A_176 = arith.muli %parallel_loop3A_170, %parallel_loop3A_175 : i32
          %parallel_loop3A_177 = tpu.vector_load_idx %arg10[%iota3A, %parallel_loop3A_174] : memref<32x137xf32, #tpu.memory_space<vmem>>[vector<16xi32>, vector<16xi32>], vector<16xf32>,
          %parallel_loop3A_178 = arith.index_cast %parallel_loop3A_176 : i32 to index
          %parallel_loop3A_179 = tpu.vector_load %arg16[%parallel_loop3A_178] {strides = array<i32>} : memref<4096xf32, #tpu.memory_space<vmem>>, vector<16xf32>,
          tpu.vector_store %arg16[%parallel_loop3A_178], %parallel_loop3A_177 {strides = array<i32>} : memref<4096xf32, #tpu.memory_space<vmem>>, vector<16xf32>,
          %parallel_loop3A_180 = tpu.vector_load_idx %arg10[%add3A_3, %parallel_loop3A_174] : memref<32x137xf32, #tpu.memory_space<vmem>>[vector<16xi32>, vector<16xi32>], vector<16xf32>,
          %parallel_loop3A_181 = arith.constant 16 : i32
          %parallel_loop3A_182 = arith.addi %parallel_loop3A_176, %parallel_loop3A_181 : i32
          %parallel_loop3A_183 = arith.index_cast %parallel_loop3A_182 : i32 to index
          %parallel_loop3A_184 = tpu.vector_load %arg16[%parallel_loop3A_183] {strides = array<i32>} : memref<4096xf32, #tpu.memory_space<vmem>>, vector<16xf32>,
          tpu.vector_store %arg16[%parallel_loop3A_183], %parallel_loop3A_180 {strides = array<i32>} : memref<4096xf32, #tpu.memory_space<vmem>>, vector<16xf32>,
          %parallel_loop3A_185 = tpu.vector_load_idx %arg13[%iota3A, %parallel_loop3A_174] : memref<32x137xf32, #tpu.memory_space<vmem>>[vector<16xi32>, vector<16xi32>], vector<16xf32>,
          %parallel_loop3A_186 = arith.index_cast %parallel_loop3A_176 : i32 to index
          %parallel_loop3A_187 = tpu.vector_load %arg19[%parallel_loop3A_186] {strides = array<i32>} : memref<4096xf32, #tpu.memory_space<vmem>>, vector<16xf32>,
          tpu.vector_store %arg19[%parallel_loop3A_186], %parallel_loop3A_185 {strides = array<i32>} : memref<4096xf32, #tpu.memory_space<vmem>>, vector<16xf32>,
          %parallel_loop3A_188 = tpu.vector_load_idx %arg13[%add3A_3, %parallel_loop3A_174] : memref<32x137xf32, #tpu.memory_space<vmem>>[vector<16xi32>, vector<16xi32>], vector<16xf32>,
          %parallel_loop3A_189 = arith.constant 16 : i32
          %parallel_loop3A_190 = arith.addi %parallel_loop3A_176, %parallel_loop3A_189 : i32
          %parallel_loop3A_191 = arith.index_cast %parallel_loop3A_190 : i32 to index
          %parallel_loop3A_192 = tpu.vector_load %arg19[%parallel_loop3A_191] {strides = array<i32>} : memref<4096xf32, #tpu.memory_space<vmem>>, vector<16xf32>,
          tpu.vector_store %arg19[%parallel_loop3A_191], %parallel_loop3A_188 {strides = array<i32>} : memref<4096xf32, #tpu.memory_space<vmem>>, vector<16xf32>,
        } {sc.loop_unroll_factor = 16 : i64, sc.parallel_access}
        %mul3A_164 = arith.constant 4096 : i32
        %mul3A_165 = arith.muli %add3A_122, %mul3A_164 : i32
        %dma_start3A_166 = tpu.memref_slice %arg6[%mul3A_165] : memref<32000000xf32, #tpu.memory_space<hbm>> -> memref<4096xf32, #tpu.memory_space<hbm>>
        %dma_start3A_167 = tpu.memref_slice %arg6[%mul3A_165] : memref<32000000xf32, #tpu.memory_space<hbm>> -> memref<4096xf32, #tpu.memory_space<hbm>>
        tpu.enqueue_dma source(%arg16 : memref<4096xf32, #tpu.memory_space<vmem>>) target(%dma_start3A_167 : memref<4096xf32, #tpu.memory_space<hbm>>) target_semaphore(%arg25 : memref<!tpu.dma_semaphore, #tpu.memory_space<semaphore_mem>>)
        %dma_start3A_168 = tpu.memref_slice %arg7[%mul3A_165] : memref<32000000xf32, #tpu.memory_space<hbm>> -> memref<4096xf32, #tpu.memory_space<hbm>>
        %dma_start3A_169 = tpu.memref_slice %arg7[%mul3A_165] : memref<32000000xf32, #tpu.memory_space<hbm>> -> memref<4096xf32, #tpu.memory_space<hbm>>
        tpu.enqueue_dma source(%arg19 : memref<4096xf32, #tpu.memory_space<vmem>>) target(%dma_start3A_169 : memref<4096xf32, #tpu.memory_space<hbm>>) target_semaphore(%arg25 : memref<!tpu.dma_semaphore, #tpu.memory_space<semaphore_mem>>)
      } else {
      }
    }
    %mul3A_61 = arith.constant 0 : i32
    %mul3A_62 = arith.constant 32 : i32
    %mul3A_63 = arith.muli %mul3A_61, %mul3A_62 : i32
    %add3A_64 = arith.addi %mul3A_63, %add3A : i32
    %mul3A_65 = arith.constant 4096 : i32
    %mul3A_66 = arith.muli %add3A_64, %mul3A_65 : i32
    %dma_wait3A = tpu.memref_slice %arg6[%mul3A_66] : memref<32000000xf32, #tpu.memory_space<hbm>> -> memref<4096xf32, #tpu.memory_space<hbm>>
    %dma_wait3A_67 = tpu.memref_slice %arg6[%mul3A_66] : memref<32000000xf32, #tpu.memory_space<hbm>> -> memref<4096xf32, #tpu.memory_space<hbm>>
    tpu.wait_dma2 semaphore(%arg23 : memref<!tpu.dma_semaphore, #tpu.memory_space<semaphore_mem>>) src(%arg14 : memref<4096xf32, #tpu.memory_space<vmem>>) dst(%dma_wait3A_67 : memref<4096xf32, #tpu.memory_space<hbm>>)
    %dma_wait3A_68 = tpu.memref_slice %arg7[%mul3A_66] : memref<32000000xf32, #tpu.memory_space<hbm>> -> memref<4096xf32, #tpu.memory_space<hbm>>
    %dma_wait3A_69 = tpu.memref_slice %arg7[%mul3A_66] : memref<32000000xf32, #tpu.memory_space<hbm>> -> memref<4096xf32, #tpu.memory_space<hbm>>
    tpu.wait_dma2 semaphore(%arg23 : memref<!tpu.dma_semaphore, #tpu.memory_space<semaphore_mem>>) src(%arg17 : memref<4096xf32, #tpu.memory_space<vmem>>) dst(%dma_wait3A_69 : memref<4096xf32, #tpu.memory_space<hbm>>)
    %mul3A_70 = arith.constant 0 : i32
    %mul3A_71 = arith.constant 32 : i32
    %mul3A_72 = arith.muli %mul3A_70, %mul3A_71 : i32
    %add3A_73 = arith.addi %mul3A_72, %add3A : i32
    %mul3A_74 = arith.constant 4096 : i32
    %mul3A_75 = arith.muli %add3A_73, %mul3A_74 : i32
    %dma_wait3A_76 = tpu.memref_slice %arg6[%mul3A_75] : memref<32000000xf32, #tpu.memory_space<hbm>> -> memref<4096xf32, #tpu.memory_space<hbm>>
    %dma_wait3A_77 = tpu.memref_slice %arg6[%mul3A_75] : memref<32000000xf32, #tpu.memory_space<hbm>> -> memref<4096xf32, #tpu.memory_space<hbm>>
    tpu.wait_dma2 semaphore(%arg24 : memref<!tpu.dma_semaphore, #tpu.memory_space<semaphore_mem>>) src(%arg15 : memref<4096xf32, #tpu.memory_space<vmem>>) dst(%dma_wait3A_77 : memref<4096xf32, #tpu.memory_space<hbm>>)
    %dma_wait3A_78 = tpu.memref_slice %arg7[%mul3A_75] : memref<32000000xf32, #tpu.memory_space<hbm>> -> memref<4096xf32, #tpu.memory_space<hbm>>
    %dma_wait3A_79 = tpu.memref_slice %arg7[%mul3A_75] : memref<32000000xf32, #tpu.memory_space<hbm>> -> memref<4096xf32, #tpu.memory_space<hbm>>
    tpu.wait_dma2 semaphore(%arg24 : memref<!tpu.dma_semaphore, #tpu.memory_space<semaphore_mem>>) src(%arg18 : memref<4096xf32, #tpu.memory_space<vmem>>) dst(%dma_wait3A_79 : memref<4096xf32, #tpu.memory_space<hbm>>)
    %mul3A_80 = arith.constant 0 : i32
    %mul3A_81 = arith.constant 32 : i32
    %mul3A_82 = arith.muli %mul3A_80, %mul3A_81 : i32
    %add3A_83 = arith.addi %mul3A_82, %add3A : i32
    %mul3A_84 = arith.constant 4096 : i32
    %mul3A_85 = arith.muli %add3A_83, %mul3A_84 : i32
    %dma_wait3A_86 = tpu.memref_slice %arg6[%mul3A_85] : memref<32000000xf32, #tpu.memory_space<hbm>> -> memref<4096xf32, #tpu.memory_space<hbm>>
    %dma_wait3A_87 = tpu.memref_slice %arg6[%mul3A_85] : memref<32000000xf32, #tpu.memory_space<hbm>> -> memref<4096xf32, #tpu.memory_space<hbm>>
    tpu.wait_dma2 semaphore(%arg25 : memref<!tpu.dma_semaphore, #tpu.memory_space<semaphore_mem>>) src(%arg16 : memref<4096xf32, #tpu.memory_space<vmem>>) dst(%dma_wait3A_87 : memref<4096xf32, #tpu.memory_space<hbm>>)
    %dma_wait3A_88 = tpu.memref_slice %arg7[%mul3A_85] : memref<32000000xf32, #tpu.memory_space<hbm>> -> memref<4096xf32, #tpu.memory_space<hbm>>
    %dma_wait3A_89 = tpu.memref_slice %arg7[%mul3A_85] : memref<32000000xf32, #tpu.memory_space<hbm>> -> memref<4096xf32, #tpu.memory_space<hbm>>
    tpu.wait_dma2 semaphore(%arg25 : memref<!tpu.dma_semaphore, #tpu.memory_space<semaphore_mem>>) src(%arg19 : memref<4096xf32, #tpu.memory_space<vmem>>) dst(%dma_wait3A_89 : memref<4096xf32, #tpu.memory_space<hbm>>)
    %eq3A = arith.constant 31 : i32
    %eq3A_90 = arith.cmpi eq, %add3A, %eq3A : i32
    %convert_element_type3A = arith.extui %eq3A_90 : i1 to i32
    %cond3A = arith.constant 0 : i32
    %cond3A_91 = arith.cmpi ne, %convert_element_type3A, %cond3A : i32
    scf.if %cond3A_91 {
      %run_scoped3A = arith.constant 0 : i32
      "tpu.region"() ({
        %run_scoped3A_97 = tpu.sem_alloc : memref<!tpu.dma_semaphore, #tpu.memory_space<semaphore_mem>>
        %dma_start3A_98 = tpu.memref_slice %arg14[%run_scoped3A] : memref<4096xf32, #tpu.memory_space<vmem>> -> memref<2048xf32, #tpu.memory_space<vmem>>
        %dma_start3A_99 = tpu.memref_slice %arg14[%run_scoped3A] : memref<4096xf32, #tpu.memory_space<vmem>> -> memref<2048xf32, #tpu.memory_space<vmem>>
        tpu.enqueue_dma source(%arg4 : memref<2048xf32, #tpu.memory_space<hbm>>) target(%dma_start3A_99 : memref<2048xf32, #tpu.memory_space<vmem>>) target_semaphore(%run_scoped3A_97 : memref<!tpu.dma_semaphore, #tpu.memory_space<semaphore_mem>>)
        %dma_wait3A_100 = tpu.memref_slice %arg14[%run_scoped3A] : memref<4096xf32, #tpu.memory_space<vmem>> -> memref<2048xf32, #tpu.memory_space<vmem>>
        %dma_wait3A_101 = tpu.memref_slice %arg14[%run_scoped3A] : memref<4096xf32, #tpu.memory_space<vmem>> -> memref<2048xf32, #tpu.memory_space<vmem>>
        tpu.wait_dma2 semaphore(%run_scoped3A_97 : memref<!tpu.dma_semaphore, #tpu.memory_space<semaphore_mem>>) src(%arg4 : memref<2048xf32, #tpu.memory_space<hbm>>) dst(%dma_wait3A_101 : memref<2048xf32, #tpu.memory_space<vmem>>)
        tpu.yield
      }) : () -> ()
      %run_scoped3A_92 = arith.constant 0 : i32
      %run_scoped3A_93 = arith.constant 31997952 : i32
      "tpu.region"() ({
        %run_scoped3A_97 = tpu.sem_alloc : memref<!tpu.dma_semaphore, #tpu.memory_space<semaphore_mem>>
        %dma_start3A_98 = tpu.memref_slice %arg14[%run_scoped3A_92] : memref<4096xf32, #tpu.memory_space<vmem>> -> memref<2048xf32, #tpu.memory_space<vmem>>
        %dma_start3A_99 = tpu.memref_slice %arg6[%run_scoped3A_93] : memref<32000000xf32, #tpu.memory_space<hbm>> -> memref<2048xf32, #tpu.memory_space<hbm>>
        %dma_start3A_100 = tpu.memref_slice %arg6[%run_scoped3A_93] : memref<32000000xf32, #tpu.memory_space<hbm>> -> memref<2048xf32, #tpu.memory_space<hbm>>
        %dma_start3A_101 = tpu.memref_slice %arg14[%run_scoped3A_92] : memref<4096xf32, #tpu.memory_space<vmem>> -> memref<2048xf32, #tpu.memory_space<vmem>>
        tpu.enqueue_dma source(%dma_start3A_101 : memref<2048xf32, #tpu.memory_space<vmem>>) target(%dma_start3A_100 : memref<2048xf32, #tpu.memory_space<hbm>>) target_semaphore(%run_scoped3A_97 : memref<!tpu.dma_semaphore, #tpu.memory_space<semaphore_mem>>)
        %dma_wait3A_102 = tpu.memref_slice %arg14[%run_scoped3A_92] : memref<4096xf32, #tpu.memory_space<vmem>> -> memref<2048xf32, #tpu.memory_space<vmem>>
        %dma_wait3A_103 = tpu.memref_slice %arg6[%run_scoped3A_93] : memref<32000000xf32, #tpu.memory_space<hbm>> -> memref<2048xf32, #tpu.memory_space<hbm>>
        %dma_wait3A_104 = tpu.memref_slice %arg6[%run_scoped3A_93] : memref<32000000xf32, #tpu.memory_space<hbm>> -> memref<2048xf32, #tpu.memory_space<hbm>>
        %dma_wait3A_105 = tpu.memref_slice %arg14[%run_scoped3A_92] : memref<4096xf32, #tpu.memory_space<vmem>> -> memref<2048xf32, #tpu.memory_space<vmem>>
        tpu.wait_dma2 semaphore(%run_scoped3A_97 : memref<!tpu.dma_semaphore, #tpu.memory_space<semaphore_mem>>) src(%dma_wait3A_105 : memref<2048xf32, #tpu.memory_space<vmem>>) dst(%dma_wait3A_104 : memref<2048xf32, #tpu.memory_space<hbm>>)
        tpu.yield
      }) : () -> ()
      %run_scoped3A_94 = arith.constant 0 : i32
      "tpu.region"() ({
        %run_scoped3A_97 = tpu.sem_alloc : memref<!tpu.dma_semaphore, #tpu.memory_space<semaphore_mem>>
        %dma_start3A_98 = tpu.memref_slice %arg17[%run_scoped3A_94] : memref<4096xf32, #tpu.memory_space<vmem>> -> memref<2048xf32, #tpu.memory_space<vmem>>
        %dma_start3A_99 = tpu.memref_slice %arg17[%run_scoped3A_94] : memref<4096xf32, #tpu.memory_space<vmem>> -> memref<2048xf32, #tpu.memory_space<vmem>>
        tpu.enqueue_dma source(%arg5 : memref<2048xf32, #tpu.memory_space<hbm>>) target(%dma_start3A_99 : memref<2048xf32, #tpu.memory_space<vmem>>) target_semaphore(%run_scoped3A_97 : memref<!tpu.dma_semaphore, #tpu.memory_space<semaphore_mem>>)
        %dma_wait3A_100 = tpu.memref_slice %arg17[%run_scoped3A_94] : memref<4096xf32, #tpu.memory_space<vmem>> -> memref<2048xf32, #tpu.memory_space<vmem>>
        %dma_wait3A_101 = tpu.memref_slice %arg17[%run_scoped3A_94] : memref<4096xf32, #tpu.memory_space<vmem>> -> memref<2048xf32, #tpu.memory_space<vmem>>
        tpu.wait_dma2 semaphore(%run_scoped3A_97 : memref<!tpu.dma_semaphore, #tpu.memory_space<semaphore_mem>>) src(%arg5 : memref<2048xf32, #tpu.memory_space<hbm>>) dst(%dma_wait3A_101 : memref<2048xf32, #tpu.memory_space<vmem>>)
        tpu.yield
      }) : () -> ()
      %run_scoped3A_95 = arith.constant 0 : i32
      %run_scoped3A_96 = arith.constant 31997952 : i32
      "tpu.region"() ({
        %run_scoped3A_97 = tpu.sem_alloc : memref<!tpu.dma_semaphore, #tpu.memory_space<semaphore_mem>>
        %dma_start3A_98 = tpu.memref_slice %arg17[%run_scoped3A_95] : memref<4096xf32, #tpu.memory_space<vmem>> -> memref<2048xf32, #tpu.memory_space<vmem>>
        %dma_start3A_99 = tpu.memref_slice %arg7[%run_scoped3A_96] : memref<32000000xf32, #tpu.memory_space<hbm>> -> memref<2048xf32, #tpu.memory_space<hbm>>
        %dma_start3A_100 = tpu.memref_slice %arg7[%run_scoped3A_96] : memref<32000000xf32, #tpu.memory_space<hbm>> -> memref<2048xf32, #tpu.memory_space<hbm>>
        %dma_start3A_101 = tpu.memref_slice %arg17[%run_scoped3A_95] : memref<4096xf32, #tpu.memory_space<vmem>> -> memref<2048xf32, #tpu.memory_space<vmem>>
        tpu.enqueue_dma source(%dma_start3A_101 : memref<2048xf32, #tpu.memory_space<vmem>>) target(%dma_start3A_100 : memref<2048xf32, #tpu.memory_space<hbm>>) target_semaphore(%run_scoped3A_97 : memref<!tpu.dma_semaphore, #tpu.memory_space<semaphore_mem>>)
        %dma_wait3A_102 = tpu.memref_slice %arg17[%run_scoped3A_95] : memref<4096xf32, #tpu.memory_space<vmem>> -> memref<2048xf32, #tpu.memory_space<vmem>>
        %dma_wait3A_103 = tpu.memref_slice %arg7[%run_scoped3A_96] : memref<32000000xf32, #tpu.memory_space<hbm>> -> memref<2048xf32, #tpu.memory_space<hbm>>
        %dma_wait3A_104 = tpu.memref_slice %arg7[%run_scoped3A_96] : memref<32000000xf32, #tpu.memory_space<hbm>> -> memref<2048xf32, #tpu.memory_space<hbm>>
        %dma_wait3A_105 = tpu.memref_slice %arg17[%run_scoped3A_95] : memref<4096xf32, #tpu.memory_space<vmem>> -> memref<2048xf32, #tpu.memory_space<vmem>>
        tpu.wait_dma2 semaphore(%run_scoped3A_97 : memref<!tpu.dma_semaphore, #tpu.memory_space<semaphore_mem>>) src(%dma_wait3A_105 : memref<2048xf32, #tpu.memory_space<vmem>>) dst(%dma_wait3A_104 : memref<2048xf32, #tpu.memory_space<hbm>>)
        tpu.yield
      }) : () -> ()
    } else {
    }
    return
  }
}

#map = affine_map<(d0, d1) -> (0)>
#map1 = affine_map<(d0, d1) -> (0, 0)>
#map2 = affine_map<(d0, d1) -> (0, 0, 0)>
module attributes {stable_mosaic.version = 14 : i64} {
  func.func @_sc_embed(%arg0: i32, %arg1: i32, %arg2: memref<819200xi32, #tpu.memory_space<hbm>>, %arg3: memref<1000000x32xf32, #tpu.memory_space<hbm>>, %arg4: memref<1000000x32xf32, #tpu.memory_space<hbm>>, %arg5: memref<50x32x16384xf32, #tpu.memory_space<hbm>>, %arg6: memref<50x32x16384xf32, #tpu.memory_space<hbm>>, %arg7: memref<25600xi32, #tpu.memory_space<vmem>>, %arg8: memref<128xi32, #tpu.memory_space<vmem>>, %arg9: memref<128xi32, #tpu.memory_space<vmem>>, %arg10: memref<128x32xf32, #tpu.memory_space<vmem>>, %arg11: memref<128x32xf32, #tpu.memory_space<vmem>>, %arg12: memref<128x32xf32, #tpu.memory_space<vmem>>, %arg13: memref<128x32xf32, #tpu.memory_space<vmem>>, %arg14: memref<32x133xf32, #tpu.memory_space<vmem>>, %arg15: memref<32x133xf32, #tpu.memory_space<vmem>>, %arg16: memref<32x133xf32, #tpu.memory_space<vmem>>, %arg17: memref<32x133xf32, #tpu.memory_space<vmem>>, %arg18: memref<!tpu.dma_semaphore, #tpu.memory_space<semaphore_mem>>, %arg19: memref<!tpu.dma_semaphore, #tpu.memory_space<semaphore_mem>>, %arg20: memref<!tpu.dma_semaphore, #tpu.memory_space<semaphore_mem>>, %arg21: memref<!tpu.dma_semaphore, #tpu.memory_space<semaphore_mem>>) attributes {dimension_semantics = [#tpu.dimension_semantics<core_parallel>, #tpu.dimension_semantics<subcore_parallel>], iteration_bounds = array<i64: 2, 16>, scalar_prefetch = 0 : i64, scratch_operands = 15 : i64, tpu.core_type = #tpu.core_type<sc_vector_subcore>, window_params = [{transform_indices = #map}, {transform_indices = #map1}, {transform_indices = #map1}, {transform_indices = #map2}, {transform_indices = #map2}]} {
    %mul3A = arith.constant 2 : i32
    %mul3A_0 = arith.muli %arg1, %mul3A : i32
    %add3A = arith.addi %mul3A_0, %arg0 : i32
    %mul3A_1 = arith.constant 512 : i32
    %mul3A_2 = arith.muli %add3A, %mul3A_1 : i32
    %mul3A_3 = arith.constant 50 : i32
    %mul3A_4 = arith.muli %mul3A_2, %mul3A_3 : i32
    "tpu.region"() ({
      %run_scoped3A = tpu.sem_alloc : memref<!tpu.dma_semaphore, #tpu.memory_space<semaphore_mem>>
      %dma_start3A_96 = tpu.memref_slice %arg2[%mul3A_4] : memref<819200xi32, #tpu.memory_space<hbm>> -> memref<25600xi32, #tpu.memory_space<hbm>>
      %dma_start3A_97 = tpu.memref_slice %arg2[%mul3A_4] : memref<819200xi32, #tpu.memory_space<hbm>> -> memref<25600xi32, #tpu.memory_space<hbm>>
      tpu.enqueue_dma source(%dma_start3A_97 : memref<25600xi32, #tpu.memory_space<hbm>>) target(%arg7 : memref<25600xi32, #tpu.memory_space<vmem>>) target_semaphore(%run_scoped3A : memref<!tpu.dma_semaphore, #tpu.memory_space<semaphore_mem>>)
      %dma_wait3A_98 = tpu.memref_slice %arg2[%mul3A_4] : memref<819200xi32, #tpu.memory_space<hbm>> -> memref<25600xi32, #tpu.memory_space<hbm>>
      %dma_wait3A_99 = tpu.memref_slice %arg2[%mul3A_4] : memref<819200xi32, #tpu.memory_space<hbm>> -> memref<25600xi32, #tpu.memory_space<hbm>>
      tpu.wait_dma2 semaphore(%run_scoped3A : memref<!tpu.dma_semaphore, #tpu.memory_space<semaphore_mem>>) src(%dma_wait3A_99 : memref<25600xi32, #tpu.memory_space<hbm>>) dst(%arg7 : memref<25600xi32, #tpu.memory_space<vmem>>)
      tpu.yield
    }) : () -> ()
    %iota3A = tpu.iota {dimensions = array<i32: 0>} : vector<16xi32>
    %mul3A_5 = arith.constant 50 : i32
    %mul3A_6 = vector.broadcast %mul3A_5 : i32 to vector<16xi32>
    %mul3A_7 = arith.muli %iota3A, %mul3A_6 : vector<16xi32>
    %add3A_8 = arith.constant 16 : i32
    %add3A_9 = vector.broadcast %add3A_8 : i32 to vector<16xi32>
    %add3A_10 = arith.addi %iota3A, %add3A_9 : vector<16xi32>
    %shift_right_logical3A = arith.constant 0 : i32
    %shift_right_logical3A_11 = arith.constant 2 : i32
    %shift_right_logical3A_12 = arith.shrui %shift_right_logical3A, %shift_right_logical3A_11 : i32
    %and3A = arith.constant 0 : i32
    %and3A_13 = arith.constant 3 : i32
    %and3A_14 = arith.andi %and3A, %and3A_13 : i32
    %mul3A_15 = arith.constant 6400 : i32
    %mul3A_16 = arith.muli %and3A_14, %mul3A_15 : i32
    %add3A_17 = arith.addi %mul3A_16, %shift_right_logical3A_12 : i32
    %parallel_loop3A = arith.constant 0 : i32
    %parallel_loop3A_18 = arith.constant 8 : i32
    %parallel_loop3A_19 = arith.constant 1 : i32
    scf.for %parallel_loop3A_96 = %parallel_loop3A to %parallel_loop3A_18 step %parallel_loop3A_19  : i32 {
      %parallel_loop3A_97 = arith.constant 800 : i32
      %parallel_loop3A_98 = arith.muli %parallel_loop3A_96, %parallel_loop3A_97 : i32
      %parallel_loop3A_99 = arith.addi %add3A_17, %parallel_loop3A_98 : i32
      %parallel_loop3A_100 = vector.broadcast %parallel_loop3A_99 : i32 to vector<16xi32>
      %parallel_loop3A_101 = arith.addi %mul3A_7, %parallel_loop3A_100 : vector<16xi32>
      %parallel_loop3A_102 = tpu.vector_load_idx %arg7[%parallel_loop3A_101] : memref<25600xi32, #tpu.memory_space<vmem>>[vector<16xi32>], vector<16xi32>,
      %parallel_loop3A_103 = arith.constant 16 : i32
      %parallel_loop3A_104 = arith.muli %parallel_loop3A_96, %parallel_loop3A_103 : i32
      %parallel_loop3A_105 = arith.index_cast %parallel_loop3A_104 : i32 to index
      %parallel_loop3A_106 = tpu.vector_load %arg8[%parallel_loop3A_105] {strides = array<i32>} : memref<128xi32, #tpu.memory_space<vmem>>, vector<16xi32>,
      tpu.vector_store %arg8[%parallel_loop3A_105], %parallel_loop3A_102 {strides = array<i32>} : memref<128xi32, #tpu.memory_space<vmem>>, vector<16xi32>,
    } {sc.loop_unroll_factor = 4 : i64, sc.parallel_access}
    %dma_start3A = arith.constant 0 : i32
    %dma_start3A_20 = arith.constant 0 : i32
    %dma_start3A_21 = tpu.memref_slice %arg3[%dma_start3A, %dma_start3A_20] : memref<1000000x32xf32, #tpu.memory_space<hbm>> -> memref<1000000x32xf32, #tpu.memory_space<hbm>>
    tpu.enqueue_indirect_dma source(%dma_start3A_21 : memref<1000000x32xf32, #tpu.memory_space<hbm>>) target(%arg10 : memref<128x32xf32, #tpu.memory_space<vmem>>) offsets(%arg8 : memref<128xi32, #tpu.memory_space<vmem>>) semaphore(%arg18 : memref<!tpu.dma_semaphore, #tpu.memory_space<semaphore_mem>>)
    %dma_start3A_22 = arith.constant 0 : i32
    %dma_start3A_23 = arith.constant 0 : i32
    %dma_start3A_24 = tpu.memref_slice %arg4[%dma_start3A_22, %dma_start3A_23] : memref<1000000x32xf32, #tpu.memory_space<hbm>> -> memref<1000000x32xf32, #tpu.memory_space<hbm>>
    tpu.enqueue_indirect_dma source(%dma_start3A_24 : memref<1000000x32xf32, #tpu.memory_space<hbm>>) target(%arg12 : memref<128x32xf32, #tpu.memory_space<vmem>>) offsets(%arg8 : memref<128xi32, #tpu.memory_space<vmem>>) semaphore(%arg18 : memref<!tpu.dma_semaphore, #tpu.memory_space<semaphore_mem>>)
    %while3A = arith.constant 0 : i64
    %while3A_25 = arith.constant 0 : i32
    %while3A_26 = arith.constant 100 : i32
    %while3A_27 = arith.subi %while3A_26, %while3A_25 : i32
    %while3A_28 = arith.addi %while3A_25, %while3A_27 : i32
    %while3A_29 = arith.constant 1 : i32
    %while3A_30 = arith.divsi %while3A_27, %while3A_29 : i32
    %while3A_31 = arith.muli %while3A_30, %while3A_29 : i32
    %while3A_32 = arith.addi %while3A_25, %while3A_31 : i32
    %while3A_33 = arith.constant 1 : i32
    scf.for %while3A_96 = %while3A_25 to %while3A_32 step %while3A_33  : i32 {
      %mul3A_97 = arith.constant 2 : i32
      %mul3A_98 = arith.muli %while3A_96, %mul3A_97 : i32
      %add3A_99 = arith.constant 0 : i32
      %add3A_100 = arith.addi %mul3A_98, %add3A_99 : i32
      %dma_wait3A_101 = arith.constant 0 : i32
      %dma_wait3A_102 = arith.constant 0 : i32
      %dma_wait3A_103 = tpu.memref_slice %arg3[%dma_wait3A_101, %dma_wait3A_102] : memref<1000000x32xf32, #tpu.memory_space<hbm>> -> memref<1000000x32xf32, #tpu.memory_space<hbm>>
      tpu.wait_indirect_dma semaphore(%arg18 : memref<!tpu.dma_semaphore, #tpu.memory_space<semaphore_mem>>) src(%dma_wait3A_103 : memref<1000000x32xf32, #tpu.memory_space<hbm>>) dst(%arg10 : memref<128x32xf32, #tpu.memory_space<vmem>>)
      %dma_wait3A_104 = arith.constant 0 : i32
      %dma_wait3A_105 = arith.constant 0 : i32
      %dma_wait3A_106 = tpu.memref_slice %arg4[%dma_wait3A_104, %dma_wait3A_105] : memref<1000000x32xf32, #tpu.memory_space<hbm>> -> memref<1000000x32xf32, #tpu.memory_space<hbm>>
      tpu.wait_indirect_dma semaphore(%arg18 : memref<!tpu.dma_semaphore, #tpu.memory_space<semaphore_mem>>) src(%dma_wait3A_106 : memref<1000000x32xf32, #tpu.memory_space<hbm>>) dst(%arg12 : memref<128x32xf32, #tpu.memory_space<vmem>>)
      %add3A_107 = arith.constant 1 : i32
      %add3A_108 = arith.addi %add3A_100, %add3A_107 : i32
      %lt3A = arith.constant 200 : i32
      %lt3A_109 = arith.cmpi slt, %add3A_108, %lt3A : i32
      %convert_element_type3A = arith.extui %lt3A_109 : i1 to i32
      %cond3A = arith.constant 0 : i32
      %cond3A_110 = arith.cmpi ne, %convert_element_type3A, %cond3A : i32
      scf.if %cond3A_110 {
        %add3A_201 = arith.constant 1 : i32
        %add3A_202 = arith.addi %add3A_100, %add3A_201 : i32
        %shift_right_logical3A_203 = arith.constant 2 : i32
        %shift_right_logical3A_204 = arith.shrui %add3A_202, %shift_right_logical3A_203 : i32
        %and3A_205 = arith.constant 3 : i32
        %and3A_206 = arith.andi %add3A_202, %and3A_205 : i32
        %mul3A_207 = arith.constant 6400 : i32
        %mul3A_208 = arith.muli %and3A_206, %mul3A_207 : i32
        %add3A_209 = arith.addi %mul3A_208, %shift_right_logical3A_204 : i32
        %parallel_loop3A_210 = arith.constant 0 : i32
        %parallel_loop3A_211 = arith.constant 8 : i32
        %parallel_loop3A_212 = arith.constant 1 : i32
        scf.for %parallel_loop3A_219 = %parallel_loop3A_210 to %parallel_loop3A_211 step %parallel_loop3A_212  : i32 {
          %parallel_loop3A_220 = arith.constant 800 : i32
          %parallel_loop3A_221 = arith.muli %parallel_loop3A_219, %parallel_loop3A_220 : i32
          %parallel_loop3A_222 = arith.addi %add3A_209, %parallel_loop3A_221 : i32
          %parallel_loop3A_223 = vector.broadcast %parallel_loop3A_222 : i32 to vector<16xi32>
          %parallel_loop3A_224 = arith.addi %mul3A_7, %parallel_loop3A_223 : vector<16xi32>
          %parallel_loop3A_225 = tpu.vector_load_idx %arg7[%parallel_loop3A_224] : memref<25600xi32, #tpu.memory_space<vmem>>[vector<16xi32>], vector<16xi32>,
          %parallel_loop3A_226 = arith.constant 16 : i32
          %parallel_loop3A_227 = arith.muli %parallel_loop3A_219, %parallel_loop3A_226 : i32
          %parallel_loop3A_228 = arith.index_cast %parallel_loop3A_227 : i32 to index
          %parallel_loop3A_229 = tpu.vector_load %arg9[%parallel_loop3A_228] {strides = array<i32>} : memref<128xi32, #tpu.memory_space<vmem>>, vector<16xi32>,
          tpu.vector_store %arg9[%parallel_loop3A_228], %parallel_loop3A_225 {strides = array<i32>} : memref<128xi32, #tpu.memory_space<vmem>>, vector<16xi32>,
        } {sc.loop_unroll_factor = 4 : i64, sc.parallel_access}
        %dma_start3A_213 = arith.constant 0 : i32
        %dma_start3A_214 = arith.constant 0 : i32
        %dma_start3A_215 = tpu.memref_slice %arg3[%dma_start3A_213, %dma_start3A_214] : memref<1000000x32xf32, #tpu.memory_space<hbm>> -> memref<1000000x32xf32, #tpu.memory_space<hbm>>
        tpu.enqueue_indirect_dma source(%dma_start3A_215 : memref<1000000x32xf32, #tpu.memory_space<hbm>>) target(%arg11 : memref<128x32xf32, #tpu.memory_space<vmem>>) offsets(%arg9 : memref<128xi32, #tpu.memory_space<vmem>>) semaphore(%arg19 : memref<!tpu.dma_semaphore, #tpu.memory_space<semaphore_mem>>)
        %dma_start3A_216 = arith.constant 0 : i32
        %dma_start3A_217 = arith.constant 0 : i32
        %dma_start3A_218 = tpu.memref_slice %arg4[%dma_start3A_216, %dma_start3A_217] : memref<1000000x32xf32, #tpu.memory_space<hbm>> -> memref<1000000x32xf32, #tpu.memory_space<hbm>>
        tpu.enqueue_indirect_dma source(%dma_start3A_218 : memref<1000000x32xf32, #tpu.memory_space<hbm>>) target(%arg13 : memref<128x32xf32, #tpu.memory_space<vmem>>) offsets(%arg9 : memref<128xi32, #tpu.memory_space<vmem>>) semaphore(%arg19 : memref<!tpu.dma_semaphore, #tpu.memory_space<semaphore_mem>>)
      } else {
      }
      %ge3A = arith.constant 2 : i32
      %ge3A_111 = arith.cmpi sge, %add3A_100, %ge3A : i32
      %convert_element_type3A_112 = arith.extui %ge3A_111 : i1 to i32
      %cond3A_113 = arith.constant 0 : i32
      %cond3A_114 = arith.cmpi ne, %convert_element_type3A_112, %cond3A_113 : i32
      scf.if %cond3A_114 {
        %sub3A = arith.constant 2 : i32
        %sub3A_201 = arith.subi %add3A_100, %sub3A : i32
        %shift_right_logical3A_202 = arith.constant 2 : i32
        %shift_right_logical3A_203 = arith.shrui %sub3A_201, %shift_right_logical3A_202 : i32
        %and3A_204 = arith.constant 3 : i32
        %and3A_205 = arith.andi %sub3A_201, %and3A_204 : i32
        %mul3A_206 = arith.constant 128 : i32
        %mul3A_207 = arith.muli %and3A_205, %mul3A_206 : i32
        %add3A_208 = arith.addi %mul3A_2, %mul3A_207 : i32
        %dma_wait3A_209 = arith.constant 0 : i32
        %dma_wait3A_210 = arith.constant 0 : i32
        %dma_wait3A_211 = tpu.memref_slice %arg14[%dma_wait3A_210, %dma_wait3A_209] : memref<32x133xf32, #tpu.memory_space<vmem>> -> memref<32x128xf32, #tpu.memory_space<vmem>>
        %dma_wait3A_212 = arith.constant 0 : i32
        %dma_wait3A_213 = tpu.memref_slice %arg5[%shift_right_logical3A_203, %dma_wait3A_212, %add3A_208] : memref<50x32x16384xf32, #tpu.memory_space<hbm>> -> memref<1x32x128xf32, #tpu.memory_space<hbm>>
        %dma_wait3A_214 = tpu.memref_squeeze %dma_wait3A_213 : memref<1x32x128xf32, #tpu.memory_space<hbm>> -> memref<32x128xf32, #tpu.memory_space<hbm>>
        %dma_wait3A_215 = arith.constant 0 : i32
        %dma_wait3A_216 = tpu.memref_slice %arg5[%shift_right_logical3A_203, %dma_wait3A_215, %add3A_208] : memref<50x32x16384xf32, #tpu.memory_space<hbm>> -> memref<1x32x128xf32, #tpu.memory_space<hbm>>
        %dma_wait3A_217 = tpu.memref_squeeze %dma_wait3A_216 : memref<1x32x128xf32, #tpu.memory_space<hbm>> -> memref<32x128xf32, #tpu.memory_space<hbm>>
        %dma_wait3A_218 = arith.constant 0 : i32
        %dma_wait3A_219 = tpu.memref_slice %arg14[%dma_wait3A_218, %dma_wait3A_209] : memref<32x133xf32, #tpu.memory_space<vmem>> -> memref<32x128xf32, #tpu.memory_space<vmem>>
        tpu.wait_dma2 semaphore(%arg20 : memref<!tpu.dma_semaphore, #tpu.memory_space<semaphore_mem>>) src(%dma_wait3A_219 : memref<32x128xf32, #tpu.memory_space<vmem>>) dst(%dma_wait3A_217 : memref<32x128xf32, #tpu.memory_space<hbm>>)
        %dma_wait3A_220 = arith.constant 0 : i32
        %dma_wait3A_221 = arith.constant 0 : i32
        %dma_wait3A_222 = tpu.memref_slice %arg16[%dma_wait3A_221, %dma_wait3A_220] : memref<32x133xf32, #tpu.memory_space<vmem>> -> memref<32x128xf32, #tpu.memory_space<vmem>>
        %dma_wait3A_223 = arith.constant 0 : i32
        %dma_wait3A_224 = tpu.memref_slice %arg6[%shift_right_logical3A_203, %dma_wait3A_223, %add3A_208] : memref<50x32x16384xf32, #tpu.memory_space<hbm>> -> memref<1x32x128xf32, #tpu.memory_space<hbm>>
        %dma_wait3A_225 = tpu.memref_squeeze %dma_wait3A_224 : memref<1x32x128xf32, #tpu.memory_space<hbm>> -> memref<32x128xf32, #tpu.memory_space<hbm>>
        %dma_wait3A_226 = arith.constant 0 : i32
        %dma_wait3A_227 = tpu.memref_slice %arg6[%shift_right_logical3A_203, %dma_wait3A_226, %add3A_208] : memref<50x32x16384xf32, #tpu.memory_space<hbm>> -> memref<1x32x128xf32, #tpu.memory_space<hbm>>
        %dma_wait3A_228 = tpu.memref_squeeze %dma_wait3A_227 : memref<1x32x128xf32, #tpu.memory_space<hbm>> -> memref<32x128xf32, #tpu.memory_space<hbm>>
        %dma_wait3A_229 = arith.constant 0 : i32
        %dma_wait3A_230 = tpu.memref_slice %arg16[%dma_wait3A_229, %dma_wait3A_220] : memref<32x133xf32, #tpu.memory_space<vmem>> -> memref<32x128xf32, #tpu.memory_space<vmem>>
        tpu.wait_dma2 semaphore(%arg20 : memref<!tpu.dma_semaphore, #tpu.memory_space<semaphore_mem>>) src(%dma_wait3A_230 : memref<32x128xf32, #tpu.memory_space<vmem>>) dst(%dma_wait3A_228 : memref<32x128xf32, #tpu.memory_space<hbm>>)
      } else {
      }
      %parallel_loop3A_115 = arith.constant 0 : i32
      %parallel_loop3A_116 = arith.constant 128 : i32
      %parallel_loop3A_117 = arith.constant 1 : i32
      scf.for %parallel_loop3A_201 = %parallel_loop3A_115 to %parallel_loop3A_116 step %parallel_loop3A_117  : i32 {
        %parallel_loop3A_202 = arith.constant 0 : i32
        %parallel_loop3A_203 = vector.broadcast %parallel_loop3A_202 : i32 to vector<16xi32>
        %parallel_loop3A_204 = vector.broadcast %parallel_loop3A_201 : i32 to vector<16xi32>
        %parallel_loop3A_205 = arith.addi %parallel_loop3A_203, %parallel_loop3A_204 : vector<16xi32>
        %parallel_loop3A_206 = arith.index_cast %parallel_loop3A_201 : i32 to index
        %parallel_loop3A_207 = arith.constant 0 : index
        %parallel_loop3A_208 = tpu.vector_load %arg10[%parallel_loop3A_206, %parallel_loop3A_207] {strides = array<i32>} : memref<128x32xf32, #tpu.memory_space<vmem>>, vector<16xf32>,
        tpu.vector_store_idx %arg14[%iota3A, %parallel_loop3A_205], %parallel_loop3A_208 : memref<32x133xf32, #tpu.memory_space<vmem>>[vector<16xi32>, vector<16xi32>], vector<16xf32>,
        %parallel_loop3A_209 = arith.index_cast %parallel_loop3A_201 : i32 to index
        %parallel_loop3A_210 = arith.constant 16 : index
        %parallel_loop3A_211 = tpu.vector_load %arg10[%parallel_loop3A_209, %parallel_loop3A_210] {strides = array<i32>} : memref<128x32xf32, #tpu.memory_space<vmem>>, vector<16xf32>,
        tpu.vector_store_idx %arg14[%add3A_10, %parallel_loop3A_205], %parallel_loop3A_211 : memref<32x133xf32, #tpu.memory_space<vmem>>[vector<16xi32>, vector<16xi32>], vector<16xf32>,
        %parallel_loop3A_212 = arith.index_cast %parallel_loop3A_201 : i32 to index
        %parallel_loop3A_213 = arith.constant 0 : index
        %parallel_loop3A_214 = tpu.vector_load %arg12[%parallel_loop3A_212, %parallel_loop3A_213] {strides = array<i32>} : memref<128x32xf32, #tpu.memory_space<vmem>>, vector<16xf32>,
        tpu.vector_store_idx %arg16[%iota3A, %parallel_loop3A_205], %parallel_loop3A_214 : memref<32x133xf32, #tpu.memory_space<vmem>>[vector<16xi32>, vector<16xi32>], vector<16xf32>,
        %parallel_loop3A_215 = arith.index_cast %parallel_loop3A_201 : i32 to index
        %parallel_loop3A_216 = arith.constant 16 : index
        %parallel_loop3A_217 = tpu.vector_load %arg12[%parallel_loop3A_215, %parallel_loop3A_216] {strides = array<i32>} : memref<128x32xf32, #tpu.memory_space<vmem>>, vector<16xf32>,
        tpu.vector_store_idx %arg16[%add3A_10, %parallel_loop3A_205], %parallel_loop3A_217 : memref<32x133xf32, #tpu.memory_space<vmem>>[vector<16xi32>, vector<16xi32>], vector<16xf32>,
      } {sc.loop_unroll_factor = 8 : i64, sc.parallel_access}
      %shift_right_logical3A_118 = arith.constant 2 : i32
      %shift_right_logical3A_119 = arith.shrui %add3A_100, %shift_right_logical3A_118 : i32
      %and3A_120 = arith.constant 3 : i32
      %and3A_121 = arith.andi %add3A_100, %and3A_120 : i32
      %mul3A_122 = arith.constant 128 : i32
      %mul3A_123 = arith.muli %and3A_121, %mul3A_122 : i32
      %add3A_124 = arith.addi %mul3A_2, %mul3A_123 : i32
      %dma_start3A_125 = arith.constant 0 : i32
      %dma_start3A_126 = arith.constant 0 : i32
      %dma_start3A_127 = tpu.memref_slice %arg14[%dma_start3A_126, %dma_start3A_125] : memref<32x133xf32, #tpu.memory_space<vmem>> -> memref<32x128xf32, #tpu.memory_space<vmem>>
      %dma_start3A_128 = arith.constant 0 : i32
      %dma_start3A_129 = tpu.memref_slice %arg5[%shift_right_logical3A_119, %dma_start3A_128, %add3A_124] : memref<50x32x16384xf32, #tpu.memory_space<hbm>> -> memref<1x32x128xf32, #tpu.memory_space<hbm>>
      %dma_start3A_130 = tpu.memref_squeeze %dma_start3A_129 : memref<1x32x128xf32, #tpu.memory_space<hbm>> -> memref<32x128xf32, #tpu.memory_space<hbm>>
      %dma_start3A_131 = arith.constant 0 : i32
      %dma_start3A_132 = tpu.memref_slice %arg5[%shift_right_logical3A_119, %dma_start3A_131, %add3A_124] : memref<50x32x16384xf32, #tpu.memory_space<hbm>> -> memref<1x32x128xf32, #tpu.memory_space<hbm>>
      %dma_start3A_133 = tpu.memref_squeeze %dma_start3A_132 : memref<1x32x128xf32, #tpu.memory_space<hbm>> -> memref<32x128xf32, #tpu.memory_space<hbm>>
      %dma_start3A_134 = arith.constant 0 : i32
      %dma_start3A_135 = tpu.memref_slice %arg14[%dma_start3A_134, %dma_start3A_125] : memref<32x133xf32, #tpu.memory_space<vmem>> -> memref<32x128xf32, #tpu.memory_space<vmem>>
      tpu.enqueue_dma source(%dma_start3A_135 : memref<32x128xf32, #tpu.memory_space<vmem>>) target(%dma_start3A_133 : memref<32x128xf32, #tpu.memory_space<hbm>>) target_semaphore(%arg20 : memref<!tpu.dma_semaphore, #tpu.memory_space<semaphore_mem>>)
      %dma_start3A_136 = arith.constant 0 : i32
      %dma_start3A_137 = arith.constant 0 : i32
      %dma_start3A_138 = tpu.memref_slice %arg16[%dma_start3A_137, %dma_start3A_136] : memref<32x133xf32, #tpu.memory_space<vmem>> -> memref<32x128xf32, #tpu.memory_space<vmem>>
      %dma_start3A_139 = arith.constant 0 : i32
      %dma_start3A_140 = tpu.memref_slice %arg6[%shift_right_logical3A_119, %dma_start3A_139, %add3A_124] : memref<50x32x16384xf32, #tpu.memory_space<hbm>> -> memref<1x32x128xf32, #tpu.memory_space<hbm>>
      %dma_start3A_141 = tpu.memref_squeeze %dma_start3A_140 : memref<1x32x128xf32, #tpu.memory_space<hbm>> -> memref<32x128xf32, #tpu.memory_space<hbm>>
      %dma_start3A_142 = arith.constant 0 : i32
      %dma_start3A_143 = tpu.memref_slice %arg6[%shift_right_logical3A_119, %dma_start3A_142, %add3A_124] : memref<50x32x16384xf32, #tpu.memory_space<hbm>> -> memref<1x32x128xf32, #tpu.memory_space<hbm>>
      %dma_start3A_144 = tpu.memref_squeeze %dma_start3A_143 : memref<1x32x128xf32, #tpu.memory_space<hbm>> -> memref<32x128xf32, #tpu.memory_space<hbm>>
      %dma_start3A_145 = arith.constant 0 : i32
      %dma_start3A_146 = tpu.memref_slice %arg16[%dma_start3A_145, %dma_start3A_136] : memref<32x133xf32, #tpu.memory_space<vmem>> -> memref<32x128xf32, #tpu.memory_space<vmem>>
      tpu.enqueue_dma source(%dma_start3A_146 : memref<32x128xf32, #tpu.memory_space<vmem>>) target(%dma_start3A_144 : memref<32x128xf32, #tpu.memory_space<hbm>>) target_semaphore(%arg20 : memref<!tpu.dma_semaphore, #tpu.memory_space<semaphore_mem>>)
      %mul3A_147 = arith.constant 2 : i32
      %mul3A_148 = arith.muli %while3A_96, %mul3A_147 : i32
      %add3A_149 = arith.constant 1 : i32
      %add3A_150 = arith.addi %mul3A_148, %add3A_149 : i32
      %dma_wait3A_151 = arith.constant 0 : i32
      %dma_wait3A_152 = arith.constant 0 : i32
      %dma_wait3A_153 = tpu.memref_slice %arg3[%dma_wait3A_151, %dma_wait3A_152] : memref<1000000x32xf32, #tpu.memory_space<hbm>> -> memref<1000000x32xf32, #tpu.memory_space<hbm>>
      tpu.wait_indirect_dma semaphore(%arg19 : memref<!tpu.dma_semaphore, #tpu.memory_space<semaphore_mem>>) src(%dma_wait3A_153 : memref<1000000x32xf32, #tpu.memory_space<hbm>>) dst(%arg11 : memref<128x32xf32, #tpu.memory_space<vmem>>)
      %dma_wait3A_154 = arith.constant 0 : i32
      %dma_wait3A_155 = arith.constant 0 : i32
      %dma_wait3A_156 = tpu.memref_slice %arg4[%dma_wait3A_154, %dma_wait3A_155] : memref<1000000x32xf32, #tpu.memory_space<hbm>> -> memref<1000000x32xf32, #tpu.memory_space<hbm>>
      tpu.wait_indirect_dma semaphore(%arg19 : memref<!tpu.dma_semaphore, #tpu.memory_space<semaphore_mem>>) src(%dma_wait3A_156 : memref<1000000x32xf32, #tpu.memory_space<hbm>>) dst(%arg13 : memref<128x32xf32, #tpu.memory_space<vmem>>)
      %add3A_157 = arith.constant 1 : i32
      %add3A_158 = arith.addi %add3A_150, %add3A_157 : i32
      %lt3A_159 = arith.constant 200 : i32
      %lt3A_160 = arith.cmpi slt, %add3A_158, %lt3A_159 : i32
      %convert_element_type3A_161 = arith.extui %lt3A_160 : i1 to i32
      %cond3A_162 = arith.constant 0 : i32
      %cond3A_163 = arith.cmpi ne, %convert_element_type3A_161, %cond3A_162 : i32
      scf.if %cond3A_163 {
        %add3A_201 = arith.constant 1 : i32
        %add3A_202 = arith.addi %add3A_150, %add3A_201 : i32
        %shift_right_logical3A_203 = arith.constant 2 : i32
        %shift_right_logical3A_204 = arith.shrui %add3A_202, %shift_right_logical3A_203 : i32
        %and3A_205 = arith.constant 3 : i32
        %and3A_206 = arith.andi %add3A_202, %and3A_205 : i32
        %mul3A_207 = arith.constant 6400 : i32
        %mul3A_208 = arith.muli %and3A_206, %mul3A_207 : i32
        %add3A_209 = arith.addi %mul3A_208, %shift_right_logical3A_204 : i32
        %parallel_loop3A_210 = arith.constant 0 : i32
        %parallel_loop3A_211 = arith.constant 8 : i32
        %parallel_loop3A_212 = arith.constant 1 : i32
        scf.for %parallel_loop3A_219 = %parallel_loop3A_210 to %parallel_loop3A_211 step %parallel_loop3A_212  : i32 {
          %parallel_loop3A_220 = arith.constant 800 : i32
          %parallel_loop3A_221 = arith.muli %parallel_loop3A_219, %parallel_loop3A_220 : i32
          %parallel_loop3A_222 = arith.addi %add3A_209, %parallel_loop3A_221 : i32
          %parallel_loop3A_223 = vector.broadcast %parallel_loop3A_222 : i32 to vector<16xi32>
          %parallel_loop3A_224 = arith.addi %mul3A_7, %parallel_loop3A_223 : vector<16xi32>
          %parallel_loop3A_225 = tpu.vector_load_idx %arg7[%parallel_loop3A_224] : memref<25600xi32, #tpu.memory_space<vmem>>[vector<16xi32>], vector<16xi32>,
          %parallel_loop3A_226 = arith.constant 16 : i32
          %parallel_loop3A_227 = arith.muli %parallel_loop3A_219, %parallel_loop3A_226 : i32
          %parallel_loop3A_228 = arith.index_cast %parallel_loop3A_227 : i32 to index
          %parallel_loop3A_229 = tpu.vector_load %arg8[%parallel_loop3A_228] {strides = array<i32>} : memref<128xi32, #tpu.memory_space<vmem>>, vector<16xi32>,
          tpu.vector_store %arg8[%parallel_loop3A_228], %parallel_loop3A_225 {strides = array<i32>} : memref<128xi32, #tpu.memory_space<vmem>>, vector<16xi32>,
        } {sc.loop_unroll_factor = 4 : i64, sc.parallel_access}
        %dma_start3A_213 = arith.constant 0 : i32
        %dma_start3A_214 = arith.constant 0 : i32
        %dma_start3A_215 = tpu.memref_slice %arg3[%dma_start3A_213, %dma_start3A_214] : memref<1000000x32xf32, #tpu.memory_space<hbm>> -> memref<1000000x32xf32, #tpu.memory_space<hbm>>
        tpu.enqueue_indirect_dma source(%dma_start3A_215 : memref<1000000x32xf32, #tpu.memory_space<hbm>>) target(%arg10 : memref<128x32xf32, #tpu.memory_space<vmem>>) offsets(%arg8 : memref<128xi32, #tpu.memory_space<vmem>>) semaphore(%arg18 : memref<!tpu.dma_semaphore, #tpu.memory_space<semaphore_mem>>)
        %dma_start3A_216 = arith.constant 0 : i32
        %dma_start3A_217 = arith.constant 0 : i32
        %dma_start3A_218 = tpu.memref_slice %arg4[%dma_start3A_216, %dma_start3A_217] : memref<1000000x32xf32, #tpu.memory_space<hbm>> -> memref<1000000x32xf32, #tpu.memory_space<hbm>>
        tpu.enqueue_indirect_dma source(%dma_start3A_218 : memref<1000000x32xf32, #tpu.memory_space<hbm>>) target(%arg12 : memref<128x32xf32, #tpu.memory_space<vmem>>) offsets(%arg8 : memref<128xi32, #tpu.memory_space<vmem>>) semaphore(%arg18 : memref<!tpu.dma_semaphore, #tpu.memory_space<semaphore_mem>>)
      } else {
      }
      %ge3A_164 = arith.constant 2 : i32
      %ge3A_165 = arith.cmpi sge, %add3A_150, %ge3A_164 : i32
      %convert_element_type3A_166 = arith.extui %ge3A_165 : i1 to i32
      %cond3A_167 = arith.constant 0 : i32
      %cond3A_168 = arith.cmpi ne, %convert_element_type3A_166, %cond3A_167 : i32
      scf.if %cond3A_168 {
        %sub3A = arith.constant 2 : i32
        %sub3A_201 = arith.subi %add3A_150, %sub3A : i32
        %shift_right_logical3A_202 = arith.constant 2 : i32
        %shift_right_logical3A_203 = arith.shrui %sub3A_201, %shift_right_logical3A_202 : i32
        %and3A_204 = arith.constant 3 : i32
        %and3A_205 = arith.andi %sub3A_201, %and3A_204 : i32
        %mul3A_206 = arith.constant 128 : i32
        %mul3A_207 = arith.muli %and3A_205, %mul3A_206 : i32
        %add3A_208 = arith.addi %mul3A_2, %mul3A_207 : i32
        %dma_wait3A_209 = arith.constant 0 : i32
        %dma_wait3A_210 = arith.constant 0 : i32
        %dma_wait3A_211 = tpu.memref_slice %arg15[%dma_wait3A_210, %dma_wait3A_209] : memref<32x133xf32, #tpu.memory_space<vmem>> -> memref<32x128xf32, #tpu.memory_space<vmem>>
        %dma_wait3A_212 = arith.constant 0 : i32
        %dma_wait3A_213 = tpu.memref_slice %arg5[%shift_right_logical3A_203, %dma_wait3A_212, %add3A_208] : memref<50x32x16384xf32, #tpu.memory_space<hbm>> -> memref<1x32x128xf32, #tpu.memory_space<hbm>>
        %dma_wait3A_214 = tpu.memref_squeeze %dma_wait3A_213 : memref<1x32x128xf32, #tpu.memory_space<hbm>> -> memref<32x128xf32, #tpu.memory_space<hbm>>
        %dma_wait3A_215 = arith.constant 0 : i32
        %dma_wait3A_216 = tpu.memref_slice %arg5[%shift_right_logical3A_203, %dma_wait3A_215, %add3A_208] : memref<50x32x16384xf32, #tpu.memory_space<hbm>> -> memref<1x32x128xf32, #tpu.memory_space<hbm>>
        %dma_wait3A_217 = tpu.memref_squeeze %dma_wait3A_216 : memref<1x32x128xf32, #tpu.memory_space<hbm>> -> memref<32x128xf32, #tpu.memory_space<hbm>>
        %dma_wait3A_218 = arith.constant 0 : i32
        %dma_wait3A_219 = tpu.memref_slice %arg15[%dma_wait3A_218, %dma_wait3A_209] : memref<32x133xf32, #tpu.memory_space<vmem>> -> memref<32x128xf32, #tpu.memory_space<vmem>>
        tpu.wait_dma2 semaphore(%arg21 : memref<!tpu.dma_semaphore, #tpu.memory_space<semaphore_mem>>) src(%dma_wait3A_219 : memref<32x128xf32, #tpu.memory_space<vmem>>) dst(%dma_wait3A_217 : memref<32x128xf32, #tpu.memory_space<hbm>>)
        %dma_wait3A_220 = arith.constant 0 : i32
        %dma_wait3A_221 = arith.constant 0 : i32
        %dma_wait3A_222 = tpu.memref_slice %arg17[%dma_wait3A_221, %dma_wait3A_220] : memref<32x133xf32, #tpu.memory_space<vmem>> -> memref<32x128xf32, #tpu.memory_space<vmem>>
        %dma_wait3A_223 = arith.constant 0 : i32
        %dma_wait3A_224 = tpu.memref_slice %arg6[%shift_right_logical3A_203, %dma_wait3A_223, %add3A_208] : memref<50x32x16384xf32, #tpu.memory_space<hbm>> -> memref<1x32x128xf32, #tpu.memory_space<hbm>>
        %dma_wait3A_225 = tpu.memref_squeeze %dma_wait3A_224 : memref<1x32x128xf32, #tpu.memory_space<hbm>> -> memref<32x128xf32, #tpu.memory_space<hbm>>
        %dma_wait3A_226 = arith.constant 0 : i32
        %dma_wait3A_227 = tpu.memref_slice %arg6[%shift_right_logical3A_203, %dma_wait3A_226, %add3A_208] : memref<50x32x16384xf32, #tpu.memory_space<hbm>> -> memref<1x32x128xf32, #tpu.memory_space<hbm>>
        %dma_wait3A_228 = tpu.memref_squeeze %dma_wait3A_227 : memref<1x32x128xf32, #tpu.memory_space<hbm>> -> memref<32x128xf32, #tpu.memory_space<hbm>>
        %dma_wait3A_229 = arith.constant 0 : i32
        %dma_wait3A_230 = tpu.memref_slice %arg17[%dma_wait3A_229, %dma_wait3A_220] : memref<32x133xf32, #tpu.memory_space<vmem>> -> memref<32x128xf32, #tpu.memory_space<vmem>>
        tpu.wait_dma2 semaphore(%arg21 : memref<!tpu.dma_semaphore, #tpu.memory_space<semaphore_mem>>) src(%dma_wait3A_230 : memref<32x128xf32, #tpu.memory_space<vmem>>) dst(%dma_wait3A_228 : memref<32x128xf32, #tpu.memory_space<hbm>>)
      } else {
      }
      %parallel_loop3A_169 = arith.constant 0 : i32
      %parallel_loop3A_170 = arith.constant 128 : i32
      %parallel_loop3A_171 = arith.constant 1 : i32
      scf.for %parallel_loop3A_201 = %parallel_loop3A_169 to %parallel_loop3A_170 step %parallel_loop3A_171  : i32 {
        %parallel_loop3A_202 = arith.constant 0 : i32
        %parallel_loop3A_203 = vector.broadcast %parallel_loop3A_202 : i32 to vector<16xi32>
        %parallel_loop3A_204 = vector.broadcast %parallel_loop3A_201 : i32 to vector<16xi32>
        %parallel_loop3A_205 = arith.addi %parallel_loop3A_203, %parallel_loop3A_204 : vector<16xi32>
        %parallel_loop3A_206 = arith.index_cast %parallel_loop3A_201 : i32 to index
        %parallel_loop3A_207 = arith.constant 0 : index
        %parallel_loop3A_208 = tpu.vector_load %arg11[%parallel_loop3A_206, %parallel_loop3A_207] {strides = array<i32>} : memref<128x32xf32, #tpu.memory_space<vmem>>, vector<16xf32>,
        tpu.vector_store_idx %arg15[%iota3A, %parallel_loop3A_205], %parallel_loop3A_208 : memref<32x133xf32, #tpu.memory_space<vmem>>[vector<16xi32>, vector<16xi32>], vector<16xf32>,
        %parallel_loop3A_209 = arith.index_cast %parallel_loop3A_201 : i32 to index
        %parallel_loop3A_210 = arith.constant 16 : index
        %parallel_loop3A_211 = tpu.vector_load %arg11[%parallel_loop3A_209, %parallel_loop3A_210] {strides = array<i32>} : memref<128x32xf32, #tpu.memory_space<vmem>>, vector<16xf32>,
        tpu.vector_store_idx %arg15[%add3A_10, %parallel_loop3A_205], %parallel_loop3A_211 : memref<32x133xf32, #tpu.memory_space<vmem>>[vector<16xi32>, vector<16xi32>], vector<16xf32>,
        %parallel_loop3A_212 = arith.index_cast %parallel_loop3A_201 : i32 to index
        %parallel_loop3A_213 = arith.constant 0 : index
        %parallel_loop3A_214 = tpu.vector_load %arg13[%parallel_loop3A_212, %parallel_loop3A_213] {strides = array<i32>} : memref<128x32xf32, #tpu.memory_space<vmem>>, vector<16xf32>,
        tpu.vector_store_idx %arg17[%iota3A, %parallel_loop3A_205], %parallel_loop3A_214 : memref<32x133xf32, #tpu.memory_space<vmem>>[vector<16xi32>, vector<16xi32>], vector<16xf32>,
        %parallel_loop3A_215 = arith.index_cast %parallel_loop3A_201 : i32 to index
        %parallel_loop3A_216 = arith.constant 16 : index
        %parallel_loop3A_217 = tpu.vector_load %arg13[%parallel_loop3A_215, %parallel_loop3A_216] {strides = array<i32>} : memref<128x32xf32, #tpu.memory_space<vmem>>, vector<16xf32>,
        tpu.vector_store_idx %arg17[%add3A_10, %parallel_loop3A_205], %parallel_loop3A_217 : memref<32x133xf32, #tpu.memory_space<vmem>>[vector<16xi32>, vector<16xi32>], vector<16xf32>,
      } {sc.loop_unroll_factor = 8 : i64, sc.parallel_access}
      %shift_right_logical3A_172 = arith.constant 2 : i32
      %shift_right_logical3A_173 = arith.shrui %add3A_150, %shift_right_logical3A_172 : i32
      %and3A_174 = arith.constant 3 : i32
      %and3A_175 = arith.andi %add3A_150, %and3A_174 : i32
      %mul3A_176 = arith.constant 128 : i32
      %mul3A_177 = arith.muli %and3A_175, %mul3A_176 : i32
      %add3A_178 = arith.addi %mul3A_2, %mul3A_177 : i32
      %dma_start3A_179 = arith.constant 0 : i32
      %dma_start3A_180 = arith.constant 0 : i32
      %dma_start3A_181 = tpu.memref_slice %arg15[%dma_start3A_180, %dma_start3A_179] : memref<32x133xf32, #tpu.memory_space<vmem>> -> memref<32x128xf32, #tpu.memory_space<vmem>>
      %dma_start3A_182 = arith.constant 0 : i32
      %dma_start3A_183 = tpu.memref_slice %arg5[%shift_right_logical3A_173, %dma_start3A_182, %add3A_178] : memref<50x32x16384xf32, #tpu.memory_space<hbm>> -> memref<1x32x128xf32, #tpu.memory_space<hbm>>
      %dma_start3A_184 = tpu.memref_squeeze %dma_start3A_183 : memref<1x32x128xf32, #tpu.memory_space<hbm>> -> memref<32x128xf32, #tpu.memory_space<hbm>>
      %dma_start3A_185 = arith.constant 0 : i32
      %dma_start3A_186 = tpu.memref_slice %arg5[%shift_right_logical3A_173, %dma_start3A_185, %add3A_178] : memref<50x32x16384xf32, #tpu.memory_space<hbm>> -> memref<1x32x128xf32, #tpu.memory_space<hbm>>
      %dma_start3A_187 = tpu.memref_squeeze %dma_start3A_186 : memref<1x32x128xf32, #tpu.memory_space<hbm>> -> memref<32x128xf32, #tpu.memory_space<hbm>>
      %dma_start3A_188 = arith.constant 0 : i32
      %dma_start3A_189 = tpu.memref_slice %arg15[%dma_start3A_188, %dma_start3A_179] : memref<32x133xf32, #tpu.memory_space<vmem>> -> memref<32x128xf32, #tpu.memory_space<vmem>>
      tpu.enqueue_dma source(%dma_start3A_189 : memref<32x128xf32, #tpu.memory_space<vmem>>) target(%dma_start3A_187 : memref<32x128xf32, #tpu.memory_space<hbm>>) target_semaphore(%arg21 : memref<!tpu.dma_semaphore, #tpu.memory_space<semaphore_mem>>)
      %dma_start3A_190 = arith.constant 0 : i32
      %dma_start3A_191 = arith.constant 0 : i32
      %dma_start3A_192 = tpu.memref_slice %arg17[%dma_start3A_191, %dma_start3A_190] : memref<32x133xf32, #tpu.memory_space<vmem>> -> memref<32x128xf32, #tpu.memory_space<vmem>>
      %dma_start3A_193 = arith.constant 0 : i32
      %dma_start3A_194 = tpu.memref_slice %arg6[%shift_right_logical3A_173, %dma_start3A_193, %add3A_178] : memref<50x32x16384xf32, #tpu.memory_space<hbm>> -> memref<1x32x128xf32, #tpu.memory_space<hbm>>
      %dma_start3A_195 = tpu.memref_squeeze %dma_start3A_194 : memref<1x32x128xf32, #tpu.memory_space<hbm>> -> memref<32x128xf32, #tpu.memory_space<hbm>>
      %dma_start3A_196 = arith.constant 0 : i32
      %dma_start3A_197 = tpu.memref_slice %arg6[%shift_right_logical3A_173, %dma_start3A_196, %add3A_178] : memref<50x32x16384xf32, #tpu.memory_space<hbm>> -> memref<1x32x128xf32, #tpu.memory_space<hbm>>
      %dma_start3A_198 = tpu.memref_squeeze %dma_start3A_197 : memref<1x32x128xf32, #tpu.memory_space<hbm>> -> memref<32x128xf32, #tpu.memory_space<hbm>>
      %dma_start3A_199 = arith.constant 0 : i32
      %dma_start3A_200 = tpu.memref_slice %arg17[%dma_start3A_199, %dma_start3A_190] : memref<32x133xf32, #tpu.memory_space<vmem>> -> memref<32x128xf32, #tpu.memory_space<vmem>>
      tpu.enqueue_dma source(%dma_start3A_200 : memref<32x128xf32, #tpu.memory_space<vmem>>) target(%dma_start3A_198 : memref<32x128xf32, #tpu.memory_space<hbm>>) target_semaphore(%arg21 : memref<!tpu.dma_semaphore, #tpu.memory_space<semaphore_mem>>)
    }
    %while3A_34 = arith.constant 1 : i32
    scf.for %while3A_96 = %while3A_32 to %while3A_28 step %while3A_34  : i32 {
      %mul3A_97 = arith.constant 2 : i32
      %mul3A_98 = arith.muli %while3A_96, %mul3A_97 : i32
      %add3A_99 = arith.constant 0 : i32
      %add3A_100 = arith.addi %mul3A_98, %add3A_99 : i32
      %dma_wait3A_101 = arith.constant 0 : i32
      %dma_wait3A_102 = arith.constant 0 : i32
      %dma_wait3A_103 = tpu.memref_slice %arg3[%dma_wait3A_101, %dma_wait3A_102] : memref<1000000x32xf32, #tpu.memory_space<hbm>> -> memref<1000000x32xf32, #tpu.memory_space<hbm>>
      tpu.wait_indirect_dma semaphore(%arg18 : memref<!tpu.dma_semaphore, #tpu.memory_space<semaphore_mem>>) src(%dma_wait3A_103 : memref<1000000x32xf32, #tpu.memory_space<hbm>>) dst(%arg10 : memref<128x32xf32, #tpu.memory_space<vmem>>)
      %dma_wait3A_104 = arith.constant 0 : i32
      %dma_wait3A_105 = arith.constant 0 : i32
      %dma_wait3A_106 = tpu.memref_slice %arg4[%dma_wait3A_104, %dma_wait3A_105] : memref<1000000x32xf32, #tpu.memory_space<hbm>> -> memref<1000000x32xf32, #tpu.memory_space<hbm>>
      tpu.wait_indirect_dma semaphore(%arg18 : memref<!tpu.dma_semaphore, #tpu.memory_space<semaphore_mem>>) src(%dma_wait3A_106 : memref<1000000x32xf32, #tpu.memory_space<hbm>>) dst(%arg12 : memref<128x32xf32, #tpu.memory_space<vmem>>)
      %add3A_107 = arith.constant 1 : i32
      %add3A_108 = arith.addi %add3A_100, %add3A_107 : i32
      %lt3A = arith.constant 200 : i32
      %lt3A_109 = arith.cmpi slt, %add3A_108, %lt3A : i32
      %convert_element_type3A = arith.extui %lt3A_109 : i1 to i32
      %cond3A = arith.constant 0 : i32
      %cond3A_110 = arith.cmpi ne, %convert_element_type3A, %cond3A : i32
      scf.if %cond3A_110 {
        %add3A_201 = arith.constant 1 : i32
        %add3A_202 = arith.addi %add3A_100, %add3A_201 : i32
        %shift_right_logical3A_203 = arith.constant 2 : i32
        %shift_right_logical3A_204 = arith.shrui %add3A_202, %shift_right_logical3A_203 : i32
        %and3A_205 = arith.constant 3 : i32
        %and3A_206 = arith.andi %add3A_202, %and3A_205 : i32
        %mul3A_207 = arith.constant 6400 : i32
        %mul3A_208 = arith.muli %and3A_206, %mul3A_207 : i32
        %add3A_209 = arith.addi %mul3A_208, %shift_right_logical3A_204 : i32
        %parallel_loop3A_210 = arith.constant 0 : i32
        %parallel_loop3A_211 = arith.constant 8 : i32
        %parallel_loop3A_212 = arith.constant 1 : i32
        scf.for %parallel_loop3A_219 = %parallel_loop3A_210 to %parallel_loop3A_211 step %parallel_loop3A_212  : i32 {
          %parallel_loop3A_220 = arith.constant 800 : i32
          %parallel_loop3A_221 = arith.muli %parallel_loop3A_219, %parallel_loop3A_220 : i32
          %parallel_loop3A_222 = arith.addi %add3A_209, %parallel_loop3A_221 : i32
          %parallel_loop3A_223 = vector.broadcast %parallel_loop3A_222 : i32 to vector<16xi32>
          %parallel_loop3A_224 = arith.addi %mul3A_7, %parallel_loop3A_223 : vector<16xi32>
          %parallel_loop3A_225 = tpu.vector_load_idx %arg7[%parallel_loop3A_224] : memref<25600xi32, #tpu.memory_space<vmem>>[vector<16xi32>], vector<16xi32>,
          %parallel_loop3A_226 = arith.constant 16 : i32
          %parallel_loop3A_227 = arith.muli %parallel_loop3A_219, %parallel_loop3A_226 : i32
          %parallel_loop3A_228 = arith.index_cast %parallel_loop3A_227 : i32 to index
          %parallel_loop3A_229 = tpu.vector_load %arg9[%parallel_loop3A_228] {strides = array<i32>} : memref<128xi32, #tpu.memory_space<vmem>>, vector<16xi32>,
          tpu.vector_store %arg9[%parallel_loop3A_228], %parallel_loop3A_225 {strides = array<i32>} : memref<128xi32, #tpu.memory_space<vmem>>, vector<16xi32>,
        } {sc.loop_unroll_factor = 4 : i64, sc.parallel_access}
        %dma_start3A_213 = arith.constant 0 : i32
        %dma_start3A_214 = arith.constant 0 : i32
        %dma_start3A_215 = tpu.memref_slice %arg3[%dma_start3A_213, %dma_start3A_214] : memref<1000000x32xf32, #tpu.memory_space<hbm>> -> memref<1000000x32xf32, #tpu.memory_space<hbm>>
        tpu.enqueue_indirect_dma source(%dma_start3A_215 : memref<1000000x32xf32, #tpu.memory_space<hbm>>) target(%arg11 : memref<128x32xf32, #tpu.memory_space<vmem>>) offsets(%arg9 : memref<128xi32, #tpu.memory_space<vmem>>) semaphore(%arg19 : memref<!tpu.dma_semaphore, #tpu.memory_space<semaphore_mem>>)
        %dma_start3A_216 = arith.constant 0 : i32
        %dma_start3A_217 = arith.constant 0 : i32
        %dma_start3A_218 = tpu.memref_slice %arg4[%dma_start3A_216, %dma_start3A_217] : memref<1000000x32xf32, #tpu.memory_space<hbm>> -> memref<1000000x32xf32, #tpu.memory_space<hbm>>
        tpu.enqueue_indirect_dma source(%dma_start3A_218 : memref<1000000x32xf32, #tpu.memory_space<hbm>>) target(%arg13 : memref<128x32xf32, #tpu.memory_space<vmem>>) offsets(%arg9 : memref<128xi32, #tpu.memory_space<vmem>>) semaphore(%arg19 : memref<!tpu.dma_semaphore, #tpu.memory_space<semaphore_mem>>)
      } else {
      }
      %ge3A = arith.constant 2 : i32
      %ge3A_111 = arith.cmpi sge, %add3A_100, %ge3A : i32
      %convert_element_type3A_112 = arith.extui %ge3A_111 : i1 to i32
      %cond3A_113 = arith.constant 0 : i32
      %cond3A_114 = arith.cmpi ne, %convert_element_type3A_112, %cond3A_113 : i32
      scf.if %cond3A_114 {
        %sub3A = arith.constant 2 : i32
        %sub3A_201 = arith.subi %add3A_100, %sub3A : i32
        %shift_right_logical3A_202 = arith.constant 2 : i32
        %shift_right_logical3A_203 = arith.shrui %sub3A_201, %shift_right_logical3A_202 : i32
        %and3A_204 = arith.constant 3 : i32
        %and3A_205 = arith.andi %sub3A_201, %and3A_204 : i32
        %mul3A_206 = arith.constant 128 : i32
        %mul3A_207 = arith.muli %and3A_205, %mul3A_206 : i32
        %add3A_208 = arith.addi %mul3A_2, %mul3A_207 : i32
        %dma_wait3A_209 = arith.constant 0 : i32
        %dma_wait3A_210 = arith.constant 0 : i32
        %dma_wait3A_211 = tpu.memref_slice %arg14[%dma_wait3A_210, %dma_wait3A_209] : memref<32x133xf32, #tpu.memory_space<vmem>> -> memref<32x128xf32, #tpu.memory_space<vmem>>
        %dma_wait3A_212 = arith.constant 0 : i32
        %dma_wait3A_213 = tpu.memref_slice %arg5[%shift_right_logical3A_203, %dma_wait3A_212, %add3A_208] : memref<50x32x16384xf32, #tpu.memory_space<hbm>> -> memref<1x32x128xf32, #tpu.memory_space<hbm>>
        %dma_wait3A_214 = tpu.memref_squeeze %dma_wait3A_213 : memref<1x32x128xf32, #tpu.memory_space<hbm>> -> memref<32x128xf32, #tpu.memory_space<hbm>>
        %dma_wait3A_215 = arith.constant 0 : i32
        %dma_wait3A_216 = tpu.memref_slice %arg5[%shift_right_logical3A_203, %dma_wait3A_215, %add3A_208] : memref<50x32x16384xf32, #tpu.memory_space<hbm>> -> memref<1x32x128xf32, #tpu.memory_space<hbm>>
        %dma_wait3A_217 = tpu.memref_squeeze %dma_wait3A_216 : memref<1x32x128xf32, #tpu.memory_space<hbm>> -> memref<32x128xf32, #tpu.memory_space<hbm>>
        %dma_wait3A_218 = arith.constant 0 : i32
        %dma_wait3A_219 = tpu.memref_slice %arg14[%dma_wait3A_218, %dma_wait3A_209] : memref<32x133xf32, #tpu.memory_space<vmem>> -> memref<32x128xf32, #tpu.memory_space<vmem>>
        tpu.wait_dma2 semaphore(%arg20 : memref<!tpu.dma_semaphore, #tpu.memory_space<semaphore_mem>>) src(%dma_wait3A_219 : memref<32x128xf32, #tpu.memory_space<vmem>>) dst(%dma_wait3A_217 : memref<32x128xf32, #tpu.memory_space<hbm>>)
        %dma_wait3A_220 = arith.constant 0 : i32
        %dma_wait3A_221 = arith.constant 0 : i32
        %dma_wait3A_222 = tpu.memref_slice %arg16[%dma_wait3A_221, %dma_wait3A_220] : memref<32x133xf32, #tpu.memory_space<vmem>> -> memref<32x128xf32, #tpu.memory_space<vmem>>
        %dma_wait3A_223 = arith.constant 0 : i32
        %dma_wait3A_224 = tpu.memref_slice %arg6[%shift_right_logical3A_203, %dma_wait3A_223, %add3A_208] : memref<50x32x16384xf32, #tpu.memory_space<hbm>> -> memref<1x32x128xf32, #tpu.memory_space<hbm>>
        %dma_wait3A_225 = tpu.memref_squeeze %dma_wait3A_224 : memref<1x32x128xf32, #tpu.memory_space<hbm>> -> memref<32x128xf32, #tpu.memory_space<hbm>>
        %dma_wait3A_226 = arith.constant 0 : i32
        %dma_wait3A_227 = tpu.memref_slice %arg6[%shift_right_logical3A_203, %dma_wait3A_226, %add3A_208] : memref<50x32x16384xf32, #tpu.memory_space<hbm>> -> memref<1x32x128xf32, #tpu.memory_space<hbm>>
        %dma_wait3A_228 = tpu.memref_squeeze %dma_wait3A_227 : memref<1x32x128xf32, #tpu.memory_space<hbm>> -> memref<32x128xf32, #tpu.memory_space<hbm>>
        %dma_wait3A_229 = arith.constant 0 : i32
        %dma_wait3A_230 = tpu.memref_slice %arg16[%dma_wait3A_229, %dma_wait3A_220] : memref<32x133xf32, #tpu.memory_space<vmem>> -> memref<32x128xf32, #tpu.memory_space<vmem>>
        tpu.wait_dma2 semaphore(%arg20 : memref<!tpu.dma_semaphore, #tpu.memory_space<semaphore_mem>>) src(%dma_wait3A_230 : memref<32x128xf32, #tpu.memory_space<vmem>>) dst(%dma_wait3A_228 : memref<32x128xf32, #tpu.memory_space<hbm>>)
      } else {
      }
      %parallel_loop3A_115 = arith.constant 0 : i32
      %parallel_loop3A_116 = arith.constant 128 : i32
      %parallel_loop3A_117 = arith.constant 1 : i32
      scf.for %parallel_loop3A_201 = %parallel_loop3A_115 to %parallel_loop3A_116 step %parallel_loop3A_117  : i32 {
        %parallel_loop3A_202 = arith.constant 0 : i32
        %parallel_loop3A_203 = vector.broadcast %parallel_loop3A_202 : i32 to vector<16xi32>
        %parallel_loop3A_204 = vector.broadcast %parallel_loop3A_201 : i32 to vector<16xi32>
        %parallel_loop3A_205 = arith.addi %parallel_loop3A_203, %parallel_loop3A_204 : vector<16xi32>
        %parallel_loop3A_206 = arith.index_cast %parallel_loop3A_201 : i32 to index
        %parallel_loop3A_207 = arith.constant 0 : index
        %parallel_loop3A_208 = tpu.vector_load %arg10[%parallel_loop3A_206, %parallel_loop3A_207] {strides = array<i32>} : memref<128x32xf32, #tpu.memory_space<vmem>>, vector<16xf32>,
        tpu.vector_store_idx %arg14[%iota3A, %parallel_loop3A_205], %parallel_loop3A_208 : memref<32x133xf32, #tpu.memory_space<vmem>>[vector<16xi32>, vector<16xi32>], vector<16xf32>,
        %parallel_loop3A_209 = arith.index_cast %parallel_loop3A_201 : i32 to index
        %parallel_loop3A_210 = arith.constant 16 : index
        %parallel_loop3A_211 = tpu.vector_load %arg10[%parallel_loop3A_209, %parallel_loop3A_210] {strides = array<i32>} : memref<128x32xf32, #tpu.memory_space<vmem>>, vector<16xf32>,
        tpu.vector_store_idx %arg14[%add3A_10, %parallel_loop3A_205], %parallel_loop3A_211 : memref<32x133xf32, #tpu.memory_space<vmem>>[vector<16xi32>, vector<16xi32>], vector<16xf32>,
        %parallel_loop3A_212 = arith.index_cast %parallel_loop3A_201 : i32 to index
        %parallel_loop3A_213 = arith.constant 0 : index
        %parallel_loop3A_214 = tpu.vector_load %arg12[%parallel_loop3A_212, %parallel_loop3A_213] {strides = array<i32>} : memref<128x32xf32, #tpu.memory_space<vmem>>, vector<16xf32>,
        tpu.vector_store_idx %arg16[%iota3A, %parallel_loop3A_205], %parallel_loop3A_214 : memref<32x133xf32, #tpu.memory_space<vmem>>[vector<16xi32>, vector<16xi32>], vector<16xf32>,
        %parallel_loop3A_215 = arith.index_cast %parallel_loop3A_201 : i32 to index
        %parallel_loop3A_216 = arith.constant 16 : index
        %parallel_loop3A_217 = tpu.vector_load %arg12[%parallel_loop3A_215, %parallel_loop3A_216] {strides = array<i32>} : memref<128x32xf32, #tpu.memory_space<vmem>>, vector<16xf32>,
        tpu.vector_store_idx %arg16[%add3A_10, %parallel_loop3A_205], %parallel_loop3A_217 : memref<32x133xf32, #tpu.memory_space<vmem>>[vector<16xi32>, vector<16xi32>], vector<16xf32>,
      } {sc.loop_unroll_factor = 8 : i64, sc.parallel_access}
      %shift_right_logical3A_118 = arith.constant 2 : i32
      %shift_right_logical3A_119 = arith.shrui %add3A_100, %shift_right_logical3A_118 : i32
      %and3A_120 = arith.constant 3 : i32
      %and3A_121 = arith.andi %add3A_100, %and3A_120 : i32
      %mul3A_122 = arith.constant 128 : i32
      %mul3A_123 = arith.muli %and3A_121, %mul3A_122 : i32
      %add3A_124 = arith.addi %mul3A_2, %mul3A_123 : i32
      %dma_start3A_125 = arith.constant 0 : i32
      %dma_start3A_126 = arith.constant 0 : i32
      %dma_start3A_127 = tpu.memref_slice %arg14[%dma_start3A_126, %dma_start3A_125] : memref<32x133xf32, #tpu.memory_space<vmem>> -> memref<32x128xf32, #tpu.memory_space<vmem>>
      %dma_start3A_128 = arith.constant 0 : i32
      %dma_start3A_129 = tpu.memref_slice %arg5[%shift_right_logical3A_119, %dma_start3A_128, %add3A_124] : memref<50x32x16384xf32, #tpu.memory_space<hbm>> -> memref<1x32x128xf32, #tpu.memory_space<hbm>>
      %dma_start3A_130 = tpu.memref_squeeze %dma_start3A_129 : memref<1x32x128xf32, #tpu.memory_space<hbm>> -> memref<32x128xf32, #tpu.memory_space<hbm>>
      %dma_start3A_131 = arith.constant 0 : i32
      %dma_start3A_132 = tpu.memref_slice %arg5[%shift_right_logical3A_119, %dma_start3A_131, %add3A_124] : memref<50x32x16384xf32, #tpu.memory_space<hbm>> -> memref<1x32x128xf32, #tpu.memory_space<hbm>>
      %dma_start3A_133 = tpu.memref_squeeze %dma_start3A_132 : memref<1x32x128xf32, #tpu.memory_space<hbm>> -> memref<32x128xf32, #tpu.memory_space<hbm>>
      %dma_start3A_134 = arith.constant 0 : i32
      %dma_start3A_135 = tpu.memref_slice %arg14[%dma_start3A_134, %dma_start3A_125] : memref<32x133xf32, #tpu.memory_space<vmem>> -> memref<32x128xf32, #tpu.memory_space<vmem>>
      tpu.enqueue_dma source(%dma_start3A_135 : memref<32x128xf32, #tpu.memory_space<vmem>>) target(%dma_start3A_133 : memref<32x128xf32, #tpu.memory_space<hbm>>) target_semaphore(%arg20 : memref<!tpu.dma_semaphore, #tpu.memory_space<semaphore_mem>>)
      %dma_start3A_136 = arith.constant 0 : i32
      %dma_start3A_137 = arith.constant 0 : i32
      %dma_start3A_138 = tpu.memref_slice %arg16[%dma_start3A_137, %dma_start3A_136] : memref<32x133xf32, #tpu.memory_space<vmem>> -> memref<32x128xf32, #tpu.memory_space<vmem>>
      %dma_start3A_139 = arith.constant 0 : i32
      %dma_start3A_140 = tpu.memref_slice %arg6[%shift_right_logical3A_119, %dma_start3A_139, %add3A_124] : memref<50x32x16384xf32, #tpu.memory_space<hbm>> -> memref<1x32x128xf32, #tpu.memory_space<hbm>>
      %dma_start3A_141 = tpu.memref_squeeze %dma_start3A_140 : memref<1x32x128xf32, #tpu.memory_space<hbm>> -> memref<32x128xf32, #tpu.memory_space<hbm>>
      %dma_start3A_142 = arith.constant 0 : i32
      %dma_start3A_143 = tpu.memref_slice %arg6[%shift_right_logical3A_119, %dma_start3A_142, %add3A_124] : memref<50x32x16384xf32, #tpu.memory_space<hbm>> -> memref<1x32x128xf32, #tpu.memory_space<hbm>>
      %dma_start3A_144 = tpu.memref_squeeze %dma_start3A_143 : memref<1x32x128xf32, #tpu.memory_space<hbm>> -> memref<32x128xf32, #tpu.memory_space<hbm>>
      %dma_start3A_145 = arith.constant 0 : i32
      %dma_start3A_146 = tpu.memref_slice %arg16[%dma_start3A_145, %dma_start3A_136] : memref<32x133xf32, #tpu.memory_space<vmem>> -> memref<32x128xf32, #tpu.memory_space<vmem>>
      tpu.enqueue_dma source(%dma_start3A_146 : memref<32x128xf32, #tpu.memory_space<vmem>>) target(%dma_start3A_144 : memref<32x128xf32, #tpu.memory_space<hbm>>) target_semaphore(%arg20 : memref<!tpu.dma_semaphore, #tpu.memory_space<semaphore_mem>>)
      %mul3A_147 = arith.constant 2 : i32
      %mul3A_148 = arith.muli %while3A_96, %mul3A_147 : i32
      %add3A_149 = arith.constant 1 : i32
      %add3A_150 = arith.addi %mul3A_148, %add3A_149 : i32
      %dma_wait3A_151 = arith.constant 0 : i32
      %dma_wait3A_152 = arith.constant 0 : i32
      %dma_wait3A_153 = tpu.memref_slice %arg3[%dma_wait3A_151, %dma_wait3A_152] : memref<1000000x32xf32, #tpu.memory_space<hbm>> -> memref<1000000x32xf32, #tpu.memory_space<hbm>>
      tpu.wait_indirect_dma semaphore(%arg19 : memref<!tpu.dma_semaphore, #tpu.memory_space<semaphore_mem>>) src(%dma_wait3A_153 : memref<1000000x32xf32, #tpu.memory_space<hbm>>) dst(%arg11 : memref<128x32xf32, #tpu.memory_space<vmem>>)
      %dma_wait3A_154 = arith.constant 0 : i32
      %dma_wait3A_155 = arith.constant 0 : i32
      %dma_wait3A_156 = tpu.memref_slice %arg4[%dma_wait3A_154, %dma_wait3A_155] : memref<1000000x32xf32, #tpu.memory_space<hbm>> -> memref<1000000x32xf32, #tpu.memory_space<hbm>>
      tpu.wait_indirect_dma semaphore(%arg19 : memref<!tpu.dma_semaphore, #tpu.memory_space<semaphore_mem>>) src(%dma_wait3A_156 : memref<1000000x32xf32, #tpu.memory_space<hbm>>) dst(%arg13 : memref<128x32xf32, #tpu.memory_space<vmem>>)
      %add3A_157 = arith.constant 1 : i32
      %add3A_158 = arith.addi %add3A_150, %add3A_157 : i32
      %lt3A_159 = arith.constant 200 : i32
      %lt3A_160 = arith.cmpi slt, %add3A_158, %lt3A_159 : i32
      %convert_element_type3A_161 = arith.extui %lt3A_160 : i1 to i32
      %cond3A_162 = arith.constant 0 : i32
      %cond3A_163 = arith.cmpi ne, %convert_element_type3A_161, %cond3A_162 : i32
      scf.if %cond3A_163 {
        %add3A_201 = arith.constant 1 : i32
        %add3A_202 = arith.addi %add3A_150, %add3A_201 : i32
        %shift_right_logical3A_203 = arith.constant 2 : i32
        %shift_right_logical3A_204 = arith.shrui %add3A_202, %shift_right_logical3A_203 : i32
        %and3A_205 = arith.constant 3 : i32
        %and3A_206 = arith.andi %add3A_202, %and3A_205 : i32
        %mul3A_207 = arith.constant 6400 : i32
        %mul3A_208 = arith.muli %and3A_206, %mul3A_207 : i32
        %add3A_209 = arith.addi %mul3A_208, %shift_right_logical3A_204 : i32
        %parallel_loop3A_210 = arith.constant 0 : i32
        %parallel_loop3A_211 = arith.constant 8 : i32
        %parallel_loop3A_212 = arith.constant 1 : i32
        scf.for %parallel_loop3A_219 = %parallel_loop3A_210 to %parallel_loop3A_211 step %parallel_loop3A_212  : i32 {
          %parallel_loop3A_220 = arith.constant 800 : i32
          %parallel_loop3A_221 = arith.muli %parallel_loop3A_219, %parallel_loop3A_220 : i32
          %parallel_loop3A_222 = arith.addi %add3A_209, %parallel_loop3A_221 : i32
          %parallel_loop3A_223 = vector.broadcast %parallel_loop3A_222 : i32 to vector<16xi32>
          %parallel_loop3A_224 = arith.addi %mul3A_7, %parallel_loop3A_223 : vector<16xi32>
          %parallel_loop3A_225 = tpu.vector_load_idx %arg7[%parallel_loop3A_224] : memref<25600xi32, #tpu.memory_space<vmem>>[vector<16xi32>], vector<16xi32>,
          %parallel_loop3A_226 = arith.constant 16 : i32
          %parallel_loop3A_227 = arith.muli %parallel_loop3A_219, %parallel_loop3A_226 : i32
          %parallel_loop3A_228 = arith.index_cast %parallel_loop3A_227 : i32 to index
          %parallel_loop3A_229 = tpu.vector_load %arg8[%parallel_loop3A_228] {strides = array<i32>} : memref<128xi32, #tpu.memory_space<vmem>>, vector<16xi32>,
          tpu.vector_store %arg8[%parallel_loop3A_228], %parallel_loop3A_225 {strides = array<i32>} : memref<128xi32, #tpu.memory_space<vmem>>, vector<16xi32>,
        } {sc.loop_unroll_factor = 4 : i64, sc.parallel_access}
        %dma_start3A_213 = arith.constant 0 : i32
        %dma_start3A_214 = arith.constant 0 : i32
        %dma_start3A_215 = tpu.memref_slice %arg3[%dma_start3A_213, %dma_start3A_214] : memref<1000000x32xf32, #tpu.memory_space<hbm>> -> memref<1000000x32xf32, #tpu.memory_space<hbm>>
        tpu.enqueue_indirect_dma source(%dma_start3A_215 : memref<1000000x32xf32, #tpu.memory_space<hbm>>) target(%arg10 : memref<128x32xf32, #tpu.memory_space<vmem>>) offsets(%arg8 : memref<128xi32, #tpu.memory_space<vmem>>) semaphore(%arg18 : memref<!tpu.dma_semaphore, #tpu.memory_space<semaphore_mem>>)
        %dma_start3A_216 = arith.constant 0 : i32
        %dma_start3A_217 = arith.constant 0 : i32
        %dma_start3A_218 = tpu.memref_slice %arg4[%dma_start3A_216, %dma_start3A_217] : memref<1000000x32xf32, #tpu.memory_space<hbm>> -> memref<1000000x32xf32, #tpu.memory_space<hbm>>
        tpu.enqueue_indirect_dma source(%dma_start3A_218 : memref<1000000x32xf32, #tpu.memory_space<hbm>>) target(%arg12 : memref<128x32xf32, #tpu.memory_space<vmem>>) offsets(%arg8 : memref<128xi32, #tpu.memory_space<vmem>>) semaphore(%arg18 : memref<!tpu.dma_semaphore, #tpu.memory_space<semaphore_mem>>)
      } else {
      }
      %ge3A_164 = arith.constant 2 : i32
      %ge3A_165 = arith.cmpi sge, %add3A_150, %ge3A_164 : i32
      %convert_element_type3A_166 = arith.extui %ge3A_165 : i1 to i32
      %cond3A_167 = arith.constant 0 : i32
      %cond3A_168 = arith.cmpi ne, %convert_element_type3A_166, %cond3A_167 : i32
      scf.if %cond3A_168 {
        %sub3A = arith.constant 2 : i32
        %sub3A_201 = arith.subi %add3A_150, %sub3A : i32
        %shift_right_logical3A_202 = arith.constant 2 : i32
        %shift_right_logical3A_203 = arith.shrui %sub3A_201, %shift_right_logical3A_202 : i32
        %and3A_204 = arith.constant 3 : i32
        %and3A_205 = arith.andi %sub3A_201, %and3A_204 : i32
        %mul3A_206 = arith.constant 128 : i32
        %mul3A_207 = arith.muli %and3A_205, %mul3A_206 : i32
        %add3A_208 = arith.addi %mul3A_2, %mul3A_207 : i32
        %dma_wait3A_209 = arith.constant 0 : i32
        %dma_wait3A_210 = arith.constant 0 : i32
        %dma_wait3A_211 = tpu.memref_slice %arg15[%dma_wait3A_210, %dma_wait3A_209] : memref<32x133xf32, #tpu.memory_space<vmem>> -> memref<32x128xf32, #tpu.memory_space<vmem>>
        %dma_wait3A_212 = arith.constant 0 : i32
        %dma_wait3A_213 = tpu.memref_slice %arg5[%shift_right_logical3A_203, %dma_wait3A_212, %add3A_208] : memref<50x32x16384xf32, #tpu.memory_space<hbm>> -> memref<1x32x128xf32, #tpu.memory_space<hbm>>
        %dma_wait3A_214 = tpu.memref_squeeze %dma_wait3A_213 : memref<1x32x128xf32, #tpu.memory_space<hbm>> -> memref<32x128xf32, #tpu.memory_space<hbm>>
        %dma_wait3A_215 = arith.constant 0 : i32
        %dma_wait3A_216 = tpu.memref_slice %arg5[%shift_right_logical3A_203, %dma_wait3A_215, %add3A_208] : memref<50x32x16384xf32, #tpu.memory_space<hbm>> -> memref<1x32x128xf32, #tpu.memory_space<hbm>>
        %dma_wait3A_217 = tpu.memref_squeeze %dma_wait3A_216 : memref<1x32x128xf32, #tpu.memory_space<hbm>> -> memref<32x128xf32, #tpu.memory_space<hbm>>
        %dma_wait3A_218 = arith.constant 0 : i32
        %dma_wait3A_219 = tpu.memref_slice %arg15[%dma_wait3A_218, %dma_wait3A_209] : memref<32x133xf32, #tpu.memory_space<vmem>> -> memref<32x128xf32, #tpu.memory_space<vmem>>
        tpu.wait_dma2 semaphore(%arg21 : memref<!tpu.dma_semaphore, #tpu.memory_space<semaphore_mem>>) src(%dma_wait3A_219 : memref<32x128xf32, #tpu.memory_space<vmem>>) dst(%dma_wait3A_217 : memref<32x128xf32, #tpu.memory_space<hbm>>)
        %dma_wait3A_220 = arith.constant 0 : i32
        %dma_wait3A_221 = arith.constant 0 : i32
        %dma_wait3A_222 = tpu.memref_slice %arg17[%dma_wait3A_221, %dma_wait3A_220] : memref<32x133xf32, #tpu.memory_space<vmem>> -> memref<32x128xf32, #tpu.memory_space<vmem>>
        %dma_wait3A_223 = arith.constant 0 : i32
        %dma_wait3A_224 = tpu.memref_slice %arg6[%shift_right_logical3A_203, %dma_wait3A_223, %add3A_208] : memref<50x32x16384xf32, #tpu.memory_space<hbm>> -> memref<1x32x128xf32, #tpu.memory_space<hbm>>
        %dma_wait3A_225 = tpu.memref_squeeze %dma_wait3A_224 : memref<1x32x128xf32, #tpu.memory_space<hbm>> -> memref<32x128xf32, #tpu.memory_space<hbm>>
        %dma_wait3A_226 = arith.constant 0 : i32
        %dma_wait3A_227 = tpu.memref_slice %arg6[%shift_right_logical3A_203, %dma_wait3A_226, %add3A_208] : memref<50x32x16384xf32, #tpu.memory_space<hbm>> -> memref<1x32x128xf32, #tpu.memory_space<hbm>>
        %dma_wait3A_228 = tpu.memref_squeeze %dma_wait3A_227 : memref<1x32x128xf32, #tpu.memory_space<hbm>> -> memref<32x128xf32, #tpu.memory_space<hbm>>
        %dma_wait3A_229 = arith.constant 0 : i32
        %dma_wait3A_230 = tpu.memref_slice %arg17[%dma_wait3A_229, %dma_wait3A_220] : memref<32x133xf32, #tpu.memory_space<vmem>> -> memref<32x128xf32, #tpu.memory_space<vmem>>
        tpu.wait_dma2 semaphore(%arg21 : memref<!tpu.dma_semaphore, #tpu.memory_space<semaphore_mem>>) src(%dma_wait3A_230 : memref<32x128xf32, #tpu.memory_space<vmem>>) dst(%dma_wait3A_228 : memref<32x128xf32, #tpu.memory_space<hbm>>)
      } else {
      }
      %parallel_loop3A_169 = arith.constant 0 : i32
      %parallel_loop3A_170 = arith.constant 128 : i32
      %parallel_loop3A_171 = arith.constant 1 : i32
      scf.for %parallel_loop3A_201 = %parallel_loop3A_169 to %parallel_loop3A_170 step %parallel_loop3A_171  : i32 {
        %parallel_loop3A_202 = arith.constant 0 : i32
        %parallel_loop3A_203 = vector.broadcast %parallel_loop3A_202 : i32 to vector<16xi32>
        %parallel_loop3A_204 = vector.broadcast %parallel_loop3A_201 : i32 to vector<16xi32>
        %parallel_loop3A_205 = arith.addi %parallel_loop3A_203, %parallel_loop3A_204 : vector<16xi32>
        %parallel_loop3A_206 = arith.index_cast %parallel_loop3A_201 : i32 to index
        %parallel_loop3A_207 = arith.constant 0 : index
        %parallel_loop3A_208 = tpu.vector_load %arg11[%parallel_loop3A_206, %parallel_loop3A_207] {strides = array<i32>} : memref<128x32xf32, #tpu.memory_space<vmem>>, vector<16xf32>,
        tpu.vector_store_idx %arg15[%iota3A, %parallel_loop3A_205], %parallel_loop3A_208 : memref<32x133xf32, #tpu.memory_space<vmem>>[vector<16xi32>, vector<16xi32>], vector<16xf32>,
        %parallel_loop3A_209 = arith.index_cast %parallel_loop3A_201 : i32 to index
        %parallel_loop3A_210 = arith.constant 16 : index
        %parallel_loop3A_211 = tpu.vector_load %arg11[%parallel_loop3A_209, %parallel_loop3A_210] {strides = array<i32>} : memref<128x32xf32, #tpu.memory_space<vmem>>, vector<16xf32>,
        tpu.vector_store_idx %arg15[%add3A_10, %parallel_loop3A_205], %parallel_loop3A_211 : memref<32x133xf32, #tpu.memory_space<vmem>>[vector<16xi32>, vector<16xi32>], vector<16xf32>,
        %parallel_loop3A_212 = arith.index_cast %parallel_loop3A_201 : i32 to index
        %parallel_loop3A_213 = arith.constant 0 : index
        %parallel_loop3A_214 = tpu.vector_load %arg13[%parallel_loop3A_212, %parallel_loop3A_213] {strides = array<i32>} : memref<128x32xf32, #tpu.memory_space<vmem>>, vector<16xf32>,
        tpu.vector_store_idx %arg17[%iota3A, %parallel_loop3A_205], %parallel_loop3A_214 : memref<32x133xf32, #tpu.memory_space<vmem>>[vector<16xi32>, vector<16xi32>], vector<16xf32>,
        %parallel_loop3A_215 = arith.index_cast %parallel_loop3A_201 : i32 to index
        %parallel_loop3A_216 = arith.constant 16 : index
        %parallel_loop3A_217 = tpu.vector_load %arg13[%parallel_loop3A_215, %parallel_loop3A_216] {strides = array<i32>} : memref<128x32xf32, #tpu.memory_space<vmem>>, vector<16xf32>,
        tpu.vector_store_idx %arg17[%add3A_10, %parallel_loop3A_205], %parallel_loop3A_217 : memref<32x133xf32, #tpu.memory_space<vmem>>[vector<16xi32>, vector<16xi32>], vector<16xf32>,
      } {sc.loop_unroll_factor = 8 : i64, sc.parallel_access}
      %shift_right_logical3A_172 = arith.constant 2 : i32
      %shift_right_logical3A_173 = arith.shrui %add3A_150, %shift_right_logical3A_172 : i32
      %and3A_174 = arith.constant 3 : i32
      %and3A_175 = arith.andi %add3A_150, %and3A_174 : i32
      %mul3A_176 = arith.constant 128 : i32
      %mul3A_177 = arith.muli %and3A_175, %mul3A_176 : i32
      %add3A_178 = arith.addi %mul3A_2, %mul3A_177 : i32
      %dma_start3A_179 = arith.constant 0 : i32
      %dma_start3A_180 = arith.constant 0 : i32
      %dma_start3A_181 = tpu.memref_slice %arg15[%dma_start3A_180, %dma_start3A_179] : memref<32x133xf32, #tpu.memory_space<vmem>> -> memref<32x128xf32, #tpu.memory_space<vmem>>
      %dma_start3A_182 = arith.constant 0 : i32
      %dma_start3A_183 = tpu.memref_slice %arg5[%shift_right_logical3A_173, %dma_start3A_182, %add3A_178] : memref<50x32x16384xf32, #tpu.memory_space<hbm>> -> memref<1x32x128xf32, #tpu.memory_space<hbm>>
      %dma_start3A_184 = tpu.memref_squeeze %dma_start3A_183 : memref<1x32x128xf32, #tpu.memory_space<hbm>> -> memref<32x128xf32, #tpu.memory_space<hbm>>
      %dma_start3A_185 = arith.constant 0 : i32
      %dma_start3A_186 = tpu.memref_slice %arg5[%shift_right_logical3A_173, %dma_start3A_185, %add3A_178] : memref<50x32x16384xf32, #tpu.memory_space<hbm>> -> memref<1x32x128xf32, #tpu.memory_space<hbm>>
      %dma_start3A_187 = tpu.memref_squeeze %dma_start3A_186 : memref<1x32x128xf32, #tpu.memory_space<hbm>> -> memref<32x128xf32, #tpu.memory_space<hbm>>
      %dma_start3A_188 = arith.constant 0 : i32
      %dma_start3A_189 = tpu.memref_slice %arg15[%dma_start3A_188, %dma_start3A_179] : memref<32x133xf32, #tpu.memory_space<vmem>> -> memref<32x128xf32, #tpu.memory_space<vmem>>
      tpu.enqueue_dma source(%dma_start3A_189 : memref<32x128xf32, #tpu.memory_space<vmem>>) target(%dma_start3A_187 : memref<32x128xf32, #tpu.memory_space<hbm>>) target_semaphore(%arg21 : memref<!tpu.dma_semaphore, #tpu.memory_space<semaphore_mem>>)
      %dma_start3A_190 = arith.constant 0 : i32
      %dma_start3A_191 = arith.constant 0 : i32
      %dma_start3A_192 = tpu.memref_slice %arg17[%dma_start3A_191, %dma_start3A_190] : memref<32x133xf32, #tpu.memory_space<vmem>> -> memref<32x128xf32, #tpu.memory_space<vmem>>
      %dma_start3A_193 = arith.constant 0 : i32
      %dma_start3A_194 = tpu.memref_slice %arg6[%shift_right_logical3A_173, %dma_start3A_193, %add3A_178] : memref<50x32x16384xf32, #tpu.memory_space<hbm>> -> memref<1x32x128xf32, #tpu.memory_space<hbm>>
      %dma_start3A_195 = tpu.memref_squeeze %dma_start3A_194 : memref<1x32x128xf32, #tpu.memory_space<hbm>> -> memref<32x128xf32, #tpu.memory_space<hbm>>
      %dma_start3A_196 = arith.constant 0 : i32
      %dma_start3A_197 = tpu.memref_slice %arg6[%shift_right_logical3A_173, %dma_start3A_196, %add3A_178] : memref<50x32x16384xf32, #tpu.memory_space<hbm>> -> memref<1x32x128xf32, #tpu.memory_space<hbm>>
      %dma_start3A_198 = tpu.memref_squeeze %dma_start3A_197 : memref<1x32x128xf32, #tpu.memory_space<hbm>> -> memref<32x128xf32, #tpu.memory_space<hbm>>
      %dma_start3A_199 = arith.constant 0 : i32
      %dma_start3A_200 = tpu.memref_slice %arg17[%dma_start3A_199, %dma_start3A_190] : memref<32x133xf32, #tpu.memory_space<vmem>> -> memref<32x128xf32, #tpu.memory_space<vmem>>
      tpu.enqueue_dma source(%dma_start3A_200 : memref<32x128xf32, #tpu.memory_space<vmem>>) target(%dma_start3A_198 : memref<32x128xf32, #tpu.memory_space<hbm>>) target_semaphore(%arg21 : memref<!tpu.dma_semaphore, #tpu.memory_space<semaphore_mem>>)
    }
    %shift_right_logical3A_35 = arith.constant 198 : i32
    %shift_right_logical3A_36 = arith.constant 2 : i32
    %shift_right_logical3A_37 = arith.shrui %shift_right_logical3A_35, %shift_right_logical3A_36 : i32
    %and3A_38 = arith.constant 198 : i32
    %and3A_39 = arith.constant 3 : i32
    %and3A_40 = arith.andi %and3A_38, %and3A_39 : i32
    %mul3A_41 = arith.constant 128 : i32
    %mul3A_42 = arith.muli %and3A_40, %mul3A_41 : i32
    %add3A_43 = arith.addi %mul3A_2, %mul3A_42 : i32
    %dma_wait3A = arith.constant 0 : i32
    %dma_wait3A_44 = arith.constant 0 : i32
    %dma_wait3A_45 = tpu.memref_slice %arg14[%dma_wait3A_44, %dma_wait3A] : memref<32x133xf32, #tpu.memory_space<vmem>> -> memref<32x128xf32, #tpu.memory_space<vmem>>
    %dma_wait3A_46 = arith.constant 0 : i32
    %dma_wait3A_47 = tpu.memref_slice %arg5[%shift_right_logical3A_37, %dma_wait3A_46, %add3A_43] : memref<50x32x16384xf32, #tpu.memory_space<hbm>> -> memref<1x32x128xf32, #tpu.memory_space<hbm>>
    %dma_wait3A_48 = tpu.memref_squeeze %dma_wait3A_47 : memref<1x32x128xf32, #tpu.memory_space<hbm>> -> memref<32x128xf32, #tpu.memory_space<hbm>>
    %dma_wait3A_49 = arith.constant 0 : i32
    %dma_wait3A_50 = tpu.memref_slice %arg5[%shift_right_logical3A_37, %dma_wait3A_49, %add3A_43] : memref<50x32x16384xf32, #tpu.memory_space<hbm>> -> memref<1x32x128xf32, #tpu.memory_space<hbm>>
    %dma_wait3A_51 = tpu.memref_squeeze %dma_wait3A_50 : memref<1x32x128xf32, #tpu.memory_space<hbm>> -> memref<32x128xf32, #tpu.memory_space<hbm>>
    %dma_wait3A_52 = arith.constant 0 : i32
    %dma_wait3A_53 = tpu.memref_slice %arg14[%dma_wait3A_52, %dma_wait3A] : memref<32x133xf32, #tpu.memory_space<vmem>> -> memref<32x128xf32, #tpu.memory_space<vmem>>
    tpu.wait_dma2 semaphore(%arg20 : memref<!tpu.dma_semaphore, #tpu.memory_space<semaphore_mem>>) src(%dma_wait3A_53 : memref<32x128xf32, #tpu.memory_space<vmem>>) dst(%dma_wait3A_51 : memref<32x128xf32, #tpu.memory_space<hbm>>)
    %dma_wait3A_54 = arith.constant 0 : i32
    %dma_wait3A_55 = arith.constant 0 : i32
    %dma_wait3A_56 = tpu.memref_slice %arg16[%dma_wait3A_55, %dma_wait3A_54] : memref<32x133xf32, #tpu.memory_space<vmem>> -> memref<32x128xf32, #tpu.memory_space<vmem>>
    %dma_wait3A_57 = arith.constant 0 : i32
    %dma_wait3A_58 = tpu.memref_slice %arg6[%shift_right_logical3A_37, %dma_wait3A_57, %add3A_43] : memref<50x32x16384xf32, #tpu.memory_space<hbm>> -> memref<1x32x128xf32, #tpu.memory_space<hbm>>
    %dma_wait3A_59 = tpu.memref_squeeze %dma_wait3A_58 : memref<1x32x128xf32, #tpu.memory_space<hbm>> -> memref<32x128xf32, #tpu.memory_space<hbm>>
    %dma_wait3A_60 = arith.constant 0 : i32
    %dma_wait3A_61 = tpu.memref_slice %arg6[%shift_right_logical3A_37, %dma_wait3A_60, %add3A_43] : memref<50x32x16384xf32, #tpu.memory_space<hbm>> -> memref<1x32x128xf32, #tpu.memory_space<hbm>>
    %dma_wait3A_62 = tpu.memref_squeeze %dma_wait3A_61 : memref<1x32x128xf32, #tpu.memory_space<hbm>> -> memref<32x128xf32, #tpu.memory_space<hbm>>
    %dma_wait3A_63 = arith.constant 0 : i32
    %dma_wait3A_64 = tpu.memref_slice %arg16[%dma_wait3A_63, %dma_wait3A_54] : memref<32x133xf32, #tpu.memory_space<vmem>> -> memref<32x128xf32, #tpu.memory_space<vmem>>
    tpu.wait_dma2 semaphore(%arg20 : memref<!tpu.dma_semaphore, #tpu.memory_space<semaphore_mem>>) src(%dma_wait3A_64 : memref<32x128xf32, #tpu.memory_space<vmem>>) dst(%dma_wait3A_62 : memref<32x128xf32, #tpu.memory_space<hbm>>)
    %shift_right_logical3A_65 = arith.constant 199 : i32
    %shift_right_logical3A_66 = arith.constant 2 : i32
    %shift_right_logical3A_67 = arith.shrui %shift_right_logical3A_65, %shift_right_logical3A_66 : i32
    %and3A_68 = arith.constant 199 : i32
    %and3A_69 = arith.constant 3 : i32
    %and3A_70 = arith.andi %and3A_68, %and3A_69 : i32
    %mul3A_71 = arith.constant 128 : i32
    %mul3A_72 = arith.muli %and3A_70, %mul3A_71 : i32
    %add3A_73 = arith.addi %mul3A_2, %mul3A_72 : i32
    %dma_wait3A_74 = arith.constant 0 : i32
    %dma_wait3A_75 = arith.constant 0 : i32
    %dma_wait3A_76 = tpu.memref_slice %arg15[%dma_wait3A_75, %dma_wait3A_74] : memref<32x133xf32, #tpu.memory_space<vmem>> -> memref<32x128xf32, #tpu.memory_space<vmem>>
    %dma_wait3A_77 = arith.constant 0 : i32
    %dma_wait3A_78 = tpu.memref_slice %arg5[%shift_right_logical3A_67, %dma_wait3A_77, %add3A_73] : memref<50x32x16384xf32, #tpu.memory_space<hbm>> -> memref<1x32x128xf32, #tpu.memory_space<hbm>>
    %dma_wait3A_79 = tpu.memref_squeeze %dma_wait3A_78 : memref<1x32x128xf32, #tpu.memory_space<hbm>> -> memref<32x128xf32, #tpu.memory_space<hbm>>
    %dma_wait3A_80 = arith.constant 0 : i32
    %dma_wait3A_81 = tpu.memref_slice %arg5[%shift_right_logical3A_67, %dma_wait3A_80, %add3A_73] : memref<50x32x16384xf32, #tpu.memory_space<hbm>> -> memref<1x32x128xf32, #tpu.memory_space<hbm>>
    %dma_wait3A_82 = tpu.memref_squeeze %dma_wait3A_81 : memref<1x32x128xf32, #tpu.memory_space<hbm>> -> memref<32x128xf32, #tpu.memory_space<hbm>>
    %dma_wait3A_83 = arith.constant 0 : i32
    %dma_wait3A_84 = tpu.memref_slice %arg15[%dma_wait3A_83, %dma_wait3A_74] : memref<32x133xf32, #tpu.memory_space<vmem>> -> memref<32x128xf32, #tpu.memory_space<vmem>>
    tpu.wait_dma2 semaphore(%arg21 : memref<!tpu.dma_semaphore, #tpu.memory_space<semaphore_mem>>) src(%dma_wait3A_84 : memref<32x128xf32, #tpu.memory_space<vmem>>) dst(%dma_wait3A_82 : memref<32x128xf32, #tpu.memory_space<hbm>>)
    %dma_wait3A_85 = arith.constant 0 : i32
    %dma_wait3A_86 = arith.constant 0 : i32
    %dma_wait3A_87 = tpu.memref_slice %arg17[%dma_wait3A_86, %dma_wait3A_85] : memref<32x133xf32, #tpu.memory_space<vmem>> -> memref<32x128xf32, #tpu.memory_space<vmem>>
    %dma_wait3A_88 = arith.constant 0 : i32
    %dma_wait3A_89 = tpu.memref_slice %arg6[%shift_right_logical3A_67, %dma_wait3A_88, %add3A_73] : memref<50x32x16384xf32, #tpu.memory_space<hbm>> -> memref<1x32x128xf32, #tpu.memory_space<hbm>>
    %dma_wait3A_90 = tpu.memref_squeeze %dma_wait3A_89 : memref<1x32x128xf32, #tpu.memory_space<hbm>> -> memref<32x128xf32, #tpu.memory_space<hbm>>
    %dma_wait3A_91 = arith.constant 0 : i32
    %dma_wait3A_92 = tpu.memref_slice %arg6[%shift_right_logical3A_67, %dma_wait3A_91, %add3A_73] : memref<50x32x16384xf32, #tpu.memory_space<hbm>> -> memref<1x32x128xf32, #tpu.memory_space<hbm>>
    %dma_wait3A_93 = tpu.memref_squeeze %dma_wait3A_92 : memref<1x32x128xf32, #tpu.memory_space<hbm>> -> memref<32x128xf32, #tpu.memory_space<hbm>>
    %dma_wait3A_94 = arith.constant 0 : i32
    %dma_wait3A_95 = tpu.memref_slice %arg17[%dma_wait3A_94, %dma_wait3A_85] : memref<32x133xf32, #tpu.memory_space<vmem>> -> memref<32x128xf32, #tpu.memory_space<vmem>>
    tpu.wait_dma2 semaphore(%arg21 : memref<!tpu.dma_semaphore, #tpu.memory_space<semaphore_mem>>) src(%dma_wait3A_95 : memref<32x128xf32, #tpu.memory_space<vmem>>) dst(%dma_wait3A_93 : memref<32x128xf32, #tpu.memory_space<hbm>>)
    return
  }
}

</mosaic_0001>

<sc_bundles>
// kernel: kernel.4.cloned.1.call-start
scs
__scs_entry_jumppad:
0x0: {  	(pc) =	sbr.rel $0x88, $3  }
0x1: {  	(tag) =	ssettag $0x0;
	lr =	simm.s32 $0x1  }
0x2: {  	[smem:$0x3F9E] =	sst lr;
	_ =	strace $0xD0000000  }
0x3: {  	_ = 	snop  }
0x4: {  	_ = 	snop  }
0x5: {  	_ = 	snop  }
0x6: {  	_ = 	snop  }
0x7: {  	_ = 	snop  }
__scs_overlays_trampoline_lowered:
0x8: {  	[smem:$0x3FAD] =	sst s0  }
0x9: {  	[smem:$0x3FAE] =	sst s1  }
0xa: {  	[smem:$0x3FAF] =	sst s2  }
0xb: {  	[smem:$0x3FB0] =	sst s3  }
0xc: {  	[smem:$0x3FB1] =	sst s4  }
0xd: {  	[smem:$0x3FB2] =	sst s5  }
0xe: {  	[smem:$0x3FB3] =	sst s6  }
0xf: {  	[smem:$0x3FB4] =	sst s7  }
0x10: {  	[smem:$0x3FB5] =	sst s8  }
0x11: {  	[smem:$0x3FB6] =	sst s9;
	s0 =	simm.s32 @!p0 $0x0  }
0x12: {  	s1 =	sld [smem:$0x3F9C];
	s0 =	simm.s32 @p0 $0x1  }
0x13: {  	[smem:$0x3FB7] =	sst s0;
	s0 =	simm.s32 @!p1 $0x0  }
0x14: {  	s2 =	sld [smem:$0x3F9B];
	s0 =	simm.s32 @p1 $0x1  }
0x15: {  	[smem:$0x3FB8] =	sst s0;
	s0 =	simm.s32 @!p2 $0x0  }
0x16: {  	s3 =	sld [smem:$0x3FDB];
	s0 =	simm.s32 @p2 $0x1  }
0x17: {  	s4 =	simm.s32 $0x1BF5;
	[smem:$0x3FBA] =	sst s0  }
0x18: {  	s0 =	sld [smem:$0x3F9D];
	_ =	swait.ge [sflag:s4], $0x0  }
0x19: {  	s7 =	sld [smem:$0x3F9E]  }
0x1a: {  	s8 =	sadd.s32 $0xFFFFE003, lr  }
0x1b: {  	s9 =	sadd.s32 $0xFFFFFEF7, lr;
	s5 =	simm.s32 $0xFFFFFFFF;
	p2 =	slt.u32 s8, $0xFFFFF086  }
0x1c: {  	p1 =	slt.u32 s9, $0xF7A;
	s5 =	simm.s32 @!p2 $0x0  }
0x1d: {  	s5 =	simm.s32 @p1 $0x1;
	p0 =	seq.s32 s7, s2  }
0x1e: {  	s7 =	smul.u32 @!p0 $0xF7A, s2;
	p2 =	seq.s32 @!p0 s5, $0x0  }
0x1f: {  	s9 =	smul.u32 $0xF7A, s1;
	s8 =	simm.s32 @!p0 $0x1BF5;
	p2 =	por !p2, p0  }
0x20: {  	[sflag:s8] =	ssyncset.s32 @!p0 $0xFFFFF086;
	s6 =	sadd.s32 @!p0 s3, s7;
	s7 =	simm.s32 @!p0 $0x108  }
0x21: {  	s3 =	sadd.s32 s3, s9;
	s6 =	sadd.s32 @!p0 $0x88, s6;
	s7 =	simm.s32 @p2 $0x1082  }
0x22: {  	[simem:s7], [sflag:s8] =	dma.local @!p0 [hbm:s6], $0xF7A  }
0x23: {  	s9 =	sor.u32 $0xD0000000, s2;
	s6 =	simm.s32 $0x108;
	_ =	swait.ge @!p0 [sflag:s8], $0x0  }
0x24: {  	s3 =	sadd.s32 $0x88, s3;
	s6 =	simm.s32 @!p1 $0x1082;
	[sflag:s4] =	ssyncset.s32 $0xFFFFF086  }
0x25: {  	[simem:s6], [sflag:s4] =	dma.local [hbm:s3], $0xF7A  }
0x26: {  	[smem:$0x3F9E] =	sst s1;
	(tag) =	ssettag s2;
	_ =	strace s9  }
0x27: {  	s1 =	sld [smem:$0x3FAE]  }
0x28: {  	s2 =	sld [smem:$0x3FAF]  }
0x29: {  	s4 =	sld [smem:$0x3FB1]  }
0x2a: {  	p0 =	seq.s32 s5, $0x0;
	s5 =	sld [smem:$0x3FB2]  }
0x2b: {  	s6 =	sld [smem:$0x3FB3]  }
0x2c: {  	s7 =	sld [smem:$0x3FB4]  }
0x2d: {  	s3 =	simm.s32 $0x108;
	s8 =	sld [smem:$0x3FB5]  }
0x2e: {  	s3 =	simm.s32 @!p0 $0x1082;
	s9 =	sld [smem:$0x3FB6]  }
0x2f: {  	lr =	sadd.s32 s0, s3;
	s0 =	sld [smem:$0x3FAD]  }
0x30: {  	s3 =	sld [smem:$0x3FB0]  }
0x31: {  	[smem:$0x3FB9] =	sst s10  }
0x32: {  	s10 =	sld [smem:$0x3FB7];
	_ =	sdelay $0x3  }
0x33: {  	p0 =	seq.s32 s10, $0x1;
	s10 =	sld [smem:$0x3FB9];
	_ =	sdelay $0x3  }
0x34: {  	[smem:$0x3FB9] =	sst s10  }
0x35: {  	s10 =	sld [smem:$0x3FB8];
	_ =	sdelay $0x3  }
0x36: {  	p1 =	seq.s32 s10, $0x1;
	s10 =	sld [smem:$0x3FB9];
	_ =	sdelay $0x3  }
0x37: {  	[smem:$0x3FB9] =	sst s10  }
0x38: {  	s10 =	sld [smem:$0x3FBA]  }
0x39: {  	_ = 	snop;
	(pc) =	sbr.ind lr, $3  }
0x3a: {  	_ = 	snop  }
0x3b: {  	_ = 	snop  }
0x3c: {  	p2 =	seq.s32 s10, $0x1;
	s10 =	sld [smem:$0x3FB9]  }
0x3d: {  	_ =	shalt  }
0x3e: {  	_ =	shalt  }
0x3f: {  	_ =	shalt  }
0x40: {  	_ =	shalt  }
0x41: {  	_ =	shalt  }
0x42: {  	_ =	shalt  }
0x43: {  	_ =	shalt  }
0x44: {  	_ =	shalt  }
0x45: {  	_ =	shalt  }
0x46: {  	_ =	shalt  }
0x47: {  	_ =	shalt  }
0x48: {  	_ =	shalt  }
0x49: {  	_ =	shalt  }
0x4a: {  	_ =	shalt  }
0x4b: {  	_ =	shalt  }
0x4c: {  	_ =	shalt  }
0x4d: {  	_ =	shalt  }
0x4e: {  	_ =	shalt  }
0x4f: {  	_ =	shalt  }
0x50: {  	_ =	shalt  }
0x51: {  	_ =	shalt  }
0x52: {  	_ =	shalt  }
0x53: {  	_ =	shalt  }
0x54: {  	_ =	shalt  }
0x55: {  	_ =	shalt  }
0x56: {  	_ =	shalt  }
0x57: {  	_ =	shalt  }
0x58: {  	_ =	shalt  }
0x59: {  	_ =	shalt  }
0x5a: {  	_ =	shalt  }
0x5b: {  	_ =	shalt  }
0x5c: {  	_ =	shalt  }
0x5d: {  	_ =	shalt  }
0x5e: {  	_ =	shalt  }
0x5f: {  	_ =	shalt  }
0x60: {  	_ =	shalt  }
0x61: {  	_ =	shalt  }
0x62: {  	_ =	shalt  }
0x63: {  	_ =	shalt  }
0x64: {  	_ =	shalt  }
0x65: {  	_ =	shalt  }
0x66: {  	_ =	shalt  }
0x67: {  	_ =	shalt  }
0x68: {  	_ =	shalt  }
0x69: {  	_ =	shalt  }
0x6a: {  	_ =	shalt  }
0x6b: {  	_ =	shalt  }
0x6c: {  	_ =	shalt  }
0x6d: {  	_ =	shalt  }
0x6e: {  	_ =	shalt  }
0x6f: {  	_ =	shalt  }
0x70: {  	_ =	shalt  }
0x71: {  	_ =	shalt  }
0x72: {  	_ =	shalt  }
0x73: {  	_ =	shalt  }
0x74: {  	_ =	shalt  }
0x75: {  	_ =	shalt  }
0x76: {  	_ =	shalt  }
0x77: {  	_ =	shalt  }
0x78: {  	_ =	shalt  }
0x79: {  	_ =	shalt  }
0x7a: {  	_ =	shalt  }
0x7b: {  	_ =	shalt  }
0x7c: {  	_ =	shalt  }
0x7d: {  	_ =	shalt  }
0x7e: {  	_ =	shalt  }
0x7f: {  	_ =	shalt  }
0x80: {  	_ =	shalt  }
0x81: {  	_ =	shalt  }
0x82: {  	_ =	shalt  }
0x83: {  	_ =	shalt  }
0x84: {  	_ =	shalt  }
0x85: {  	_ =	shalt  }
0x86: {  	_ =	shalt  }
0x87: {  	_ =	shalt  }
.Lfunc_end0:
.L_simem_size_0:
called_computation_lowered:
.L_overlay_start_0:
0x88: {  	s2 =	sld [smem:$0x3FD9]  }
0x89: {  	s3 =	sld [smem:$0x3FFE];
	_ =	sdelay $0x1  }
0x8a: {  	s1 =	srdreg.scid  }
0x8b: {  	s0 =	sand.u32 $0x1, s1  }
0x8c: {  	s17 =	sshll.u32 s0, $0xA;
	s2 =	sadd.s32 s3, s2  }
0x8d: {  	s2 =	sadd.s32 s2, s17  }
0x8e: {  	[smem:$0x3FC5] =	sst s2  }
0x8f: {  	_ = 	snop  }
0x90: {  	s2 =	sld [smem:$0x3FC8]  }
0x91: {  	s18 =	sld [smem:$0x3FC7]  }
0x92: {  	s4 =	sld [smem:$0x3FD0];
	(tm) =	ssettm $0x1  }
0x93: {  	s5 =	sld [smem:$0x3FFB];
	_ =	sdelay $0x3  }
0x94: {  	_ =	strace s5  }
0x95: {  	s5 =	sld [smem:$0x3FFC];
	_ =	sdelay $0x3  }
0x96: {  	_ =	strace s5  }
0x97: {  	s5 =	sld [smem:$0x3FFD];
	_ =	sdelay $0x3  }
0x98: {  	_ =	strace s5  }
0x99: {  	_ =	strace $0x8FFFFFFF  }
0x9a: {  	s19 =	sld [smem:$0x3FDB];
	_ =	sdelay $0x1  }
0x9b: {  	s6 =	simm.s32 $_scs_section_size  }
0x9c: {  	s7 =	simm.s32 $_size__tile_overlayer_lowered;
	s8 =	simm.s32 $_tile_overlayer_lowered  }
0x9d: {  	s22 =	simm.s32 $0x1BFF;
	s21 =	sshll.u32 s8, $0x1;
	s5 =	sadd.s32 s6, s19  }
0x9e: {  	s9 =	simm.s32 $0x0;
	s20 =	sshll.u32 s7, $0x1;
	s7 =	sadd.s32 s21, s5  }
0x9f: {  	[timem:s9], [sflag:s22] =	dma.local [hbm:s7], s20  }
0xa0: {  	_ =	swait.ge [sflag:s22], s20  }
0xa1: {  	s6 =	ssub.s32 $0x0, s20;
	[sflag:s22] =	ssyncset.done $0x0  }
0xa2: {  	[sflag:s22] =	ssyncadd.s32 s6;
	_ =	sdelay $0x1  }
0xa3: {  	s23 =	simm.s32 $0x1B8B  }
0xa4: {  	_ =	swait.ge [sflag:s23], $0x1  }
0xa5: {  	[sflag:s23] =	ssyncset.done $0x0  }
0xa6: {  	s25 =	simm.s32 $0x1B8E;
	s24 =	sld [smem:$0x3FFE];
	[sflag:s23] =	ssyncadd.s32 $0xFFFFFFFF  }
0xa7: {  	s26 =	simm.s32 $execute0_lowered;
	[smem:$0x3FD2] =	sst s25  }
0xa8: {  	s7 =	sshll.u32 s26, $0x1;
	_ =	strace $0x80000046;
	[dreg:$0x1] =	wrdreg $0xFFFFFFFF  }
0xa9: {  	s28 =	simm.s32 $_size_execute0_lowered;
	s5 =	sadd.s32 s5, s7;
	[dreg:$0x0] =	wrdreg $0x0  }
0xaa: {  	s7 =	sshll.u32 s28, $0x1;
	[dreg:$0x2] =	wrdreg s5  }
0xab: {  	[dreg:$0x3] =	wrdreg s7  }
0xac: {  	[dreg:$0x4] =	wrdreg $0xC0  }
0xad: {  	_ =	task [dreg:s9], $0x5FFFF  }
0xae: {  	[dreg:$0x1] =	wrdreg $0xFFFFFFFF  }
0xaf: {  	[dreg:$0x0] =	wrdreg $0x60  }
0xb0: {  	[dreg:$0x2] =	wrdreg s2  }
0xb1: {  	[dreg:$0x3] =	wrdreg s18  }
0xb2: {  	[dreg:$0x4] =	wrdreg s24  }
0xb3: {  	[dreg:$0x5] =	wrdreg s4  }
0xb4: {  	[dreg:$0x6] =	wrdreg $0x9  }
0xb5: {  	_ =	task.clear_ibuf [dreg:s9], $0x7FFFF;
	_ =	strace $0x90000046  }
0xb6: {  	s29 =	simm.s32 $0x9;
	_ =	strace $0x80000048  }
0xb7: {  	_ =	swait.ge [sflag:s29], $0x1  }
0xb8: {  	[sflag:s29] =	ssyncadd.s32 $0xFFFFFFFF  }
0xb9: {  	_ =	strace $0x90000048  }
0xba: {  	_ =	sfence  }
0xbb: {  	s30 =	sld [smem:$0x0];
	_ =	sdelay $0x2  }
0xbc: {  	s31 =	sshll.u32 s1, $0xD;
	s1 =	sshrl.u32 s1, $0x2  }
0xbd: {  	s3 =	sand.u32 $0x4000, s31;
	s1 =	sadd.s32 s1, s30  }
0xbe: {  	s0 =	sor.u32 s3, s0;
	s1 =	sshll.u32 s1, $0x11  }
0xbf: {  	s0 =	sor.u32 s1, s0  }
0xc0: {  	s0 =	sadd.s32 $0x8F2B, s0  }
0xc1: {  	[sflag:s0] =	ssyncadd.remote.s32 $0x1  }
0xc2: {  	_ =	sfence.sel $0xFFFF  }
0xc3: {  	[dreg:$0x0] =	wrdreg $0xFFFFFFFF;
	(pc) =	sbr.abs _section_cstart, $3  }
0xc4: {  	[dreg:$0x1] =	wrdreg $0xFFFFFFFF  }
0xc5: {  	_ =	task.clear_ibuf [dreg:s9], $0x2FFFF;
	_ =	strace $0x9FFFFFFF  }
0xc6: {  	(tm) =	ssettm $0x7FFFFFFF  }
0xc7: {  	_ =	shalt  }
tec
execute0_lowered:
.L_overlay_start_1:
0x0: {  	(tag) =	ssettag $0x1  }
0x1: {  	s4 =	rddreg [dreg:$0x0]  }
0x2: {  	s6 =	rddreg [dreg:$0x1]  }
0x3: {  	s0 =	rddreg [dreg:$0x2]  }
0x4: {  	s7 =	rddreg [dreg:$0x3];
	s5 =	simm.s32 $0x0  }
0x5: {  	s1 =	srdreg.scid;
	[smem:$0x7FF] =	sst s5;
	s3 =	sadd.s32 $0x1000, s0  }
0x6: {  	s30 =	sadd.s32 $0x1200, s0;
	_ =	strace $0x80000047;
	[dreg:$0x5] =	wrdreg s3  }
0x7: {  	s2 =	stileid.u32;
	s9 =	sadd.s32 $0x1400, s0;
	[dreg:$0x7] =	wrdreg s30  }
0x8: {  	s1 =	sand.u32 $0x1, s1;
	s16 =	sadd.s32 $0x3D0800, s7;
	[dreg:$0x8] =	wrdreg s9  }
0x9: {  	s2 =	sshll.u32 s2, $0x1;
	s0 =	sadd.s32 $0x3D1C00, s0;
	[dreg:$0x11] =	wrdreg s16  }
0xa: {  	s8 =	sor.u32 s1, s2;
	[dreg:$0x12] =	wrdreg s0  }
0xb: {  	s12 =	sor.u32 $0x40, s8;
	[dreg:$0x6] =	wrdreg s8  }
0xc: {  	s29 =	ssub.s32 $0x2, s1;
	s13 =	sor.u32 $0x20, s8;
	[dreg:$0xd] =	wrdreg s12  }
0xd: {  	s31 =	sshrl.u32 s29, $0x1;
	s14 =	sor.u32 $0x60, s8;
	[dreg:$0xe] =	wrdreg s13  }
0xe: {  	s2 =	sshll.u32 s8, $0x7;
	s15 =	sor.u32 $0x80, s8;
	[dreg:$0xf] =	wrdreg s14  }
0xf: {  	s1 =	ssub.s32 s29, s31;
	s11 =	sadd.s32 s4, s2;
	[dreg:$0x10] =	wrdreg s15  }
0x10: {  	s10 =	sor.u32 $0x1000, s2;
	s2 =	sadd.s32 s6, s2;
	[dreg:$0x9] =	wrdreg s11  }
0x11: {  	v0 =	vimm.s32 $0xB80;
	vm0 =	vcmask $0x300;
	v1 =	vimm.s32 $0x1B80;
	s17 =	smax.u32 s1, $0x1;
	[dreg:$0xa] =	wrdreg s2  }
0x12: {  	vm1 =	vcmask $0x704;
	v0 =	vsel vm0, $0x0, v0;
	v1 =	vsel vm0, $0x1000, v1;
	s18 =	sadd.s32 $0xF4280, s11;
	[dreg:$0x13] =	wrdreg s17  }
0x13: {  	vm2 =	vcmask $0xB08;
	v0 =	vsel vm1, $0x80, v0;
	v1 =	vsel vm1, $0x1080, v1;
	s19 =	sadd.s32 $0x1E8500, s11;
	[dreg:$0x14] =	wrdreg s18  }
0x14: {  	vm4 =	vcmask $0xF0C;
	v0 =	vsel vm2, $0x100, v0;
	v1 =	vsel vm2, $0x1100, v1;
	s20 =	sadd.s32 $0xF4280, s2;
	[dreg:$0x15] =	wrdreg s19  }
0x15: {  	vm5 =	vcmask $0x1310;
	v0 =	vsel vm4, $0x180, v0;
	v1 =	vsel vm4, $0x1180, v1;
	s21 =	sadd.s32 $0x1E8500, s2;
	[dreg:$0x16] =	wrdreg s20  }
0x16: {  	vm6 =	vcmask $0x1714;
	s22 =	sadd.s32 $0x2DC780, s11;
	v0 =	vsel vm5, $0x200, v0;
	v1 =	vsel vm5, $0x1200, v1;
	[dreg:$0x17] =	wrdreg s21  }
0x17: {  	vm7 =	vcmask $0x1B18;
	s23 =	sadd.s32 $0x2DC780, s2;
	[dreg:$0x18] =	wrdreg s22;
	v0 =	vsel vm6, $0x280, v0;
	v1 =	vsel vm6, $0x1280, v1  }
0x18: {  	vm8 =	vcmask $0x1F1C;
	s4 =	sadd.s32 s4, s10;
	[dreg:$0x19] =	wrdreg s23;
	v0 =	vsel vm7, $0x300, v0;
	v1 =	vsel vm7, $0x1300, v1  }
0x19: {  	vm9 =	vcmask $0x2320;
	s28 =	simm.s32 $0xA000;
	s3 =	sadd.s32 s6, s10;
	[dreg:$0xb] =	wrdreg s4;
	v0 =	vsel vm8, $0x380, v0;
	v1 =	vsel vm8, $0x1380, v1  }
0x1a: {  	vm10 =	vcmask $0x2724;
	p0 =	sne.s32 s8, $0x1F;
	s24 =	sadd.s32 $0xF4280, s4;
	[dreg:$0xc] =	wrdreg s3;
	v0 =	vsel vm9, $0x800, v0;
	v1 =	vsel vm9, $0x1800, v1  }
0x1b: {  	vm11 =	vcmask $0x2B28;
	s6 =	simm.s32 $0x6000;
	s25 =	sadd.s32 $0x1E8500, s4;
	[dreg:$0x1a] =	wrdreg s24;
	v0 =	vsel vm10, $0x880, v0;
	v1 =	vsel vm10, $0x1880, v1  }
.Ltmp0:
0x1c: {  	vm12 =	vcmask $0x2F2C;
	s26 =	sadd.s32 $0xF4280, s3;
	[dreg:$0x1b] =	wrdreg s25;
	v0 =	vsel vm11, $0x900, v0;
	v1 =	vsel vm11, $0x1900, v1;
	(pc) =	sbr.rel .LBB2_1-.Ltmp0, $4  }
0x1d: {  	vm13 =	vcmask $0x3330;
	s2 =	simm.s32 $0x2000;
	s29 =	sadd.s32 $0x2DC780, s4;
	[dreg:$0x1c] =	wrdreg s26;
	v0 =	vsel vm12, $0x980, v0;
	v1 =	vsel vm12, $0x1980, v1  }
0x1e: {  	vm14 =	vcmask $0x3734;
	s1 =	simm.s32 $0x0;
	s30 =	sadd.s32 $0x1E8500, s3;
	[dreg:$0x1d] =	wrdreg s29;
	v0 =	vsel vm13, $0xA00, v0;
	v1 =	vsel vm13, $0x1A00, v1  }
0x1f: {  	vm15 =	vcmask $0x3B38;
	s31 =	sadd.s32 $0x2DC780, s3;
	s3 =	simm.s32 $0x8000;
	[dreg:$0x1e] =	wrdreg s30;
	v0 =	vsel vm14, $0xA80, v0;
	v1 =	vsel vm14, $0x1A80, v1  }
0x20: {  	s18 =	simm.s32 $0x1;
	[dreg:$0x1f] =	wrdreg s31;
	s26 =	simm.s32 $0xC000;
	v0 =	vsel vm15, $0xB00, v0;
	v1 =	vsel vm15, $0x1B00, v1  }
.LBB2_13:
0x21: {  	s0 =	simm.s32 $0x4  }
0x22: {  	_ =	swait.ge [sflag:s0], $0x1000  }
0x23: {  	[sflag:s0] =	ssyncset.done $0x0  }
0x24: {  	[sflag:s0] =	ssyncadd.s32 $0xFFFFF000  }
0x25: {  	_ =	swait.ge [sflag:s0], $0x1000  }
0x26: {  	[sflag:s0] =	ssyncset.done $0x0  }
0x27: {  	s25 =	simm.s32 $0x5;
	[sflag:s0] =	ssyncadd.s32 $0xFFFFF000  }
0x28: {  	_ =	swait.ge [sflag:s25], $0x1000  }
0x29: {  	[sflag:s25] =	ssyncset.done $0x0  }
0x2a: {  	[sflag:s25] =	ssyncadd.s32 $0xFFFFF000  }
0x2b: {  	_ =	swait.ge [sflag:s25], $0x1000  }
0x2c: {  	[sflag:s25] =	ssyncset.done $0x0  }
0x2d: {  	s29 =	simm.s32 $0x6;
	[sflag:s25] =	ssyncadd.s32 $0xFFFFF000  }
0x2e: {  	_ =	swait.ge [sflag:s29], $0x1000  }
0x2f: {  	[sflag:s29] =	ssyncset.done $0x0  }
0x30: {  	[sflag:s29] =	ssyncadd.s32 $0xFFFFF000  }
0x31: {  	_ =	swait.ge [sflag:s29], $0x1000  }
0x32: {  	s1 =	simm.s32 @!p0 $0xC000;
	[sflag:s29] =	ssyncset.done $0x0  }
0x33: {  	s0 =	simm.s32 @!p0 $0x0;
	s2 =	rddreg [dreg:$0x5];
	[sflag:s29] =	ssyncadd.s32 $0xFFFFF000  }
0x34: {  	[tilespmem:s1], [sflag:$0x7] =	stream.linear.gather @!p0 [hbm4b:s2+s0], $0x800, $0x38;
	[tilespmem:$0x12000] =	vst v63  }
0x35: {  	s2 =	simm.s32 @!p0 $0x7  }
0x36: {  	_ =	swait.ge @!p0 [sflag:s2], $0x800  }
0x37: {  	[sflag:s2] =	ssyncset.done @!p0 $0x0  }
0x38: {  	s3 =	rddreg [dreg:$0x11];
	[sflag:s2] =	ssyncadd.s32 @!p0 $0xFFFFF800  }
0x39: {  	[hbm4b:s3+s0] =	stream.linear.scatter @!p0 [tilespmem:s1], [sflag:$0x7], $0x800, $0x38;
	[tilespmem:$0x12000] =	vst v63  }
0x3a: {  	_ =	swait.ge @!p0 [sflag:s2], $0x800  }
0x3b: {  	[sflag:s2] =	ssyncset.done @!p0 $0x0  }
0x3c: {  	s1 =	simm.s32 @!p0 $0xF000;
	s3 =	rddreg [dreg:$0x7];
	[sflag:s2] =	ssyncadd.s32 @!p0 $0xFFFFF800  }
0x3d: {  	[tilespmem:s1], [sflag:$0x7] =	stream.linear.gather @!p0 [hbm4b:s3+s0], $0x800, $0x38;
	[tilespmem:$0x12000] =	vst v63  }
0x3e: {  	_ =	swait.ge @!p0 [sflag:s2], $0x800  }
0x3f: {  	[sflag:s2] =	ssyncset.done @!p0 $0x0  }
0x40: {  	s3 =	rddreg [dreg:$0x12];
	[sflag:s2] =	ssyncadd.s32 @!p0 $0xFFFFF800  }
0x41: {  	[hbm4b:s3+s0] =	stream.linear.scatter @!p0 [tilespmem:s1], [sflag:$0x7], $0x800, $0x38;
	[tilespmem:$0x12000] =	vst v63  }
0x42: {  	_ =	swait.ge @!p0 [sflag:s2], $0x800  }
0x43: {  	s30 =	sld [smem:$0x7FD];
	_ =	sdelay $0x2  }
0x44: {  	s31 =	rddreg [dreg:$0x13];
	s1 =	sadd.s32 $0x1, s30  }
0x45: {  	p1 =	sne.s32 s1, s31  }
.Ltmp1:
0x46: {  	_ = 	snop;
	(pc) =	sbr.rel @!p1 .LBB2_14-.Ltmp1, $3  }
0x47: {  	_ =	sdelay $0x1  }
0x48: {  	[sflag:s2] =	ssyncset.done @!p0 $0x0  }
0x49: {  	s3 =	simm.s32 $0x8000;
	[sflag:s2] =	ssyncadd.s32 @!p0 $0xFFFFF800;
	s2 =	simm.s32 $0x2000  }
.LBB2_1:
0x4a: {  	[smem:$0x7FD] =	sst s1  }
0x4b: {  	s0 =	rddreg [dreg:$0x9]  }
0x4c: {  	[tilespmem:s5], [sflag:$0x1] =	stream.linear.gather [hbm4b:s0+s5], $0x400, $0x38;
	[tilespmem:$0x12000] =	vst v63  }
0x4d: {  	s25 =	rddreg [dreg:$0x14];
	s29 =	simm.s32 $0x800  }
0x4e: {  	[tilespmem:s29], [sflag:$0x1] =	stream.linear.gather [hbm4b:s25+s5], $0x400, $0x38;
	[tilespmem:$0x12000] =	vst v63  }
0x4f: {  	s30 =	rddreg [dreg:$0x15];
	s31 =	simm.s32 $0x1000  }
0x50: {  	[tilespmem:s31], [sflag:$0x1] =	stream.linear.gather [hbm4b:s30+s5], $0x400, $0x38;
	[tilespmem:$0x12000] =	vst v63  }
0x51: {  	s1 =	rddreg [dreg:$0x18];
	s4 =	simm.s32 $0x1800  }
0x52: {  	[tilespmem:s4], [sflag:$0x1] =	stream.linear.gather [hbm4b:s1+s5], $0x400, $0x38;
	[tilespmem:$0x12000] =	vst v63  }
0x53: {  	s7 =	rddreg [dreg:$0xa]  }
0x54: {  	[tilespmem:s6], [sflag:$0x1] =	stream.linear.gather [hbm4b:s7+s5], $0x400, $0x38;
	[tilespmem:$0x12000] =	vst v63  }
0x55: {  	s8 =	rddreg [dreg:$0x16];
	s9 =	simm.s32 $0x6800  }
0x56: {  	[tilespmem:s9], [sflag:$0x1] =	stream.linear.gather [hbm4b:s8+s5], $0x400, $0x38;
	[tilespmem:$0x12000] =	vst v63  }
0x57: {  	s10 =	rddreg [dreg:$0x17];
	s11 =	simm.s32 $0x7000  }
0x58: {  	[tilespmem:s11], [sflag:$0x1] =	stream.linear.gather [hbm4b:s10+s5], $0x400, $0x38;
	[tilespmem:$0x12000] =	vst v63  }
0x59: {  	s12 =	rddreg [dreg:$0x19];
	s13 =	simm.s32 $0x7800  }
0x5a: {  	[tilespmem:s13], [sflag:$0x1] =	stream.linear.gather [hbm4b:s12+s5], $0x400, $0x38;
	[tilespmem:$0x12000] =	vst v63  }
0x5b: {  	s14 =	rddreg [dreg:$0xb]  }
0x5c: {  	[tilespmem:s2], [sflag:$0x2] =	stream.linear.gather [hbm4b:s14+s5], $0x400, $0x38;
	[tilespmem:$0x12000] =	vst v63  }
0x5d: {  	s15 =	rddreg [dreg:$0x1a];
	s16 =	simm.s32 $0x2800  }
0x5e: {  	[tilespmem:s16], [sflag:$0x2] =	stream.linear.gather [hbm4b:s15+s5], $0x400, $0x38;
	[tilespmem:$0x12000] =	vst v63  }
0x5f: {  	s17 =	rddreg [dreg:$0x1b];
	s19 =	simm.s32 $0x3000  }
0x60: {  	[tilespmem:s19], [sflag:$0x2] =	stream.linear.gather [hbm4b:s17+s5], $0x400, $0x38;
	[tilespmem:$0x12000] =	vst v63  }
0x61: {  	s20 =	rddreg [dreg:$0x1d];
	s21 =	simm.s32 $0x3800  }
0x62: {  	[tilespmem:s21], [sflag:$0x2] =	stream.linear.gather [hbm4b:s20+s5], $0x400, $0x38;
	[tilespmem:$0x12000] =	vst v63  }
0x63: {  	s22 =	rddreg [dreg:$0xc]  }
0x64: {  	[tilespmem:s3], [sflag:$0x2] =	stream.linear.gather [hbm4b:s22+s5], $0x400, $0x38;
	[tilespmem:$0x12000] =	vst v63  }
0x65: {  	s23 =	rddreg [dreg:$0x1c];
	s24 =	simm.s32 $0x8800  }
0x66: {  	[tilespmem:s24], [sflag:$0x2] =	stream.linear.gather [hbm4b:s23+s5], $0x400, $0x38;
	[tilespmem:$0x12000] =	vst v63  }
.Ltmp2:
0x67: {  	_ = 	snop;
	(pc) =	sbr.rel .LBB2_2-.Ltmp2, $4  }
0x68: {  	s25 =	rddreg [dreg:$0x1e];
	s29 =	simm.s32 $0x9000  }
0x69: {  	[tilespmem:s29], [sflag:$0x2] =	stream.linear.gather [hbm4b:s25+s5], $0x400, $0x38;
	[tilespmem:$0x12000] =	vst v63  }
0x6a: {  	s30 =	rddreg [dreg:$0x1f];
	s31 =	simm.s32 $0x9800;
	s7 =	simm.s32 $0x0  }
0x6b: {  	[tilespmem:s31], [sflag:$0x2] =	stream.linear.gather [hbm4b:s30+s5], $0x400, $0x38;
	[tilespmem:$0x12000] =	vst v63  }
.LBB2_12:
0x6c: {  	s7 =	sld [smem:$0x7FA];
	_ =	sdelay $0x2  }
0x6d: {  	s7 =	sadd.s32 $0x1, s7  }
0x6e: {  	p1 =	sne.s32 s7, $0x52  }
.Ltmp3:
0x6f: {  	_ = 	snop;
	(pc) =	sbr.rel @!p1 .LBB2_13-.Ltmp3, $1  }
0x70: {  	_ =	sdelay $0x3  }
.LBB2_2:
0x71: {  	_ =	swait.ge [sflag:s18], $0x1000  }
0x72: {  	[sflag:s18] =	ssyncset.done $0x0  }
0x73: {  	[sflag:s18] =	ssyncadd.s32 $0xFFFFF000  }
0x74: {  	s24 =	smul.u32 $0x60, s7;
	_ =	swait.ge [sflag:s18], $0x1000  }
0x75: {  	s0 =	rddreg [dreg:$0xd]  }
0x76: {  	[sflag:s18] =	ssyncset.done $0x0;
	s0 =	sadd.s32 s0, s24  }
0x77: {  	[sflag:s18] =	ssyncadd.s32 $0xFFFFF000;
	p2 =	sgt.u32 s0, $0x1E83;
	[smem:$0x7F9] =	sst s0  }
0x78: {  	s1 =	rddreg [dreg:$0x0];
	s0 =	sshll.u32 @!p2 s0, $0x7  }
0x79: {  	s2 =	simm.s32 @!p2 $0x0;
	s3 =	simm.s32 @!p2 $0x4000;
	s1 =	sadd.s32 @!p2 s1, s0  }
0x7a: {  	[tilespmem:s3], [sflag:$0x3] =	stream.linear.gather @!p2 [hbm4b:s1+s2], $0x400, $0x38;
	[tilespmem:$0x12000] =	vst v63  }
0x7b: {  	s4 =	simm.s32 @!p2 $0x4800;
	s3 =	sadd.s32 @!p2 $0xF4280, s1  }
0x7c: {  	[tilespmem:s4], [sflag:$0x3] =	stream.linear.gather @!p2 [hbm4b:s3+s2], $0x400, $0x38;
	[tilespmem:$0x12000] =	vst v63  }
0x7d: {  	s3 =	sadd.s32 @!p2 $0x1E8500, s1;
	s4 =	simm.s32 @!p2 $0x5000  }
0x7e: {  	[tilespmem:s4], [sflag:$0x3] =	stream.linear.gather @!p2 [hbm4b:s3+s2], $0x400, $0x38;
	[tilespmem:$0x12000] =	vst v63  }
0x7f: {  	s1 =	sadd.s32 @!p2 $0x2DC780, s1;
	s3 =	simm.s32 @!p2 $0x5800  }
0x80: {  	[tilespmem:s3], [sflag:$0x3] =	stream.linear.gather @!p2 [hbm4b:s1+s2], $0x400, $0x38;
	[tilespmem:$0x12000] =	vst v63  }
0x81: {  	s1 =	rddreg [dreg:$0x1]  }
0x82: {  	s0 =	sadd.s32 @!p2 s1, s0;
	s1 =	simm.s32 @!p2 $0xA000  }
0x83: {  	[tilespmem:s1], [sflag:$0x3] =	stream.linear.gather @!p2 [hbm4b:s0+s2], $0x400, $0x38;
	[tilespmem:$0x12000] =	vst v63  }
0x84: {  	s3 =	simm.s32 @!p2 $0xA800;
	s1 =	sadd.s32 @!p2 $0xF4280, s0  }
0x85: {  	[tilespmem:s3], [sflag:$0x3] =	stream.linear.gather @!p2 [hbm4b:s1+s2], $0x400, $0x38;
	[tilespmem:$0x12000] =	vst v63  }
0x86: {  	s1 =	sadd.s32 @!p2 $0x1E8500, s0;
	s3 =	simm.s32 @!p2 $0xB000  }
0x87: {  	[tilespmem:s3], [sflag:$0x3] =	stream.linear.gather @!p2 [hbm4b:s1+s2], $0x400, $0x38;
	[tilespmem:$0x12000] =	vst v63  }
0x88: {  	p1 =	seq.s32 s7, $0x0;
	s0 =	sadd.s32 @!p2 $0x2DC780, s0;
	s1 =	simm.s32 @!p2 $0xB800  }
0x89: {  	[tilespmem:s1], [sflag:$0x3] =	stream.linear.gather @!p2 [hbm4b:s0+s2], $0x400, $0x38;
	[tilespmem:$0x12000] =	vst v63  }
0x8a: {  	[smem:$0x7FA] =	sst s7;
	s1 =	simm.s32 @!p1 $0x4  }
0x8b: {  	s20 =	simm.s32 $0x0;
	_ =	swait.ge @!p1 [sflag:s1], $0x1000  }
0x8c: {  	s21 =	simm.s32 $0x1;
	v4 =	vor.u32 s20, v0;
	[sflag:s1] =	ssyncset.done @!p1 $0x0  }
0x8d: {  	s22 =	simm.s32 $0x2;
	v3 =	vor.u32 s21, v0;
	[sflag:s1] =	ssyncadd.s32 @!p1 $0xFFFFF000  }
0x8e: {  	s23 =	simm.s32 $0x3;
	v5 =	vor.u32 s22, v0;
	_ =	swait.ge @!p1 [sflag:s1], $0x1000  }
0x8f: {  	s8 =	simm.s32 $0x4;
	v6 =	vor.u32 s23, v0;
	[sflag:s1] =	ssyncset.done @!p1 $0x0  }
0x90: {  	s25 =	simm.s32 $0x5;
	v7 =	vor.u32 s8, v0;
	[sflag:s1] =	ssyncadd.s32 @!p1 $0xFFFFF000  }
0x91: {  	s9 =	simm.s32 $0x6;
	v9 =	vor.u32 s25, v0;
	v8 =	vld.idx.msk [tilespmem:v4+s5+$0x0], $0xffff  }
0x92: {  	s10 =	simm.s32 $0x7;
	v10 =	vor.u32 s9, v0;
	v2 =	vld.idx.msk [tilespmem:v3+s5+$0x0], $0xffff  }
0x93: {  	s31 =	simm.s32 $0xF;
	v12 =	vor.u32 s10, v0;
	v11 =	vld.idx.msk [tilespmem:v5+s5+$0x0], $0xffff  }
0x94: {  	s11 =	simm.s32 $0x8;
	v16 =	vor.u32 s31, v0;
	v13 =	vld.idx.msk [tilespmem:v6+s5+$0x0], $0xffff  }
0x95: {  	s12 =	simm.s32 $0x9;
	v14 =	vor.u32 s11, v0;
	v15 =	vld.idx.msk [tilespmem:v7+s5+$0x0], $0xffff  }
0x96: {  	s13 =	simm.s32 $0xA;
	v18 =	vor.u32 s12, v0;
	v17 =	vld.idx.msk [tilespmem:v9+s5+$0x0], $0xffff  }
0x97: {  	s14 =	simm.s32 $0xB;
	v20 =	vor.u32 s13, v0;
	v19 =	vld.idx.msk [tilespmem:v10+s5+$0x0], $0xffff  }
0x98: {  	s15 =	simm.s32 $0xC;
	v22 =	vor.u32 s14, v0;
	v21 =	vld.idx.msk [tilespmem:v12+s5+$0x0], $0xffff  }
0x99: {  	s16 =	simm.s32 $0xD;
	v24 =	vor.u32 s15, v0;
	v26 =	vld.idx.msk [tilespmem:v16+s5+$0x0], $0xffff  }
0x9a: {  	s17 =	simm.s32 $0xE;
	v25 =	vor.u32 s16, v0;
	v23 =	vld.idx.msk [tilespmem:v14+s5+$0x0], $0xffff  }
0x9b: {  	v28 =	vor.u32 s17, v0;
	v27 =	vld.idx.msk [tilespmem:v18+s5+$0x0], $0xffff  }
0x9c: {  	v30 =	vor.u32 s31, v1;
	v29 =	vld.idx.msk [tilespmem:v20+s5+$0x0], $0xffff  }
0x9d: {  	v31 =	vor.u32 s21, v1;
	s4 =	simm.s32 $0xC100;
	v32 =	vld.idx.msk [tilespmem:v22+s5+$0x0], $0xffff  }
0x9e: {  	v33 =	vor.u32 s22, v1;
	v34 =	vld.idx.msk [tilespmem:v24+s5+$0x0], $0xffff;
	[tilespmem:s4+$0xE0] =	vst v26  }
0x9f: {  	v35 =	vor.u32 s23, v1;
	v36 =	vld.idx.msk [tilespmem:v25+s5+$0x0], $0xffff;
	[tilespmem:s4+$0xFFFFFF20] =	vst v2  }
0xa0: {  	v37 =	vor.u32 s8, v1;
	v38 =	vld.idx.msk [tilespmem:v28+s5+$0x0], $0xffff;
	[tilespmem:s4+$0xFFFFFF40] =	vst v11  }
0xa1: {  	v44 =	vor.u32 s13, v1;
	[tilespmem:s4+$0xFFFFFF60] =	vst v13;
	v2 =	vld.idx.msk [tilespmem:v30+s5+$0x0], $0xffff  }
0xa2: {  	v59 =	vor.u32 s16, v1;
	[tilespmem:s4+$0xFFFFFF80] =	vst v15;
	v39 =	vld.idx.msk [tilespmem:v31+s5+$0x0], $0xffff  }
0xa3: {  	v60 =	vor.u32 s17, v1;
	[tilespmem:s4+$0xFFFFFFA0] =	vst v17;
	v40 =	vld.idx.msk [tilespmem:v33+s5+$0x0], $0xffff  }
0xa4: {  	v47 =	vor.u32 s20, v1;
	[tilespmem:s4+$0xFFFFFFC0] =	vst v19;
	v13 =	vld.idx.msk [tilespmem:v35+s5+$0x0], $0xffff  }
0xa5: {  	v26 =	vor.u32 s25, v1;
	[tilespmem:s4+$0x40] =	vst v29;
	v41 =	vld.idx.msk [tilespmem:v37+s5+$0x0], $0xffff  }
0xa6: {  	v11 =	vor.u32 s9, v1;
	[tilespmem:s4+$0xA0] =	vst v36;
	v46 =	vld.idx.msk [tilespmem:v44+s5+$0x0], $0xffff  }
0xa7: {  	v17 =	vor.u32 s11, v1;
	[tilespmem:s4+$0xC0] =	vst v38;
	v36 =	vld.idx.msk [tilespmem:v59+s5+$0x0], $0xffff  }
0xa8: {  	v19 =	vor.u32 s12, v1;
	[tilespmem:s4+$0xFFFFFF00] =	vst v8;
	v8 =	vld.idx.msk [tilespmem:v60+s5+$0x0], $0xffff  }
0xa9: {  	[tilespmem:s4+$0xFFFFFFE0] =	vst v21;
	v21 =	vor.u32 s14, v1;
	v61 =	vld.idx.msk [tilespmem:v47+s5+$0x0], $0xffff  }
0xaa: {  	[tilespmem:s4+$0x0] =	vst v23;
	v23 =	vor.u32 s15, v1;
	v42 =	vld.idx.msk [tilespmem:v26+s5+$0x0], $0xffff  }
0xab: {  	[tilespmem:s4+$0x20] =	vst v27;
	v43 =	vld.idx.msk [tilespmem:v11+s5+$0x0], $0xffff  }
0xac: {  	s23 =	simm.s32 $0x1E0;
	v15 =	vor.u32 s10, v1;
	[tilespmem:s4+$0x60] =	vst v32;
	v45 =	vld.idx.msk [tilespmem:v17+s5+$0x0], $0xffff  }
0xad: {  	s9 =	sor.u32 $0x70, s23;
	[tilespmem:s4+$0x80] =	vst v34;
	s11 =	simm.s32 $0x20;
	v27 =	vld.idx.msk [tilespmem:v19+s5+$0x0], $0xffff  }
0xae: {  	s12 =	simm.s32 $0x40;
	s13 =	sor.u32 $0x30, s11;
	v48 =	vld.idx.msk [tilespmem:v21+s5+$0x0], $0xffff;
	[tilespmem:s9+$0xC000] =	vst v2  }
0xaf: {  	s25 =	simm.s32 $0x60;
	s31 =	sor.u32 $0x50, s12;
	v34 =	vld.idx.msk [tilespmem:v23+s5+$0x0], $0xffff;
	[tilespmem:s13+$0xC000] =	vst v39  }
0xb0: {  	s11 =	sor.u32 $0x70, s25;
	[tilespmem:s31+$0xC000] =	vst v40;
	v2 =	vld.idx.msk [tilespmem:v16+s6+$0x0], $0xffff  }
0xb1: {  	s19 =	simm.s32 $0x140;
	s16 =	simm.s32 $0xE0;
	s20 =	simm.s32 $0x160;
	[tilespmem:s11+$0xC000] =	vst v13;
	v16 =	vld.idx.msk [tilespmem:v15+s5+$0x0], $0xffff  }
0xb2: {  	s30 =	sor.u32 $0x50, s19;
	s22 =	simm.s32 $0x1A0;
	s21 =	sor.u32 $0x70, s16;
	[tilespmem:s4+$0xFFFFFF90] =	vst v41;
	v39 =	vld.idx.msk [tilespmem:v3+s6+$0x0], $0xffff  }
0xb3: {  	s16 =	sor.u32 $0x70, s20;
	s20 =	sor.u32 $0x30, s22;
	s25 =	simm.s32 $0x1C0;
	[tilespmem:s30+$0xC000] =	vst v46;
	v5 =	vld.idx.msk [tilespmem:v5+s6+$0x0], $0xffff  }
0xb4: {  	s29 =	sor.u32 $0x50, s25;
	[tilespmem:s20+$0xC000] =	vst v36;
	v6 =	vld.idx.msk [tilespmem:v6+s6+$0x0], $0xffff  }
0xb5: {  	s14 =	simm.s32 $0xA0;
	[tilespmem:s29+$0xC000] =	vst v8;
	v7 =	vld.idx.msk [tilespmem:v7+s6+$0x0], $0xffff  }
0xb6: {  	s15 =	simm.s32 $0xC0;
	s2 =	sor.u32 $0x30, s14;
	[tilespmem:s4+$0xFFFFFF10] =	vst v61;
	v20 =	vld.idx.msk [tilespmem:v20+s6+$0x0], $0xffff  }
0xb7: {  	s1 =	sor.u32 $0x50, s15;
	v25 =	vld.idx.msk [tilespmem:v25+s6+$0x0], $0xffff;
	[tilespmem:s2+$0xC000] =	vst v42  }
0xb8: {  	s17 =	simm.s32 $0x120;
	v8 =	vld.idx.msk [tilespmem:v28+s6+$0x0], $0xffff;
	[tilespmem:s1+$0xC000] =	vst v43  }
0xb9: {  	s17 =	sor.u32 $0x30, s17;
	v4 =	vld.idx.msk [tilespmem:v4+s6+$0x0], $0xffff;
	[tilespmem:s4+$0x10] =	vst v45  }
0xba: {  	[tilespmem:s17+$0xC000] =	vst v27;
	v9 =	vld.idx.msk [tilespmem:v9+s6+$0x0], $0xffff  }
0xbb: {  	[tilespmem:s16+$0xC000] =	vst v48;
	v10 =	vld.idx.msk [tilespmem:v10+s6+$0x0], $0xffff  }
0xbc: {  	s10 =	simm.s32 $0xF100;
	[tilespmem:s4+$0x90] =	vst v34;
	v62 =	vld.idx.msk [tilespmem:v14+s6+$0x0], $0xffff  }
0xbd: {  	v18 =	vld.idx.msk [tilespmem:v18+s6+$0x0], $0xffff;
	[tilespmem:s10+$0xE0] =	vst v2  }
0xbe: {  	v22 =	vld.idx.msk [tilespmem:v22+s6+$0x0], $0xffff;
	[tilespmem:s21+$0xC000] =	vst v16  }
0xbf: {  	v24 =	vld.idx.msk [tilespmem:v24+s6+$0x0], $0xffff;
	[tilespmem:s10+$0xFFFFFF20] =	vst v39  }
0xc0: {  	[tilespmem:s10+$0xFFFFFF40] =	vst v5;
	v30 =	vld.idx.msk [tilespmem:v30+s6+$0x0], $0xffff  }
0xc1: {  	[tilespmem:s10+$0xFFFFFF60] =	vst v6;
	v16 =	vld.idx.msk [tilespmem:v12+s6+$0x0], $0xffff  }
0xc2: {  	s0 =	simm.s32 $0x10;
	[tilespmem:s10+$0xFFFFFF80] =	vst v7;
	v27 =	vld.idx.msk [tilespmem:v31+s6+$0x0], $0xffff  }
0xc3: {  	v2 =	vor.u32 s0, v0;
	[tilespmem:s10+$0x40] =	vst v20;
	v5 =	vld.idx.msk [tilespmem:v33+s6+$0x0], $0xffff  }
0xc4: {  	[tilespmem:s10+$0xA0] =	vst v25;
	v6 =	vld.idx.msk [tilespmem:v35+s6+$0x0], $0xffff  }
0xc5: {  	[tilespmem:s10+$0xC0] =	vst v8;
	v63 =	vld.idx.msk [tilespmem:v37+s6+$0x0], $0xffff  }
0xc6: {  	[tilespmem:s10+$0xFFFFFF00] =	vst v4;
	v20 =	vld.idx.msk [tilespmem:v59+s6+$0x0], $0xffff  }
0xc7: {  	v25 =	vld.idx.msk [tilespmem:v60+s6+$0x0], $0xffff;
	[tilespmem:s10+$0xFFFFFFA0] =	vst v9  }
0xc8: {  	[tilespmem:s10+$0xFFFFFFC0] =	vst v10;
	v3 =	vld.idx.msk [tilespmem:v2+s5+$0x0], $0xffff  }
0xc9: {  	[tilespmem:s10+$0x0] =	vst v62;
	v12 =	vld.idx.msk [tilespmem:v26+s6+$0x0], $0xffff  }
0xca: {  	[tilespmem:s10+$0x60] =	vst v22;
	v13 =	vld.idx.msk [tilespmem:v11+s6+$0x0], $0xffff  }
0xcb: {  	[tilespmem:s10+$0x20] =	vst v18;
	v18 =	vld.idx.msk [tilespmem:v21+s6+$0x0], $0xffff  }
0xcc: {  	s7 =	simm.s32 $0x11;
	[tilespmem:s10+$0x80] =	vst v24;
	v21 =	vld.idx.msk [tilespmem:v47+s6+$0x0], $0xffff  }
0xcd: {  	s15 =	simm.s32 $0x12;
	v9 =	vor.u32 s7, v0;
	[tilespmem:s10+$0xFFFFFFE0] =	vst v16;
	v16 =	vld.idx.msk [tilespmem:v19+s6+$0x0], $0xffff  }
0xce: {  	v10 =	vor.u32 s15, v0;
	[tilespmem:s9+$0xF000] =	vst v30;
	v19 =	vld.idx.msk [tilespmem:v23+s6+$0x0], $0xffff  }
0xcf: {  	s22 =	simm.s32 $0x13;
	[tilespmem:s13+$0xF000] =	vst v27;
	v14 =	vld.idx.msk [tilespmem:v15+s6+$0x0], $0xffff  }
0xd0: {  	s25 =	simm.s32 $0x14;
	v11 =	vor.u32 s22, v0;
	[tilespmem:s31+$0xF000] =	vst v5;
	v15 =	vld.idx.msk [tilespmem:v17+s6+$0x0], $0xffff  }
0xd1: {  	v4 =	vor.u32 s25, v0;
	s9 =	simm.s32 $0x15;
	[tilespmem:s11+$0xF000] =	vst v6;
	v17 =	vld.idx.msk [tilespmem:v44+s6+$0x0], $0xffff  }
0xd2: {  	s14 =	simm.s32 $0x16;
	v8 =	vor.u32 s9, v0;
	s31 =	rddreg [dreg:$0x6];
	v22 =	vld.idx.msk [tilespmem:v9+s5+$0x0], $0xffff  }
0xd3: {  	s3 =	simm.s32 $0x17;
	v7 =	vor.u32 s14, v0;
	s8 =	sor.u32 s31, s24;
	v23 =	vld.idx.msk [tilespmem:v10+s5+$0x0], $0xffff;
	[smem:$0x7FB] =	sst s24  }
0xd4: {  	s19 =	simm.s32 $0x18;
	v6 =	vor.u32 s3, v0;
	[smem:$0x7FC] =	sst s8  }
0xd5: {  	v5 =	vor.u32 s19, v0;
	s8 =	simm.s32 $0x1F;
	s24 =	simm.s32 $0x20;
	v24 =	vld.idx.msk [tilespmem:v11+s5+$0x0], $0xffff;
	[tilespmem:s10+$0xFFFFFF90] =	vst v63  }
.LBB2_3:
0xd6: {  	p3 =	slt.u32 s24, $0x70;
	v26 =	vld.idx.msk [tilespmem:v4+s5+$0x0], $0xffff;
	s11 =	sadd.s32 $0x9, s0;
	v29 =	vor.u32 s8, v0;
	[tilespmem:s2+$0xF000] =	vst v12  }
0xd7: {  	s12 =	sadd.s32 $0xA, s0;
	v27 =	vld.idx.msk [tilespmem:v8+s5+$0x0], $0xffff;
	v12 =	vor.u32 s11, v0;
	[tilespmem:s1+$0xF000] =	vst v13  }
0xd8: {  	s2 =	sadd.s32 $0xB, s0;
	v13 =	vor.u32 s12, v0;
	v28 =	vld.idx.msk [tilespmem:v7+s5+$0x0], $0xffff;
	[tilespmem:s21+$0xF000] =	vst v14  }
0xd9: {  	s1 =	sadd.s32 $0xC, s0;
	v14 =	vor.u32 s2, v0;
	v30 =	vld.idx.msk [tilespmem:v6+s5+$0x0], $0xffff;
	[tilespmem:s10+$0x10] =	vst v15  }
0xda: {  	s31 =	sadd.s32 $0xD, s0;
	v15 =	vor.u32 s1, v0;
	v31 =	vld.idx.msk [tilespmem:v5+s5+$0x0], $0xffff;
	[tilespmem:s17+$0xF000] =	vst v16  }
0xdb: {  	s13 =	sadd.s32 $0xE, s0;
	v16 =	vor.u32 s31, v0;
	v32 =	vld.idx.msk [tilespmem:v29+s5+$0x0], $0xffff;
	[tilespmem:s30+$0xF000] =	vst v17  }
0xdc: {  	v17 =	vor.u32 s13, v0;
	v33 =	vld.idx.msk [tilespmem:v12+s5+$0x0], $0xffff;
	[tilespmem:s16+$0xF000] =	vst v18  }
0xdd: {  	v35 =	vor.u32 s8, v1;
	v34 =	vld.idx.msk [tilespmem:v13+s5+$0x0], $0xffff;
	[tilespmem:s10+$0x90] =	vst v19  }
0xde: {  	v18 =	vor.u32 s7, v1;
	v36 =	vld.idx.msk [tilespmem:v14+s5+$0x0], $0xffff;
	[tilespmem:s20+$0xF000] =	vst v20  }
0xdf: {  	v19 =	vor.u32 s15, v1;
	v37 =	vld.idx.msk [tilespmem:v15+s5+$0x0], $0xffff;
	[tilespmem:s29+$0xF000] =	vst v25  }
0xe0: {  	s4 =	sadd.s32 $0x200, s4;
	v20 =	vor.u32 s22, v1;
	v38 =	vld.idx.msk [tilespmem:v16+s5+$0x0], $0xffff;
	[tilespmem:s10+$0xFFFFFF10] =	vst v21  }
0xe1: {  	v21 =	vor.u32 s25, v1;
	v39 =	vld.idx.msk [tilespmem:v17+s5+$0x0], $0xffff;
	[tilespmem:s4+$0xE0] =	vst v32  }
0xe2: {  	[tilespmem:s4+$0xFFFFFF20] =	vst v22;
	v22 =	vor.u32 s9, v1;
	v32 =	vld.idx.msk [tilespmem:v35+s5+$0x0], $0xffff  }
0xe3: {  	v40 =	vld.idx.msk [tilespmem:v18+s5+$0x0], $0xffff;
	[tilespmem:s4+$0xFFFFFF40] =	vst v23;
	v23 =	vor.u32 s14, v1  }
0xe4: {  	v41 =	vld.idx.msk [tilespmem:v19+s5+$0x0], $0xffff;
	[tilespmem:s4+$0xFFFFFF60] =	vst v24  }
0xe5: {  	v24 =	vor.u32 s3, v1;
	v42 =	vld.idx.msk [tilespmem:v20+s5+$0x0], $0xffff;
	[tilespmem:s4+$0xFFFFFF80] =	vst v26  }
0xe6: {  	s23 =	sadd.s32 $0x200, s23;
	v25 =	vor.u32 s19, v1;
	v43 =	vld.idx.msk [tilespmem:v21+s5+$0x0], $0xffff;
	[tilespmem:s4+$0xFFFFFFA0] =	vst v27  }
0xe7: {  	s8 =	sadd.s32 $0xFFFFFE60, s23;
	s7 =	sor.u32 $0x70, s23;
	s3 =	sadd.s32 $0xFFFFFE40, s23;
	v26 =	vor.u32 s11, v1;
	v44 =	vld.idx.msk [tilespmem:v22+s5+$0x0], $0xffff;
	[tilespmem:s4+$0xFFFFFFC0] =	vst v28  }
0xe8: {  	s9 =	sadd.s32 $0xFFFFFE80, s23;
	s14 =	sadd.s32 $0xFFFFFEE0, s23;
	s11 =	sadd.s32 $0xFFFFFEC0, s23;
	v27 =	vor.u32 s12, v1;
	v45 =	vld.idx.msk [tilespmem:v23+s5+$0x0], $0xffff;
	[tilespmem:s7+$0xC000] =	vst v32  }
0xe9: {  	s16 =	sadd.s32 $0xFFFFFF40, s23;
	s15 =	sadd.s32 $0xFFFFFF00, s23;
	s20 =	sadd.s32 $0xFFFFFF60, s23;
	v28 =	vor.u32 s2, v1;
	[tilespmem:s4+$0xFFFFFFE0] =	vst v30;
	v30 =	vld.idx.msk [tilespmem:v29+s6+$0x0], $0xffff  }
0xea: {  	s22 =	sadd.s32 $0xFFFFFF80, s23;
	s29 =	sadd.s32 $0xFFFFFFE0, s23;
	s25 =	sadd.s32 $0xFFFFFFC0, s23;
	v29 =	vor.u32 s1, v1;
	v32 =	vld.idx.msk [tilespmem:v24+s5+$0x0], $0xffff;
	[tilespmem:s4+$0x0] =	vst v31  }
0xeb: {  	s19 =	sor.u32 $0x50, s8;
	s3 =	sor.u32 $0x30, s3;
	s12 =	sor.u32 $0x70, s9;
	v31 =	vld.idx.msk [tilespmem:v25+s5+$0x0], $0xffff;
	[tilespmem:s4+$0x20] =	vst v33  }
0xec: {  	s21 =	sor.u32 $0x70, s15;
	s2 =	sor.u32 $0x30, s11;
	s1 =	sor.u32 $0x50, s14;
	v33 =	vld.idx.msk [tilespmem:v26+s5+$0x0], $0xffff;
	[tilespmem:s4+$0x40] =	vst v34;
	v34 =	vor.u32 s31, v1  }
0xed: {  	s17 =	sor.u32 $0x30, s16;
	s30 =	sor.u32 $0x50, s20;
	s16 =	sor.u32 $0x70, s22;
	v46 =	vld.idx.msk [tilespmem:v27+s5+$0x0], $0xffff;
	[tilespmem:s4+$0x60] =	vst v36;
	v36 =	vor.u32 s13, v1  }
0xee: {  	v47 =	vor.u32 s0, v1;
	s29 =	sor.u32 $0x50, s29;
	s10 =	sadd.s32 $0x200, s10;
	s20 =	sor.u32 $0x30, s25;
	v48 =	vld.idx.msk [tilespmem:v28+s5+$0x0], $0xffff;
	[tilespmem:s4+$0x80] =	vst v37  }
0xef: {  	s0 =	smov.u32 s24;
	v37 =	vld.idx.msk [tilespmem:v29+s5+$0x0], $0xffff;
	[tilespmem:s10+$0xE0] =	vst v30  }
0xf0: {  	[tilespmem:s4+$0xA0] =	vst v38;
	v30 =	vld.idx.msk [tilespmem:v35+s6+$0x0], $0xffff  }
0xf1: {  	v35 =	vld.idx.msk [tilespmem:v34+s5+$0x0], $0xffff;
	[tilespmem:s4+$0xC0] =	vst v39  }
0xf2: {  	v38 =	vor.u32 s24, v0;
	[tilespmem:s4+$0xFFFFFF00] =	vst v3;
	v39 =	vld.idx.msk [tilespmem:v36+s5+$0x0], $0xffff  }
0xf3: {  	v49 =	vld.idx.msk [tilespmem:v47+s5+$0x0], $0xffff;
	[tilespmem:s3+$0xC000] =	vst v40  }
0xf4: {  	v9 =	vld.idx.msk [tilespmem:v9+s6+$0x0], $0xffff;
	[tilespmem:s19+$0xC000] =	vst v41  }
0xf5: {  	v10 =	vld.idx.msk [tilespmem:v10+s6+$0x0], $0xffff;
	[tilespmem:s12+$0xC000] =	vst v42  }
0xf6: {  	v11 =	vld.idx.msk [tilespmem:v11+s6+$0x0], $0xffff;
	[tilespmem:s7+$0xF000] =	vst v30  }
0xf7: {  	v3 =	vld.idx.msk [tilespmem:v38+s5+$0x0], $0xffff;
	[tilespmem:s4+$0xFFFFFF90] =	vst v43  }
0xf8: {  	v4 =	vld.idx.msk [tilespmem:v4+s6+$0x0], $0xffff;
	[tilespmem:s2+$0xC000] =	vst v44  }
0xf9: {  	v8 =	vld.idx.msk [tilespmem:v8+s6+$0x0], $0xffff;
	[tilespmem:s1+$0xC000] =	vst v45  }
0xfa: {  	v7 =	vld.idx.msk [tilespmem:v7+s6+$0x0], $0xffff;
	[tilespmem:s21+$0xC000] =	vst v32  }
0xfb: {  	v6 =	vld.idx.msk [tilespmem:v6+s6+$0x0], $0xffff;
	[tilespmem:s4+$0x10] =	vst v31  }
0xfc: {  	v5 =	vld.idx.msk [tilespmem:v5+s6+$0x0], $0xffff;
	[tilespmem:s17+$0xC000] =	vst v33  }
0xfd: {  	v30 =	vld.idx.msk [tilespmem:v12+s6+$0x0], $0xffff;
	[tilespmem:s30+$0xC000] =	vst v46  }
0xfe: {  	v31 =	vld.idx.msk [tilespmem:v13+s6+$0x0], $0xffff;
	[tilespmem:s16+$0xC000] =	vst v48  }
0xff: {  	v32 =	vld.idx.msk [tilespmem:v14+s6+$0x0], $0xffff;
	[tilespmem:s4+$0x90] =	vst v37  }
0x100: {  	v33 =	vld.idx.msk [tilespmem:v15+s6+$0x0], $0xffff;
	[tilespmem:s20+$0xC000] =	vst v35  }
0x101: {  	v35 =	vld.idx.msk [tilespmem:v16+s6+$0x0], $0xffff;
	[tilespmem:s29+$0xC000] =	vst v39  }
0x102: {  	[tilespmem:s4+$0xFFFFFF10] =	vst v49;
	v37 =	vld.idx.msk [tilespmem:v17+s6+$0x0], $0xffff  }
0x103: {  	v39 =	vld.idx.msk [tilespmem:v2+s6+$0x0], $0xffff;
	[tilespmem:s10+$0xFFFFFF20] =	vst v9;
	v2 =	vmov v38  }
0x104: {  	v38 =	vld.idx.msk [tilespmem:v18+s6+$0x0], $0xffff;
	[tilespmem:s10+$0xFFFFFF40] =	vst v10  }
0x105: {  	v40 =	vld.idx.msk [tilespmem:v19+s6+$0x0], $0xffff;
	[tilespmem:s10+$0xFFFFFF60] =	vst v11  }
0x106: {  	v41 =	vld.idx.msk [tilespmem:v20+s6+$0x0], $0xffff;
	[tilespmem:s10+$0xFFFFFF80] =	vst v4  }
0x107: {  	v42 =	vld.idx.msk [tilespmem:v21+s6+$0x0], $0xffff;
	[tilespmem:s10+$0xFFFFFFA0] =	vst v8  }
0x108: {  	v12 =	vld.idx.msk [tilespmem:v22+s6+$0x0], $0xffff;
	[tilespmem:s10+$0xFFFFFFC0] =	vst v7  }
0x109: {  	v13 =	vld.idx.msk [tilespmem:v23+s6+$0x0], $0xffff;
	[tilespmem:s10+$0xFFFFFFE0] =	vst v6  }
0x10a: {  	v14 =	vld.idx.msk [tilespmem:v24+s6+$0x0], $0xffff;
	[tilespmem:s10+$0x0] =	vst v5  }
0x10b: {  	v15 =	vld.idx.msk [tilespmem:v25+s6+$0x0], $0xffff;
	[tilespmem:s10+$0x20] =	vst v30  }
0x10c: {  	v16 =	vld.idx.msk [tilespmem:v26+s6+$0x0], $0xffff;
	[tilespmem:s10+$0x40] =	vst v31  }
0x10d: {  	s7 =	sadd.s32 $0x1, s24;
	v17 =	vld.idx.msk [tilespmem:v27+s6+$0x0], $0xffff;
	[tilespmem:s10+$0x60] =	vst v32  }
0x10e: {  	s15 =	sadd.s32 $0x2, s24;
	v9 =	vor.u32 s7, v0;
	v18 =	vld.idx.msk [tilespmem:v28+s6+$0x0], $0xffff;
	[tilespmem:s10+$0x80] =	vst v33  }
0x10f: {  	s22 =	sadd.s32 $0x3, s24;
	v10 =	vor.u32 s15, v0;
	v19 =	vld.idx.msk [tilespmem:v29+s6+$0x0], $0xffff;
	[tilespmem:s10+$0xA0] =	vst v35  }
0x110: {  	s25 =	sadd.s32 $0x4, s24;
	v11 =	vor.u32 s22, v0;
	v20 =	vld.idx.msk [tilespmem:v34+s6+$0x0], $0xffff;
	[tilespmem:s10+$0xC0] =	vst v37  }
.Ltmp4:
0x111: {  	s9 =	sadd.s32 $0x5, s24;
	v4 =	vor.u32 s25, v0;
	[tilespmem:s10+$0xFFFFFF00] =	vst v39;
	v25 =	vld.idx.msk [tilespmem:v36+s6+$0x0], $0xffff;
	(pc) =	sbr.rel @p3 .LBB2_3-.Ltmp4, $4  }
0x112: {  	s14 =	sadd.s32 $0x6, s24;
	v8 =	vor.u32 s9, v0;
	v21 =	vld.idx.msk [tilespmem:v47+s6+$0x0], $0xffff;
	[tilespmem:s3+$0xF000] =	vst v38  }
0x113: {  	v7 =	vor.u32 s14, v0;
	s3 =	sadd.s32 $0x7, s24;
	v22 =	vld.idx.msk [tilespmem:v9+s5+$0x0], $0xffff;
	[tilespmem:s19+$0xF000] =	vst v40  }
0x114: {  	v6 =	vor.u32 s3, v0;
	s19 =	sadd.s32 $0x8, s24;
	v23 =	vld.idx.msk [tilespmem:v10+s5+$0x0], $0xffff;
	[tilespmem:s12+$0xF000] =	vst v41  }
0x115: {  	s8 =	sadd.s32 $0xF, s0;
	s24 =	sadd.s32 $0x10, s24;
	v5 =	vor.u32 s19, v0;
	v24 =	vld.idx.msk [tilespmem:v11+s5+$0x0], $0xffff;
	[tilespmem:s10+$0xFFFFFF90] =	vst v42  }
0x116: {  	[tilespmem:s2+$0xF000] =	vst v12  }
0x117: {  	[tilespmem:s1+$0xF000] =	vst v13  }
0x118: {  	[tilespmem:s21+$0xF000] =	vst v14  }
0x119: {  	[tilespmem:s10+$0x10] =	vst v15  }
0x11a: {  	[tilespmem:s17+$0xF000] =	vst v16  }
0x11b: {  	[tilespmem:s30+$0xF000] =	vst v17  }
0x11c: {  	[tilespmem:s16+$0xF000] =	vst v18  }
0x11d: {  	[tilespmem:s10+$0x90] =	vst v19  }
0x11e: {  	[tilespmem:s20+$0xF000] =	vst v20  }
0x11f: {  	v26 =	vor.u32 s8, v0;
	[tilespmem:s29+$0xF000] =	vst v25;
	v48 =	vld.idx.msk [tilespmem:v4+s5+$0x0], $0xffff  }
0x120: {  	s4 =	sadd.s32 $0x200, s4;
	v49 =	vld.idx.msk [tilespmem:v8+s5+$0x0], $0xffff;
	v56 =	vor.u32 s7, v1;
	[tilespmem:s10+$0xFFFFFF10] =	vst v21  }
0x121: {  	v50 =	vld.idx.msk [tilespmem:v7+s5+$0x0], $0xffff;
	v59 =	vor.u32 s15, v1;
	[tilespmem:s4+$0xFFFFFF00] =	vst v3  }
0x122: {  	v51 =	vld.idx.msk [tilespmem:v6+s5+$0x0], $0xffff;
	v60 =	vor.u32 s22, v1;
	[tilespmem:s4+$0xFFFFFF20] =	vst v22  }
0x123: {  	s20 =	sadd.s32 $0x9, s0;
	v53 =	vld.idx.msk [tilespmem:v5+s5+$0x0], $0xffff;
	v35 =	vor.u32 s0, v1;
	[tilespmem:s4+$0xFFFFFF40] =	vst v23  }
0x124: {  	s21 =	sadd.s32 $0xA, s0;
	v16 =	vor.u32 s20, v0;
	[tilespmem:s4+$0xFFFFFF60] =	vst v24;
	v46 =	vld.idx.msk [tilespmem:v26+s5+$0x0], $0xffff  }
0x125: {  	s29 =	sadd.s32 $0xB, s0;
	v18 =	vor.u32 s21, v0;
	[tilespmem:s4+$0xFFFFFF80] =	vst v48;
	v28 =	vld.idx.msk [tilespmem:v56+s5+$0x0], $0xffff  }
0x126: {  	s13 =	sadd.s32 $0xD, s0;
	v20 =	vor.u32 s29, v0;
	[tilespmem:s4+$0xFFFFFFA0] =	vst v49;
	v63 =	vld.idx.msk [tilespmem:v59+s5+$0x0], $0xffff  }
0x127: {  	s12 =	sadd.s32 $0xE, s0;
	v14 =	vor.u32 s13, v0;
	[tilespmem:s4+$0xFFFFFFC0] =	vst v50;
	v32 =	vld.idx.msk [tilespmem:v60+s5+$0x0], $0xffff  }
0x128: {  	s24 =	sadd.s32 $0x200, s23;
	v15 =	vor.u32 s12, v0;
	[tilespmem:s4+$0xFFFFFFE0] =	vst v51;
	v39 =	vld.idx.msk [tilespmem:v35+s5+$0x0], $0xffff  }
0x129: {  	v62 =	vor.u32 s9, v1;
	s9 =	sadd.s32 $0xFFFFFE40, s24;
	[tilespmem:s4+$0x0] =	vst v53;
	v54 =	vld.idx.msk [tilespmem:v16+s5+$0x0], $0xffff  }
0x12a: {  	s31 =	sadd.s32 $0x200, s10;
	v19 =	vor.u32 s19, v1;
	s10 =	sadd.s32 $0xFFFFFE60, s24;
	s7 =	sor.u32 $0x30, s9;
	v55 =	vld.idx.msk [tilespmem:v18+s5+$0x0], $0xffff;
	[tilespmem:s4+$0xE0] =	vst v46  }
0x12b: {  	v47 =	vor.u32 s8, v1;
	s8 =	sor.u32 $0x50, s10;
	v23 =	vor.u32 s25, v1;
	v57 =	vld.idx.msk [tilespmem:v20+s5+$0x0], $0xffff;
	[tilespmem:s7+$0xC000] =	vst v28  }
0x12c: {  	v61 =	vld.idx.msk [tilespmem:v14+s5+$0x0], $0xffff;
	[tilespmem:s8+$0xC000] =	vst v63  }
0x12d: {  	v27 =	vld.idx.msk [tilespmem:v15+s5+$0x0], $0xffff;
	[tilespmem:s4+$0xFFFFFF10] =	vst v39  }
0x12e: {  	v29 =	vld.idx.msk [tilespmem:v62+s5+$0x0], $0xffff;
	[tilespmem:s4+$0x20] =	vst v54  }
0x12f: {  	v36 =	vld.idx.msk [tilespmem:v19+s5+$0x0], $0xffff;
	[tilespmem:s4+$0x40] =	vst v55  }
0x130: {  	v37 =	vor.u32 s14, v1;
	v33 =	vld.idx.msk [tilespmem:v23+s5+$0x0], $0xffff;
	[tilespmem:s4+$0x60] =	vst v57  }
0x131: {  	s15 =	sadd.s32 $0xFFFFFEC0, s24;
	v12 =	vld.idx.msk [tilespmem:v47+s5+$0x0], $0xffff;
	[tilespmem:s4+$0xA0] =	vst v61  }
0x132: {  	s9 =	sor.u32 $0x30, s15;
	[tilespmem:s4+$0xC0] =	vst v27;
	v3 =	vld.idx.msk [tilespmem:v9+s6+$0x0], $0xffff  }
0x133: {  	v43 =	vor.u32 s21, v1;
	v10 =	vld.idx.msk [tilespmem:v10+s6+$0x0], $0xffff;
	[tilespmem:s9+$0xC000] =	vst v29  }
0x134: {  	[tilespmem:s4+$0x10] =	vst v36;
	v54 =	vor.u32 s12, v1;
	v2 =	vld.idx.msk [tilespmem:v2+s6+$0x0], $0xffff  }
0x135: {  	s30 =	sor.u32 $0x70, s24;
	v42 =	vld.idx.msk [tilespmem:v37+s5+$0x0], $0xffff;
	[tilespmem:s4+$0xFFFFFF90] =	vst v33  }
0x136: {  	s11 =	sadd.s32 $0xC, s0;
	v46 =	vld.idx.msk [tilespmem:v8+s6+$0x0], $0xffff;
	[tilespmem:s30+$0xC000] =	vst v12  }
0x137: {  	v61 =	vld.idx.msk [tilespmem:v5+s6+$0x0], $0xffff;
	v12 =	vor.u32 s11, v0;
	[tilespmem:s31+$0xFFFFFF20] =	vst v3  }
0x138: {  	s17 =	sadd.s32 $0xFFFFFEE0, s24;
	v50 =	vld.idx.msk [tilespmem:v43+s5+$0x0], $0xffff;
	[tilespmem:s31+$0xFFFFFF40] =	vst v10  }
0x139: {  	v3 =	vor.u32 s3, v1;
	s3 =	sor.u32 $0x50, s17;
	v57 =	vld.idx.msk [tilespmem:v54+s5+$0x0], $0xffff;
	[tilespmem:s31+$0xFFFFFF00] =	vst v2  }
0x13a: {  	v45 =	vor.u32 s29, v1;
	v52 =	vld.idx.msk [tilespmem:v26+s6+$0x0], $0xffff;
	[tilespmem:s3+$0xC000] =	vst v42  }
0x13b: {  	v34 =	vor.u32 s11, v1;
	s11 =	sadd.s32 $0xFFFFFE80, s24;
	v40 =	vld.idx.msk [tilespmem:v56+s6+$0x0], $0xffff;
	[tilespmem:s31+$0xFFFFFFA0] =	vst v46  }
0x13c: {  	s2 =	sadd.s32 $0xFFFFFFE0, s24;
	s0 =	sor.u32 $0x70, s11;
	[tilespmem:s31+$0x0] =	vst v61;
	v58 =	vld.idx.msk [tilespmem:v12+s5+$0x0], $0xffff  }
0x13d: {  	s2 =	sor.u32 $0x50, s2;
	v10 =	vld.idx.msk [tilespmem:v59+s6+$0x0], $0xffff;
	[tilespmem:s0+$0xC000] =	vst v32  }
0x13e: {  	v49 =	vld.idx.msk [tilespmem:v7+s6+$0x0], $0xffff;
	[tilespmem:s2+$0xC000] =	vst v57  }
0x13f: {  	v51 =	vld.idx.msk [tilespmem:v45+s5+$0x0], $0xffff;
	[tilespmem:s31+$0xE0] =	vst v52  }
0x140: {  	v8 =	vld.idx.msk [tilespmem:v62+s6+$0x0], $0xffff;
	[tilespmem:s7+$0xF000] =	vst v40  }
0x141: {  	v13 =	vld.idx.msk [tilespmem:v47+s6+$0x0], $0xffff;
	[tilespmem:s4+$0x80] =	vst v58  }
0x142: {  	s21 =	sadd.s32 $0xFFFFFF60, s24;
	[tilespmem:s8+$0xF000] =	vst v10;
	v38 =	vld.idx.msk [tilespmem:v34+s5+$0x0], $0xffff  }
0x143: {  	s22 =	sadd.s32 $0xFFFFFF80, s24;
	s7 =	sor.u32 $0x50, s21;
	v47 =	vld.idx.msk [tilespmem:v3+s5+$0x0], $0xffff;
	[tilespmem:s31+$0xFFFFFFC0] =	vst v49  }
0x144: {  	v11 =	vld.idx.msk [tilespmem:v11+s6+$0x0], $0xffff;
	s8 =	sor.u32 $0x70, s22;
	[tilespmem:s7+$0xC000] =	vst v50  }
0x145: {  	v5 =	vld.idx.msk [tilespmem:v19+s6+$0x0], $0xffff;
	[tilespmem:s8+$0xC000] =	vst v51  }
0x146: {  	v41 =	vor.u32 s20, v1;
	s19 =	sadd.s32 $0xFFFFFF00, s24;
	[tilespmem:s9+$0xF000] =	vst v8  }
0x147: {  	v52 =	vor.u32 s13, v1;
	v7 =	vld.idx.msk [tilespmem:v37+s6+$0x0], $0xffff;
	[tilespmem:s4+$0x90] =	vst v38;
	s4 =	sor.u32 $0x70, s19  }
0x148: {  	v10 =	vld.idx.msk [tilespmem:v18+s6+$0x0], $0xffff;
	[tilespmem:s4+$0xC000] =	vst v47  }
0x149: {  	[tilespmem:s31+$0xFFFFFF60] =	vst v11;
	v53 =	vld.idx.msk [tilespmem:v6+s6+$0x0], $0xffff  }
0x14a: {  	[tilespmem:s31+$0x10] =	vst v5;
	v44 =	vld.idx.msk [tilespmem:v60+s6+$0x0], $0xffff  }
0x14b: {  	v48 =	vld.idx.msk [tilespmem:v41+s5+$0x0], $0xffff;
	[tilespmem:s30+$0xF000] =	vst v13  }
0x14c: {  	v56 =	vld.idx.msk [tilespmem:v52+s5+$0x0], $0xffff;
	[tilespmem:s3+$0xF000] =	vst v7  }
0x14d: {  	v55 =	vld.idx.msk [tilespmem:v20+s6+$0x0], $0xffff;
	[tilespmem:s31+$0x40] =	vst v10  }
0x14e: {  	s20 =	sadd.s32 $0xFFFFFF40, s24;
	v60 =	vld.idx.msk [tilespmem:v4+s6+$0x0], $0xffff;
	[tilespmem:s31+$0xFFFFFFE0] =	vst v53  }
0x14f: {  	s23 =	sadd.s32 $0xFFFFFFC0, s24;
	[tilespmem:s0+$0xF000] =	vst v44;
	s0 =	sor.u32 $0x30, s20;
	v3 =	vld.idx.msk [tilespmem:v3+s6+$0x0], $0xffff  }
0x150: {  	s3 =	sor.u32 $0x30, s23;
	v10 =	vld.idx.msk [tilespmem:v43+s6+$0x0], $0xffff;
	[tilespmem:s0+$0xC000] =	vst v48  }
0x151: {  	v16 =	vld.idx.msk [tilespmem:v16+s6+$0x0], $0xffff;
	[tilespmem:s3+$0xC000] =	vst v56  }
0x152: {  	[tilespmem:s31+$0x60] =	vst v55;
	v59 =	vld.idx.msk [tilespmem:v14+s6+$0x0], $0xffff  }
0x153: {  	[tilespmem:s31+$0xFFFFFF80] =	vst v60;
	v62 =	vld.idx.msk [tilespmem:v12+s6+$0x0], $0xffff  }
0x154: {  	[tilespmem:s4+$0xF000] =	vst v3;
	v3 =	vld.idx.msk [tilespmem:v15+s6+$0x0], $0xffff  }
0x155: {  	v8 =	vld.idx.msk [tilespmem:v45+s6+$0x0], $0xffff;
	[tilespmem:s7+$0xF000] =	vst v10  }
0x156: {  	v4 =	vld.idx.msk [tilespmem:v23+s6+$0x0], $0xffff;
	[tilespmem:s31+$0x20] =	vst v16  }
0x157: {  	v58 =	vld.idx.msk [tilespmem:v41+s6+$0x0], $0xffff;
	[tilespmem:s31+$0xA0] =	vst v59  }
0x158: {  	[tilespmem:s31+$0x80] =	vst v62;
	v63 =	vld.idx.msk [tilespmem:v52+s6+$0x0], $0xffff  }
0x159: {  	v6 =	vld.idx.msk [tilespmem:v34+s6+$0x0], $0xffff;
	[tilespmem:s31+$0xC0] =	vst v3  }
0x15a: {  	[tilespmem:s8+$0xF000] =	vst v8;
	v3 =	vld.idx.msk [tilespmem:v54+s6+$0x0], $0xffff  }
0x15b: {  	[tilespmem:s31+$0xFFFFFF90] =	vst v4  }
0x15c: {  	[tilespmem:s0+$0xF000] =	vst v58  }
0x15d: {  	v2 =	vld.idx.msk [tilespmem:v35+s6+$0x0], $0xffff;
	[tilespmem:s3+$0xF000] =	vst v63  }
0x15e: {  	[tilespmem:s31+$0x90] =	vst v6  }
0x15f: {  	[tilespmem:s2+$0xF000] =	vst v3  }
0x160: {  	s0 =	sld [smem:$0x7FC];
	_ =	sdelay $0x1  }
0x161: {  	s24 =	rddreg [dreg:$0x3];
	[tilespmem:s31+$0xFFFFFF10] =	vst v2  }
0x162: {  	s25 =	rddreg [dreg:$0x8];
	s0 =	sshll.u32 s0, $0x9  }
0x163: {  	s31 =	sld [smem:$0x7FB];
	s1 =	sadd.s32 s24, s0  }
0x164: {  	[hbm4b:s1+s5] =	stream.linear.scatter [tilespmem:s26], [sflag:$0x4], $0x1000, $0x38;
	[tilespmem:$0x12000] =	vst v63  }
0x165: {  	s29 =	simm.s32 $0xF000;
	s30 =	rddreg [dreg:$0xe];
	s0 =	sadd.s32 s25, s0  }
0x166: {  	[hbm4b:s0+s5] =	stream.linear.scatter [tilespmem:s29], [sflag:$0x4], $0x1000, $0x38;
	[tilespmem:$0x12000] =	vst v63  }
0x167: {  	s0 =	sadd.s32 s30, s31  }
0x168: {  	p3 =	sgt.u32 s0, $0x1E83  }
.Ltmp5:
0x169: {  	_ = 	snop;
	(pc) =	sbr.rel @p3 .LBB2_8-.Ltmp5, $1  }
0x16a: {  	_ =	sdelay $0x3  }
0x16b: {  	[smem:$0x7F8] =	sst s0;
	s1 =	simm.s32 $0x2  }
0x16c: {  	_ =	swait.ge [sflag:s1], $0x1000  }
0x16d: {  	[sflag:s1] =	ssyncset.done $0x0;
	s2 =	sld [smem:$0x7FB]  }
0x16e: {  	[sflag:s1] =	ssyncadd.s32 $0xFFFFF000  }
0x16f: {  	s21 =	rddreg [dreg:$0xf];
	_ =	swait.ge [sflag:s1], $0x1000  }
0x170: {  	s0 =	sadd.s32 s21, s2;
	[sflag:s1] =	ssyncset.done $0x0  }
0x171: {  	p3 =	sgt.u32 s0, $0x1E83;
	[sflag:s1] =	ssyncadd.s32 $0xFFFFF000  }
0x172: {  	s0 =	sshll.u32 @!p3 s0, $0x7;
	s1 =	rddreg [dreg:$0x0]  }
0x173: {  	s2 =	simm.s32 @!p3 $0x0;
	s1 =	sadd.s32 @!p3 s1, s0  }
0x174: {  	[tilespmem:s2], [sflag:$0x1] =	stream.linear.gather @!p3 [hbm4b:s1+s2], $0x400, $0x38;
	[tilespmem:$0x12000] =	vst v63  }
0x175: {  	s4 =	simm.s32 @!p3 $0x800;
	s3 =	sadd.s32 @!p3 $0xF4280, s1  }
0x176: {  	[tilespmem:s4], [sflag:$0x1] =	stream.linear.gather @!p3 [hbm4b:s3+s2], $0x400, $0x38;
	[tilespmem:$0x12000] =	vst v63  }
0x177: {  	s3 =	sadd.s32 @!p3 $0x1E8500, s1;
	s4 =	simm.s32 @!p3 $0x1000  }
0x178: {  	[tilespmem:s4], [sflag:$0x1] =	stream.linear.gather @!p3 [hbm4b:s3+s2], $0x400, $0x38;
	[tilespmem:$0x12000] =	vst v63  }
0x179: {  	s1 =	sadd.s32 @!p3 $0x2DC780, s1;
	s3 =	simm.s32 @!p3 $0x1800  }
0x17a: {  	[tilespmem:s3], [sflag:$0x1] =	stream.linear.gather @!p3 [hbm4b:s1+s2], $0x400, $0x38;
	[tilespmem:$0x12000] =	vst v63  }
0x17b: {  	s1 =	rddreg [dreg:$0x1]  }
0x17c: {  	s0 =	sadd.s32 @!p3 s1, s0;
	s1 =	simm.s32 @!p3 $0x6000  }
0x17d: {  	[tilespmem:s1], [sflag:$0x1] =	stream.linear.gather @!p3 [hbm4b:s0+s2], $0x400, $0x38;
	[tilespmem:$0x12000] =	vst v63  }
0x17e: {  	s3 =	simm.s32 @!p3 $0x6800;
	s1 =	sadd.s32 @!p3 $0xF4280, s0  }
0x17f: {  	[tilespmem:s3], [sflag:$0x1] =	stream.linear.gather @!p3 [hbm4b:s1+s2], $0x400, $0x38;
	[tilespmem:$0x12000] =	vst v63  }
0x180: {  	s1 =	sadd.s32 @!p3 $0x1E8500, s0;
	s3 =	simm.s32 @!p3 $0x7000  }
0x181: {  	[tilespmem:s3], [sflag:$0x1] =	stream.linear.gather @!p3 [hbm4b:s1+s2], $0x400, $0x38;
	[tilespmem:$0x12000] =	vst v63  }
0x182: {  	s0 =	sadd.s32 @!p3 $0x2DC780, s0;
	s1 =	simm.s32 @!p3 $0x7800  }
0x183: {  	[tilespmem:s1], [sflag:$0x1] =	stream.linear.gather @!p3 [hbm4b:s0+s2], $0x400, $0x38;
	[tilespmem:$0x12000] =	vst v63  }
0x184: {  	s1 =	simm.s32 @!p1 $0x5  }
0x185: {  	s22 =	simm.s32 $0x0;
	_ =	swait.ge @!p1 [sflag:s1], $0x1000  }
0x186: {  	s24 =	simm.s32 $0x1;
	v4 =	vor.u32 s22, v0;
	[sflag:s1] =	ssyncset.done @!p1 $0x0  }
0x187: {  	s25 =	simm.s32 $0x2;
	v3 =	vor.u32 s24, v0;
	[sflag:s1] =	ssyncadd.s32 @!p1 $0xFFFFF000  }
0x188: {  	s7 =	simm.s32 $0x3;
	v5 =	vor.u32 s25, v0;
	_ =	swait.ge @!p1 [sflag:s1], $0x1000  }
0x189: {  	s8 =	simm.s32 $0x4;
	v6 =	vor.u32 s7, v0;
	[sflag:s1] =	ssyncset.done @!p1 $0x0  }
0x18a: {  	s26 =	simm.s32 $0x5;
	s18 =	simm.s32 $0x2000;
	v7 =	vor.u32 s8, v0;
	[sflag:s1] =	ssyncadd.s32 @!p1 $0xFFFFF000  }
0x18b: {  	s9 =	simm.s32 $0x6;
	v9 =	vor.u32 s26, v0;
	v8 =	vld.idx.msk [tilespmem:v4+s18+$0x0], $0xffff  }
0x18c: {  	s10 =	simm.s32 $0x7;
	v10 =	vor.u32 s9, v0;
	v2 =	vld.idx.msk [tilespmem:v3+s18+$0x0], $0xffff  }
0x18d: {  	s31 =	simm.s32 $0xF;
	v12 =	vor.u32 s10, v0;
	v11 =	vld.idx.msk [tilespmem:v5+s18+$0x0], $0xffff  }
0x18e: {  	s11 =	simm.s32 $0x8;
	v16 =	vor.u32 s31, v0;
	v13 =	vld.idx.msk [tilespmem:v6+s18+$0x0], $0xffff  }
0x18f: {  	s12 =	simm.s32 $0x9;
	v14 =	vor.u32 s11, v0;
	v15 =	vld.idx.msk [tilespmem:v7+s18+$0x0], $0xffff  }
0x190: {  	s13 =	simm.s32 $0xA;
	v18 =	vor.u32 s12, v0;
	v17 =	vld.idx.msk [tilespmem:v9+s18+$0x0], $0xffff  }
0x191: {  	s14 =	simm.s32 $0xB;
	v20 =	vor.u32 s13, v0;
	v19 =	vld.idx.msk [tilespmem:v10+s18+$0x0], $0xffff  }
0x192: {  	s15 =	simm.s32 $0xC;
	v22 =	vor.u32 s14, v0;
	v21 =	vld.idx.msk [tilespmem:v12+s18+$0x0], $0xffff  }
0x193: {  	s16 =	simm.s32 $0xD;
	v24 =	vor.u32 s15, v0;
	v26 =	vld.idx.msk [tilespmem:v16+s18+$0x0], $0xffff  }
0x194: {  	s17 =	simm.s32 $0xE;
	v25 =	vor.u32 s16, v0;
	v23 =	vld.idx.msk [tilespmem:v14+s18+$0x0], $0xffff  }
0x195: {  	v28 =	vor.u32 s17, v0;
	v27 =	vld.idx.msk [tilespmem:v18+s18+$0x0], $0xffff  }
0x196: {  	v30 =	vor.u32 s31, v1;
	v29 =	vld.idx.msk [tilespmem:v20+s18+$0x0], $0xffff  }
0x197: {  	v31 =	vor.u32 s24, v1;
	s4 =	simm.s32 $0xD100;
	v32 =	vld.idx.msk [tilespmem:v22+s18+$0x0], $0xffff  }
0x198: {  	v33 =	vor.u32 s25, v1;
	v34 =	vld.idx.msk [tilespmem:v24+s18+$0x0], $0xffff;
	[tilespmem:s4+$0xE0] =	vst v26  }
0x199: {  	v35 =	vor.u32 s7, v1;
	v36 =	vld.idx.msk [tilespmem:v25+s18+$0x0], $0xffff;
	[tilespmem:s4+$0xFFFFFF20] =	vst v2  }
0x19a: {  	v37 =	vor.u32 s8, v1;
	v38 =	vld.idx.msk [tilespmem:v28+s18+$0x0], $0xffff;
	[tilespmem:s4+$0xFFFFFF40] =	vst v11  }
0x19b: {  	v44 =	vor.u32 s13, v1;
	[tilespmem:s4+$0xFFFFFF60] =	vst v13;
	v2 =	vld.idx.msk [tilespmem:v30+s18+$0x0], $0xffff  }
0x19c: {  	v59 =	vor.u32 s16, v1;
	[tilespmem:s4+$0xFFFFFF80] =	vst v15;
	v39 =	vld.idx.msk [tilespmem:v31+s18+$0x0], $0xffff  }
0x19d: {  	v60 =	vor.u32 s17, v1;
	[tilespmem:s4+$0xFFFFFFA0] =	vst v17;
	v40 =	vld.idx.msk [tilespmem:v33+s18+$0x0], $0xffff  }
0x19e: {  	v47 =	vor.u32 s22, v1;
	[tilespmem:s4+$0xFFFFFFC0] =	vst v19;
	v13 =	vld.idx.msk [tilespmem:v35+s18+$0x0], $0xffff  }
0x19f: {  	v26 =	vor.u32 s26, v1;
	[tilespmem:s4+$0x40] =	vst v29;
	v41 =	vld.idx.msk [tilespmem:v37+s18+$0x0], $0xffff  }
0x1a0: {  	v11 =	vor.u32 s9, v1;
	[tilespmem:s4+$0xA0] =	vst v36;
	v46 =	vld.idx.msk [tilespmem:v44+s18+$0x0], $0xffff  }
0x1a1: {  	v17 =	vor.u32 s11, v1;
	[tilespmem:s4+$0xC0] =	vst v38;
	v36 =	vld.idx.msk [tilespmem:v59+s18+$0x0], $0xffff  }
0x1a2: {  	v19 =	vor.u32 s12, v1;
	[tilespmem:s4+$0xFFFFFF00] =	vst v8;
	v8 =	vld.idx.msk [tilespmem:v60+s18+$0x0], $0xffff  }
0x1a3: {  	[tilespmem:s4+$0xFFFFFFE0] =	vst v21;
	v21 =	vor.u32 s14, v1;
	v61 =	vld.idx.msk [tilespmem:v47+s18+$0x0], $0xffff  }
0x1a4: {  	[tilespmem:s4+$0x0] =	vst v23;
	v23 =	vor.u32 s15, v1;
	v42 =	vld.idx.msk [tilespmem:v26+s18+$0x0], $0xffff  }
0x1a5: {  	v43 =	vld.idx.msk [tilespmem:v11+s18+$0x0], $0xffff  }
0x1a6: {  	v15 =	vor.u32 s10, v1;
	[tilespmem:s4+$0x20] =	vst v27;
	v45 =	vld.idx.msk [tilespmem:v17+s18+$0x0], $0xffff  }
0x1a7: {  	s23 =	simm.s32 $0x1E0;
	[tilespmem:s4+$0x60] =	vst v32;
	v27 =	vld.idx.msk [tilespmem:v19+s18+$0x0], $0xffff  }
0x1a8: {  	s9 =	sor.u32 $0x70, s23;
	[tilespmem:s4+$0x80] =	vst v34;
	s12 =	simm.s32 $0x20;
	v48 =	vld.idx.msk [tilespmem:v21+s18+$0x0], $0xffff  }
0x1a9: {  	s13 =	simm.s32 $0x40;
	s26 =	simm.s32 $0x8000;
	s14 =	sor.u32 $0x30, s12;
	v34 =	vld.idx.msk [tilespmem:v23+s18+$0x0], $0xffff;
	[tilespmem:s9+$0xD000] =	vst v2  }
0x1aa: {  	s11 =	simm.s32 $0x60;
	s12 =	sor.u32 $0x50, s13;
	[tilespmem:s14+$0xD000] =	vst v39;
	v2 =	vld.idx.msk [tilespmem:v16+s26+$0x0], $0xffff  }
0x1ab: {  	s11 =	sor.u32 $0x70, s11;
	[tilespmem:s12+$0xD000] =	vst v40;
	v16 =	vld.idx.msk [tilespmem:v15+s18+$0x0], $0xffff  }
0x1ac: {  	s17 =	simm.s32 $0xA0;
	s22 =	simm.s32 $0x140;
	[tilespmem:s11+$0xD000] =	vst v13;
	v39 =	vld.idx.msk [tilespmem:v3+s26+$0x0], $0xffff  }
0x1ad: {  	s25 =	simm.s32 $0x1A0;
	s2 =	sor.u32 $0x30, s17;
	s17 =	sor.u32 $0x50, s22;
	[tilespmem:s4+$0xFFFFFF90] =	vst v41;
	v5 =	vld.idx.msk [tilespmem:v5+s26+$0x0], $0xffff  }
0x1ae: {  	s31 =	simm.s32 $0x1C0;
	s29 =	sor.u32 $0x30, s25;
	[tilespmem:s17+$0xD000] =	vst v46;
	v6 =	vld.idx.msk [tilespmem:v6+s26+$0x0], $0xffff  }
0x1af: {  	s16 =	sor.u32 $0x50, s31;
	[tilespmem:s29+$0xD000] =	vst v36;
	v7 =	vld.idx.msk [tilespmem:v7+s26+$0x0], $0xffff  }
0x1b0: {  	[tilespmem:s16+$0xD000] =	vst v8;
	v20 =	vld.idx.msk [tilespmem:v20+s26+$0x0], $0xffff  }
0x1b1: {  	s19 =	simm.s32 $0xC0;
	[tilespmem:s4+$0xFFFFFF10] =	vst v61;
	v25 =	vld.idx.msk [tilespmem:v25+s26+$0x0], $0xffff  }
0x1b2: {  	s1 =	sor.u32 $0x50, s19;
	v8 =	vld.idx.msk [tilespmem:v28+s26+$0x0], $0xffff;
	[tilespmem:s2+$0xD000] =	vst v42  }
0x1b3: {  	s21 =	simm.s32 $0x120;
	v4 =	vld.idx.msk [tilespmem:v4+s26+$0x0], $0xffff;
	[tilespmem:s1+$0xD000] =	vst v43  }
0x1b4: {  	s20 =	simm.s32 $0xE0;
	s24 =	simm.s32 $0x160;
	s21 =	sor.u32 $0x30, s21;
	[tilespmem:s4+$0x10] =	vst v45;
	v9 =	vld.idx.msk [tilespmem:v9+s26+$0x0], $0xffff  }
0x1b5: {  	s30 =	sor.u32 $0x70, s20;
	s20 =	sor.u32 $0x70, s24;
	[tilespmem:s21+$0xD000] =	vst v27;
	v10 =	vld.idx.msk [tilespmem:v10+s26+$0x0], $0xffff  }
0x1b6: {  	[tilespmem:s20+$0xD000] =	vst v48;
	v62 =	vld.idx.msk [tilespmem:v14+s26+$0x0], $0xffff  }
0x1b7: {  	s10 =	simm.s32 $0x10100;
	[tilespmem:s4+$0x90] =	vst v34;
	v18 =	vld.idx.msk [tilespmem:v18+s26+$0x0], $0xffff  }
0x1b8: {  	v22 =	vld.idx.msk [tilespmem:v22+s26+$0x0], $0xffff;
	[tilespmem:s10+$0xE0] =	vst v2  }
0x1b9: {  	v24 =	vld.idx.msk [tilespmem:v24+s26+$0x0], $0xffff;
	[tilespmem:s30+$0xD000] =	vst v16  }
0x1ba: {  	[tilespmem:s10+$0xFFFFFF20] =	vst v39;
	v30 =	vld.idx.msk [tilespmem:v30+s26+$0x0], $0xffff  }
0x1bb: {  	[tilespmem:s10+$0xFFFFFF40] =	vst v5;
	v16 =	vld.idx.msk [tilespmem:v12+s26+$0x0], $0xffff  }
0x1bc: {  	s0 =	simm.s32 $0x10;
	[tilespmem:s10+$0xFFFFFF60] =	vst v6;
	v27 =	vld.idx.msk [tilespmem:v31+s26+$0x0], $0xffff  }
0x1bd: {  	v2 =	vor.u32 s0, v0;
	[tilespmem:s10+$0xFFFFFF80] =	vst v7;
	v5 =	vld.idx.msk [tilespmem:v33+s26+$0x0], $0xffff  }
0x1be: {  	[tilespmem:s10+$0x40] =	vst v20;
	v6 =	vld.idx.msk [tilespmem:v35+s26+$0x0], $0xffff  }
0x1bf: {  	[tilespmem:s10+$0xA0] =	vst v25;
	v63 =	vld.idx.msk [tilespmem:v37+s26+$0x0], $0xffff  }
0x1c0: {  	[tilespmem:s10+$0xC0] =	vst v8;
	v20 =	vld.idx.msk [tilespmem:v59+s26+$0x0], $0xffff  }
0x1c1: {  	[tilespmem:s10+$0xFFFFFF00] =	vst v4;
	v25 =	vld.idx.msk [tilespmem:v60+s26+$0x0], $0xffff  }
0x1c2: {  	[tilespmem:s10+$0xFFFFFFA0] =	vst v9;
	v3 =	vld.idx.msk [tilespmem:v2+s18+$0x0], $0xffff  }
0x1c3: {  	[tilespmem:s10+$0xFFFFFFC0] =	vst v10;
	v12 =	vld.idx.msk [tilespmem:v26+s26+$0x0], $0xffff  }
0x1c4: {  	[tilespmem:s10+$0x60] =	vst v22;
	v13 =	vld.idx.msk [tilespmem:v11+s26+$0x0], $0xffff  }
0x1c5: {  	[tilespmem:s10+$0x20] =	vst v18;
	v18 =	vld.idx.msk [tilespmem:v21+s26+$0x0], $0xffff  }
0x1c6: {  	s15 =	simm.s32 $0x11;
	[tilespmem:s10+$0x80] =	vst v24;
	v21 =	vld.idx.msk [tilespmem:v47+s26+$0x0], $0xffff  }
0x1c7: {  	s7 =	simm.s32 $0x12;
	v9 =	vor.u32 s15, v0;
	[tilespmem:s10+$0xFFFFFFE0] =	vst v16;
	v16 =	vld.idx.msk [tilespmem:v19+s26+$0x0], $0xffff  }
0x1c8: {  	s22 =	simm.s32 $0x13;
	[tilespmem:s10+$0x0] =	vst v62;
	v10 =	vor.u32 s7, v0;
	v19 =	vld.idx.msk [tilespmem:v23+s26+$0x0], $0xffff  }
0x1c9: {  	v11 =	vor.u32 s22, v0;
	[tilespmem:s9+$0x10000] =	vst v30;
	s9 =	simm.s32 $0x14;
	v14 =	vld.idx.msk [tilespmem:v15+s26+$0x0], $0xffff  }
0x1ca: {  	s25 =	simm.s32 $0x15;
	v15 =	vld.idx.msk [tilespmem:v17+s26+$0x0], $0xffff;
	v4 =	vor.u32 s9, v0  }
0x1cb: {  	v8 =	vor.u32 s25, v0;
	[tilespmem:s14+$0x10000] =	vst v27;
	s14 =	simm.s32 $0x16;
	v17 =	vld.idx.msk [tilespmem:v44+s26+$0x0], $0xffff  }
0x1cc: {  	s3 =	simm.s32 $0x17;
	[tilespmem:s12+$0x10000] =	vst v5;
	v7 =	vor.u32 s14, v0;
	v22 =	vld.idx.msk [tilespmem:v9+s18+$0x0], $0xffff  }
0x1cd: {  	s19 =	simm.s32 $0x18;
	[tilespmem:s11+$0x10000] =	vst v6;
	v6 =	vor.u32 s3, v0;
	v23 =	vld.idx.msk [tilespmem:v10+s18+$0x0], $0xffff  }
0x1ce: {  	s8 =	simm.s32 $0x1F;
	s24 =	simm.s32 $0x20;
	v5 =	vor.u32 s19, v0;
	[tilespmem:s10+$0xFFFFFF90] =	vst v63;
	v24 =	vld.idx.msk [tilespmem:v11+s18+$0x0], $0xffff  }
.LBB2_6:
0x1cf: {  	p3 =	slt.u32 s24, $0x70;
	v26 =	vld.idx.msk [tilespmem:v4+s18+$0x0], $0xffff;
	s11 =	sadd.s32 $0x9, s0;
	v29 =	vor.u32 s8, v0;
	[tilespmem:s2+$0x10000] =	vst v12  }
0x1d0: {  	s12 =	sadd.s32 $0xA, s0;
	v27 =	vld.idx.msk [tilespmem:v8+s18+$0x0], $0xffff;
	v12 =	vor.u32 s11, v0;
	[tilespmem:s1+$0x10000] =	vst v13  }
0x1d1: {  	s2 =	sadd.s32 $0xB, s0;
	v13 =	vor.u32 s12, v0;
	v28 =	vld.idx.msk [tilespmem:v7+s18+$0x0], $0xffff;
	[tilespmem:s30+$0x10000] =	vst v14  }
0x1d2: {  	s1 =	sadd.s32 $0xC, s0;
	v14 =	vor.u32 s2, v0;
	v30 =	vld.idx.msk [tilespmem:v6+s18+$0x0], $0xffff;
	[tilespmem:s10+$0x10] =	vst v15  }
0x1d3: {  	s31 =	sadd.s32 $0xD, s0;
	v15 =	vor.u32 s1, v0;
	v31 =	vld.idx.msk [tilespmem:v5+s18+$0x0], $0xffff;
	[tilespmem:s21+$0x10000] =	vst v16  }
0x1d4: {  	s13 =	sadd.s32 $0xE, s0;
	v16 =	vor.u32 s31, v0;
	v32 =	vld.idx.msk [tilespmem:v29+s18+$0x0], $0xffff;
	[tilespmem:s17+$0x10000] =	vst v17  }
0x1d5: {  	v17 =	vor.u32 s13, v0;
	v33 =	vld.idx.msk [tilespmem:v12+s18+$0x0], $0xffff;
	[tilespmem:s20+$0x10000] =	vst v18  }
0x1d6: {  	v35 =	vor.u32 s8, v1;
	v34 =	vld.idx.msk [tilespmem:v13+s18+$0x0], $0xffff;
	[tilespmem:s10+$0x90] =	vst v19  }
0x1d7: {  	v18 =	vor.u32 s15, v1;
	v36 =	vld.idx.msk [tilespmem:v14+s18+$0x0], $0xffff;
	[tilespmem:s29+$0x10000] =	vst v20  }
0x1d8: {  	v19 =	vor.u32 s7, v1;
	v37 =	vld.idx.msk [tilespmem:v15+s18+$0x0], $0xffff;
	[tilespmem:s16+$0x10000] =	vst v25  }
0x1d9: {  	s4 =	sadd.s32 $0x200, s4;
	v20 =	vor.u32 s22, v1;
	v38 =	vld.idx.msk [tilespmem:v16+s18+$0x0], $0xffff;
	[tilespmem:s10+$0xFFFFFF10] =	vst v21  }
0x1da: {  	v21 =	vor.u32 s9, v1;
	v39 =	vld.idx.msk [tilespmem:v17+s18+$0x0], $0xffff;
	[tilespmem:s4+$0xE0] =	vst v32  }
0x1db: {  	[tilespmem:s4+$0xFFFFFF20] =	vst v22;
	v22 =	vor.u32 s25, v1;
	v32 =	vld.idx.msk [tilespmem:v35+s18+$0x0], $0xffff  }
0x1dc: {  	v40 =	vld.idx.msk [tilespmem:v18+s18+$0x0], $0xffff;
	[tilespmem:s4+$0xFFFFFF40] =	vst v23;
	v23 =	vor.u32 s14, v1  }
0x1dd: {  	v41 =	vld.idx.msk [tilespmem:v19+s18+$0x0], $0xffff;
	[tilespmem:s4+$0xFFFFFF60] =	vst v24  }
0x1de: {  	v24 =	vor.u32 s3, v1;
	v42 =	vld.idx.msk [tilespmem:v20+s18+$0x0], $0xffff;
	[tilespmem:s4+$0xFFFFFF80] =	vst v26  }
0x1df: {  	s23 =	sadd.s32 $0x200, s23;
	v25 =	vor.u32 s19, v1;
	v43 =	vld.idx.msk [tilespmem:v21+s18+$0x0], $0xffff;
	[tilespmem:s4+$0xFFFFFFA0] =	vst v27  }
0x1e0: {  	s8 =	sadd.s32 $0xFFFFFE60, s23;
	s7 =	sor.u32 $0x70, s23;
	s3 =	sadd.s32 $0xFFFFFE40, s23;
	v26 =	vor.u32 s11, v1;
	v44 =	vld.idx.msk [tilespmem:v22+s18+$0x0], $0xffff;
	[tilespmem:s4+$0xFFFFFFC0] =	vst v28  }
0x1e1: {  	s9 =	sadd.s32 $0xFFFFFE80, s23;
	s14 =	sadd.s32 $0xFFFFFEE0, s23;
	s11 =	sadd.s32 $0xFFFFFEC0, s23;
	v27 =	vor.u32 s12, v1;
	v45 =	vld.idx.msk [tilespmem:v23+s18+$0x0], $0xffff;
	[tilespmem:s7+$0xD000] =	vst v32  }
0x1e2: {  	s17 =	sadd.s32 $0xFFFFFF60, s23;
	s15 =	sadd.s32 $0xFFFFFF00, s23;
	s16 =	sadd.s32 $0xFFFFFF40, s23;
	v28 =	vor.u32 s2, v1;
	[tilespmem:s4+$0xFFFFFFE0] =	vst v30;
	v30 =	vld.idx.msk [tilespmem:v29+s26+$0x0], $0xffff  }
0x1e3: {  	s20 =	sadd.s32 $0xFFFFFF80, s23;
	s22 =	sadd.s32 $0xFFFFFFC0, s23;
	s25 =	sadd.s32 $0xFFFFFFE0, s23;
	v29 =	vor.u32 s1, v1;
	v32 =	vld.idx.msk [tilespmem:v24+s18+$0x0], $0xffff;
	[tilespmem:s4+$0x0] =	vst v31  }
0x1e4: {  	s19 =	sor.u32 $0x50, s8;
	s3 =	sor.u32 $0x30, s3;
	s12 =	sor.u32 $0x70, s9;
	v31 =	vld.idx.msk [tilespmem:v25+s18+$0x0], $0xffff;
	[tilespmem:s4+$0x20] =	vst v33  }
0x1e5: {  	s30 =	sor.u32 $0x70, s15;
	s2 =	sor.u32 $0x30, s11;
	s1 =	sor.u32 $0x50, s14;
	v33 =	vld.idx.msk [tilespmem:v26+s18+$0x0], $0xffff;
	[tilespmem:s4+$0x40] =	vst v34;
	v34 =	vor.u32 s31, v1  }
0x1e6: {  	s17 =	sor.u32 $0x50, s17;
	s20 =	sor.u32 $0x70, s20;
	s21 =	sor.u32 $0x30, s16;
	v46 =	vld.idx.msk [tilespmem:v27+s18+$0x0], $0xffff;
	[tilespmem:s4+$0x60] =	vst v36;
	v36 =	vor.u32 s13, v1  }
0x1e7: {  	v47 =	vor.u32 s0, v1;
	s29 =	sor.u32 $0x30, s22;
	s10 =	sadd.s32 $0x200, s10;
	s16 =	sor.u32 $0x50, s25;
	v48 =	vld.idx.msk [tilespmem:v28+s18+$0x0], $0xffff;
	[tilespmem:s4+$0x80] =	vst v37  }
0x1e8: {  	s0 =	smov.u32 s24;
	v37 =	vld.idx.msk [tilespmem:v29+s18+$0x0], $0xffff;
	[tilespmem:s10+$0xE0] =	vst v30  }
0x1e9: {  	[tilespmem:s4+$0xA0] =	vst v38;
	v30 =	vld.idx.msk [tilespmem:v35+s26+$0x0], $0xffff  }
0x1ea: {  	v35 =	vld.idx.msk [tilespmem:v34+s18+$0x0], $0xffff;
	[tilespmem:s4+$0xC0] =	vst v39  }
0x1eb: {  	v38 =	vor.u32 s24, v0;
	[tilespmem:s4+$0xFFFFFF00] =	vst v3;
	v39 =	vld.idx.msk [tilespmem:v36+s18+$0x0], $0xffff  }
0x1ec: {  	v49 =	vld.idx.msk [tilespmem:v47+s18+$0x0], $0xffff;
	[tilespmem:s3+$0xD000] =	vst v40  }
0x1ed: {  	v9 =	vld.idx.msk [tilespmem:v9+s26+$0x0], $0xffff;
	[tilespmem:s19+$0xD000] =	vst v41  }
0x1ee: {  	v10 =	vld.idx.msk [tilespmem:v10+s26+$0x0], $0xffff;
	[tilespmem:s12+$0xD000] =	vst v42  }
0x1ef: {  	v11 =	vld.idx.msk [tilespmem:v11+s26+$0x0], $0xffff;
	[tilespmem:s7+$0x10000] =	vst v30  }
0x1f0: {  	v3 =	vld.idx.msk [tilespmem:v38+s18+$0x0], $0xffff;
	[tilespmem:s4+$0xFFFFFF90] =	vst v43  }
0x1f1: {  	v4 =	vld.idx.msk [tilespmem:v4+s26+$0x0], $0xffff;
	[tilespmem:s2+$0xD000] =	vst v44  }
0x1f2: {  	v8 =	vld.idx.msk [tilespmem:v8+s26+$0x0], $0xffff;
	[tilespmem:s1+$0xD000] =	vst v45  }
0x1f3: {  	v7 =	vld.idx.msk [tilespmem:v7+s26+$0x0], $0xffff;
	[tilespmem:s30+$0xD000] =	vst v32  }
0x1f4: {  	v6 =	vld.idx.msk [tilespmem:v6+s26+$0x0], $0xffff;
	[tilespmem:s4+$0x10] =	vst v31  }
0x1f5: {  	v5 =	vld.idx.msk [tilespmem:v5+s26+$0x0], $0xffff;
	[tilespmem:s21+$0xD000] =	vst v33  }
0x1f6: {  	v30 =	vld.idx.msk [tilespmem:v12+s26+$0x0], $0xffff;
	[tilespmem:s17+$0xD000] =	vst v46  }
0x1f7: {  	v31 =	vld.idx.msk [tilespmem:v13+s26+$0x0], $0xffff;
	[tilespmem:s20+$0xD000] =	vst v48  }
0x1f8: {  	v32 =	vld.idx.msk [tilespmem:v14+s26+$0x0], $0xffff;
	[tilespmem:s4+$0x90] =	vst v37  }
0x1f9: {  	v33 =	vld.idx.msk [tilespmem:v15+s26+$0x0], $0xffff;
	[tilespmem:s29+$0xD000] =	vst v35  }
0x1fa: {  	v35 =	vld.idx.msk [tilespmem:v16+s26+$0x0], $0xffff;
	[tilespmem:s16+$0xD000] =	vst v39  }
0x1fb: {  	[tilespmem:s4+$0xFFFFFF10] =	vst v49;
	v37 =	vld.idx.msk [tilespmem:v17+s26+$0x0], $0xffff  }
0x1fc: {  	v39 =	vld.idx.msk [tilespmem:v2+s26+$0x0], $0xffff;
	[tilespmem:s10+$0xFFFFFF20] =	vst v9;
	v2 =	vmov v38  }
0x1fd: {  	v38 =	vld.idx.msk [tilespmem:v18+s26+$0x0], $0xffff;
	[tilespmem:s10+$0xFFFFFF40] =	vst v10  }
0x1fe: {  	v40 =	vld.idx.msk [tilespmem:v19+s26+$0x0], $0xffff;
	[tilespmem:s10+$0xFFFFFF60] =	vst v11  }
0x1ff: {  	v41 =	vld.idx.msk [tilespmem:v20+s26+$0x0], $0xffff;
	[tilespmem:s10+$0xFFFFFF80] =	vst v4  }
0x200: {  	v42 =	vld.idx.msk [tilespmem:v21+s26+$0x0], $0xffff;
	[tilespmem:s10+$0xFFFFFFA0] =	vst v8  }
0x201: {  	v12 =	vld.idx.msk [tilespmem:v22+s26+$0x0], $0xffff;
	[tilespmem:s10+$0xFFFFFFC0] =	vst v7  }
0x202: {  	v13 =	vld.idx.msk [tilespmem:v23+s26+$0x0], $0xffff;
	[tilespmem:s10+$0xFFFFFFE0] =	vst v6  }
0x203: {  	v14 =	vld.idx.msk [tilespmem:v24+s26+$0x0], $0xffff;
	[tilespmem:s10+$0x0] =	vst v5  }
0x204: {  	v15 =	vld.idx.msk [tilespmem:v25+s26+$0x0], $0xffff;
	[tilespmem:s10+$0x20] =	vst v30  }
0x205: {  	v16 =	vld.idx.msk [tilespmem:v26+s26+$0x0], $0xffff;
	[tilespmem:s10+$0x40] =	vst v31  }
0x206: {  	s15 =	sadd.s32 $0x1, s24;
	v17 =	vld.idx.msk [tilespmem:v27+s26+$0x0], $0xffff;
	[tilespmem:s10+$0x60] =	vst v32  }
0x207: {  	s7 =	sadd.s32 $0x2, s24;
	v9 =	vor.u32 s15, v0;
	v18 =	vld.idx.msk [tilespmem:v28+s26+$0x0], $0xffff;
	[tilespmem:s10+$0x80] =	vst v33  }
0x208: {  	s22 =	sadd.s32 $0x3, s24;
	v10 =	vor.u32 s7, v0;
	v19 =	vld.idx.msk [tilespmem:v29+s26+$0x0], $0xffff;
	[tilespmem:s10+$0xA0] =	vst v35  }
0x209: {  	s9 =	sadd.s32 $0x4, s24;
	v11 =	vor.u32 s22, v0;
	v20 =	vld.idx.msk [tilespmem:v34+s26+$0x0], $0xffff;
	[tilespmem:s10+$0xC0] =	vst v37  }
.Ltmp6:
0x20a: {  	s25 =	sadd.s32 $0x5, s24;
	v4 =	vor.u32 s9, v0;
	[tilespmem:s10+$0xFFFFFF00] =	vst v39;
	v25 =	vld.idx.msk [tilespmem:v36+s26+$0x0], $0xffff;
	(pc) =	sbr.rel @p3 .LBB2_6-.Ltmp6, $4  }
0x20b: {  	s14 =	sadd.s32 $0x6, s24;
	v8 =	vor.u32 s25, v0;
	v21 =	vld.idx.msk [tilespmem:v47+s26+$0x0], $0xffff;
	[tilespmem:s3+$0x10000] =	vst v38  }
0x20c: {  	v7 =	vor.u32 s14, v0;
	s3 =	sadd.s32 $0x7, s24;
	v22 =	vld.idx.msk [tilespmem:v9+s18+$0x0], $0xffff;
	[tilespmem:s19+$0x10000] =	vst v40  }
0x20d: {  	v6 =	vor.u32 s3, v0;
	s19 =	sadd.s32 $0x8, s24;
	v23 =	vld.idx.msk [tilespmem:v10+s18+$0x0], $0xffff;
	[tilespmem:s12+$0x10000] =	vst v41  }
0x20e: {  	s8 =	sadd.s32 $0xF, s0;
	s24 =	sadd.s32 $0x10, s24;
	v5 =	vor.u32 s19, v0;
	v24 =	vld.idx.msk [tilespmem:v11+s18+$0x0], $0xffff;
	[tilespmem:s10+$0xFFFFFF90] =	vst v42  }
0x20f: {  	[tilespmem:s2+$0x10000] =	vst v12  }
0x210: {  	[tilespmem:s1+$0x10000] =	vst v13  }
0x211: {  	[tilespmem:s30+$0x10000] =	vst v14  }
0x212: {  	[tilespmem:s10+$0x10] =	vst v15  }
0x213: {  	[tilespmem:s21+$0x10000] =	vst v16  }
0x214: {  	[tilespmem:s17+$0x10000] =	vst v17  }
0x215: {  	[tilespmem:s20+$0x10000] =	vst v18  }
0x216: {  	[tilespmem:s10+$0x90] =	vst v19  }
0x217: {  	[tilespmem:s29+$0x10000] =	vst v20  }
0x218: {  	v26 =	vor.u32 s8, v0;
	[tilespmem:s16+$0x10000] =	vst v25;
	v48 =	vld.idx.msk [tilespmem:v4+s18+$0x0], $0xffff  }
0x219: {  	s4 =	sadd.s32 $0x200, s4;
	v49 =	vld.idx.msk [tilespmem:v8+s18+$0x0], $0xffff;
	v56 =	vor.u32 s15, v1;
	[tilespmem:s10+$0xFFFFFF10] =	vst v21  }
0x21a: {  	v50 =	vld.idx.msk [tilespmem:v7+s18+$0x0], $0xffff;
	v59 =	vor.u32 s7, v1;
	[tilespmem:s4+$0xFFFFFF00] =	vst v3  }
0x21b: {  	v51 =	vld.idx.msk [tilespmem:v6+s18+$0x0], $0xffff;
	v60 =	vor.u32 s22, v1;
	[tilespmem:s4+$0xFFFFFF20] =	vst v22  }
0x21c: {  	s21 =	sadd.s32 $0x9, s0;
	v53 =	vld.idx.msk [tilespmem:v5+s18+$0x0], $0xffff;
	v35 =	vor.u32 s0, v1;
	[tilespmem:s4+$0xFFFFFF40] =	vst v23  }
0x21d: {  	s24 =	sadd.s32 $0xA, s0;
	v16 =	vor.u32 s21, v0;
	[tilespmem:s4+$0xFFFFFF60] =	vst v24;
	v46 =	vld.idx.msk [tilespmem:v26+s18+$0x0], $0xffff  }
0x21e: {  	s29 =	sadd.s32 $0xB, s0;
	v18 =	vor.u32 s24, v0;
	[tilespmem:s4+$0xFFFFFF80] =	vst v48;
	v28 =	vld.idx.msk [tilespmem:v56+s18+$0x0], $0xffff  }
0x21f: {  	s13 =	sadd.s32 $0xD, s0;
	v20 =	vor.u32 s29, v0;
	[tilespmem:s4+$0xFFFFFFA0] =	vst v49;
	v63 =	vld.idx.msk [tilespmem:v59+s18+$0x0], $0xffff  }
0x220: {  	s12 =	sadd.s32 $0xE, s0;
	v14 =	vor.u32 s13, v0;
	[tilespmem:s4+$0xFFFFFFC0] =	vst v50;
	v32 =	vld.idx.msk [tilespmem:v60+s18+$0x0], $0xffff  }
0x221: {  	s1 =	sadd.s32 $0x200, s23;
	v15 =	vor.u32 s12, v0;
	[tilespmem:s4+$0xFFFFFFE0] =	vst v51;
	v39 =	vld.idx.msk [tilespmem:v35+s18+$0x0], $0xffff  }
0x222: {  	s31 =	sadd.s32 $0x200, s10;
	v62 =	vor.u32 s25, v1;
	s10 =	sadd.s32 $0xFFFFFE40, s1;
	[tilespmem:s4+$0x0] =	vst v53;
	v54 =	vld.idx.msk [tilespmem:v16+s18+$0x0], $0xffff  }
0x223: {  	v19 =	vor.u32 s19, v1;
	s15 =	sadd.s32 $0xFFFFFE80, s1;
	s7 =	sor.u32 $0x30, s10;
	v55 =	vld.idx.msk [tilespmem:v18+s18+$0x0], $0xffff;
	[tilespmem:s4+$0xE0] =	vst v46  }
0x224: {  	s11 =	sadd.s32 $0xC, s0;
	s0 =	sor.u32 $0x70, s15;
	v23 =	vor.u32 s9, v1;
	v57 =	vld.idx.msk [tilespmem:v20+s18+$0x0], $0xffff;
	[tilespmem:s7+$0xD000] =	vst v28  }
0x225: {  	v47 =	vor.u32 s8, v1;
	v61 =	vld.idx.msk [tilespmem:v14+s18+$0x0], $0xffff;
	[tilespmem:s0+$0xD000] =	vst v32  }
0x226: {  	v27 =	vld.idx.msk [tilespmem:v15+s18+$0x0], $0xffff;
	[tilespmem:s4+$0xFFFFFF10] =	vst v39  }
0x227: {  	v29 =	vld.idx.msk [tilespmem:v62+s18+$0x0], $0xffff;
	[tilespmem:s4+$0x20] =	vst v54  }
0x228: {  	v36 =	vld.idx.msk [tilespmem:v19+s18+$0x0], $0xffff;
	[tilespmem:s4+$0x40] =	vst v55  }
0x229: {  	v37 =	vor.u32 s14, v1;
	v33 =	vld.idx.msk [tilespmem:v23+s18+$0x0], $0xffff;
	[tilespmem:s4+$0x60] =	vst v57  }
0x22a: {  	s19 =	sadd.s32 $0xFFFFFEC0, s1;
	v12 =	vld.idx.msk [tilespmem:v47+s18+$0x0], $0xffff;
	[tilespmem:s4+$0xA0] =	vst v61  }
0x22b: {  	s9 =	sor.u32 $0x30, s19;
	[tilespmem:s4+$0xC0] =	vst v27;
	v3 =	vld.idx.msk [tilespmem:v9+s26+$0x0], $0xffff  }
0x22c: {  	v41 =	vor.u32 s21, v1;
	v11 =	vld.idx.msk [tilespmem:v11+s26+$0x0], $0xffff;
	[tilespmem:s9+$0xD000] =	vst v29  }
0x22d: {  	[tilespmem:s4+$0x10] =	vst v36;
	v54 =	vor.u32 s12, v1;
	v2 =	vld.idx.msk [tilespmem:v2+s26+$0x0], $0xffff  }
0x22e: {  	s30 =	sor.u32 $0x70, s1;
	v42 =	vld.idx.msk [tilespmem:v37+s18+$0x0], $0xffff;
	[tilespmem:s4+$0xFFFFFF90] =	vst v33  }
0x22f: {  	v46 =	vld.idx.msk [tilespmem:v8+s26+$0x0], $0xffff;
	[tilespmem:s30+$0xD000] =	vst v12  }
0x230: {  	v61 =	vld.idx.msk [tilespmem:v5+s26+$0x0], $0xffff;
	v12 =	vor.u32 s11, v0;
	[tilespmem:s31+$0xFFFFFF20] =	vst v3  }
0x231: {  	s20 =	sadd.s32 $0xFFFFFEE0, s1;
	v48 =	vld.idx.msk [tilespmem:v41+s18+$0x0], $0xffff;
	[tilespmem:s31+$0xFFFFFF60] =	vst v11  }
0x232: {  	v3 =	vor.u32 s3, v1;
	s3 =	sor.u32 $0x50, s20;
	v57 =	vld.idx.msk [tilespmem:v54+s18+$0x0], $0xffff;
	[tilespmem:s31+$0xFFFFFF00] =	vst v2  }
0x233: {  	v43 =	vor.u32 s24, v1;
	v52 =	vld.idx.msk [tilespmem:v26+s26+$0x0], $0xffff;
	[tilespmem:s3+$0xD000] =	vst v42  }
0x234: {  	v34 =	vor.u32 s11, v1;
	s11 =	sadd.s32 $0xFFFFFE60, s1;
	v40 =	vld.idx.msk [tilespmem:v56+s26+$0x0], $0xffff;
	[tilespmem:s31+$0xFFFFFFA0] =	vst v46  }
0x235: {  	s2 =	sadd.s32 $0xFFFFFFE0, s1;
	s8 =	sor.u32 $0x50, s11;
	[tilespmem:s31+$0x0] =	vst v61;
	v58 =	vld.idx.msk [tilespmem:v12+s18+$0x0], $0xffff  }
0x236: {  	s2 =	sor.u32 $0x50, s2;
	v44 =	vld.idx.msk [tilespmem:v60+s26+$0x0], $0xffff;
	[tilespmem:s8+$0xD000] =	vst v63  }
0x237: {  	v60 =	vld.idx.msk [tilespmem:v4+s26+$0x0], $0xffff;
	[tilespmem:s2+$0xD000] =	vst v57  }
0x238: {  	v50 =	vld.idx.msk [tilespmem:v43+s18+$0x0], $0xffff;
	[tilespmem:s31+$0xE0] =	vst v52  }
0x239: {  	v49 =	vld.idx.msk [tilespmem:v7+s26+$0x0], $0xffff;
	[tilespmem:s7+$0x10000] =	vst v40  }
0x23a: {  	v13 =	vld.idx.msk [tilespmem:v47+s26+$0x0], $0xffff;
	[tilespmem:s4+$0x80] =	vst v58  }
0x23b: {  	s22 =	sadd.s32 $0xFFFFFF40, s1;
	[tilespmem:s0+$0x10000] =	vst v44;
	v38 =	vld.idx.msk [tilespmem:v34+s18+$0x0], $0xffff  }
0x23c: {  	s0 =	sor.u32 $0x30, s22;
	[tilespmem:s31+$0xFFFFFF80] =	vst v60;
	v47 =	vld.idx.msk [tilespmem:v3+s18+$0x0], $0xffff  }
0x23d: {  	s23 =	sadd.s32 $0xFFFFFF60, s1;
	v10 =	vld.idx.msk [tilespmem:v10+s26+$0x0], $0xffff;
	[tilespmem:s0+$0xD000] =	vst v48  }
0x23e: {  	v8 =	vld.idx.msk [tilespmem:v62+s26+$0x0], $0xffff;
	s7 =	sor.u32 $0x50, s23;
	[tilespmem:s31+$0xFFFFFFC0] =	vst v49  }
0x23f: {  	v45 =	vor.u32 s29, v1;
	s21 =	sadd.s32 $0xFFFFFF00, s1;
	v5 =	vld.idx.msk [tilespmem:v19+s26+$0x0], $0xffff;
	[tilespmem:s7+$0xD000] =	vst v50  }
0x240: {  	v52 =	vor.u32 s13, v1;
	[tilespmem:s4+$0x90] =	vst v38;
	s4 =	sor.u32 $0x70, s21  }
0x241: {  	v7 =	vld.idx.msk [tilespmem:v37+s26+$0x0], $0xffff;
	[tilespmem:s4+$0xD000] =	vst v47  }
0x242: {  	[tilespmem:s31+$0xFFFFFF40] =	vst v10;
	v53 =	vld.idx.msk [tilespmem:v6+s26+$0x0], $0xffff  }
0x243: {  	[tilespmem:s9+$0x10000] =	vst v8;
	v10 =	vld.idx.msk [tilespmem:v59+s26+$0x0], $0xffff  }
0x244: {  	v51 =	vld.idx.msk [tilespmem:v45+s18+$0x0], $0xffff;
	[tilespmem:s31+$0x10] =	vst v5  }
0x245: {  	v56 =	vld.idx.msk [tilespmem:v52+s18+$0x0], $0xffff;
	[tilespmem:s30+$0x10000] =	vst v13  }
0x246: {  	v4 =	vld.idx.msk [tilespmem:v23+s26+$0x0], $0xffff;
	[tilespmem:s3+$0x10000] =	vst v7  }
0x247: {  	s24 =	sadd.s32 $0xFFFFFF80, s1;
	v16 =	vld.idx.msk [tilespmem:v16+s26+$0x0], $0xffff;
	[tilespmem:s31+$0xFFFFFFE0] =	vst v53  }
0x248: {  	s25 =	sadd.s32 $0xFFFFFFC0, s1;
	[tilespmem:s8+$0x10000] =	vst v10;
	s8 =	sor.u32 $0x70, s24;
	v3 =	vld.idx.msk [tilespmem:v3+s26+$0x0], $0xffff  }
0x249: {  	s3 =	sor.u32 $0x30, s25;
	v10 =	vld.idx.msk [tilespmem:v18+s26+$0x0], $0xffff;
	[tilespmem:s8+$0xD000] =	vst v51  }
0x24a: {  	v55 =	vld.idx.msk [tilespmem:v20+s26+$0x0], $0xffff;
	[tilespmem:s3+$0xD000] =	vst v56  }
0x24b: {  	[tilespmem:s31+$0xFFFFFF90] =	vst v4;
	v59 =	vld.idx.msk [tilespmem:v14+s26+$0x0], $0xffff  }
0x24c: {  	[tilespmem:s31+$0x20] =	vst v16;
	v62 =	vld.idx.msk [tilespmem:v12+s26+$0x0], $0xffff  }
0x24d: {  	[tilespmem:s4+$0x10000] =	vst v3;
	v3 =	vld.idx.msk [tilespmem:v15+s26+$0x0], $0xffff  }
0x24e: {  	v58 =	vld.idx.msk [tilespmem:v41+s26+$0x0], $0xffff;
	[tilespmem:s31+$0x40] =	vst v10  }
0x24f: {  	v10 =	vld.idx.msk [tilespmem:v43+s26+$0x0], $0xffff;
	[tilespmem:s31+$0x60] =	vst v55  }
0x250: {  	v8 =	vld.idx.msk [tilespmem:v45+s26+$0x0], $0xffff;
	[tilespmem:s31+$0xA0] =	vst v59  }
0x251: {  	[tilespmem:s31+$0x80] =	vst v62;
	v63 =	vld.idx.msk [tilespmem:v52+s26+$0x0], $0xffff  }
0x252: {  	v6 =	vld.idx.msk [tilespmem:v34+s26+$0x0], $0xffff;
	[tilespmem:s31+$0xC0] =	vst v3  }
0x253: {  	[tilespmem:s0+$0x10000] =	vst v58;
	v3 =	vld.idx.msk [tilespmem:v54+s26+$0x0], $0xffff  }
0x254: {  	[tilespmem:s7+$0x10000] =	vst v10  }
0x255: {  	[tilespmem:s8+$0x10000] =	vst v8  }
0x256: {  	[tilespmem:s3+$0x10000] =	vst v63  }
0x257: {  	v2 =	vld.idx.msk [tilespmem:v35+s26+$0x0], $0xffff;
	[tilespmem:s31+$0x90] =	vst v6  }
0x258: {  	[tilespmem:s2+$0x10000] =	vst v3  }
0x259: {  	s0 =	sld [smem:$0x7F8];
	_ =	sdelay $0x2  }
0x25a: {  	s29 =	simm.s32 $0xD000;
	s26 =	rddreg [dreg:$0x3];
	[tilespmem:s31+$0xFFFFFF10] =	vst v2;
	s0 =	sshll.u32 s0, $0x9  }
0x25b: {  	s18 =	simm.s32 $0x1;
	s30 =	rddreg [dreg:$0x8];
	s1 =	sadd.s32 s26, s0  }
0x25c: {  	[hbm4b:s1+s5] =	stream.linear.scatter [tilespmem:s29], [sflag:$0x5], $0x1000, $0x38;
	[tilespmem:$0x12000] =	vst v63  }
0x25d: {  	s31 =	simm.s32 $0x10000;
	s0 =	sadd.s32 s30, s0;
	s26 =	simm.s32 $0xC000  }
0x25e: {  	[hbm4b:s0+s5] =	stream.linear.scatter [tilespmem:s31], [sflag:$0x5], $0x1000, $0x38;
	[tilespmem:$0x12000] =	vst v63  }
.LBB2_8:
.Ltmp7:
0x25f: {  	(pc) =	sbr.rel @p2 .LBB2_12-.Ltmp7, $2  }
0x260: {  	_ =	sdelay $0x2  }
0x261: {  	s30 =	simm.s32 $0x4000  }
0x262: {  	s1 =	simm.s32 $0x3  }
0x263: {  	_ =	swait.ge [sflag:s1], $0x1000  }
0x264: {  	[sflag:s1] =	ssyncset.done $0x0  }
0x265: {  	[sflag:s1] =	ssyncadd.s32 $0xFFFFF000  }
0x266: {  	_ =	swait.ge [sflag:s1], $0x1000  }
0x267: {  	s2 =	sld [smem:$0x7FB];
	_ =	sdelay $0x1  }
0x268: {  	s0 =	rddreg [dreg:$0x10]  }
0x269: {  	[sflag:s1] =	ssyncset.done $0x0;
	s0 =	sadd.s32 s0, s2  }
0x26a: {  	[sflag:s1] =	ssyncadd.s32 $0xFFFFF000;
	p2 =	sgt.u32 s0, $0x1E83  }
0x26b: {  	s1 =	rddreg [dreg:$0x0];
	s0 =	sshll.u32 @!p2 s0, $0x7  }
0x26c: {  	s2 =	simm.s32 @!p2 $0x0;
	s3 =	simm.s32 @!p2 $0x2000;
	s1 =	sadd.s32 @!p2 s1, s0  }
0x26d: {  	[tilespmem:s3], [sflag:$0x2] =	stream.linear.gather @!p2 [hbm4b:s1+s2], $0x400, $0x38;
	[tilespmem:$0x12000] =	vst v63  }
0x26e: {  	s4 =	simm.s32 @!p2 $0x2800;
	s3 =	sadd.s32 @!p2 $0xF4280, s1  }
0x26f: {  	[tilespmem:s4], [sflag:$0x2] =	stream.linear.gather @!p2 [hbm4b:s3+s2], $0x400, $0x38;
	[tilespmem:$0x12000] =	vst v63  }
0x270: {  	s3 =	sadd.s32 @!p2 $0x1E8500, s1;
	s4 =	simm.s32 @!p2 $0x3000  }
0x271: {  	[tilespmem:s4], [sflag:$0x2] =	stream.linear.gather @!p2 [hbm4b:s3+s2], $0x400, $0x38;
	[tilespmem:$0x12000] =	vst v63  }
0x272: {  	s1 =	sadd.s32 @!p2 $0x2DC780, s1;
	s3 =	simm.s32 @!p2 $0x3800  }
0x273: {  	[tilespmem:s3], [sflag:$0x2] =	stream.linear.gather @!p2 [hbm4b:s1+s2], $0x400, $0x38;
	[tilespmem:$0x12000] =	vst v63  }
0x274: {  	s1 =	rddreg [dreg:$0x1]  }
0x275: {  	s0 =	sadd.s32 @!p2 s1, s0;
	s1 =	simm.s32 @!p2 $0x8000  }
0x276: {  	[tilespmem:s1], [sflag:$0x2] =	stream.linear.gather @!p2 [hbm4b:s0+s2], $0x400, $0x38;
	[tilespmem:$0x12000] =	vst v63  }
0x277: {  	s3 =	simm.s32 @!p2 $0x8800;
	s1 =	sadd.s32 @!p2 $0xF4280, s0  }
0x278: {  	[tilespmem:s3], [sflag:$0x2] =	stream.linear.gather @!p2 [hbm4b:s1+s2], $0x400, $0x38;
	[tilespmem:$0x12000] =	vst v63  }
0x279: {  	s1 =	sadd.s32 @!p2 $0x1E8500, s0;
	s3 =	simm.s32 @!p2 $0x9000  }
0x27a: {  	[tilespmem:s3], [sflag:$0x2] =	stream.linear.gather @!p2 [hbm4b:s1+s2], $0x400, $0x38;
	[tilespmem:$0x12000] =	vst v63  }
0x27b: {  	s0 =	sadd.s32 @!p2 $0x2DC780, s0;
	s1 =	simm.s32 @!p2 $0x9800  }
0x27c: {  	[tilespmem:s1], [sflag:$0x2] =	stream.linear.gather @!p2 [hbm4b:s0+s2], $0x400, $0x38;
	[tilespmem:$0x12000] =	vst v63  }
0x27d: {  	s1 =	simm.s32 @!p1 $0x6  }
0x27e: {  	s23 =	simm.s32 $0x0;
	_ =	swait.ge @!p1 [sflag:s1], $0x1000  }
0x27f: {  	s24 =	simm.s32 $0x1;
	v4 =	vor.u32 s23, v0;
	[sflag:s1] =	ssyncset.done @!p1 $0x0  }
0x280: {  	s25 =	simm.s32 $0x2;
	v3 =	vor.u32 s24, v0;
	[sflag:s1] =	ssyncadd.s32 @!p1 $0xFFFFF000  }
0x281: {  	s7 =	simm.s32 $0x3;
	v5 =	vor.u32 s25, v0;
	_ =	swait.ge @!p1 [sflag:s1], $0x1000  }
0x282: {  	s8 =	simm.s32 $0x4;
	v6 =	vor.u32 s7, v0;
	[sflag:s1] =	ssyncset.done @!p1 $0x0  }
0x283: {  	s26 =	simm.s32 $0x5;
	v7 =	vor.u32 s8, v0;
	[sflag:s1] =	ssyncadd.s32 @!p1 $0xFFFFF000  }
0x284: {  	s9 =	simm.s32 $0x6;
	v9 =	vor.u32 s26, v0;
	v8 =	vld.idx.msk [tilespmem:v4+s30+$0x0], $0xffff  }
0x285: {  	s10 =	simm.s32 $0x7;
	v10 =	vor.u32 s9, v0;
	v2 =	vld.idx.msk [tilespmem:v3+s30+$0x0], $0xffff  }
0x286: {  	s31 =	simm.s32 $0xF;
	v12 =	vor.u32 s10, v0;
	v11 =	vld.idx.msk [tilespmem:v5+s30+$0x0], $0xffff  }
0x287: {  	s11 =	simm.s32 $0x8;
	v16 =	vor.u32 s31, v0;
	v13 =	vld.idx.msk [tilespmem:v6+s30+$0x0], $0xffff  }
0x288: {  	s12 =	simm.s32 $0x9;
	v14 =	vor.u32 s11, v0;
	v15 =	vld.idx.msk [tilespmem:v7+s30+$0x0], $0xffff  }
0x289: {  	s14 =	simm.s32 $0xA;
	v18 =	vor.u32 s12, v0;
	v17 =	vld.idx.msk [tilespmem:v9+s30+$0x0], $0xffff  }
0x28a: {  	s15 =	simm.s32 $0xB;
	v20 =	vor.u32 s14, v0;
	v19 =	vld.idx.msk [tilespmem:v10+s30+$0x0], $0xffff  }
0x28b: {  	s16 =	simm.s32 $0xC;
	v22 =	vor.u32 s15, v0;
	v21 =	vld.idx.msk [tilespmem:v12+s30+$0x0], $0xffff  }
0x28c: {  	s17 =	simm.s32 $0xD;
	v24 =	vor.u32 s16, v0;
	v26 =	vld.idx.msk [tilespmem:v16+s30+$0x0], $0xffff  }
0x28d: {  	s19 =	simm.s32 $0xE;
	v25 =	vor.u32 s17, v0;
	v23 =	vld.idx.msk [tilespmem:v14+s30+$0x0], $0xffff  }
0x28e: {  	v28 =	vor.u32 s19, v0;
	v27 =	vld.idx.msk [tilespmem:v18+s30+$0x0], $0xffff  }
0x28f: {  	v30 =	vor.u32 s31, v1;
	v29 =	vld.idx.msk [tilespmem:v20+s30+$0x0], $0xffff  }
0x290: {  	v31 =	vor.u32 s24, v1;
	s4 =	simm.s32 $0xE100;
	v32 =	vld.idx.msk [tilespmem:v22+s30+$0x0], $0xffff  }
0x291: {  	v33 =	vor.u32 s25, v1;
	v34 =	vld.idx.msk [tilespmem:v24+s30+$0x0], $0xffff;
	[tilespmem:s4+$0xE0] =	vst v26  }
0x292: {  	v35 =	vor.u32 s7, v1;
	v36 =	vld.idx.msk [tilespmem:v25+s30+$0x0], $0xffff;
	[tilespmem:s4+$0xFFFFFF20] =	vst v2  }
0x293: {  	v37 =	vor.u32 s8, v1;
	v38 =	vld.idx.msk [tilespmem:v28+s30+$0x0], $0xffff;
	[tilespmem:s4+$0xFFFFFF40] =	vst v11  }
0x294: {  	v44 =	vor.u32 s14, v1;
	[tilespmem:s4+$0xFFFFFF60] =	vst v13;
	v2 =	vld.idx.msk [tilespmem:v30+s30+$0x0], $0xffff  }
0x295: {  	v59 =	vor.u32 s17, v1;
	[tilespmem:s4+$0xFFFFFF80] =	vst v15;
	v39 =	vld.idx.msk [tilespmem:v31+s30+$0x0], $0xffff  }
0x296: {  	v60 =	vor.u32 s19, v1;
	[tilespmem:s4+$0xFFFFFFA0] =	vst v17;
	v40 =	vld.idx.msk [tilespmem:v33+s30+$0x0], $0xffff  }
0x297: {  	v47 =	vor.u32 s23, v1;
	[tilespmem:s4+$0xFFFFFFC0] =	vst v19;
	v13 =	vld.idx.msk [tilespmem:v35+s30+$0x0], $0xffff  }
0x298: {  	v26 =	vor.u32 s26, v1;
	[tilespmem:s4+$0x40] =	vst v29;
	v41 =	vld.idx.msk [tilespmem:v37+s30+$0x0], $0xffff  }
0x299: {  	v11 =	vor.u32 s9, v1;
	[tilespmem:s4+$0xA0] =	vst v36;
	v46 =	vld.idx.msk [tilespmem:v44+s30+$0x0], $0xffff  }
0x29a: {  	v17 =	vor.u32 s11, v1;
	[tilespmem:s4+$0xC0] =	vst v38;
	v36 =	vld.idx.msk [tilespmem:v59+s30+$0x0], $0xffff  }
0x29b: {  	v19 =	vor.u32 s12, v1;
	[tilespmem:s4+$0xFFFFFF00] =	vst v8;
	v8 =	vld.idx.msk [tilespmem:v60+s30+$0x0], $0xffff  }
0x29c: {  	[tilespmem:s4+$0xFFFFFFE0] =	vst v21;
	v21 =	vor.u32 s15, v1;
	v61 =	vld.idx.msk [tilespmem:v47+s30+$0x0], $0xffff  }
0x29d: {  	[tilespmem:s4+$0x0] =	vst v23;
	v23 =	vor.u32 s16, v1;
	v42 =	vld.idx.msk [tilespmem:v26+s30+$0x0], $0xffff  }
0x29e: {  	v43 =	vld.idx.msk [tilespmem:v11+s30+$0x0], $0xffff  }
0x29f: {  	v15 =	vor.u32 s10, v1;
	[tilespmem:s4+$0x20] =	vst v27;
	v45 =	vld.idx.msk [tilespmem:v17+s30+$0x0], $0xffff  }
0x2a0: {  	s13 =	simm.s32 $0x1E0;
	[tilespmem:s4+$0x60] =	vst v32;
	v27 =	vld.idx.msk [tilespmem:v19+s30+$0x0], $0xffff  }
0x2a1: {  	s9 =	sor.u32 $0x70, s13;
	[tilespmem:s4+$0x80] =	vst v34;
	s16 =	simm.s32 $0x20;
	v48 =	vld.idx.msk [tilespmem:v21+s30+$0x0], $0xffff  }
0x2a2: {  	s17 =	simm.s32 $0x40;
	s19 =	sor.u32 $0x30, s16;
	v34 =	vld.idx.msk [tilespmem:v23+s30+$0x0], $0xffff;
	[tilespmem:s9+$0xE000] =	vst v2  }
0x2a3: {  	s11 =	simm.s32 $0x60;
	s12 =	sor.u32 $0x50, s17;
	[tilespmem:s19+$0xE000] =	vst v39;
	v2 =	vld.idx.msk [tilespmem:v16+s28+$0x0], $0xffff  }
0x2a4: {  	s11 =	sor.u32 $0x70, s11;
	[tilespmem:s12+$0xE000] =	vst v40;
	v16 =	vld.idx.msk [tilespmem:v15+s30+$0x0], $0xffff  }
0x2a5: {  	s24 =	simm.s32 $0x140;
	[tilespmem:s11+$0xE000] =	vst v13;
	v39 =	vld.idx.msk [tilespmem:v3+s28+$0x0], $0xffff  }
0x2a6: {  	s17 =	sor.u32 $0x50, s24;
	s26 =	simm.s32 $0x1A0;
	[tilespmem:s4+$0xFFFFFF90] =	vst v41;
	v5 =	vld.idx.msk [tilespmem:v5+s28+$0x0], $0xffff  }
0x2a7: {  	s31 =	simm.s32 $0x1C0;
	s24 =	sor.u32 $0x30, s26;
	[tilespmem:s17+$0xE000] =	vst v46;
	v6 =	vld.idx.msk [tilespmem:v6+s28+$0x0], $0xffff  }
0x2a8: {  	s16 =	sor.u32 $0x50, s31;
	[tilespmem:s24+$0xE000] =	vst v36;
	v7 =	vld.idx.msk [tilespmem:v7+s28+$0x0], $0xffff  }
0x2a9: {  	s20 =	simm.s32 $0xA0;
	[tilespmem:s16+$0xE000] =	vst v8;
	v20 =	vld.idx.msk [tilespmem:v20+s28+$0x0], $0xffff  }
0x2aa: {  	s21 =	simm.s32 $0xC0;
	s2 =	sor.u32 $0x30, s20;
	[tilespmem:s4+$0xFFFFFF10] =	vst v61;
	v25 =	vld.idx.msk [tilespmem:v25+s28+$0x0], $0xffff  }
0x2ab: {  	s1 =	sor.u32 $0x50, s21;
	v8 =	vld.idx.msk [tilespmem:v28+s28+$0x0], $0xffff;
	[tilespmem:s2+$0xE000] =	vst v42  }
0x2ac: {  	s23 =	simm.s32 $0x120;
	v4 =	vld.idx.msk [tilespmem:v4+s28+$0x0], $0xffff;
	[tilespmem:s1+$0xE000] =	vst v43  }
0x2ad: {  	s25 =	simm.s32 $0x160;
	s21 =	sor.u32 $0x30, s23;
	[tilespmem:s4+$0x10] =	vst v45;
	v9 =	vld.idx.msk [tilespmem:v9+s28+$0x0], $0xffff  }
0x2ae: {  	s20 =	sor.u32 $0x70, s25;
	[tilespmem:s21+$0xE000] =	vst v27;
	v10 =	vld.idx.msk [tilespmem:v10+s28+$0x0], $0xffff  }
0x2af: {  	[tilespmem:s20+$0xE000] =	vst v48;
	v62 =	vld.idx.msk [tilespmem:v14+s28+$0x0], $0xffff  }
0x2b0: {  	s22 =	simm.s32 $0xE0;
	s10 =	simm.s32 $0x11100;
	[tilespmem:s4+$0x90] =	vst v34;
	v18 =	vld.idx.msk [tilespmem:v18+s28+$0x0], $0xffff  }
0x2b1: {  	s29 =	sor.u32 $0x70, s22;
	v22 =	vld.idx.msk [tilespmem:v22+s28+$0x0], $0xffff;
	[tilespmem:s10+$0xE0] =	vst v2  }
0x2b2: {  	v24 =	vld.idx.msk [tilespmem:v24+s28+$0x0], $0xffff;
	[tilespmem:s29+$0xE000] =	vst v16  }
0x2b3: {  	[tilespmem:s10+$0xFFFFFF20] =	vst v39;
	v30 =	vld.idx.msk [tilespmem:v30+s28+$0x0], $0xffff  }
0x2b4: {  	[tilespmem:s10+$0xFFFFFF40] =	vst v5;
	v16 =	vld.idx.msk [tilespmem:v12+s28+$0x0], $0xffff  }
0x2b5: {  	s0 =	simm.s32 $0x10;
	[tilespmem:s10+$0xFFFFFF60] =	vst v6;
	v27 =	vld.idx.msk [tilespmem:v31+s28+$0x0], $0xffff  }
0x2b6: {  	v2 =	vor.u32 s0, v0;
	[tilespmem:s10+$0xFFFFFF80] =	vst v7;
	v5 =	vld.idx.msk [tilespmem:v33+s28+$0x0], $0xffff  }
0x2b7: {  	[tilespmem:s10+$0x40] =	vst v20;
	v6 =	vld.idx.msk [tilespmem:v35+s28+$0x0], $0xffff  }
0x2b8: {  	[tilespmem:s10+$0xA0] =	vst v25;
	v63 =	vld.idx.msk [tilespmem:v37+s28+$0x0], $0xffff  }
0x2b9: {  	[tilespmem:s10+$0xC0] =	vst v8;
	v20 =	vld.idx.msk [tilespmem:v59+s28+$0x0], $0xffff  }
0x2ba: {  	[tilespmem:s10+$0xFFFFFF00] =	vst v4;
	v25 =	vld.idx.msk [tilespmem:v60+s28+$0x0], $0xffff  }
0x2bb: {  	[tilespmem:s10+$0xFFFFFFA0] =	vst v9;
	v3 =	vld.idx.msk [tilespmem:v2+s30+$0x0], $0xffff  }
0x2bc: {  	[tilespmem:s10+$0xFFFFFFC0] =	vst v10;
	v12 =	vld.idx.msk [tilespmem:v26+s28+$0x0], $0xffff  }
0x2bd: {  	[tilespmem:s10+$0x60] =	vst v22;
	v13 =	vld.idx.msk [tilespmem:v11+s28+$0x0], $0xffff  }
0x2be: {  	[tilespmem:s10+$0x20] =	vst v18;
	v18 =	vld.idx.msk [tilespmem:v21+s28+$0x0], $0xffff  }
0x2bf: {  	s15 =	simm.s32 $0x11;
	[tilespmem:s10+$0x80] =	vst v24;
	v21 =	vld.idx.msk [tilespmem:v47+s28+$0x0], $0xffff  }
0x2c0: {  	s7 =	simm.s32 $0x12;
	v9 =	vor.u32 s15, v0;
	[tilespmem:s10+$0xFFFFFFE0] =	vst v16;
	v16 =	vld.idx.msk [tilespmem:v19+s28+$0x0], $0xffff  }
0x2c1: {  	s22 =	simm.s32 $0x13;
	[tilespmem:s10+$0x0] =	vst v62;
	v10 =	vor.u32 s7, v0;
	v19 =	vld.idx.msk [tilespmem:v23+s28+$0x0], $0xffff  }
0x2c2: {  	v11 =	vor.u32 s22, v0;
	[tilespmem:s9+$0x11000] =	vst v30;
	s9 =	simm.s32 $0x14;
	v14 =	vld.idx.msk [tilespmem:v15+s28+$0x0], $0xffff  }
0x2c3: {  	s25 =	simm.s32 $0x15;
	v15 =	vld.idx.msk [tilespmem:v17+s28+$0x0], $0xffff;
	v4 =	vor.u32 s9, v0  }
0x2c4: {  	s14 =	simm.s32 $0x16;
	v8 =	vor.u32 s25, v0;
	[tilespmem:s19+$0x11000] =	vst v27;
	v17 =	vld.idx.msk [tilespmem:v44+s28+$0x0], $0xffff  }
0x2c5: {  	s3 =	simm.s32 $0x17;
	v7 =	vor.u32 s14, v0;
	[tilespmem:s12+$0x11000] =	vst v5;
	v22 =	vld.idx.msk [tilespmem:v9+s30+$0x0], $0xffff  }
0x2c6: {  	s19 =	simm.s32 $0x18;
	[tilespmem:s11+$0x11000] =	vst v6;
	v6 =	vor.u32 s3, v0;
	v23 =	vld.idx.msk [tilespmem:v10+s30+$0x0], $0xffff  }
0x2c7: {  	s8 =	simm.s32 $0x1F;
	s23 =	simm.s32 $0x20;
	[tilespmem:s10+$0xFFFFFF90] =	vst v63;
	v5 =	vor.u32 s19, v0;
	v24 =	vld.idx.msk [tilespmem:v11+s30+$0x0], $0xffff  }
.LBB2_10:
0x2c8: {  	p1 =	slt.u32 s23, $0x70;
	v26 =	vld.idx.msk [tilespmem:v4+s30+$0x0], $0xffff;
	s11 =	sadd.s32 $0x9, s0;
	v29 =	vor.u32 s8, v0;
	[tilespmem:s2+$0x11000] =	vst v12  }
0x2c9: {  	s12 =	sadd.s32 $0xA, s0;
	v27 =	vld.idx.msk [tilespmem:v8+s30+$0x0], $0xffff;
	v12 =	vor.u32 s11, v0;
	[tilespmem:s1+$0x11000] =	vst v13  }
0x2ca: {  	s2 =	sadd.s32 $0xB, s0;
	v13 =	vor.u32 s12, v0;
	v28 =	vld.idx.msk [tilespmem:v7+s30+$0x0], $0xffff;
	[tilespmem:s29+$0x11000] =	vst v14  }
0x2cb: {  	s1 =	sadd.s32 $0xC, s0;
	v14 =	vor.u32 s2, v0;
	v30 =	vld.idx.msk [tilespmem:v6+s30+$0x0], $0xffff;
	[tilespmem:s10+$0x10] =	vst v15  }
0x2cc: {  	s31 =	sadd.s32 $0xD, s0;
	s26 =	simm.s32 $0x4000;
	v15 =	vor.u32 s1, v0;
	v31 =	vld.idx.msk [tilespmem:v5+s30+$0x0], $0xffff;
	[tilespmem:s21+$0x11000] =	vst v16  }
0x2cd: {  	v16 =	vor.u32 s31, v0;
	s30 =	sadd.s32 $0xE, s0;
	v32 =	vld.idx.msk [tilespmem:v29+s26+$0x0], $0xffff;
	[tilespmem:s17+$0x11000] =	vst v17  }
0x2ce: {  	v17 =	vor.u32 s30, v0;
	v33 =	vld.idx.msk [tilespmem:v12+s26+$0x0], $0xffff;
	[tilespmem:s20+$0x11000] =	vst v18  }
0x2cf: {  	v35 =	vor.u32 s8, v1;
	v34 =	vld.idx.msk [tilespmem:v13+s26+$0x0], $0xffff;
	[tilespmem:s10+$0x90] =	vst v19  }
0x2d0: {  	v18 =	vor.u32 s15, v1;
	v36 =	vld.idx.msk [tilespmem:v14+s26+$0x0], $0xffff;
	[tilespmem:s24+$0x11000] =	vst v20  }
0x2d1: {  	v19 =	vor.u32 s7, v1;
	v37 =	vld.idx.msk [tilespmem:v15+s26+$0x0], $0xffff;
	[tilespmem:s16+$0x11000] =	vst v25  }
0x2d2: {  	s4 =	sadd.s32 $0x200, s4;
	v20 =	vor.u32 s22, v1;
	v38 =	vld.idx.msk [tilespmem:v16+s26+$0x0], $0xffff;
	[tilespmem:s10+$0xFFFFFF10] =	vst v21  }
0x2d3: {  	v21 =	vor.u32 s9, v1;
	v39 =	vld.idx.msk [tilespmem:v17+s26+$0x0], $0xffff;
	[tilespmem:s4+$0xE0] =	vst v32  }
0x2d4: {  	[tilespmem:s4+$0xFFFFFF20] =	vst v22;
	v22 =	vor.u32 s25, v1;
	v32 =	vld.idx.msk [tilespmem:v35+s26+$0x0], $0xffff  }
0x2d5: {  	v40 =	vld.idx.msk [tilespmem:v18+s26+$0x0], $0xffff;
	[tilespmem:s4+$0xFFFFFF40] =	vst v23;
	v23 =	vor.u32 s14, v1  }
0x2d6: {  	v41 =	vld.idx.msk [tilespmem:v19+s26+$0x0], $0xffff;
	[tilespmem:s4+$0xFFFFFF60] =	vst v24  }
0x2d7: {  	s13 =	sadd.s32 $0x200, s13;
	v24 =	vor.u32 s3, v1;
	v42 =	vld.idx.msk [tilespmem:v20+s26+$0x0], $0xffff;
	[tilespmem:s4+$0xFFFFFF80] =	vst v26  }
0x2d8: {  	s8 =	sadd.s32 $0xFFFFFE60, s13;
	v25 =	vor.u32 s19, v1;
	v43 =	vld.idx.msk [tilespmem:v21+s26+$0x0], $0xffff;
	[tilespmem:s4+$0xFFFFFFA0] =	vst v27  }
0x2d9: {  	s17 =	sadd.s32 $0xFFFFFF60, s13;
	s7 =	sor.u32 $0x70, s13;
	s3 =	sadd.s32 $0xFFFFFE40, s13;
	v26 =	vor.u32 s11, v1;
	v44 =	vld.idx.msk [tilespmem:v22+s26+$0x0], $0xffff;
	[tilespmem:s4+$0xFFFFFFC0] =	vst v28  }
0x2da: {  	s9 =	sadd.s32 $0xFFFFFE80, s13;
	s14 =	sadd.s32 $0xFFFFFEE0, s13;
	s11 =	sadd.s32 $0xFFFFFEC0, s13;
	v27 =	vor.u32 s12, v1;
	v45 =	vld.idx.msk [tilespmem:v23+s26+$0x0], $0xffff;
	[tilespmem:s7+$0xE000] =	vst v32  }
0x2db: {  	s15 =	sadd.s32 $0xFFFFFF00, s13;
	s20 =	sadd.s32 $0xFFFFFF80, s13;
	s16 =	sadd.s32 $0xFFFFFF40, s13;
	v28 =	vor.u32 s2, v1;
	[tilespmem:s4+$0xFFFFFFE0] =	vst v30;
	v30 =	vld.idx.msk [tilespmem:v29+s28+$0x0], $0xffff  }
0x2dc: {  	s17 =	sor.u32 $0x50, s17;
	s22 =	sadd.s32 $0xFFFFFFC0, s13;
	s25 =	sadd.s32 $0xFFFFFFE0, s13;
	v29 =	vor.u32 s1, v1;
	v32 =	vld.idx.msk [tilespmem:v24+s26+$0x0], $0xffff;
	[tilespmem:s4+$0x0] =	vst v31  }
0x2dd: {  	s19 =	sor.u32 $0x50, s8;
	s3 =	sor.u32 $0x30, s3;
	s12 =	sor.u32 $0x70, s9;
	v31 =	vld.idx.msk [tilespmem:v25+s26+$0x0], $0xffff;
	[tilespmem:s4+$0x20] =	vst v33  }
0x2de: {  	s29 =	sor.u32 $0x70, s15;
	s2 =	sor.u32 $0x30, s11;
	s1 =	sor.u32 $0x50, s14;
	v33 =	vld.idx.msk [tilespmem:v26+s26+$0x0], $0xffff;
	[tilespmem:s4+$0x40] =	vst v34;
	v34 =	vor.u32 s31, v1  }
0x2df: {  	s20 =	sor.u32 $0x70, s20;
	s21 =	sor.u32 $0x30, s16;
	v46 =	vld.idx.msk [tilespmem:v27+s26+$0x0], $0xffff;
	[tilespmem:s4+$0x60] =	vst v36;
	v36 =	vor.u32 s30, v1;
	s30 =	simm.s32 $0x4000  }
0x2e0: {  	v47 =	vor.u32 s0, v1;
	s24 =	sor.u32 $0x30, s22;
	s10 =	sadd.s32 $0x200, s10;
	s16 =	sor.u32 $0x50, s25;
	v48 =	vld.idx.msk [tilespmem:v28+s30+$0x0], $0xffff;
	[tilespmem:s4+$0x80] =	vst v37  }
0x2e1: {  	s0 =	smov.u32 s23;
	v37 =	vld.idx.msk [tilespmem:v29+s30+$0x0], $0xffff;
	[tilespmem:s10+$0xE0] =	vst v30  }
0x2e2: {  	[tilespmem:s4+$0xA0] =	vst v38;
	v30 =	vld.idx.msk [tilespmem:v35+s28+$0x0], $0xffff  }
0x2e3: {  	v35 =	vld.idx.msk [tilespmem:v34+s30+$0x0], $0xffff;
	[tilespmem:s4+$0xC0] =	vst v39  }
0x2e4: {  	v38 =	vor.u32 s23, v0;
	[tilespmem:s4+$0xFFFFFF00] =	vst v3;
	v39 =	vld.idx.msk [tilespmem:v36+s30+$0x0], $0xffff  }
0x2e5: {  	v49 =	vld.idx.msk [tilespmem:v47+s30+$0x0], $0xffff;
	[tilespmem:s3+$0xE000] =	vst v40  }
0x2e6: {  	v9 =	vld.idx.msk [tilespmem:v9+s28+$0x0], $0xffff;
	[tilespmem:s19+$0xE000] =	vst v41  }
0x2e7: {  	v10 =	vld.idx.msk [tilespmem:v10+s28+$0x0], $0xffff;
	[tilespmem:s12+$0xE000] =	vst v42  }
0x2e8: {  	v11 =	vld.idx.msk [tilespmem:v11+s28+$0x0], $0xffff;
	[tilespmem:s7+$0x11000] =	vst v30  }
0x2e9: {  	v3 =	vld.idx.msk [tilespmem:v38+s30+$0x0], $0xffff;
	[tilespmem:s4+$0xFFFFFF90] =	vst v43  }
0x2ea: {  	v4 =	vld.idx.msk [tilespmem:v4+s28+$0x0], $0xffff;
	[tilespmem:s2+$0xE000] =	vst v44  }
0x2eb: {  	v8 =	vld.idx.msk [tilespmem:v8+s28+$0x0], $0xffff;
	[tilespmem:s1+$0xE000] =	vst v45  }
0x2ec: {  	v7 =	vld.idx.msk [tilespmem:v7+s28+$0x0], $0xffff;
	[tilespmem:s29+$0xE000] =	vst v32  }
0x2ed: {  	v6 =	vld.idx.msk [tilespmem:v6+s28+$0x0], $0xffff;
	[tilespmem:s4+$0x10] =	vst v31  }
0x2ee: {  	v5 =	vld.idx.msk [tilespmem:v5+s28+$0x0], $0xffff;
	[tilespmem:s21+$0xE000] =	vst v33  }
0x2ef: {  	v30 =	vld.idx.msk [tilespmem:v12+s28+$0x0], $0xffff;
	[tilespmem:s17+$0xE000] =	vst v46  }
0x2f0: {  	v31 =	vld.idx.msk [tilespmem:v13+s28+$0x0], $0xffff;
	[tilespmem:s20+$0xE000] =	vst v48  }
0x2f1: {  	v32 =	vld.idx.msk [tilespmem:v14+s28+$0x0], $0xffff;
	[tilespmem:s4+$0x90] =	vst v37  }
0x2f2: {  	v33 =	vld.idx.msk [tilespmem:v15+s28+$0x0], $0xffff;
	[tilespmem:s24+$0xE000] =	vst v35  }
0x2f3: {  	v35 =	vld.idx.msk [tilespmem:v16+s28+$0x0], $0xffff;
	[tilespmem:s16+$0xE000] =	vst v39  }
0x2f4: {  	[tilespmem:s4+$0xFFFFFF10] =	vst v49;
	v37 =	vld.idx.msk [tilespmem:v17+s28+$0x0], $0xffff  }
0x2f5: {  	v39 =	vld.idx.msk [tilespmem:v2+s28+$0x0], $0xffff;
	[tilespmem:s10+$0xFFFFFF20] =	vst v9;
	v2 =	vmov v38  }
0x2f6: {  	v38 =	vld.idx.msk [tilespmem:v18+s28+$0x0], $0xffff;
	[tilespmem:s10+$0xFFFFFF40] =	vst v10  }
0x2f7: {  	v40 =	vld.idx.msk [tilespmem:v19+s28+$0x0], $0xffff;
	[tilespmem:s10+$0xFFFFFF60] =	vst v11  }
0x2f8: {  	v41 =	vld.idx.msk [tilespmem:v20+s28+$0x0], $0xffff;
	[tilespmem:s10+$0xFFFFFF80] =	vst v4  }
0x2f9: {  	v42 =	vld.idx.msk [tilespmem:v21+s28+$0x0], $0xffff;
	[tilespmem:s10+$0xFFFFFFA0] =	vst v8  }
0x2fa: {  	v12 =	vld.idx.msk [tilespmem:v22+s28+$0x0], $0xffff;
	[tilespmem:s10+$0xFFFFFFC0] =	vst v7  }
0x2fb: {  	v13 =	vld.idx.msk [tilespmem:v23+s28+$0x0], $0xffff;
	[tilespmem:s10+$0xFFFFFFE0] =	vst v6  }
0x2fc: {  	v14 =	vld.idx.msk [tilespmem:v24+s28+$0x0], $0xffff;
	[tilespmem:s10+$0x0] =	vst v5  }
0x2fd: {  	v15 =	vld.idx.msk [tilespmem:v25+s28+$0x0], $0xffff;
	[tilespmem:s10+$0x20] =	vst v30  }
0x2fe: {  	v16 =	vld.idx.msk [tilespmem:v26+s28+$0x0], $0xffff;
	[tilespmem:s10+$0x40] =	vst v31  }
0x2ff: {  	s15 =	sadd.s32 $0x1, s23;
	v17 =	vld.idx.msk [tilespmem:v27+s28+$0x0], $0xffff;
	[tilespmem:s10+$0x60] =	vst v32  }
0x300: {  	s7 =	sadd.s32 $0x2, s23;
	v9 =	vor.u32 s15, v0;
	v18 =	vld.idx.msk [tilespmem:v28+s28+$0x0], $0xffff;
	[tilespmem:s10+$0x80] =	vst v33  }
0x301: {  	s22 =	sadd.s32 $0x3, s23;
	v10 =	vor.u32 s7, v0;
	v19 =	vld.idx.msk [tilespmem:v29+s28+$0x0], $0xffff;
	[tilespmem:s10+$0xA0] =	vst v35  }
0x302: {  	s9 =	sadd.s32 $0x4, s23;
	v11 =	vor.u32 s22, v0;
	v20 =	vld.idx.msk [tilespmem:v34+s28+$0x0], $0xffff;
	[tilespmem:s10+$0xC0] =	vst v37  }
.Ltmp8:
0x303: {  	s25 =	sadd.s32 $0x5, s23;
	v4 =	vor.u32 s9, v0;
	[tilespmem:s10+$0xFFFFFF00] =	vst v39;
	v25 =	vld.idx.msk [tilespmem:v36+s28+$0x0], $0xffff;
	(pc) =	sbr.rel @p1 .LBB2_10-.Ltmp8, $4  }
0x304: {  	s14 =	sadd.s32 $0x6, s23;
	v8 =	vor.u32 s25, v0;
	v21 =	vld.idx.msk [tilespmem:v47+s28+$0x0], $0xffff;
	[tilespmem:s3+$0x11000] =	vst v38  }
0x305: {  	v7 =	vor.u32 s14, v0;
	s3 =	sadd.s32 $0x7, s23;
	v22 =	vld.idx.msk [tilespmem:v9+s30+$0x0], $0xffff;
	[tilespmem:s19+$0x11000] =	vst v40  }
0x306: {  	v6 =	vor.u32 s3, v0;
	s19 =	sadd.s32 $0x8, s23;
	v23 =	vld.idx.msk [tilespmem:v10+s30+$0x0], $0xffff;
	[tilespmem:s12+$0x11000] =	vst v41  }
0x307: {  	s8 =	sadd.s32 $0xF, s0;
	s23 =	sadd.s32 $0x10, s23;
	v5 =	vor.u32 s19, v0;
	v24 =	vld.idx.msk [tilespmem:v11+s30+$0x0], $0xffff;
	[tilespmem:s10+$0xFFFFFF90] =	vst v42  }
0x308: {  	[tilespmem:s2+$0x11000] =	vst v12  }
0x309: {  	[tilespmem:s1+$0x11000] =	vst v13  }
0x30a: {  	[tilespmem:s29+$0x11000] =	vst v14  }
0x30b: {  	[tilespmem:s10+$0x10] =	vst v15  }
0x30c: {  	[tilespmem:s21+$0x11000] =	vst v16  }
0x30d: {  	[tilespmem:s17+$0x11000] =	vst v17  }
0x30e: {  	[tilespmem:s20+$0x11000] =	vst v18  }
0x30f: {  	[tilespmem:s10+$0x90] =	vst v19  }
0x310: {  	[tilespmem:s24+$0x11000] =	vst v20  }
0x311: {  	v26 =	vor.u32 s8, v0;
	[tilespmem:s16+$0x11000] =	vst v25;
	v48 =	vld.idx.msk [tilespmem:v4+s30+$0x0], $0xffff  }
0x312: {  	s4 =	sadd.s32 $0x200, s4;
	v49 =	vld.idx.msk [tilespmem:v8+s30+$0x0], $0xffff;
	v56 =	vor.u32 s15, v1;
	[tilespmem:s10+$0xFFFFFF10] =	vst v21  }
0x313: {  	v50 =	vld.idx.msk [tilespmem:v7+s30+$0x0], $0xffff;
	v59 =	vor.u32 s7, v1;
	[tilespmem:s4+$0xFFFFFF00] =	vst v3  }
0x314: {  	v51 =	vld.idx.msk [tilespmem:v6+s30+$0x0], $0xffff;
	v60 =	vor.u32 s22, v1;
	[tilespmem:s4+$0xFFFFFF20] =	vst v22  }
0x315: {  	s21 =	sadd.s32 $0x9, s0;
	v53 =	vld.idx.msk [tilespmem:v5+s30+$0x0], $0xffff;
	v35 =	vor.u32 s0, v1;
	[tilespmem:s4+$0xFFFFFF40] =	vst v23  }
0x316: {  	s23 =	sadd.s32 $0xA, s0;
	v16 =	vor.u32 s21, v0;
	[tilespmem:s4+$0xFFFFFF60] =	vst v24;
	v46 =	vld.idx.msk [tilespmem:v26+s30+$0x0], $0xffff  }
0x317: {  	s24 =	sadd.s32 $0xB, s0;
	v18 =	vor.u32 s23, v0;
	[tilespmem:s4+$0xFFFFFF80] =	vst v48;
	v28 =	vld.idx.msk [tilespmem:v56+s30+$0x0], $0xffff  }
0x318: {  	s29 =	sadd.s32 $0xD, s0;
	v20 =	vor.u32 s24, v0;
	[tilespmem:s4+$0xFFFFFFA0] =	vst v49;
	v63 =	vld.idx.msk [tilespmem:v59+s30+$0x0], $0xffff  }
0x319: {  	s12 =	sadd.s32 $0xE, s0;
	v14 =	vor.u32 s29, v0;
	[tilespmem:s4+$0xFFFFFFC0] =	vst v50;
	v32 =	vld.idx.msk [tilespmem:v60+s30+$0x0], $0xffff  }
0x31a: {  	s1 =	sadd.s32 $0x200, s13;
	v15 =	vor.u32 s12, v0;
	[tilespmem:s4+$0xFFFFFFE0] =	vst v51;
	v39 =	vld.idx.msk [tilespmem:v35+s30+$0x0], $0xffff  }
0x31b: {  	s31 =	sadd.s32 $0x200, s10;
	v62 =	vor.u32 s25, v1;
	s10 =	sadd.s32 $0xFFFFFE40, s1;
	[tilespmem:s4+$0x0] =	vst v53;
	v54 =	vld.idx.msk [tilespmem:v16+s30+$0x0], $0xffff  }
0x31c: {  	v19 =	vor.u32 s19, v1;
	s15 =	sadd.s32 $0xFFFFFE80, s1;
	s7 =	sor.u32 $0x30, s10;
	v55 =	vld.idx.msk [tilespmem:v18+s30+$0x0], $0xffff;
	[tilespmem:s4+$0xE0] =	vst v46  }
0x31d: {  	s11 =	sadd.s32 $0xC, s0;
	s0 =	sor.u32 $0x70, s15;
	v23 =	vor.u32 s9, v1;
	v57 =	vld.idx.msk [tilespmem:v20+s30+$0x0], $0xffff;
	[tilespmem:s7+$0xE000] =	vst v28  }
0x31e: {  	v47 =	vor.u32 s8, v1;
	v61 =	vld.idx.msk [tilespmem:v14+s30+$0x0], $0xffff;
	[tilespmem:s0+$0xE000] =	vst v32  }
0x31f: {  	v27 =	vld.idx.msk [tilespmem:v15+s30+$0x0], $0xffff;
	[tilespmem:s4+$0xFFFFFF10] =	vst v39  }
0x320: {  	v29 =	vld.idx.msk [tilespmem:v62+s30+$0x0], $0xffff;
	[tilespmem:s4+$0x20] =	vst v54  }
0x321: {  	v36 =	vld.idx.msk [tilespmem:v19+s30+$0x0], $0xffff;
	[tilespmem:s4+$0x40] =	vst v55  }
0x322: {  	v37 =	vor.u32 s14, v1;
	v33 =	vld.idx.msk [tilespmem:v23+s30+$0x0], $0xffff;
	[tilespmem:s4+$0x60] =	vst v57  }
0x323: {  	s19 =	sadd.s32 $0xFFFFFEC0, s1;
	v12 =	vld.idx.msk [tilespmem:v47+s30+$0x0], $0xffff;
	[tilespmem:s4+$0xA0] =	vst v61  }
0x324: {  	s9 =	sor.u32 $0x30, s19;
	[tilespmem:s4+$0xC0] =	vst v27;
	v3 =	vld.idx.msk [tilespmem:v9+s28+$0x0], $0xffff  }
0x325: {  	v41 =	vor.u32 s21, v1;
	v11 =	vld.idx.msk [tilespmem:v11+s28+$0x0], $0xffff;
	[tilespmem:s9+$0xE000] =	vst v29  }
0x326: {  	[tilespmem:s4+$0x10] =	vst v36;
	v54 =	vor.u32 s12, v1;
	v2 =	vld.idx.msk [tilespmem:v2+s28+$0x0], $0xffff  }
0x327: {  	s26 =	sor.u32 $0x70, s1;
	v42 =	vld.idx.msk [tilespmem:v37+s30+$0x0], $0xffff;
	[tilespmem:s4+$0xFFFFFF90] =	vst v33  }
0x328: {  	v46 =	vld.idx.msk [tilespmem:v8+s28+$0x0], $0xffff;
	[tilespmem:s26+$0xE000] =	vst v12  }
0x329: {  	v61 =	vld.idx.msk [tilespmem:v5+s28+$0x0], $0xffff;
	v12 =	vor.u32 s11, v0;
	[tilespmem:s31+$0xFFFFFF20] =	vst v3  }
0x32a: {  	s20 =	sadd.s32 $0xFFFFFEE0, s1;
	v48 =	vld.idx.msk [tilespmem:v41+s30+$0x0], $0xffff;
	[tilespmem:s31+$0xFFFFFF60] =	vst v11  }
0x32b: {  	v3 =	vor.u32 s3, v1;
	s3 =	sor.u32 $0x50, s20;
	v57 =	vld.idx.msk [tilespmem:v54+s30+$0x0], $0xffff;
	[tilespmem:s31+$0xFFFFFF00] =	vst v2  }
0x32c: {  	v43 =	vor.u32 s23, v1;
	v52 =	vld.idx.msk [tilespmem:v26+s28+$0x0], $0xffff;
	[tilespmem:s3+$0xE000] =	vst v42  }
0x32d: {  	v34 =	vor.u32 s11, v1;
	s11 =	sadd.s32 $0xFFFFFE60, s1;
	v40 =	vld.idx.msk [tilespmem:v56+s28+$0x0], $0xffff;
	[tilespmem:s31+$0xFFFFFFA0] =	vst v46  }
0x32e: {  	s2 =	sadd.s32 $0xFFFFFFE0, s1;
	s8 =	sor.u32 $0x50, s11;
	[tilespmem:s31+$0x0] =	vst v61;
	v58 =	vld.idx.msk [tilespmem:v12+s30+$0x0], $0xffff  }
0x32f: {  	s2 =	sor.u32 $0x50, s2;
	v44 =	vld.idx.msk [tilespmem:v60+s28+$0x0], $0xffff;
	[tilespmem:s8+$0xE000] =	vst v63  }
0x330: {  	v60 =	vld.idx.msk [tilespmem:v4+s28+$0x0], $0xffff;
	[tilespmem:s2+$0xE000] =	vst v57  }
0x331: {  	v50 =	vld.idx.msk [tilespmem:v43+s30+$0x0], $0xffff;
	[tilespmem:s31+$0xE0] =	vst v52  }
0x332: {  	v49 =	vld.idx.msk [tilespmem:v7+s28+$0x0], $0xffff;
	[tilespmem:s7+$0x11000] =	vst v40  }
0x333: {  	v13 =	vld.idx.msk [tilespmem:v47+s28+$0x0], $0xffff;
	[tilespmem:s4+$0x80] =	vst v58  }
0x334: {  	s22 =	sadd.s32 $0xFFFFFF40, s1;
	[tilespmem:s0+$0x11000] =	vst v44;
	v38 =	vld.idx.msk [tilespmem:v34+s30+$0x0], $0xffff  }
0x335: {  	s0 =	sor.u32 $0x30, s22;
	[tilespmem:s31+$0xFFFFFF80] =	vst v60;
	v47 =	vld.idx.msk [tilespmem:v3+s30+$0x0], $0xffff  }
0x336: {  	s23 =	sadd.s32 $0xFFFFFF60, s1;
	v10 =	vld.idx.msk [tilespmem:v10+s28+$0x0], $0xffff;
	[tilespmem:s0+$0xE000] =	vst v48  }
0x337: {  	v8 =	vld.idx.msk [tilespmem:v62+s28+$0x0], $0xffff;
	s7 =	sor.u32 $0x50, s23;
	[tilespmem:s31+$0xFFFFFFC0] =	vst v49  }
0x338: {  	v45 =	vor.u32 s24, v1;
	s21 =	sadd.s32 $0xFFFFFF00, s1;
	v5 =	vld.idx.msk [tilespmem:v19+s28+$0x0], $0xffff;
	[tilespmem:s7+$0xE000] =	vst v50  }
0x339: {  	v52 =	vor.u32 s29, v1;
	[tilespmem:s4+$0x90] =	vst v38;
	s4 =	sor.u32 $0x70, s21  }
0x33a: {  	v7 =	vld.idx.msk [tilespmem:v37+s28+$0x0], $0xffff;
	[tilespmem:s4+$0xE000] =	vst v47  }
0x33b: {  	[tilespmem:s31+$0xFFFFFF40] =	vst v10;
	v53 =	vld.idx.msk [tilespmem:v6+s28+$0x0], $0xffff  }
0x33c: {  	[tilespmem:s9+$0x11000] =	vst v8;
	v10 =	vld.idx.msk [tilespmem:v59+s28+$0x0], $0xffff  }
0x33d: {  	v51 =	vld.idx.msk [tilespmem:v45+s30+$0x0], $0xffff;
	[tilespmem:s31+$0x10] =	vst v5  }
0x33e: {  	v56 =	vld.idx.msk [tilespmem:v52+s30+$0x0], $0xffff;
	[tilespmem:s26+$0x11000] =	vst v13  }
0x33f: {  	v4 =	vld.idx.msk [tilespmem:v23+s28+$0x0], $0xffff;
	[tilespmem:s3+$0x11000] =	vst v7  }
0x340: {  	s24 =	sadd.s32 $0xFFFFFF80, s1;
	v16 =	vld.idx.msk [tilespmem:v16+s28+$0x0], $0xffff;
	[tilespmem:s31+$0xFFFFFFE0] =	vst v53  }
0x341: {  	s25 =	sadd.s32 $0xFFFFFFC0, s1;
	[tilespmem:s8+$0x11000] =	vst v10;
	s8 =	sor.u32 $0x70, s24;
	v3 =	vld.idx.msk [tilespmem:v3+s28+$0x0], $0xffff  }
0x342: {  	s3 =	sor.u32 $0x30, s25;
	v10 =	vld.idx.msk [tilespmem:v18+s28+$0x0], $0xffff;
	[tilespmem:s8+$0xE000] =	vst v51  }
0x343: {  	v55 =	vld.idx.msk [tilespmem:v20+s28+$0x0], $0xffff;
	[tilespmem:s3+$0xE000] =	vst v56  }
0x344: {  	[tilespmem:s31+$0xFFFFFF90] =	vst v4;
	v59 =	vld.idx.msk [tilespmem:v14+s28+$0x0], $0xffff  }
0x345: {  	[tilespmem:s31+$0x20] =	vst v16;
	v62 =	vld.idx.msk [tilespmem:v12+s28+$0x0], $0xffff  }
0x346: {  	[tilespmem:s4+$0x11000] =	vst v3;
	v3 =	vld.idx.msk [tilespmem:v15+s28+$0x0], $0xffff  }
0x347: {  	v58 =	vld.idx.msk [tilespmem:v41+s28+$0x0], $0xffff;
	[tilespmem:s31+$0x40] =	vst v10  }
0x348: {  	v10 =	vld.idx.msk [tilespmem:v43+s28+$0x0], $0xffff;
	[tilespmem:s31+$0x60] =	vst v55  }
0x349: {  	v8 =	vld.idx.msk [tilespmem:v45+s28+$0x0], $0xffff;
	[tilespmem:s31+$0xA0] =	vst v59  }
0x34a: {  	[tilespmem:s31+$0x80] =	vst v62;
	v63 =	vld.idx.msk [tilespmem:v52+s28+$0x0], $0xffff  }
0x34b: {  	v6 =	vld.idx.msk [tilespmem:v34+s28+$0x0], $0xffff;
	[tilespmem:s31+$0xC0] =	vst v3  }
0x34c: {  	[tilespmem:s0+$0x11000] =	vst v58;
	v3 =	vld.idx.msk [tilespmem:v54+s28+$0x0], $0xffff  }
0x34d: {  	[tilespmem:s7+$0x11000] =	vst v10  }
0x34e: {  	[tilespmem:s8+$0x11000] =	vst v8  }
0x34f: {  	[tilespmem:s3+$0x11000] =	vst v63  }
0x350: {  	v2 =	vld.idx.msk [tilespmem:v35+s28+$0x0], $0xffff;
	[tilespmem:s31+$0x90] =	vst v6  }
0x351: {  	[tilespmem:s2+$0x11000] =	vst v3  }
0x352: {  	s0 =	sld [smem:$0x7F9];
	_ =	sdelay $0x2  }
.Ltmp9:
0x353: {  	s26 =	rddreg [dreg:$0x3];
	[tilespmem:s31+$0xFFFFFF10] =	vst v2;
	s0 =	sshll.u32 s0, $0x9;
	(pc) =	sbr.rel .LBB2_12-.Ltmp9, $4  }
0x354: {  	s29 =	simm.s32 $0xE000;
	s30 =	rddreg [dreg:$0x8];
	s1 =	sadd.s32 s26, s0  }
0x355: {  	[hbm4b:s1+s5] =	stream.linear.scatter [tilespmem:s29], [sflag:$0x6], $0x1000, $0x38;
	[tilespmem:$0x12000] =	vst v63  }
0x356: {  	s31 =	simm.s32 $0x11000;
	s0 =	sadd.s32 s30, s0;
	s26 =	simm.s32 $0xC000  }
0x357: {  	[hbm4b:s0+s5] =	stream.linear.scatter [tilespmem:s31], [sflag:$0x6], $0x1000, $0x38;
	[tilespmem:$0x12000] =	vst v63  }
.LBB2_14:
0x358: {  	_ =	sfence.sel $0x180000  }
0x359: {  	[bflag:$0x0] =	sbarrier.arrive $0xFFFF  }
0x35a: {  	_ =	strace $0x90000047  }
0x35b: {  	s0 =	stileid.u32;
	[bflag:$0x2] =	sbarrier.arrive $0xFFFF  }
0x35c: {  	p0 =	sne.s32 s0, $0x0;
	s0 =	rddreg [dreg:$0x4]  }
0x35d: {  	s0 =	sadd.s32 @!p0 $0x100000, s0  }
0x35e: {  	[sflag:s0] =	ssyncadd.tile.s32 @!p0 $0x1;
	_ =	shalt  }
.Lfunc_end2:
_tile_overlayer_lowered:
.L_overlay_start_2:
0x35f: {  	(tag) =	ssettag $0x2  }
0x360: {  	s0 =	rddreg [dreg:$0x0];
	s2 =	stileid.u32  }
0x361: {  	s1 =	rddreg [dreg:$0x1];
	p0 =	sne.s32 s2, $0x0  }
0x362: {  	s3 =	rddreg [dreg:$0x2];
	[bflag:$0x3] =	sbarrier.arrive $0xFFFF;
	s2 =	simm.s32 @!p0 $0x1C07  }
0x363: {  	[timem:s3], [sflag:s2] =	dma.local @!p0 [hbm:s0], s1  }
0x364: {  	s0 =	simm.s32 @!p0 $0x7  }
0x365: {  	_ =	swait.ge @!p0 [sflag:s0], s1  }
0x366: {  	s1 =	ssub.s32 @!p0 $0x0, s1;
	[sflag:s0] =	ssyncset.done @!p0 $0x0  }
0x367: {  	[sflag:s0] =	ssyncadd.s32 @!p0 s1  }
0x368: {  	[bflag:$0x3] =	sbarrier.arrive $0xFFFF  }
0x369: {  	_ =	shalt  }

// kernel: kernel.7.cloned.1.call-start
scs
__scs_entry_jumppad:
0x0: {  	(pc) =	sbr.rel $0x88, $3  }
0x1: {  	(tag) =	ssettag $0x0;
	lr =	simm.s32 $0x1  }
0x2: {  	[smem:$0x3F9E] =	sst lr;
	_ =	strace $0xD0000000  }
0x3: {  	_ = 	snop  }
0x4: {  	_ = 	snop  }
0x5: {  	_ = 	snop  }
0x6: {  	_ = 	snop  }
0x7: {  	_ = 	snop  }
__scs_overlays_trampoline_lowered:
0x8: {  	[smem:$0x3FAD] =	sst s0  }
0x9: {  	[smem:$0x3FAE] =	sst s1  }
0xa: {  	[smem:$0x3FAF] =	sst s2  }
0xb: {  	[smem:$0x3FB0] =	sst s3  }
0xc: {  	[smem:$0x3FB1] =	sst s4  }
0xd: {  	[smem:$0x3FB2] =	sst s5  }
0xe: {  	[smem:$0x3FB3] =	sst s6  }
0xf: {  	[smem:$0x3FB4] =	sst s7  }
0x10: {  	[smem:$0x3FB5] =	sst s8  }
0x11: {  	[smem:$0x3FB6] =	sst s9;
	s0 =	simm.s32 @!p0 $0x0  }
0x12: {  	s1 =	sld [smem:$0x3F9C];
	s0 =	simm.s32 @p0 $0x1  }
0x13: {  	[smem:$0x3FB7] =	sst s0;
	s0 =	simm.s32 @!p1 $0x0  }
0x14: {  	s2 =	sld [smem:$0x3F9B];
	s0 =	simm.s32 @p1 $0x1  }
0x15: {  	[smem:$0x3FB8] =	sst s0;
	s0 =	simm.s32 @!p2 $0x0  }
0x16: {  	s3 =	sld [smem:$0x3FDB];
	s0 =	simm.s32 @p2 $0x1  }
0x17: {  	s4 =	simm.s32 $0x1BF5;
	[smem:$0x3FBA] =	sst s0  }
0x18: {  	s0 =	sld [smem:$0x3F9D];
	_ =	swait.ge [sflag:s4], $0x0  }
0x19: {  	s7 =	sld [smem:$0x3F9E]  }
0x1a: {  	s8 =	sadd.s32 $0xFFFFE003, lr  }
0x1b: {  	s9 =	sadd.s32 $0xFFFFFEF7, lr;
	s5 =	simm.s32 $0xFFFFFFFF;
	p2 =	slt.u32 s8, $0xFFFFF086  }
0x1c: {  	p1 =	slt.u32 s9, $0xF7A;
	s5 =	simm.s32 @!p2 $0x0  }
0x1d: {  	s5 =	simm.s32 @p1 $0x1;
	p0 =	seq.s32 s7, s2  }
0x1e: {  	s7 =	smul.u32 @!p0 $0xF7A, s2;
	p2 =	seq.s32 @!p0 s5, $0x0  }
0x1f: {  	s9 =	smul.u32 $0xF7A, s1;
	s8 =	simm.s32 @!p0 $0x1BF5;
	p2 =	por !p2, p0  }
0x20: {  	[sflag:s8] =	ssyncset.s32 @!p0 $0xFFFFF086;
	s6 =	sadd.s32 @!p0 s3, s7;
	s7 =	simm.s32 @!p0 $0x108  }
0x21: {  	s3 =	sadd.s32 s3, s9;
	s6 =	sadd.s32 @!p0 $0x88, s6;
	s7 =	simm.s32 @p2 $0x1082  }
0x22: {  	[simem:s7], [sflag:s8] =	dma.local @!p0 [hbm:s6], $0xF7A  }
0x23: {  	s9 =	sor.u32 $0xD0000000, s2;
	s6 =	simm.s32 $0x108;
	_ =	swait.ge @!p0 [sflag:s8], $0x0  }
0x24: {  	s3 =	sadd.s32 $0x88, s3;
	s6 =	simm.s32 @!p1 $0x1082;
	[sflag:s4] =	ssyncset.s32 $0xFFFFF086  }
0x25: {  	[simem:s6], [sflag:s4] =	dma.local [hbm:s3], $0xF7A  }
0x26: {  	[smem:$0x3F9E] =	sst s1;
	(tag) =	ssettag s2;
	_ =	strace s9  }
0x27: {  	s1 =	sld [smem:$0x3FAE]  }
0x28: {  	s2 =	sld [smem:$0x3FAF]  }
0x29: {  	s4 =	sld [smem:$0x3FB1]  }
0x2a: {  	p0 =	seq.s32 s5, $0x0;
	s5 =	sld [smem:$0x3FB2]  }
0x2b: {  	s6 =	sld [smem:$0x3FB3]  }
0x2c: {  	s7 =	sld [smem:$0x3FB4]  }
0x2d: {  	s3 =	simm.s32 $0x108;
	s8 =	sld [smem:$0x3FB5]  }
0x2e: {  	s3 =	simm.s32 @!p0 $0x1082;
	s9 =	sld [smem:$0x3FB6]  }
0x2f: {  	lr =	sadd.s32 s0, s3;
	s0 =	sld [smem:$0x3FAD]  }
0x30: {  	s3 =	sld [smem:$0x3FB0]  }
0x31: {  	[smem:$0x3FB9] =	sst s10  }
0x32: {  	s10 =	sld [smem:$0x3FB7];
	_ =	sdelay $0x3  }
0x33: {  	p0 =	seq.s32 s10, $0x1;
	s10 =	sld [smem:$0x3FB9];
	_ =	sdelay $0x3  }
0x34: {  	[smem:$0x3FB9] =	sst s10  }
0x35: {  	s10 =	sld [smem:$0x3FB8];
	_ =	sdelay $0x3  }
0x36: {  	p1 =	seq.s32 s10, $0x1;
	s10 =	sld [smem:$0x3FB9];
	_ =	sdelay $0x3  }
0x37: {  	[smem:$0x3FB9] =	sst s10  }
0x38: {  	s10 =	sld [smem:$0x3FBA]  }
0x39: {  	_ = 	snop;
	(pc) =	sbr.ind lr, $3  }
0x3a: {  	_ = 	snop  }
0x3b: {  	_ = 	snop  }
0x3c: {  	p2 =	seq.s32 s10, $0x1;
	s10 =	sld [smem:$0x3FB9]  }
0x3d: {  	_ =	shalt  }
0x3e: {  	_ =	shalt  }
0x3f: {  	_ =	shalt  }
0x40: {  	_ =	shalt  }
0x41: {  	_ =	shalt  }
0x42: {  	_ =	shalt  }
0x43: {  	_ =	shalt  }
0x44: {  	_ =	shalt  }
0x45: {  	_ =	shalt  }
0x46: {  	_ =	shalt  }
0x47: {  	_ =	shalt  }
0x48: {  	_ =	shalt  }
0x49: {  	_ =	shalt  }
0x4a: {  	_ =	shalt  }
0x4b: {  	_ =	shalt  }
0x4c: {  	_ =	shalt  }
0x4d: {  	_ =	shalt  }
0x4e: {  	_ =	shalt  }
0x4f: {  	_ =	shalt  }
0x50: {  	_ =	shalt  }
0x51: {  	_ =	shalt  }
0x52: {  	_ =	shalt  }
0x53: {  	_ =	shalt  }
0x54: {  	_ =	shalt  }
0x55: {  	_ =	shalt  }
0x56: {  	_ =	shalt  }
0x57: {  	_ =	shalt  }
0x58: {  	_ =	shalt  }
0x59: {  	_ =	shalt  }
0x5a: {  	_ =	shalt  }
0x5b: {  	_ =	shalt  }
0x5c: {  	_ =	shalt  }
0x5d: {  	_ =	shalt  }
0x5e: {  	_ =	shalt  }
0x5f: {  	_ =	shalt  }
0x60: {  	_ =	shalt  }
0x61: {  	_ =	shalt  }
0x62: {  	_ =	shalt  }
0x63: {  	_ =	shalt  }
0x64: {  	_ =	shalt  }
0x65: {  	_ =	shalt  }
0x66: {  	_ =	shalt  }
0x67: {  	_ =	shalt  }
0x68: {  	_ =	shalt  }
0x69: {  	_ =	shalt  }
0x6a: {  	_ =	shalt  }
0x6b: {  	_ =	shalt  }
0x6c: {  	_ =	shalt  }
0x6d: {  	_ =	shalt  }
0x6e: {  	_ =	shalt  }
0x6f: {  	_ =	shalt  }
0x70: {  	_ =	shalt  }
0x71: {  	_ =	shalt  }
0x72: {  	_ =	shalt  }
0x73: {  	_ =	shalt  }
0x74: {  	_ =	shalt  }
0x75: {  	_ =	shalt  }
0x76: {  	_ =	shalt  }
0x77: {  	_ =	shalt  }
0x78: {  	_ =	shalt  }
0x79: {  	_ =	shalt  }
0x7a: {  	_ =	shalt  }
0x7b: {  	_ =	shalt  }
0x7c: {  	_ =	shalt  }
0x7d: {  	_ =	shalt  }
0x7e: {  	_ =	shalt  }
0x7f: {  	_ =	shalt  }
0x80: {  	_ =	shalt  }
0x81: {  	_ =	shalt  }
0x82: {  	_ =	shalt  }
0x83: {  	_ =	shalt  }
0x84: {  	_ =	shalt  }
0x85: {  	_ =	shalt  }
0x86: {  	_ =	shalt  }
0x87: {  	_ =	shalt  }
.Lfunc_end0:
.L_simem_size_0:
called_computation.1_lowered:
.L_overlay_start_0:
0x88: {  	s2 =	sld [smem:$0x3FD9]  }
0x89: {  	s3 =	sld [smem:$0x3FFE];
	_ =	sdelay $0x1  }
0x8a: {  	s1 =	srdreg.scid  }
0x8b: {  	s0 =	sand.u32 $0x1, s1  }
0x8c: {  	s17 =	sshll.u32 s0, $0xA;
	s2 =	sadd.s32 s3, s2  }
0x8d: {  	s2 =	sadd.s32 s2, s17  }
0x8e: {  	[smem:$0x3FC5] =	sst s2  }
0x8f: {  	_ = 	snop  }
0x90: {  	s2 =	sld [smem:$0x3FD0];
	(tm) =	ssettm $0x1  }
0x91: {  	s18 =	sld [smem:$0x3FFB];
	_ =	sdelay $0x3  }
0x92: {  	_ =	strace s18  }
0x93: {  	s3 =	sld [smem:$0x3FFC];
	_ =	sdelay $0x3  }
0x94: {  	_ =	strace s3  }
0x95: {  	s3 =	sld [smem:$0x3FFD];
	_ =	sdelay $0x3  }
0x96: {  	_ =	strace s3  }
0x97: {  	_ =	strace $0x8FFFFFFF  }
0x98: {  	s19 =	sld [smem:$0x3FDB];
	_ =	sdelay $0x1  }
0x99: {  	s4 =	simm.s32 $_scs_section_size  }
0x9a: {  	s5 =	simm.s32 $_size__tile_overlayer_lowered;
	s6 =	simm.s32 $_tile_overlayer_lowered  }
0x9b: {  	s22 =	simm.s32 $0x1BFF;
	s21 =	sshll.u32 s6, $0x1;
	s3 =	sadd.s32 s4, s19  }
0x9c: {  	s7 =	simm.s32 $0x0;
	s20 =	sshll.u32 s5, $0x1;
	s5 =	sadd.s32 s21, s3  }
0x9d: {  	[timem:s7], [sflag:s22] =	dma.local [hbm:s5], s20  }
0x9e: {  	_ =	swait.ge [sflag:s22], s20  }
0x9f: {  	s4 =	ssub.s32 $0x0, s20;
	[sflag:s22] =	ssyncset.done $0x0  }
0xa0: {  	[sflag:s22] =	ssyncadd.s32 s4;
	_ =	sdelay $0x1  }
0xa1: {  	s23 =	simm.s32 $0x1B8B  }
0xa2: {  	_ =	swait.ge [sflag:s23], $0x1  }
0xa3: {  	[sflag:s23] =	ssyncset.done $0x0  }
0xa4: {  	s25 =	simm.s32 $0x1B8E;
	s24 =	sld [smem:$0x3FFE];
	[sflag:s23] =	ssyncadd.s32 $0xFFFFFFFF  }
0xa5: {  	s26 =	simm.s32 $execute0_lowered;
	[smem:$0x3FD2] =	sst s25  }
0xa6: {  	s5 =	sshll.u32 s26, $0x1;
	_ =	strace $0x80000049;
	[dreg:$0x1] =	wrdreg $0xFFFFFFFF  }
0xa7: {  	s28 =	simm.s32 $_size_execute0_lowered;
	s3 =	sadd.s32 s3, s5;
	[dreg:$0x0] =	wrdreg $0x0  }
0xa8: {  	s5 =	sshll.u32 s28, $0x1;
	[dreg:$0x2] =	wrdreg s3  }
0xa9: {  	[dreg:$0x3] =	wrdreg s5  }
0xaa: {  	[dreg:$0x4] =	wrdreg $0xC0  }
0xab: {  	_ =	task [dreg:s7], $0x5FFFF  }
0xac: {  	[dreg:$0x1] =	wrdreg $0xFFFFFFFF  }
0xad: {  	[dreg:$0x0] =	wrdreg $0x60  }
0xae: {  	[dreg:$0x2] =	wrdreg s24  }
0xaf: {  	[dreg:$0x3] =	wrdreg s2  }
0xb0: {  	[dreg:$0x4] =	wrdreg $0x9  }
0xb1: {  	_ =	task.clear_ibuf [dreg:s7], $0x5FFFF;
	_ =	strace $0x90000049  }
0xb2: {  	s29 =	simm.s32 $0x9;
	_ =	strace $0x8000004B  }
0xb3: {  	_ =	swait.ge [sflag:s29], $0x1  }
0xb4: {  	[sflag:s29] =	ssyncadd.s32 $0xFFFFFFFF  }
0xb5: {  	_ =	strace $0x9000004B  }
0xb6: {  	_ =	sfence  }
0xb7: {  	s30 =	sld [smem:$0x0];
	_ =	sdelay $0x2  }
0xb8: {  	s31 =	sshll.u32 s1, $0xD;
	s1 =	sshrl.u32 s1, $0x2  }
0xb9: {  	s3 =	sand.u32 $0x4000, s31;
	s1 =	sadd.s32 s1, s30  }
0xba: {  	s0 =	sor.u32 s3, s0;
	s1 =	sshll.u32 s1, $0x11  }
0xbb: {  	s0 =	sor.u32 s1, s0  }
0xbc: {  	s0 =	sadd.s32 $0x8F2B, s0  }
0xbd: {  	[sflag:s0] =	ssyncadd.remote.s32 $0x1  }
0xbe: {  	_ =	sfence.sel $0xFFFF  }
0xbf: {  	[dreg:$0x0] =	wrdreg $0xFFFFFFFF;
	(pc) =	sbr.abs _section_cstart, $3  }
0xc0: {  	[dreg:$0x1] =	wrdreg $0xFFFFFFFF  }
0xc1: {  	_ =	task.clear_ibuf [dreg:s7], $0x2FFFF;
	_ =	strace $0x9FFFFFFF  }
0xc2: {  	(tm) =	ssettm $0x7FFFFFFF  }
0xc3: {  	_ =	shalt  }
tec
execute0_lowered:
.L_overlay_start_1:
0x0: {  	(tag) =	ssettag $0x1  }
0x1: {  	s0 =	rddreg [dreg:$0x0];
	s1 =	srdreg.scid  }
0x2: {  	s3 =	stileid.u32;
	s2 =	rddreg [dreg:$0x1];
	s11 =	simm.s32 $0x80  }
0x3: {  	s12 =	simm.s32 $0x6400;
	s13 =	simm.s32 $0x6500;
	s14 =	simm.s32 $0x8500  }
0x4: {  	s15 =	simm.s32 $0x1;
	s16 =	simm.s32 $0x6480;
	s17 =	simm.s32 $0x7500  }
0x5: {  	s18 =	simm.s32 $0x9500;
	s19 =	simm.s32 $0xA500;
	s20 =	simm.s32 $0xC700  }
0x6: {  	v1 =	vlaneseq.u32;
	v3 =	vimm.s32 $0x0;
	s21 =	simm.s32 $0x2;
	s1 =	sand.u32 $0x1, s1;
	s4 =	sshll.u32 s3, $0x1  }
0x7: {  	vm0 =	vcmask $0x300;
	s22 =	simm.s32 $0x4;
	s23 =	simm.s32 $0xB600;
	v2 =	vand.u32 $0x3, v1;
	v0 =	vmul.u32 $0x88, v1;
	s7 =	sor.u32 s1, s4  }
0x8: {  	s24 =	simm.s32 $0xD800;
	s3 =	simm.s32 $0x0;
	v1 =	vmul.u32 $0x32, v1;
	v3 =	vsel vm0, $0x3, v3;
	v2 =	vmul.u32 $0x2, v2;
	s4 =	smul.u32 $0xC80, s7  }
0x9: {  	s5 =	sadd.s32 $0x3EAE00, s0;
	s6 =	sadd.s32 $0x70AE00, s0;
	s1 =	ssub.s32 $0x2, s1;
	v4 =	vadd.s32 $0x880, v0;
	v5 =	vor.u32 $0x1, v0;
	v6 =	vadd.s32 $0x881, v0  }
0xa: {  	[smem:$0x7FF] =	sst s3;
	s30 =	sshrl.u32 s1, $0x1;
	v7 =	vor.u32 $0x2, v0;
	v8 =	vadd.s32 $0x882, v0;
	v9 =	vor.u32 $0x3, v0;
	s8 =	sadd.s32 s4, s0  }
0xb: {  	v10 =	vadd.s32 $0x883, v0;
	v11 =	vor.u32 $0x4, v0;
	v12 =	vadd.s32 $0x884, v0;
	s4 =	sadd.s32 $0x1400, s0;
	s0 =	ssub.s32 s1, s30;
	s31 =	sadd.s32 $0x3D1E00, s8  }
0xc: {  	_ =	strace $0x8000004A;
	v13 =	vor.u32 $0x5, v0;
	v14 =	vadd.s32 $0x885, v0;
	v15 =	vor.u32 $0x6, v0;
	s0 =	smax.u32 s0, $0x1;
	[dreg:$0x3] =	wrdreg s31  }
0xd: {  	s7 =	sshll.u32 s7, $0x9;
	v16 =	vadd.s32 $0x886, v0;
	v17 =	vor.u32 $0x7, v0;
	v18 =	vadd.s32 $0x887, v0;
	s1 =	simm.s32 $0x0;
	[dreg:$0x4] =	wrdreg s0  }
.LBB2_1:
0xe: {  	[dreg:$0x5] =	wrdreg s1  }
0xf: {  	s0 =	rddreg [dreg:$0x3];
	s31 =	simm.s32 $0x5  }
0x10: {  	[tilespmem:s3], [sflag:$0x5] =	stream.linear.gather [hbm4b:s0+s3], $0x6400, $0x38;
	[tilespmem:$0xE900] =	vst v63  }
0x11: {  	_ =	swait.ge [sflag:s31], $0x6400  }
0x12: {  	[sflag:s31] =	ssyncset.done $0x0  }
0x13: {  	p0 =	por $0x1, $0x1;
	s0 =	simm.s32 $0x0;
	[sflag:s31] =	ssyncadd.s32 $0xFFFF9C00  }
.LBB2_2:
0x14: {  	s1 =	smul.u32 $0x320, s0;
	s8 =	sor.u32 $0x1, s0  }
0x15: {  	s10 =	sor.u32 $0x2, s0;
	s9 =	smul.u32 $0x320, s8  }
0x16: {  	s28 =	sor.u32 $0x3, s0;
	s30 =	smul.u32 $0x320, s10;
	v19 =	vadd.s32 s1, v1  }
0x17: {  	s31 =	smul.u32 $0x320, s28;
	v19 =	vand.u32 $0x1FF8, v19;
	v20 =	vadd.s32 s9, v1  }
0x18: {  	v21 =	vadd.s32 s30, v1;
	v19 =	vor.u32 v2, v19;
	v20 =	vand.u32 $0x1FF8, v20  }
0x19: {  	v22 =	vadd.s32 s31, v1;
	v21 =	vand.u32 $0x3FF8, v21;
	v20 =	vor.u32 v2, v20  }
0x1a: {  	v22 =	vand.u32 $0x3FF8, v22;
	v21 =	vor.u32 v2, v21  }
0x1b: {  	v22 =	vor.u32 v2, v22;
	_ =	sdelay $0x1  }
0x1c: {  	v19 =	vld.idx.msk [tilespmem:v19+s3+$0x0], $0xffff  }
0x1d: {  	v20 =	vld.idx.msk [tilespmem:v20+s3+$0x0], $0xffff  }
0x1e: {  	v21 =	vld.idx.msk [tilespmem:v21+s3+$0x0], $0xffff  }
0x1f: {  	p1 =	por p0, p0;
	s1 =	sshll.u32 s0, $0x4;
	v22 =	vld.idx.msk [tilespmem:v22+s3+$0x0], $0xffff  }
.Ltmp0:
0x20: {  	s0 =	sand.u32 $0x3FFFFFF0, s1;
	s9 =	sshll.u32 s8, $0x4;
	(pc) =	sbr.rel @p1 .LBB2_2-.Ltmp0, $4  }
0x21: {  	s26 =	sshll.u32 s10, $0x4;
	s25 =	sand.u32 $0x3FFFFFF0, s9;
	[tilespmem:s0+$0x6400] =	vst v19  }
0x22: {  	s29 =	sand.u32 $0x3FFFFFF0, s26;
	s30 =	sshll.u32 s28, $0x4;
	[tilespmem:s25+$0x6400] =	vst v20  }
0x23: {  	s31 =	sand.u32 $0x3FFFFFF0, s30;
	[tilespmem:s29+$0x6400] =	vst v21  }
0x24: {  	p0 =	por $0x0, $0x0;
	s0 =	simm.s32 $0x4;
	[tilespmem:s31+$0x6400] =	vst v22  }
0x25: {  	[tilespmem:s13], [sflag:$0x1] =	stream.indirect.gather [hbm4b:s2+s11], $0x20, s12, s11, $0xb8;
	[tilespmem:$0xE900] =	vst v63  }
0x26: {  	s28 =	simm.s32 $0x0  }
0x27: {  	[tilespmem:s14], [sflag:$0x1] =	stream.indirect.gather [hbm4b:s4+s11], $0x20, s12, s11, $0xb8;
	[tilespmem:$0xE900] =	vst v63  }
.LBB2_4:
0x28: {  	_ =	swait.ge [sflag:s15], $0x1000  }
0x29: {  	s29 =	sshllo.u32 s28, $0x1;
	[sflag:s15] =	ssyncset.done $0x0  }
0x2a: {  	s0 =	sand.u32 $0x3, s29;
	[sflag:s15] =	ssyncadd.s32 $0xFFFFF000  }
0x2b: {  	s31 =	sshll.u32 s28, $0x1;
	s0 =	smul.u32 $0x1900, s0;
	_ =	swait.ge [sflag:s15], $0x1000  }
0x2c: {  	s1 =	sshrl.u32 s28, $0x1;
	p0 =	por $0x1, $0x1;
	[sflag:s15] =	ssyncset.done $0x0  }
0x2d: {  	s0 =	sadd.s32 s1, s0;
	s1 =	simm.s32 $0x0;
	[sflag:s15] =	ssyncadd.s32 $0xFFFFF000  }
.LBB2_5:
0x2e: {  	s8 =	smul.u32 $0x320, s1;
	s9 =	sor.u32 $0x1, s1  }
0x2f: {  	s30 =	sor.u32 $0x2, s1;
	s10 =	smul.u32 $0x320, s9  }
0x30: {  	s26 =	sor.u32 $0x3, s1;
	s25 =	smul.u32 $0x320, s30;
	s8 =	sadd.s32 s0, s8  }
0x31: {  	v19 =	vadd.s32 s8, v1;
	s8 =	sadd.s32 s0, s10;
	s10 =	smul.u32 $0x320, s26  }
0x32: {  	s25 =	sadd.s32 s0, s25;
	v20 =	vadd.s32 s8, v1  }
0x33: {  	v21 =	vadd.s32 s25, v1;
	s25 =	sadd.s32 s0, s10  }
0x34: {  	v22 =	vadd.s32 s25, v1;
	_ =	sdelay $0x1  }
0x35: {  	v19 =	vld.idx.msk [tilespmem:v19+s3+$0x0], $0xffff  }
0x36: {  	v20 =	vld.idx.msk [tilespmem:v20+s3+$0x0], $0xffff  }
0x37: {  	v21 =	vld.idx.msk [tilespmem:v21+s3+$0x0], $0xffff  }
0x38: {  	p1 =	por p0, p0;
	s10 =	sshll.u32 s1, $0x4;
	v22 =	vld.idx.msk [tilespmem:v22+s3+$0x0], $0xffff  }
.Ltmp1:
0x39: {  	s1 =	sand.u32 $0x3FFFFFF0, s10;
	s25 =	sshll.u32 s9, $0x4;
	(pc) =	sbr.rel @p1 .LBB2_5-.Ltmp1, $4  }
0x3a: {  	s10 =	sshll.u32 s30, $0x4;
	s9 =	sand.u32 $0x3FFFFFF0, s25;
	[tilespmem:s1+$0x6480] =	vst v19  }
0x3b: {  	s26 =	sshll.u32 s26, $0x4;
	s25 =	sand.u32 $0x3FFFFFF0, s10;
	[tilespmem:s9+$0x6480] =	vst v20  }
0x3c: {  	s30 =	sand.u32 $0x3FFFFFF0, s26;
	[tilespmem:s25+$0x6480] =	vst v21  }
0x3d: {  	p0 =	por $0x0, $0x0;
	s1 =	simm.s32 $0x4;
	[tilespmem:s30+$0x6480] =	vst v22  }
0x3e: {  	[tilespmem:s17], [sflag:$0x2] =	stream.indirect.gather [hbm4b:s2+s11], $0x20, s16, s11, $0xb8;
	[tilespmem:$0xE900] =	vst v63  }
0x3f: {  	p0 =	seq.s32 s28, $0x0;
	s1 =	simm.s32 $0x0  }
0x40: {  	s8 =	simm.s32 $0x1;
	s26 =	simm.s32 $0x2;
	s9 =	simm.s32 $0x3  }
0x41: {  	s10 =	simm.s32 $0x7;
	s25 =	simm.s32 $0x5;
	s0 =	simm.s32 @!p0 $0x3;
	v19 =	vmov s1  }
0x42: {  	v20 =	vmov s8;
	v21 =	vmov s26;
	[tilespmem:s18], [sflag:$0x2] =	stream.indirect.gather [hbm4b:s4+s11], $0x20, s16, s11, $0xb8;
	[tilespmem:$0xE900] =	vst v63  }
0x43: {  	v22 =	vmov s9;
	s9 =	simm.s32 $0x4;
	s26 =	simm.s32 $0x6;
	v24 =	vmov s10;
	v25 =	vmov s25;
	_ =	swait.ge @!p0 [sflag:s0], $0x1000  }
0x44: {  	v19 =	vshrl.u32 v19, $0x3;
	v23 =	vmov s9;
	v26 =	vmov s26;
	[sflag:s0] =	ssyncset.done @!p0 $0x0  }
0x45: {  	v24 =	vshrl.u32 v24, $0x3;
	v20 =	vshrl.u32 v20, $0x3;
	v21 =	vshrl.u32 v21, $0x3;
	[sflag:s0] =	ssyncadd.s32 @!p0 $0xFFFFF000  }
0x46: {  	v22 =	vshrl.u32 v22, $0x3;
	v25 =	vshrl.u32 v25, $0x3;
	v24 =	vshll.u32 v24, v3;
	_ =	swait.ge @!p0 [sflag:s0], $0x1000  }
0x47: {  	v19 =	vshll.u32 v19, v3;
	v21 =	vshll.u32 v21, v3;
	v24 =	vbroadcast v24, $0x0;
	[sflag:s0] =	ssyncset.done @!p0 $0x0  }
0x48: {  	s1 =	simm.s32 $0x6580;
	v22 =	vshll.u32 v22, v3;
	v29 =	vbroadcast v19, $0x0;
	v19 =	vshll.u32 v20, v3;
	[sflag:s0] =	ssyncadd.s32 @!p0 $0xFFFFF000  }
0x49: {  	v20 =	vshrl.u32 v23, $0x3;
	v23 =	vbroadcast v19, $0x0;
	v30 =	vadd.s32 v17, v24;
	v27 =	vld [tilespmem:s1+$0x60]  }
0x4a: {  	v25 =	vshll.u32 v25, v3;
	v21 =	vbroadcast v21, $0x0;
	v19 =	vadd.s32 v0, v29;
	v28 =	vld [tilespmem:s1+$0xFFFFFF80]  }
0x4b: {  	v22 =	vbroadcast v22, $0x0;
	v20 =	vshll.u32 v20, v3;
	v32 =	vadd.s32 v5, v23;
	v31 =	vld [tilespmem:s1+$0xFFFFFFA0]  }
0x4c: {  	v26 =	vshrl.u32 v26, $0x3;
	v34 =	vadd.s32 v7, v21;
	v20 =	vbroadcast v20, $0x0;
	v33 =	vld [tilespmem:s1+$0xFFFFFFC0]  }
0x4d: {  	v39 =	vbroadcast v25, $0x0;
	v25 =	vshll.u32 v26, v3;
	v36 =	vadd.s32 v9, v22;
	v35 =	vld [tilespmem:s1+$0xFFFFFFE0]  }
0x4e: {  	v40 =	vbroadcast v25, $0x0;
	v38 =	vadd.s32 v11, v20;
	v37 =	vld [tilespmem:s1+$0x0];
	[tilespmem:v30+s19+$0x0] =	vst.idx.msk $0xffff, v27  }
0x4f: {  	v42 =	vadd.s32 v18, v24;
	v24 =	vld [tilespmem:s1+$0x20];
	[tilespmem:v19+s19+$0x0] =	vst.idx.msk $0xffff, v28;
	v28 =	vadd.s32 v13, v39  }
0x50: {  	[tilespmem:v32+s19+$0x0] =	vst.idx.msk $0xffff, v31;
	v31 =	vld [tilespmem:s1+$0x40];
	v27 =	vadd.s32 v15, v40  }
0x51: {  	[tilespmem:v34+s19+$0x0] =	vst.idx.msk $0xffff, v33;
	v41 =	vld [tilespmem:s1+$0x70]  }
0x52: {  	v26 =	vadd.s32 v6, v23;
	[tilespmem:v36+s19+$0x0] =	vst.idx.msk $0xffff, v35;
	v55 =	vld [tilespmem:s1+$0xFFFFFFB0]  }
0x53: {  	v25 =	vadd.s32 v8, v21;
	[tilespmem:v38+s19+$0x0] =	vst.idx.msk $0xffff, v37;
	v56 =	vld [tilespmem:s1+$0xFFFFFFD0]  }
0x54: {  	v22 =	vadd.s32 v10, v22;
	v57 =	vld [tilespmem:s1+$0xFFFFFFF0];
	[tilespmem:v28+s19+$0x0] =	vst.idx.msk $0xffff, v24  }
0x55: {  	v43 =	vld [tilespmem:s1+$0x10];
	v24 =	vadd.s32 v12, v20;
	[tilespmem:v27+s19+$0x0] =	vst.idx.msk $0xffff, v31  }
0x56: {  	v59 =	vld [tilespmem:s1+$0xFFFFFF90];
	v20 =	vadd.s32 v4, v29;
	[tilespmem:v42+s19+$0x0] =	vst.idx.msk $0xffff, v41  }
0x57: {  	s30 =	simm.s32 $0x8580;
	v23 =	vadd.s32 v14, v39;
	[tilespmem:v26+s19+$0x0] =	vst.idx.msk $0xffff, v55;
	v31 =	vld [tilespmem:s1+$0x30]  }
0x58: {  	[tilespmem:v25+s19+$0x0] =	vst.idx.msk $0xffff, v56;
	v41 =	vld [tilespmem:s30+$0x60]  }
0x59: {  	v21 =	vadd.s32 v16, v40;
	v58 =	vld [tilespmem:s1+$0x50];
	[tilespmem:v22+s19+$0x0] =	vst.idx.msk $0xffff, v57  }
0x5a: {  	v29 =	vld [tilespmem:s30+$0xFFFFFFA0];
	[tilespmem:v24+s19+$0x0] =	vst.idx.msk $0xffff, v43  }
0x5b: {  	v61 =	vld [tilespmem:s30+$0xFFFFFFC0];
	[tilespmem:v20+s19+$0x0] =	vst.idx.msk $0xffff, v59  }
0x5c: {  	v62 =	vld [tilespmem:s30+$0xFFFFFFE0];
	[tilespmem:v23+s19+$0x0] =	vst.idx.msk $0xffff, v31  }
0x5d: {  	v63 =	vld [tilespmem:s30+$0x0];
	[tilespmem:v30+s20+$0x0] =	vst.idx.msk $0xffff, v41  }
0x5e: {  	[tilespmem:v21+s19+$0x0] =	vst.idx.msk $0xffff, v58;
	v60 =	vld [tilespmem:s30+$0x70]  }
0x5f: {  	[tilespmem:v32+s20+$0x0] =	vst.idx.msk $0xffff, v29;
	v33 =	vld [tilespmem:s30+$0x20]  }
0x60: {  	v30 =	vld [tilespmem:s30+$0x40];
	[tilespmem:v34+s20+$0x0] =	vst.idx.msk $0xffff, v61  }
0x61: {  	s25 =	simm.s32 $0xA;
	s0 =	simm.s32 $0x8;
	v29 =	vld [tilespmem:s30+$0xFFFFFF80];
	[tilespmem:v36+s20+$0x0] =	vst.idx.msk $0xffff, v62  }
0x62: {  	s10 =	simm.s32 $0x9;
	s26 =	simm.s32 $0xB;
	v37 =	vmov s0;
	v35 =	vmov s25;
	v31 =	vld [tilespmem:s30+$0xFFFFFFB0];
	[tilespmem:v38+s20+$0x0] =	vst.idx.msk $0xffff, v63  }
0x63: {  	s8 =	simm.s32 $0x10;
	s9 =	simm.s32 $0xF;
	v34 =	vmov s10;
	v36 =	vmov s26;
	s10 =	simm.s32 $0xC;
	v32 =	vld [tilespmem:s30+$0xFFFFFFD0];
	[tilespmem:v42+s20+$0x0] =	vst.idx.msk $0xffff, v60  }
.LBB2_7:
0x64: {  	p1 =	slt.u32 s8, $0x78;
	v37 =	vshrl.u32 v37, $0x3;
	v38 =	vmov s10;
	s10 =	sadd.s32 $0x5, s0;
	s0 =	sadd.s32 $0x6, s0;
	v39 =	vmov s9;
	v40 =	vld [tilespmem:s30+$0xFFFFFFF0];
	[tilespmem:v28+s20+$0x0] =	vst.idx.msk $0xffff, v33  }
0x65: {  	v28 =	vmov s10;
	v33 =	vmov s0;
	v39 =	vshrl.u32 v39, $0x3;
	v41 =	vld [tilespmem:s30+$0x10];
	[tilespmem:v27+s20+$0x0] =	vst.idx.msk $0xffff, v30;
	s0 =	smov.u32 s8  }
0x66: {  	v27 =	vshll.u32 v37, v3;
	v30 =	vshrl.u32 v34, $0x3;
	v34 =	vshll.u32 v39, v3;
	[tilespmem:v19+s20+$0x0] =	vst.idx.msk $0xffff, v29;
	v29 =	vld [tilespmem:s30+$0x30]  }
0x67: {  	v19 =	vshrl.u32 v35, $0x3;
	v35 =	vshrl.u32 v36, $0x3;
	v34 =	vbroadcast v34, $0x0;
	[tilespmem:v26+s20+$0x0] =	vst.idx.msk $0xffff, v31;
	v26 =	vld [tilespmem:s30+$0x50]  }
0x68: {  	s1 =	sadd.s32 $0x100, s1;
	v31 =	vbroadcast v27, $0x0;
	v27 =	vshll.u32 v30, v3;
	v30 =	vshrl.u32 v38, $0x3;
	v36 =	vld [tilespmem:s30+$0xFFFFFF90];
	[tilespmem:v25+s20+$0x0] =	vst.idx.msk $0xffff, v32  }
0x69: {  	v25 =	vbroadcast v27, $0x0;
	v27 =	vshll.u32 v19, v3;
	v32 =	vld [tilespmem:s1+$0x60];
	v37 =	vadd.s32 v17, v34;
	[tilespmem:v22+s20+$0x0] =	vst.idx.msk $0xffff, v40  }
0x6a: {  	v19 =	vadd.s32 v0, v31;
	v38 =	vbroadcast v27, $0x0;
	v27 =	vshll.u32 v35, v3;
	v22 =	vld [tilespmem:s1+$0xFFFFFF80];
	[tilespmem:v24+s20+$0x0] =	vst.idx.msk $0xffff, v41  }
0x6b: {  	v35 =	vadd.s32 v5, v25;
	v39 =	vbroadcast v27, $0x0;
	v27 =	vshll.u32 v30, v3;
	v24 =	vld [tilespmem:s1+$0xFFFFFFA0];
	[tilespmem:v23+s20+$0x0] =	vst.idx.msk $0xffff, v29  }
0x6c: {  	v40 =	vadd.s32 v7, v38;
	v29 =	vbroadcast v27, $0x0;
	v27 =	vshrl.u32 v28, $0x3;
	v23 =	vld [tilespmem:s1+$0xFFFFFFC0];
	[tilespmem:v21+s20+$0x0] =	vst.idx.msk $0xffff, v26  }
0x6d: {  	v41 =	vadd.s32 v9, v39;
	v26 =	vshll.u32 v27, v3;
	v27 =	vshrl.u32 v33, $0x3;
	v21 =	vld [tilespmem:s1+$0xFFFFFFE0];
	[tilespmem:v20+s20+$0x0] =	vst.idx.msk $0xffff, v36  }
0x6e: {  	v42 =	vadd.s32 v11, v29;
	v30 =	vbroadcast v26, $0x0;
	v26 =	vshll.u32 v27, v3;
	v20 =	vld [tilespmem:s1+$0x0];
	[tilespmem:v37+s19+$0x0] =	vst.idx.msk $0xffff, v32  }
0x6f: {  	v34 =	vadd.s32 v18, v34;
	v32 =	vbroadcast v26, $0x0;
	[tilespmem:v19+s19+$0x0] =	vst.idx.msk $0xffff, v22;
	v33 =	vld [tilespmem:s1+$0x70]  }
0x70: {  	v28 =	vadd.s32 v13, v30;
	[tilespmem:v35+s19+$0x0] =	vst.idx.msk $0xffff, v24;
	v24 =	vld [tilespmem:s1+$0x20]  }
0x71: {  	v27 =	vadd.s32 v15, v32;
	[tilespmem:v40+s19+$0x0] =	vst.idx.msk $0xffff, v23;
	v23 =	vld [tilespmem:s1+$0x40]  }
0x72: {  	v26 =	vadd.s32 v6, v25;
	v36 =	vld [tilespmem:s1+$0xFFFFFFB0];
	[tilespmem:v41+s19+$0x0] =	vst.idx.msk $0xffff, v21  }
0x73: {  	v25 =	vadd.s32 v8, v38;
	v21 =	vld [tilespmem:s1+$0xFFFFFFD0];
	[tilespmem:v42+s19+$0x0] =	vst.idx.msk $0xffff, v20  }
0x74: {  	s30 =	sadd.s32 $0x100, s30;
	v22 =	vadd.s32 v10, v39;
	v38 =	vld [tilespmem:s1+$0xFFFFFFF0];
	[tilespmem:v34+s19+$0x0] =	vst.idx.msk $0xffff, v33  }
0x75: {  	[tilespmem:v28+s19+$0x0] =	vst.idx.msk $0xffff, v24;
	v33 =	vld [tilespmem:s30+$0x60]  }
0x76: {  	v24 =	vadd.s32 v12, v29;
	v39 =	vld [tilespmem:s1+$0x10];
	[tilespmem:v27+s19+$0x0] =	vst.idx.msk $0xffff, v23  }
0x77: {  	v23 =	vadd.s32 v14, v30;
	[tilespmem:v26+s19+$0x0] =	vst.idx.msk $0xffff, v36;
	v29 =	vld [tilespmem:s1+$0x30]  }
0x78: {  	[tilespmem:v25+s19+$0x0] =	vst.idx.msk $0xffff, v21;
	v30 =	vld [tilespmem:s1+$0x50];
	v21 =	vadd.s32 v16, v32  }
0x79: {  	v20 =	vadd.s32 v4, v31;
	v32 =	vld [tilespmem:s1+$0xFFFFFF90];
	[tilespmem:v22+s19+$0x0] =	vst.idx.msk $0xffff, v38  }
0x7a: {  	v31 =	vld [tilespmem:s30+$0xFFFFFFA0];
	[tilespmem:v37+s20+$0x0] =	vst.idx.msk $0xffff, v33  }
0x7b: {  	[tilespmem:v24+s19+$0x0] =	vst.idx.msk $0xffff, v39;
	v36 =	vld [tilespmem:s30+$0x70]  }
0x7c: {  	v37 =	vld [tilespmem:s30+$0xFFFFFFC0];
	[tilespmem:v23+s19+$0x0] =	vst.idx.msk $0xffff, v29  }
0x7d: {  	v38 =	vld [tilespmem:s30+$0xFFFFFFE0];
	[tilespmem:v21+s19+$0x0] =	vst.idx.msk $0xffff, v30  }
0x7e: {  	[tilespmem:v20+s19+$0x0] =	vst.idx.msk $0xffff, v32;
	v39 =	vld [tilespmem:s30+$0x0]  }
.Ltmp2:
0x7f: {  	[tilespmem:v35+s20+$0x0] =	vst.idx.msk $0xffff, v31;
	v33 =	vld [tilespmem:s30+$0x20];
	(pc) =	sbr.rel @p1 .LBB2_7-.Ltmp2, $4  }
0x80: {  	v30 =	vld [tilespmem:s30+$0x40];
	[tilespmem:v34+s20+$0x0] =	vst.idx.msk $0xffff, v36  }
0x81: {  	s9 =	sadd.s32 $0x1, s8;
	v29 =	vld [tilespmem:s30+$0xFFFFFF80];
	[tilespmem:v40+s20+$0x0] =	vst.idx.msk $0xffff, v37  }
0x82: {  	s10 =	sadd.s32 $0x3, s8;
	v34 =	vmov s9;
	s9 =	sadd.s32 $0x2, s8;
	v37 =	vmov s8;
	v31 =	vld [tilespmem:s30+$0xFFFFFFB0];
	[tilespmem:v41+s20+$0x0] =	vst.idx.msk $0xffff, v38  }
0x83: {  	v36 =	vmov s10;
	s10 =	sadd.s32 $0x4, s0;
	v35 =	vmov s9;
	s9 =	sadd.s32 $0x7, s0;
	s8 =	sadd.s32 $0x8, s8;
	v32 =	vld [tilespmem:s30+$0xFFFFFFD0];
	[tilespmem:v42+s20+$0x0] =	vst.idx.msk $0xffff, v39  }
0x84: {  	_ =	sdelay $0x3  }
0x85: {  	v37 =	vshrl.u32 v37, $0x3;
	v38 =	vmov s10;
	v39 =	vmov s9;
	v40 =	vld [tilespmem:s30+$0xFFFFFFF0];
	[tilespmem:v28+s20+$0x0] =	vst.idx.msk $0xffff, v33  }
0x86: {  	s8 =	sadd.s32 $0x5, s0;
	v41 =	vld [tilespmem:s30+$0x10];
	v47 =	vshrl.u32 v34, $0x3;
	v49 =	vshrl.u32 v35, $0x3;
	v50 =	vshrl.u32 v36, $0x3;
	[tilespmem:v27+s20+$0x0] =	vst.idx.msk $0xffff, v30  }
0x87: {  	v44 =	vmov s8;
	v39 =	vshrl.u32 v39, $0x3;
	v46 =	vshll.u32 v37, v3;
	[tilespmem:v19+s20+$0x0] =	vst.idx.msk $0xffff, v29;
	v19 =	vld [tilespmem:s30+$0x30]  }
0x88: {  	v30 =	vshll.u32 v47, v3;
	v52 =	vshrl.u32 v38, $0x3;
	v51 =	vld [tilespmem:s30+$0x50];
	v27 =	vbroadcast v46, $0x0;
	[tilespmem:v26+s20+$0x0] =	vst.idx.msk $0xffff, v31  }
0x89: {  	s8 =	sadd.s32 $0x100, s1;
	v35 =	vshll.u32 v50, v3;
	v48 =	vshll.u32 v39, v3;
	v54 =	vbroadcast v30, $0x0;
	v53 =	vld [tilespmem:s30+$0xFFFFFF90];
	[tilespmem:v25+s20+$0x0] =	vst.idx.msk $0xffff, v32  }
0x8a: {  	v57 =	vld [tilespmem:s8+$0xFFFFFF80];
	v35 =	vbroadcast v35, $0x0;
	v28 =	vshrl.u32 v44, $0x3;
	v37 =	vadd.s32 v0, v27;
	[tilespmem:v22+s20+$0x0] =	vst.idx.msk $0xffff, v40  }
0x8b: {  	v58 =	vld [tilespmem:s8+$0xFFFFFFA0];
	v34 =	vbroadcast v48, $0x0;
	v28 =	vshll.u32 v28, v3;
	v59 =	vadd.s32 v5, v54;
	[tilespmem:v24+s20+$0x0] =	vst.idx.msk $0xffff, v41  }
0x8c: {  	v29 =	vshll.u32 v49, v3;
	v61 =	vld [tilespmem:s8+$0xFFFFFFE0];
	v62 =	vadd.s32 v9, v35;
	v28 =	vbroadcast v28, $0x0;
	[tilespmem:v23+s20+$0x0] =	vst.idx.msk $0xffff, v19  }
0x8d: {  	v55 =	vld [tilespmem:s8+$0x60];
	v29 =	vbroadcast v29, $0x0;
	v31 =	vshll.u32 v52, v3;
	v56 =	vadd.s32 v17, v34;
	[tilespmem:v21+s20+$0x0] =	vst.idx.msk $0xffff, v51  }
0x8e: {  	s26 =	sadd.s32 $0x6, s0;
	v46 =	vld [tilespmem:s8+$0x20];
	v31 =	vbroadcast v31, $0x0;
	v47 =	vadd.s32 v13, v28;
	[tilespmem:v20+s20+$0x0] =	vst.idx.msk $0xffff, v53  }
0x8f: {  	v45 =	vmov s26;
	v60 =	vadd.s32 v7, v29;
	v19 =	vld [tilespmem:s8+$0xFFFFFFC0];
	[tilespmem:v37+s19+$0x0] =	vst.idx.msk $0xffff, v57  }
0x90: {  	v33 =	vshrl.u32 v45, $0x3;
	v63 =	vadd.s32 v11, v31;
	v20 =	vld [tilespmem:s8+$0x0];
	[tilespmem:v59+s19+$0x0] =	vst.idx.msk $0xffff, v58  }
0x91: {  	v33 =	vshll.u32 v33, v3;
	v25 =	vadd.s32 v6, v54;
	[tilespmem:v62+s19+$0x0] =	vst.idx.msk $0xffff, v61;
	v49 =	vld [tilespmem:s8+$0xFFFFFFB0]  }
0x92: {  	v44 =	vbroadcast v33, $0x0;
	v27 =	vadd.s32 v4, v27;
	[tilespmem:v56+s19+$0x0] =	vst.idx.msk $0xffff, v55;
	v54 =	vld [tilespmem:s8+$0xFFFFFF90]  }
0x93: {  	v45 =	vadd.s32 v18, v34;
	v30 =	vld [tilespmem:s8+$0x70];
	[tilespmem:v47+s19+$0x0] =	vst.idx.msk $0xffff, v46  }
0x94: {  	v48 =	vadd.s32 v15, v44;
	[tilespmem:v60+s19+$0x0] =	vst.idx.msk $0xffff, v19;
	v19 =	vld [tilespmem:s8+$0x40]  }
0x95: {  	v29 =	vadd.s32 v8, v29;
	v50 =	vld [tilespmem:s8+$0xFFFFFFD0];
	[tilespmem:v63+s19+$0x0] =	vst.idx.msk $0xffff, v20  }
0x96: {  	v35 =	vadd.s32 v10, v35;
	v20 =	vld [tilespmem:s8+$0xFFFFFFF0];
	[tilespmem:v25+s19+$0x0] =	vst.idx.msk $0xffff, v49  }
0x97: {  	s9 =	sadd.s32 $0x100, s30;
	v31 =	vadd.s32 v12, v31;
	v52 =	vld [tilespmem:s8+$0x10];
	[tilespmem:v27+s19+$0x0] =	vst.idx.msk $0xffff, v54  }
0x98: {  	[tilespmem:v45+s19+$0x0] =	vst.idx.msk $0xffff, v30;
	v58 =	vld [tilespmem:s9+$0xFFFFFF80]  }
0x99: {  	v28 =	vadd.s32 v14, v28;
	[tilespmem:v48+s19+$0x0] =	vst.idx.msk $0xffff, v19;
	v19 =	vld [tilespmem:s8+$0x30]  }
0x9a: {  	v51 =	vld [tilespmem:s9+$0x60];
	[tilespmem:v29+s19+$0x0] =	vst.idx.msk $0xffff, v50  }
0x9b: {  	v22 =	vadd.s32 v16, v44;
	v53 =	vld [tilespmem:s8+$0x50];
	[tilespmem:v35+s19+$0x0] =	vst.idx.msk $0xffff, v20  }
0x9c: {  	v20 =	vld [tilespmem:s9+$0xFFFFFFA0];
	[tilespmem:v31+s19+$0x0] =	vst.idx.msk $0xffff, v52  }
0x9d: {  	v55 =	vld [tilespmem:s9+$0xFFFFFFC0];
	[tilespmem:v37+s20+$0x0] =	vst.idx.msk $0xffff, v58  }
0x9e: {  	[tilespmem:v28+s19+$0x0] =	vst.idx.msk $0xffff, v19;
	v19 =	vld [tilespmem:s9+$0xFFFFFFE0]  }
0x9f: {  	[tilespmem:v56+s20+$0x0] =	vst.idx.msk $0xffff, v51;
	v56 =	vld [tilespmem:s9+$0x0]  }
0xa0: {  	v24 =	vld [tilespmem:s9+$0x70];
	[tilespmem:v22+s19+$0x0] =	vst.idx.msk $0xffff, v53  }
0xa1: {  	[tilespmem:v59+s20+$0x0] =	vst.idx.msk $0xffff, v20;
	v20 =	vld [tilespmem:s9+$0x20]  }
0xa2: {  	v57 =	vld [tilespmem:s9+$0x40];
	[tilespmem:v60+s20+$0x0] =	vst.idx.msk $0xffff, v55  }
0xa3: {  	v59 =	vld [tilespmem:s9+$0xFFFFFFB0];
	[tilespmem:v62+s20+$0x0] =	vst.idx.msk $0xffff, v19  }
0xa4: {  	v19 =	vld [tilespmem:s9+$0xFFFFFFD0];
	[tilespmem:v63+s20+$0x0] =	vst.idx.msk $0xffff, v56  }
0xa5: {  	v63 =	vld [tilespmem:s9+$0xFFFFFF90];
	[tilespmem:v45+s20+$0x0] =	vst.idx.msk $0xffff, v24  }
0xa6: {  	v60 =	vld [tilespmem:s9+$0xFFFFFFF0];
	[tilespmem:v47+s20+$0x0] =	vst.idx.msk $0xffff, v20  }
0xa7: {  	v20 =	vld [tilespmem:s9+$0x10];
	[tilespmem:v48+s20+$0x0] =	vst.idx.msk $0xffff, v57  }
0xa8: {  	v61 =	vld [tilespmem:s9+$0x30];
	[tilespmem:v25+s20+$0x0] =	vst.idx.msk $0xffff, v59  }
0xa9: {  	s10 =	sshll.u32 s28, $0x8;
	v62 =	vld [tilespmem:s9+$0x50];
	[tilespmem:v29+s20+$0x0] =	vst.idx.msk $0xffff, v19  }
0xaa: {  	s25 =	sshll.u32 s28, $0x12;
	s0 =	sand.u32 $0x100, s10;
	[tilespmem:v27+s20+$0x0] =	vst.idx.msk $0xffff, v63  }
0xab: {  	s0 =	sor.u32 s0, s7;
	s30 =	sand.u32 $0x1F80000, s25;
	[tilespmem:v35+s20+$0x0] =	vst.idx.msk $0xffff, v60  }
0xac: {  	s0 =	sor.u32 s30, s0;
	[tilespmem:v31+s20+$0x0] =	vst.idx.msk $0xffff, v20  }
0xad: {  	s0 =	sshrl.u32 s0, $0x3;
	[tilespmem:v28+s20+$0x0] =	vst.idx.msk $0xffff, v61  }
0xae: {  	s26 =	simm.s32 $0xA500;
	s1 =	sadd.s32 s5, s0;
	s8 =	simm.s32 $0x220;
	[tilespmem:v22+s20+$0x0] =	vst.idx.msk $0xffff, v62  }
0xaf: {  	[hbm4b:s1+s3] =	stream.linear.scatter [tilespmem:s26], [sflag:$0x3], $0x80, $0x38;
	[tilespmem:$0xE900] =	vst v63  }
.LBB2_9:
0xb0: {  	p1 =	sne.s32 s8, $0x41E0  }
.Ltmp3:
0xb1: {  	_ = 	snop;
	(pc) =	sbr.rel @p1 .LBB2_9-.Ltmp3, $4  }
0xb2: {  	_ = 	snop  }
0xb3: {  	s9 =	sshra.s32 s8, $0x2;
	s8 =	sadd.s32 $0x220, s8  }
0xb4: {  	s1 =	sadd.s32 $0x800, s1;
	s9 =	sadd.s32 $0xA500, s9  }
0xb5: {  	[hbm4b:s1+s3] =	stream.linear.scatter [tilespmem:s9], [sflag:$0x3], $0x80, $0x38;
	[tilespmem:$0xE900] =	vst v63  }
0xb6: {  	s0 =	sadd.s32 s6, s0;
	s1 =	simm.s32 $0xC700  }
0xb7: {  	[hbm4b:s0+s3] =	stream.linear.scatter [tilespmem:s1], [sflag:$0x3], $0x80, $0x38;
	[tilespmem:$0xE900] =	vst v63  }
0xb8: {  	s1 =	simm.s32 $0x220  }
.LBB2_11:
0xb9: {  	p1 =	sne.s32 s1, $0x41E0  }
.Ltmp4:
0xba: {  	_ = 	snop;
	(pc) =	sbr.rel @p1 .LBB2_11-.Ltmp4, $4  }
0xbb: {  	_ = 	snop  }
0xbc: {  	s8 =	sshra.s32 s1, $0x2;
	s1 =	sadd.s32 $0x220, s1  }
0xbd: {  	s0 =	sadd.s32 $0x800, s0;
	s8 =	sadd.s32 $0xC700, s8  }
0xbe: {  	[hbm4b:s0+s3] =	stream.linear.scatter [tilespmem:s8], [sflag:$0x3], $0x80, $0x38;
	[tilespmem:$0xE900] =	vst v63  }
0xbf: {  	_ =	swait.ge [sflag:s21], $0x1000;
	p1 =	seq.s32 s28, $0x63  }
.Ltmp5:
0xc0: {  	[sflag:s21] =	ssyncset.done $0x0;
	(pc) =	sbr.rel @p1 .LBB2_16-.Ltmp5, $4  }
0xc1: {  	[sflag:s21] =	ssyncadd.s32 $0xFFFFF000  }
0xc2: {  	_ =	swait.ge [sflag:s21], $0x1000  }
0xc3: {  	[sflag:s21] =	ssyncset.done $0x0  }
0xc4: {  	[sflag:s21] =	ssyncadd.s32 $0xFFFFF000  }
0xc5: {  	s0 =	sadd.s32 $0x2, s31  }
0xc6: {  	s1 =	sand.u32 $0x2, s0  }
0xc7: {  	s1 =	smul.u32 $0x1900, s1  }
0xc8: {  	s0 =	sshrl.u32 s0, $0x2  }
0xc9: {  	p1 =	por $0x1, $0x1;
	s0 =	sadd.s32 s0, s1;
	s1 =	simm.s32 $0x0  }
.LBB2_14:
0xca: {  	s8 =	smul.u32 $0x320, s1;
	s9 =	sor.u32 $0x1, s1  }
0xcb: {  	s25 =	sor.u32 $0x2, s1;
	s10 =	smul.u32 $0x320, s9  }
0xcc: {  	s31 =	sor.u32 $0x3, s1;
	s26 =	smul.u32 $0x320, s25;
	s8 =	sadd.s32 s0, s8  }
0xcd: {  	v19 =	vadd.s32 s8, v1;
	s8 =	sadd.s32 s0, s10;
	s10 =	smul.u32 $0x320, s31  }
0xce: {  	s26 =	sadd.s32 s0, s26;
	v20 =	vadd.s32 s8, v1  }
0xcf: {  	v21 =	vadd.s32 s26, v1;
	s26 =	sadd.s32 s0, s10  }
0xd0: {  	v22 =	vadd.s32 s26, v1;
	_ =	sdelay $0x1  }
0xd1: {  	v19 =	vld.idx.msk [tilespmem:v19+s3+$0x0], $0xffff  }
0xd2: {  	v20 =	vld.idx.msk [tilespmem:v20+s3+$0x0], $0xffff  }
0xd3: {  	v21 =	vld.idx.msk [tilespmem:v21+s3+$0x0], $0xffff  }
0xd4: {  	p2 =	por p1, p1;
	s10 =	sshll.u32 s1, $0x4;
	v22 =	vld.idx.msk [tilespmem:v22+s3+$0x0], $0xffff  }
.Ltmp6:
0xd5: {  	s1 =	sand.u32 $0x3FFFFFF0, s10;
	s26 =	sshll.u32 s9, $0x4;
	(pc) =	sbr.rel @p2 .LBB2_14-.Ltmp6, $4  }
0xd6: {  	s10 =	sshll.u32 s25, $0x4;
	s9 =	sand.u32 $0x3FFFFFF0, s26;
	[tilespmem:s1+$0x6400] =	vst v19  }
0xd7: {  	s25 =	sand.u32 $0x3FFFFFF0, s10;
	s26 =	sshll.u32 s31, $0x4;
	[tilespmem:s9+$0x6400] =	vst v20  }
0xd8: {  	s31 =	sand.u32 $0x3FFFFFF0, s26;
	[tilespmem:s25+$0x6400] =	vst v21  }
0xd9: {  	p1 =	por $0x0, $0x0;
	s1 =	simm.s32 $0x4;
	[tilespmem:s31+$0x6400] =	vst v22  }
.Ltmp7:
0xda: {  	(pc) =	sbr.rel @p0 .LBB2_17-.Ltmp7, $4  }
0xdb: {  	_ = 	snop  }
0xdc: {  	[tilespmem:s13], [sflag:$0x1] =	stream.indirect.gather [hbm4b:s2+s11], $0x20, s12, s11, $0xb8;
	[tilespmem:$0xE900] =	vst v63  }
0xdd: {  	_ = 	snop  }
0xde: {  	[tilespmem:s14], [sflag:$0x1] =	stream.indirect.gather [hbm4b:s4+s11], $0x20, s12, s11, $0xb8;
	[tilespmem:$0xE900] =	vst v63  }
.LBB2_16:
0xdf: {  	_ =	swait.ge [sflag:s22], $0x1000  }
0xe0: {  	[sflag:s22] =	ssyncset.done $0x0  }
0xe1: {  	[sflag:s22] =	ssyncadd.s32 $0xFFFFF000  }
0xe2: {  	_ =	swait.ge [sflag:s22], $0x1000  }
0xe3: {  	[sflag:s22] =	ssyncset.done $0x0  }
0xe4: {  	[sflag:s22] =	ssyncadd.s32 $0xFFFFF000  }
.LBB2_17:
0xe5: {  	s0 =	simm.s32 $0x0;
	s1 =	simm.s32 $0x1;
	s26 =	simm.s32 $0x2  }
0xe6: {  	s8 =	simm.s32 $0x3;
	s9 =	simm.s32 $0x5;
	v19 =	vmov s0;
	v20 =	vmov s1;
	v21 =	vmov s26  }
0xe7: {  	v22 =	vmov s8;
	s1 =	simm.s32 $0x4;
	s8 =	simm.s32 $0x7;
	v25 =	vmov s9;
	v19 =	vshrl.u32 v19, $0x3  }
0xe8: {  	v23 =	vmov s1;
	v24 =	vmov s8;
	v20 =	vshrl.u32 v20, $0x3  }
0xe9: {  	v21 =	vshrl.u32 v21, $0x3;
	v24 =	vshrl.u32 v24, $0x3;
	v19 =	vshll.u32 v19, v3  }
0xea: {  	v21 =	vshll.u32 v21, v3;
	v24 =	vshll.u32 v24, v3;
	v29 =	vbroadcast v19, $0x0  }
0xeb: {  	s1 =	simm.s32 $0x7580;
	v19 =	vshll.u32 v20, v3;
	v20 =	vshrl.u32 v23, $0x3;
	v21 =	vbroadcast v21, $0x0  }
0xec: {  	s10 =	simm.s32 $0x6;
	v28 =	vld [tilespmem:s1+$0xFFFFFF80];
	v24 =	vbroadcast v24, $0x0;
	v23 =	vbroadcast v19, $0x0;
	v19 =	vadd.s32 v0, v29  }
0xed: {  	v26 =	vmov s10;
	v22 =	vshrl.u32 v22, $0x3;
	v33 =	vld [tilespmem:s1+$0xFFFFFFC0];
	v34 =	vadd.s32 v7, v21  }
0xee: {  	v25 =	vshrl.u32 v25, $0x3;
	v27 =	vld [tilespmem:s1+$0x60];
	v22 =	vshll.u32 v22, v3;
	v30 =	vadd.s32 v17, v24  }
0xef: {  	v31 =	vld [tilespmem:s1+$0xFFFFFFA0];
	v22 =	vbroadcast v22, $0x0;
	v20 =	vshll.u32 v20, v3;
	v32 =	vadd.s32 v5, v23  }
0xf0: {  	v26 =	vshrl.u32 v26, $0x3;
	v25 =	vshll.u32 v25, v3;
	v20 =	vbroadcast v20, $0x0  }
0xf1: {  	v35 =	vld [tilespmem:s1+$0xFFFFFFE0];
	v39 =	vbroadcast v25, $0x0;
	v25 =	vshll.u32 v26, v3;
	v36 =	vadd.s32 v9, v22;
	[tilespmem:v19+s23+$0x0] =	vst.idx.msk $0xffff, v28  }
0xf2: {  	v37 =	vld [tilespmem:s1+$0x0];
	v40 =	vbroadcast v25, $0x0;
	v38 =	vadd.s32 v11, v20;
	[tilespmem:v34+s23+$0x0] =	vst.idx.msk $0xffff, v33  }
0xf3: {  	v42 =	vadd.s32 v18, v24;
	v24 =	vld [tilespmem:s1+$0x20];
	v28 =	vadd.s32 v13, v39;
	[tilespmem:v30+s23+$0x0] =	vst.idx.msk $0xffff, v27  }
0xf4: {  	[tilespmem:v32+s23+$0x0] =	vst.idx.msk $0xffff, v31;
	v31 =	vld [tilespmem:s1+$0x40];
	v27 =	vadd.s32 v15, v40  }
0xf5: {  	v25 =	vadd.s32 v8, v21;
	v56 =	vld [tilespmem:s1+$0xFFFFFFD0]  }
0xf6: {  	[tilespmem:v36+s23+$0x0] =	vst.idx.msk $0xffff, v35;
	v41 =	vld [tilespmem:s1+$0x70]  }
0xf7: {  	v22 =	vadd.s32 v10, v22;
	v57 =	vld [tilespmem:s1+$0xFFFFFFF0];
	[tilespmem:v38+s23+$0x0] =	vst.idx.msk $0xffff, v37  }
0xf8: {  	v26 =	vadd.s32 v6, v23;
	v55 =	vld [tilespmem:s1+$0xFFFFFFB0];
	[tilespmem:v28+s23+$0x0] =	vst.idx.msk $0xffff, v24  }
0xf9: {  	v43 =	vld [tilespmem:s1+$0x10];
	v24 =	vadd.s32 v12, v20;
	[tilespmem:v27+s23+$0x0] =	vst.idx.msk $0xffff, v31  }
0xfa: {  	v59 =	vld [tilespmem:s1+$0xFFFFFF90];
	v20 =	vadd.s32 v4, v29;
	[tilespmem:v25+s23+$0x0] =	vst.idx.msk $0xffff, v56  }
0xfb: {  	s31 =	simm.s32 $0x9580;
	v23 =	vadd.s32 v14, v39;
	v31 =	vld [tilespmem:s1+$0x30];
	[tilespmem:v42+s23+$0x0] =	vst.idx.msk $0xffff, v41  }
0xfc: {  	[tilespmem:v22+s23+$0x0] =	vst.idx.msk $0xffff, v57;
	v41 =	vld [tilespmem:s31+$0x60]  }
0xfd: {  	v21 =	vadd.s32 v16, v40;
	[tilespmem:v26+s23+$0x0] =	vst.idx.msk $0xffff, v55;
	v58 =	vld [tilespmem:s1+$0x50]  }
0xfe: {  	v61 =	vld [tilespmem:s31+$0xFFFFFFC0];
	[tilespmem:v24+s23+$0x0] =	vst.idx.msk $0xffff, v43  }
0xff: {  	v62 =	vld [tilespmem:s31+$0xFFFFFFE0];
	[tilespmem:v20+s23+$0x0] =	vst.idx.msk $0xffff, v59  }
0x100: {  	v29 =	vld [tilespmem:s31+$0xFFFFFFA0];
	[tilespmem:v23+s23+$0x0] =	vst.idx.msk $0xffff, v31  }
0x101: {  	v63 =	vld [tilespmem:s31+$0x0];
	[tilespmem:v30+s24+$0x0] =	vst.idx.msk $0xffff, v41  }
0x102: {  	[tilespmem:v21+s23+$0x0] =	vst.idx.msk $0xffff, v58;
	v60 =	vld [tilespmem:s31+$0x70]  }
0x103: {  	v33 =	vld [tilespmem:s31+$0x20];
	[tilespmem:v34+s24+$0x0] =	vst.idx.msk $0xffff, v61  }
0x104: {  	[tilespmem:v36+s24+$0x0] =	vst.idx.msk $0xffff, v62;
	v30 =	vld [tilespmem:s31+$0x40]  }
0x105: {  	s0 =	simm.s32 $0x8;
	s26 =	simm.s32 $0xA;
	[tilespmem:v32+s24+$0x0] =	vst.idx.msk $0xffff, v29;
	v29 =	vld [tilespmem:s31+$0xFFFFFF80]  }
0x106: {  	s25 =	simm.s32 $0x9;
	s9 =	simm.s32 $0xB;
	v35 =	vmov s26;
	v37 =	vmov s0;
	v31 =	vld [tilespmem:s31+$0xFFFFFFB0];
	[tilespmem:v38+s24+$0x0] =	vst.idx.msk $0xffff, v63  }
0x107: {  	s10 =	simm.s32 $0xC;
	s8 =	simm.s32 $0x10;
	v34 =	vmov s25;
	v36 =	vmov s9;
	s9 =	simm.s32 $0xF;
	v32 =	vld [tilespmem:s31+$0xFFFFFFD0];
	[tilespmem:v42+s24+$0x0] =	vst.idx.msk $0xffff, v60  }
.LBB2_18:
0x108: {  	p0 =	slt.u32 s8, $0x78;
	v37 =	vshrl.u32 v37, $0x3;
	v38 =	vmov s10;
	s10 =	sadd.s32 $0x5, s0;
	s0 =	sadd.s32 $0x6, s0;
	v39 =	vmov s9;
	v40 =	vld [tilespmem:s31+$0xFFFFFFF0];
	[tilespmem:v28+s24+$0x0] =	vst.idx.msk $0xffff, v33  }
0x109: {  	v28 =	vmov s10;
	v33 =	vmov s0;
	v39 =	vshrl.u32 v39, $0x3;
	v41 =	vld [tilespmem:s31+$0x10];
	[tilespmem:v27+s24+$0x0] =	vst.idx.msk $0xffff, v30;
	s0 =	smov.u32 s8  }
0x10a: {  	v27 =	vshll.u32 v37, v3;
	v30 =	vshrl.u32 v34, $0x3;
	v34 =	vshll.u32 v39, v3;
	[tilespmem:v19+s24+$0x0] =	vst.idx.msk $0xffff, v29;
	v29 =	vld [tilespmem:s31+$0x30]  }
0x10b: {  	v19 =	vshrl.u32 v35, $0x3;
	v35 =	vshrl.u32 v36, $0x3;
	v34 =	vbroadcast v34, $0x0;
	[tilespmem:v26+s24+$0x0] =	vst.idx.msk $0xffff, v31;
	v26 =	vld [tilespmem:s31+$0x50]  }
0x10c: {  	s1 =	sadd.s32 $0x100, s1;
	v31 =	vbroadcast v27, $0x0;
	v27 =	vshll.u32 v30, v3;
	v30 =	vshrl.u32 v38, $0x3;
	v36 =	vld [tilespmem:s31+$0xFFFFFF90];
	[tilespmem:v25+s24+$0x0] =	vst.idx.msk $0xffff, v32  }
0x10d: {  	v25 =	vbroadcast v27, $0x0;
	v27 =	vshll.u32 v19, v3;
	v32 =	vld [tilespmem:s1+$0x60];
	v37 =	vadd.s32 v17, v34;
	[tilespmem:v22+s24+$0x0] =	vst.idx.msk $0xffff, v40  }
0x10e: {  	v19 =	vadd.s32 v0, v31;
	v38 =	vbroadcast v27, $0x0;
	v27 =	vshll.u32 v35, v3;
	v22 =	vld [tilespmem:s1+$0xFFFFFF80];
	[tilespmem:v24+s24+$0x0] =	vst.idx.msk $0xffff, v41  }
0x10f: {  	v35 =	vadd.s32 v5, v25;
	v39 =	vbroadcast v27, $0x0;
	v27 =	vshll.u32 v30, v3;
	v24 =	vld [tilespmem:s1+$0xFFFFFFA0];
	[tilespmem:v23+s24+$0x0] =	vst.idx.msk $0xffff, v29  }
0x110: {  	v40 =	vadd.s32 v7, v38;
	v29 =	vbroadcast v27, $0x0;
	v27 =	vshrl.u32 v28, $0x3;
	v23 =	vld [tilespmem:s1+$0xFFFFFFC0];
	[tilespmem:v21+s24+$0x0] =	vst.idx.msk $0xffff, v26  }
0x111: {  	v41 =	vadd.s32 v9, v39;
	v26 =	vshll.u32 v27, v3;
	v27 =	vshrl.u32 v33, $0x3;
	v21 =	vld [tilespmem:s1+$0xFFFFFFE0];
	[tilespmem:v20+s24+$0x0] =	vst.idx.msk $0xffff, v36  }
0x112: {  	v42 =	vadd.s32 v11, v29;
	v30 =	vbroadcast v26, $0x0;
	v26 =	vshll.u32 v27, v3;
	v20 =	vld [tilespmem:s1+$0x0];
	[tilespmem:v37+s23+$0x0] =	vst.idx.msk $0xffff, v32  }
0x113: {  	v34 =	vadd.s32 v18, v34;
	v32 =	vbroadcast v26, $0x0;
	[tilespmem:v19+s23+$0x0] =	vst.idx.msk $0xffff, v22;
	v33 =	vld [tilespmem:s1+$0x70]  }
0x114: {  	v28 =	vadd.s32 v13, v30;
	[tilespmem:v35+s23+$0x0] =	vst.idx.msk $0xffff, v24;
	v24 =	vld [tilespmem:s1+$0x20]  }
0x115: {  	v27 =	vadd.s32 v15, v32;
	[tilespmem:v40+s23+$0x0] =	vst.idx.msk $0xffff, v23;
	v23 =	vld [tilespmem:s1+$0x40]  }
0x116: {  	v26 =	vadd.s32 v6, v25;
	v36 =	vld [tilespmem:s1+$0xFFFFFFB0];
	[tilespmem:v41+s23+$0x0] =	vst.idx.msk $0xffff, v21  }
0x117: {  	v25 =	vadd.s32 v8, v38;
	v21 =	vld [tilespmem:s1+$0xFFFFFFD0];
	[tilespmem:v42+s23+$0x0] =	vst.idx.msk $0xffff, v20  }
0x118: {  	s31 =	sadd.s32 $0x100, s31;
	v22 =	vadd.s32 v10, v39;
	v38 =	vld [tilespmem:s1+$0xFFFFFFF0];
	[tilespmem:v34+s23+$0x0] =	vst.idx.msk $0xffff, v33  }
0x119: {  	[tilespmem:v28+s23+$0x0] =	vst.idx.msk $0xffff, v24;
	v33 =	vld [tilespmem:s31+$0x60]  }
0x11a: {  	v24 =	vadd.s32 v12, v29;
	v39 =	vld [tilespmem:s1+$0x10];
	[tilespmem:v27+s23+$0x0] =	vst.idx.msk $0xffff, v23  }
0x11b: {  	v23 =	vadd.s32 v14, v30;
	[tilespmem:v26+s23+$0x0] =	vst.idx.msk $0xffff, v36;
	v29 =	vld [tilespmem:s1+$0x30]  }
0x11c: {  	[tilespmem:v25+s23+$0x0] =	vst.idx.msk $0xffff, v21;
	v30 =	vld [tilespmem:s1+$0x50];
	v21 =	vadd.s32 v16, v32  }
0x11d: {  	v20 =	vadd.s32 v4, v31;
	v32 =	vld [tilespmem:s1+$0xFFFFFF90];
	[tilespmem:v22+s23+$0x0] =	vst.idx.msk $0xffff, v38  }
0x11e: {  	v31 =	vld [tilespmem:s31+$0xFFFFFFA0];
	[tilespmem:v37+s24+$0x0] =	vst.idx.msk $0xffff, v33  }
0x11f: {  	[tilespmem:v24+s23+$0x0] =	vst.idx.msk $0xffff, v39;
	v36 =	vld [tilespmem:s31+$0x70]  }
0x120: {  	v37 =	vld [tilespmem:s31+$0xFFFFFFC0];
	[tilespmem:v23+s23+$0x0] =	vst.idx.msk $0xffff, v29  }
0x121: {  	v38 =	vld [tilespmem:s31+$0xFFFFFFE0];
	[tilespmem:v21+s23+$0x0] =	vst.idx.msk $0xffff, v30  }
0x122: {  	[tilespmem:v20+s23+$0x0] =	vst.idx.msk $0xffff, v32;
	v39 =	vld [tilespmem:s31+$0x0]  }
.Ltmp8:
0x123: {  	[tilespmem:v35+s24+$0x0] =	vst.idx.msk $0xffff, v31;
	v33 =	vld [tilespmem:s31+$0x20];
	(pc) =	sbr.rel @p0 .LBB2_18-.Ltmp8, $4  }
0x124: {  	v30 =	vld [tilespmem:s31+$0x40];
	[tilespmem:v34+s24+$0x0] =	vst.idx.msk $0xffff, v36  }
0x125: {  	s9 =	sadd.s32 $0x1, s8;
	v29 =	vld [tilespmem:s31+$0xFFFFFF80];
	[tilespmem:v40+s24+$0x0] =	vst.idx.msk $0xffff, v37  }
0x126: {  	s10 =	sadd.s32 $0x3, s8;
	v34 =	vmov s9;
	s9 =	sadd.s32 $0x2, s8;
	v37 =	vmov s8;
	v31 =	vld [tilespmem:s31+$0xFFFFFFB0];
	[tilespmem:v41+s24+$0x0] =	vst.idx.msk $0xffff, v38  }
0x127: {  	v36 =	vmov s10;
	s10 =	sadd.s32 $0x4, s0;
	v35 =	vmov s9;
	s9 =	sadd.s32 $0x7, s0;
	s8 =	sadd.s32 $0x8, s8;
	v32 =	vld [tilespmem:s31+$0xFFFFFFD0];
	[tilespmem:v42+s24+$0x0] =	vst.idx.msk $0xffff, v39  }
0x128: {  	_ =	sdelay $0x3  }
0x129: {  	v37 =	vshrl.u32 v37, $0x3;
	v38 =	vmov s10;
	v39 =	vmov s9;
	v40 =	vld [tilespmem:s31+$0xFFFFFFF0];
	[tilespmem:v28+s24+$0x0] =	vst.idx.msk $0xffff, v33  }
0x12a: {  	s8 =	sadd.s32 $0x5, s0;
	v41 =	vld [tilespmem:s31+$0x10];
	v47 =	vshrl.u32 v34, $0x3;
	v49 =	vshrl.u32 v35, $0x3;
	v50 =	vshrl.u32 v36, $0x3;
	[tilespmem:v27+s24+$0x0] =	vst.idx.msk $0xffff, v30  }
0x12b: {  	v44 =	vmov s8;
	v39 =	vshrl.u32 v39, $0x3;
	v46 =	vshll.u32 v37, v3;
	[tilespmem:v19+s24+$0x0] =	vst.idx.msk $0xffff, v29;
	v19 =	vld [tilespmem:s31+$0x30]  }
0x12c: {  	v30 =	vshll.u32 v47, v3;
	v52 =	vshrl.u32 v38, $0x3;
	v51 =	vld [tilespmem:s31+$0x50];
	v27 =	vbroadcast v46, $0x0;
	[tilespmem:v26+s24+$0x0] =	vst.idx.msk $0xffff, v31  }
0x12d: {  	s25 =	sadd.s32 $0x100, s1;
	v35 =	vshll.u32 v50, v3;
	v48 =	vshll.u32 v39, v3;
	v54 =	vbroadcast v30, $0x0;
	v53 =	vld [tilespmem:s31+$0xFFFFFF90];
	[tilespmem:v25+s24+$0x0] =	vst.idx.msk $0xffff, v32  }
0x12e: {  	v57 =	vld [tilespmem:s25+$0xFFFFFF80];
	v35 =	vbroadcast v35, $0x0;
	v28 =	vshrl.u32 v44, $0x3;
	v37 =	vadd.s32 v0, v27;
	[tilespmem:v22+s24+$0x0] =	vst.idx.msk $0xffff, v40  }
0x12f: {  	v58 =	vld [tilespmem:s25+$0xFFFFFFA0];
	v34 =	vbroadcast v48, $0x0;
	v28 =	vshll.u32 v28, v3;
	v59 =	vadd.s32 v5, v54;
	[tilespmem:v24+s24+$0x0] =	vst.idx.msk $0xffff, v41  }
0x130: {  	v61 =	vld [tilespmem:s25+$0xFFFFFFE0];
	v29 =	vshll.u32 v49, v3;
	v62 =	vadd.s32 v9, v35;
	v28 =	vbroadcast v28, $0x0;
	[tilespmem:v23+s24+$0x0] =	vst.idx.msk $0xffff, v19  }
0x131: {  	v55 =	vld [tilespmem:s25+$0x60];
	v29 =	vbroadcast v29, $0x0;
	v31 =	vshll.u32 v52, v3;
	v56 =	vadd.s32 v17, v34;
	[tilespmem:v21+s24+$0x0] =	vst.idx.msk $0xffff, v51  }
0x132: {  	s10 =	sadd.s32 $0x6, s0;
	v46 =	vld [tilespmem:s25+$0x20];
	v31 =	vbroadcast v31, $0x0;
	v47 =	vadd.s32 v13, v28;
	[tilespmem:v20+s24+$0x0] =	vst.idx.msk $0xffff, v53  }
0x133: {  	v45 =	vmov s10;
	v60 =	vadd.s32 v7, v29;
	v19 =	vld [tilespmem:s25+$0xFFFFFFC0];
	[tilespmem:v37+s23+$0x0] =	vst.idx.msk $0xffff, v57  }
0x134: {  	v33 =	vshrl.u32 v45, $0x3;
	v63 =	vadd.s32 v11, v31;
	v20 =	vld [tilespmem:s25+$0x0];
	[tilespmem:v59+s23+$0x0] =	vst.idx.msk $0xffff, v58  }
0x135: {  	v33 =	vshll.u32 v33, v3;
	v25 =	vadd.s32 v6, v54;
	[tilespmem:v62+s23+$0x0] =	vst.idx.msk $0xffff, v61;
	v49 =	vld [tilespmem:s25+$0xFFFFFFB0]  }
0x136: {  	v44 =	vbroadcast v33, $0x0;
	v27 =	vadd.s32 v4, v27;
	[tilespmem:v56+s23+$0x0] =	vst.idx.msk $0xffff, v55;
	v54 =	vld [tilespmem:s25+$0xFFFFFF90]  }
0x137: {  	v45 =	vadd.s32 v18, v34;
	v30 =	vld [tilespmem:s25+$0x70];
	[tilespmem:v47+s23+$0x0] =	vst.idx.msk $0xffff, v46  }
0x138: {  	v48 =	vadd.s32 v15, v44;
	[tilespmem:v60+s23+$0x0] =	vst.idx.msk $0xffff, v19;
	v19 =	vld [tilespmem:s25+$0x40]  }
0x139: {  	v29 =	vadd.s32 v8, v29;
	v50 =	vld [tilespmem:s25+$0xFFFFFFD0];
	[tilespmem:v63+s23+$0x0] =	vst.idx.msk $0xffff, v20  }
0x13a: {  	v35 =	vadd.s32 v10, v35;
	v20 =	vld [tilespmem:s25+$0xFFFFFFF0];
	[tilespmem:v25+s23+$0x0] =	vst.idx.msk $0xffff, v49  }
0x13b: {  	s26 =	sadd.s32 $0x100, s31;
	v31 =	vadd.s32 v12, v31;
	v52 =	vld [tilespmem:s25+$0x10];
	[tilespmem:v27+s23+$0x0] =	vst.idx.msk $0xffff, v54  }
0x13c: {  	[tilespmem:v45+s23+$0x0] =	vst.idx.msk $0xffff, v30;
	v58 =	vld [tilespmem:s26+$0xFFFFFF80]  }
0x13d: {  	v28 =	vadd.s32 v14, v28;
	[tilespmem:v48+s23+$0x0] =	vst.idx.msk $0xffff, v19;
	v19 =	vld [tilespmem:s25+$0x30]  }
0x13e: {  	v51 =	vld [tilespmem:s26+$0x60];
	[tilespmem:v29+s23+$0x0] =	vst.idx.msk $0xffff, v50  }
0x13f: {  	v22 =	vadd.s32 v16, v44;
	v53 =	vld [tilespmem:s25+$0x50];
	[tilespmem:v35+s23+$0x0] =	vst.idx.msk $0xffff, v20  }
0x140: {  	v20 =	vld [tilespmem:s26+$0xFFFFFFA0];
	[tilespmem:v31+s23+$0x0] =	vst.idx.msk $0xffff, v52  }
0x141: {  	v55 =	vld [tilespmem:s26+$0xFFFFFFC0];
	[tilespmem:v37+s24+$0x0] =	vst.idx.msk $0xffff, v58  }
0x142: {  	[tilespmem:v28+s23+$0x0] =	vst.idx.msk $0xffff, v19;
	v19 =	vld [tilespmem:s26+$0xFFFFFFE0]  }
0x143: {  	[tilespmem:v56+s24+$0x0] =	vst.idx.msk $0xffff, v51;
	v56 =	vld [tilespmem:s26+$0x0]  }
0x144: {  	v24 =	vld [tilespmem:s26+$0x70];
	[tilespmem:v22+s23+$0x0] =	vst.idx.msk $0xffff, v53  }
0x145: {  	[tilespmem:v59+s24+$0x0] =	vst.idx.msk $0xffff, v20;
	v20 =	vld [tilespmem:s26+$0x20]  }
0x146: {  	v57 =	vld [tilespmem:s26+$0x40];
	[tilespmem:v60+s24+$0x0] =	vst.idx.msk $0xffff, v55  }
0x147: {  	v59 =	vld [tilespmem:s26+$0xFFFFFFB0];
	[tilespmem:v62+s24+$0x0] =	vst.idx.msk $0xffff, v19  }
0x148: {  	v19 =	vld [tilespmem:s26+$0xFFFFFFD0];
	[tilespmem:v63+s24+$0x0] =	vst.idx.msk $0xffff, v56  }
0x149: {  	v63 =	vld [tilespmem:s26+$0xFFFFFF90];
	[tilespmem:v45+s24+$0x0] =	vst.idx.msk $0xffff, v24  }
0x14a: {  	v60 =	vld [tilespmem:s26+$0xFFFFFFF0];
	[tilespmem:v47+s24+$0x0] =	vst.idx.msk $0xffff, v20  }
0x14b: {  	v20 =	vld [tilespmem:s26+$0x10];
	[tilespmem:v48+s24+$0x0] =	vst.idx.msk $0xffff, v57  }
0x14c: {  	v61 =	vld [tilespmem:s26+$0x30];
	[tilespmem:v25+s24+$0x0] =	vst.idx.msk $0xffff, v59  }
0x14d: {  	s29 =	sshll.u32 s29, $0x7;
	v62 =	vld [tilespmem:s26+$0x50];
	[tilespmem:v29+s24+$0x0] =	vst.idx.msk $0xffff, v19  }
0x14e: {  	s0 =	sand.u32 $0x180, s29;
	[tilespmem:v27+s24+$0x0] =	vst.idx.msk $0xffff, v63  }
0x14f: {  	s0 =	sor.u32 s0, s7;
	[tilespmem:v35+s24+$0x0] =	vst.idx.msk $0xffff, v60  }
0x150: {  	s0 =	sor.u32 s30, s0;
	[tilespmem:v31+s24+$0x0] =	vst.idx.msk $0xffff, v20  }
0x151: {  	s0 =	sshrl.u32 s0, $0x3;
	[tilespmem:v28+s24+$0x0] =	vst.idx.msk $0xffff, v61  }
0x152: {  	s8 =	simm.s32 $0x220;
	s31 =	simm.s32 $0xB600;
	s1 =	sadd.s32 s5, s0;
	[tilespmem:v22+s24+$0x0] =	vst.idx.msk $0xffff, v62  }
0x153: {  	[hbm4b:s1+s3] =	stream.linear.scatter [tilespmem:s31], [sflag:$0x4], $0x80, $0x38;
	[tilespmem:$0xE900] =	vst v63  }
.LBB2_20:
0x154: {  	p0 =	sne.s32 s8, $0x41E0  }
.Ltmp9:
0x155: {  	_ = 	snop;
	(pc) =	sbr.rel @p0 .LBB2_20-.Ltmp9, $4  }
0x156: {  	_ = 	snop  }
0x157: {  	s9 =	sshra.s32 s8, $0x2;
	s8 =	sadd.s32 $0x220, s8  }
0x158: {  	s1 =	sadd.s32 $0x800, s1;
	s9 =	sadd.s32 $0xB600, s9  }
0x159: {  	[hbm4b:s1+s3] =	stream.linear.scatter [tilespmem:s9], [sflag:$0x4], $0x80, $0x38;
	[tilespmem:$0xE900] =	vst v63  }
0x15a: {  	s0 =	sadd.s32 s6, s0;
	s1 =	simm.s32 $0xD800  }
0x15b: {  	[hbm4b:s0+s3] =	stream.linear.scatter [tilespmem:s1], [sflag:$0x4], $0x80, $0x38;
	[tilespmem:$0xE900] =	vst v63  }
0x15c: {  	s1 =	simm.s32 $0x220  }
.LBB2_22:
0x15d: {  	p0 =	sne.s32 s1, $0x41E0  }
.Ltmp10:
0x15e: {  	_ = 	snop;
	(pc) =	sbr.rel @p0 .LBB2_22-.Ltmp10, $4  }
0x15f: {  	_ = 	snop  }
0x160: {  	s8 =	sshra.s32 s1, $0x2;
	s1 =	sadd.s32 $0x220, s1  }
0x161: {  	s0 =	sadd.s32 $0x800, s0;
	s8 =	sadd.s32 $0xD800, s8  }
0x162: {  	[hbm4b:s0+s3] =	stream.linear.scatter [tilespmem:s8], [sflag:$0x4], $0x80, $0x38;
	[tilespmem:$0xE900] =	vst v63  }
0x163: {  	s28 =	sadd.s32 $0x1, s28  }
0x164: {  	p0 =	sne.s32 s28, $0x64  }
.Ltmp11:
0x165: {  	_ = 	snop;
	(pc) =	sbr.rel @p0 .LBB2_4-.Ltmp11, $1  }
0x166: {  	_ =	sdelay $0x3  }
0x167: {  	s0 =	simm.s32 $0x3  }
0x168: {  	_ =	swait.ge [sflag:s0], $0x1000  }
0x169: {  	[sflag:s0] =	ssyncset.done $0x0  }
0x16a: {  	[sflag:s0] =	ssyncadd.s32 $0xFFFFF000  }
0x16b: {  	_ =	swait.ge [sflag:s0], $0x1000  }
0x16c: {  	[sflag:s0] =	ssyncset.done $0x0  }
0x16d: {  	[sflag:s0] =	ssyncadd.s32 $0xFFFFF000  }
0x16e: {  	_ =	swait.ge [sflag:s22], $0x1000  }
0x16f: {  	[sflag:s22] =	ssyncset.done $0x0  }
0x170: {  	[sflag:s22] =	ssyncadd.s32 $0xFFFFF000  }
0x171: {  	_ =	swait.ge [sflag:s22], $0x1000  }
0x172: {  	s1 =	rddreg [dreg:$0x5]  }
0x173: {  	s31 =	rddreg [dreg:$0x4];
	s1 =	sadd.s32 $0x1, s1  }
0x174: {  	p0 =	sne.s32 s1, s31  }
.Ltmp12:
0x175: {  	_ = 	snop;
	(pc) =	sbr.rel @p0 .LBB2_1-.Ltmp12, $3  }
0x176: {  	_ =	sdelay $0x1  }
0x177: {  	[sflag:s22] =	ssyncset.done $0x0  }
0x178: {  	[sflag:s22] =	ssyncadd.s32 $0xFFFFF000  }
0x179: {  	_ =	sfence.sel $0x180000  }
0x17a: {  	[bflag:$0x0] =	sbarrier.arrive $0xFFFF  }
0x17b: {  	_ =	strace $0x9000004A  }
0x17c: {  	s0 =	stileid.u32;
	[bflag:$0x2] =	sbarrier.arrive $0xFFFF  }
0x17d: {  	p0 =	sne.s32 s0, $0x0;
	s0 =	rddreg [dreg:$0x2]  }
0x17e: {  	s0 =	sadd.s32 @!p0 $0x100000, s0  }
0x17f: {  	[sflag:s0] =	ssyncadd.tile.s32 @!p0 $0x1;
	_ =	shalt  }
.Lfunc_end2:
_tile_overlayer_lowered:
.L_overlay_start_2:
0x180: {  	(tag) =	ssettag $0x2  }
0x181: {  	s0 =	rddreg [dreg:$0x0];
	s2 =	stileid.u32  }
0x182: {  	s1 =	rddreg [dreg:$0x1];
	p0 =	sne.s32 s2, $0x0  }
0x183: {  	s3 =	rddreg [dreg:$0x2];
	[bflag:$0x3] =	sbarrier.arrive $0xFFFF;
	s2 =	simm.s32 @!p0 $0x1C05  }
0x184: {  	[timem:s3], [sflag:s2] =	dma.local @!p0 [hbm:s0], s1  }
0x185: {  	s0 =	simm.s32 @!p0 $0x5  }
0x186: {  	_ =	swait.ge @!p0 [sflag:s0], s1  }
0x187: {  	s1 =	ssub.s32 @!p0 $0x0, s1;
	[sflag:s0] =	ssyncset.done @!p0 $0x0  }
0x188: {  	[sflag:s0] =	ssyncadd.s32 @!p0 s1  }
0x189: {  	[bflag:$0x3] =	sbarrier.arrive $0xFFFF  }
0x18a: {  	_ =	shalt  }

</sc_bundles>
